<compile_context>
chip_gen: v7x
topology: tpu7x:2x2x1
jax: 0.10.2.dev20260603
libtpu: 0.0.44.dev20260713+nightly
codegen_flags: <defaults>
</compile_context>

<pallas_src>
import dataclasses

import jax
import jax.numpy as jnp
import numpy as np
from jax import lax
from jax.experimental import pallas as pl
from jax.experimental.pallas import tpu as pltpu
from jax.experimental.pallas import tpu_sc as plsc

N = 10000
E = 320000
D = 128
C = 128

NC = 2
NS = 16
NT = NC * NS
CHUNK = 64
NCHUNK = 160
EPT = E // NT
EPTP = NCHUNK * CHUNK
E_PAD = NT * EPTP
NBUF = 4
NZC = N // CHUNK
NREM = N - NZC * CHUNK
MMB = 1000

_SIGMA = np.empty((C,), np.int32)
for _g in range(C // 32):
    for _i in range(16):
        _SIGMA[32 * _g + 2 * _i] = 32 * _g + _i
        _SIGMA[32 * _g + 2 * _i + 1] = 32 * _g + 16 + _i


def _mm_body(x_ref, w_ref, asv_ref, adv_ref,
             h_ref, as_ref, ad_ref, ms_ref, md_ref):
    i = pl.program_id(0)
    h = jnp.dot(x_ref[...], w_ref[...], preferred_element_type=jnp.float32)
    h_ref[...] = h.astype(jnp.bfloat16)
    a_s = jnp.sum(h * asv_ref[...], axis=1, keepdims=True)
    a_d = jnp.sum(h * adv_ref[...], axis=1, keepdims=True)
    as_ref[...] = a_s
    ad_ref[...] = a_d

    @pl.when(i == 0)
    def _():
        ms_ref[...] = jnp.full((1, 128), -1e30, jnp.float32)
        md_ref[...] = jnp.full((1, 128), -1e30, jnp.float32)

    ms_ref[...] = jnp.maximum(ms_ref[...], jnp.max(a_s))
    md_ref[...] = jnp.maximum(md_ref[...], jnp.max(a_d))


_mm = pl.pallas_call(
    _mm_body,
    grid=(N // MMB,),
    in_specs=[
        pl.BlockSpec((MMB, D), lambda i: (i, 0)),
        pl.BlockSpec((D, C), lambda i: (0, 0)),
        pl.BlockSpec((1, C), lambda i: (0, 0)),
        pl.BlockSpec((1, C), lambda i: (0, 0)),
    ],
    out_specs=[
        pl.BlockSpec((MMB, C), lambda i: (i, 0)),
        pl.BlockSpec((MMB, 1), lambda i: (i, 0)),
        pl.BlockSpec((MMB, 1), lambda i: (i, 0)),
        pl.BlockSpec((1, C), lambda i: (0, 0)),
        pl.BlockSpec((1, C), lambda i: (0, 0)),
    ],
    out_shape=[
        jax.ShapeDtypeStruct((N, C), jnp.bfloat16),
        jax.ShapeDtypeStruct((N, 1), jnp.float32),
        jax.ShapeDtypeStruct((N, 1), jnp.float32),
        jax.ShapeDtypeStruct((1, C), jnp.float32),
        jax.ShapeDtypeStruct((1, C), jnp.float32),
    ],
)


def _sc_body(h_hbm, asrc_hbm, adst_hbm, src_hbm, dst_hbm, mv_hbm, z_hbm,
             o_hbm, s0_hbm, s1_hbm,
             sidx, didx, asg, adg, exb, hb16, rows,
             out_sh, s_sh,
             i0, i1, i2, i3, g0, g1, g2, g3, c0, c1, c2, c3):
    core = lax.axis_index("c")
    sub = lax.axis_index("s")
    isems = [i0, i1, i2, i3]
    gsems = [g0, g1, g2, g3]
    ssems = [c0, c1, c2, c3]

    zv = jnp.zeros((16,), jnp.float32)

    @pl.loop(0, CHUNK)
    def _(r):
        for g in range(8):
            rows[0, r, pl.ds(g * 16, 16)] = zv

    for k in range(10):
        cid = sub + 16 * k

        @pl.when(cid < NZC)
        def _():
            pltpu.sync_copy(rows.at[0], out_sh.at[pl.ds(cid * CHUNK, CHUNK)])

    @pl.when(sub == 1)
    def _():
        pltpu.sync_copy(rows.at[0].at[pl.ds(0, NREM)],
                        out_sh.at[pl.ds(NZC * CHUNK, NREM)])

    @pl.when(sub == 0)
    def _():
        pltpu.sync_copy(z_hbm, s_sh)

    pltpu.sync_copy(mv_hbm, exb.at[pl.ds(0, 16)])
    mv = exb[pl.ds(0, 16)]
    plsc.subcore_barrier()

    w = core * NS + sub
    ebase0 = w * EPTP

    def idx_start(j, b):
        pltpu.async_copy(src_hbm.at[pl.ds(ebase0 + j * CHUNK, CHUNK)],
                         sidx.at[b], isems[b])
        pltpu.async_copy(dst_hbm.at[pl.ds(ebase0 + j * CHUNK, CHUNK)],
                         didx.at[b], isems[b])

    def idx_wait(j, b):
        pltpu.make_async_copy(src_hbm.at[pl.ds(ebase0 + j * CHUNK, CHUNK)],
                              sidx.at[b], isems[b]).wait()
        pltpu.make_async_copy(dst_hbm.at[pl.ds(ebase0 + j * CHUNK, CHUNK)],
                              didx.at[b], isems[b]).wait()

    def gathers_start(b):
        pltpu.async_copy(h_hbm.at[sidx.at[b]], hb16.at[b], gsems[b])
        pltpu.async_copy(asrc_hbm.at[sidx.at[b]], asg.at[b], gsems[b])
        pltpu.async_copy(adst_hbm.at[didx.at[b]], adg.at[b], gsems[b])

    def gathers_wait(b):
        pltpu.make_async_copy(h_hbm.at[sidx.at[b]], hb16.at[b],
                              gsems[b]).wait()
        pltpu.make_async_copy(asrc_hbm.at[sidx.at[b]], asg.at[b],
                              gsems[b]).wait()
        pltpu.make_async_copy(adst_hbm.at[didx.at[b]], adg.at[b],
                              gsems[b]).wait()

    def scatter_start(b):
        pltpu.async_copy(rows.at[b], out_sh.at[didx.at[b]], ssems[b],
                         add=True)

    def scatter_wait(b):
        pltpu.make_async_copy(rows.at[b], out_sh.at[didx.at[b]],
                              ssems[b]).wait()

    pltpu.sync_copy(src_hbm.at[pl.ds(ebase0, CHUNK)], sidx.at[0])
    pltpu.sync_copy(dst_hbm.at[pl.ds(ebase0, CHUNK)], didx.at[0])
    gathers_start(0)
    idx_start(1, 1)

    @pl.loop(0, NCHUNK // NBUF)
    def _(o):
        for b in range(NBUF):
            j = o * NBUF + b
            b1 = (b + 1) % NBUF
            b2 = (b + 2) % NBUF
            last = (b == NBUF - 1)

            def _prep():
                idx_wait(j + 1, b1)

            def _gath():
                gathers_start(b1)

            if last:
                @pl.when(o < NCHUNK // NBUF - 1)
                def _():
                    _prep()
            else:
                _prep()

            if b < 2:
                @pl.when(o > 0)
                def _():
                    scatter_wait(b2)
            else:
                scatter_wait(b2)

            if last:
                @pl.when(o < NCHUNK // NBUF - 1)
                def _():
                    _gath()
            else:
                _gath()

            gathers_wait(b)

            def _pref2():
                idx_start(j + 2, b2)

            if b >= NBUF - 2:
                @pl.when(j + 2 < NCHUNK)
                def _():
                    _pref2()
            else:
                _pref2()

            for k in range(CHUNK // 16):
                e = (asg[b, pl.ds(k * 16, 16)] + adg[b, pl.ds(k * 16, 16)])
                e = jnp.where(e > 0, e, e * 0.2)
                exv = jnp.exp(e - mv)
                lid = j * CHUNK + k * 16 + lax.iota(jnp.int32, 16)
                exb[pl.ds(b * CHUNK + k * 16, 16)] = jnp.where(
                    lid < EPT, exv, 0.0)

            pltpu.sync_copy(exb.at[pl.ds(b * CHUNK, CHUNK)],
                            s_sh.at[didx.at[b]], add=True)

            @pl.loop(0, CHUNK)
            def _(e):
                eidx = jnp.full((16,), b * CHUNK + e, jnp.int32)
                avec = plsc.load_gather(exb, [eidx])
                for g in range(4):
                    u = hb16[b, e, pl.ds(g * 16, 16)]
                    v = plsc.bitcast(u, jnp.bfloat16)
                    lo, hi = plsc.unpack(
                        v, format=plsc.PackFormat.INTERLEAVED,
                        preferred_element_type=jnp.float32)
                    rows[b, e, pl.ds(g * 32, 16)] = lo * avec
                    rows[b, e, pl.ds(g * 32 + 16, 16)] = hi * avec

            scatter_start(b)

    scatter_wait(NBUF - 2)
    scatter_wait(NBUF - 1)
    plsc.subcore_barrier()

    for k in range(10):
        cid = sub + 16 * k

        @pl.when(cid < NZC)
        def _():
            pltpu.sync_copy(out_sh.at[pl.ds(cid * CHUNK, CHUNK)],
                            o_hbm.at[core, pl.ds(cid * CHUNK, CHUNK)])

    @pl.when(sub == 1)
    def _():
        pltpu.sync_copy(out_sh.at[pl.ds(NZC * CHUNK, NREM)],
                        o_hbm.at[core, pl.ds(NZC * CHUNK, NREM)])

    @pl.when(sub == 0)
    def _():
        @pl.when(core == 0)
        def _():
            pltpu.sync_copy(s_sh, s0_hbm)

        @pl.when(core == 1)
        def _():
            pltpu.sync_copy(s_sh, s1_hbm)


_sc = pl.kernel(
    _sc_body,
    out_type=[
        jax.ShapeDtypeStruct((NC, N, C), jnp.float32),
        jax.ShapeDtypeStruct((N,), jnp.float32),
        jax.ShapeDtypeStruct((N,), jnp.float32),
    ],
    mesh=plsc.VectorSubcoreMesh(core_axis_name="c", subcore_axis_name="s"),
    scratch_types=[
        pltpu.VMEM((NBUF, CHUNK), jnp.int32),
        pltpu.VMEM((NBUF, CHUNK), jnp.int32),
        pltpu.VMEM((NBUF, CHUNK), jnp.float32),
        pltpu.VMEM((NBUF, CHUNK), jnp.float32),
        pltpu.VMEM((NBUF * CHUNK,), jnp.float32),
        pltpu.VMEM((NBUF, CHUNK, C // 2), jnp.uint32),
        pltpu.VMEM((NBUF, CHUNK, C), jnp.float32),
        pltpu.VMEM_SHARED((N, C), jnp.float32),
        pltpu.VMEM_SHARED((N,), jnp.float32),
    ] + [pltpu.SemaphoreType.DMA] * 12,
    compiler_params=dataclasses.replace(
        pltpu.CompilerParams(), needs_layout_passes=False,
        use_tc_tiling_on_sc=False),
)


def _fin_body(o_ref, s0_ref, s1_ref, b_ref, out_ref):
    denom = s0_ref[...] + s1_ref[...] + 1e-16
    out_ref[...] = (o_ref[0] + o_ref[1]) / denom + b_ref[...]


_fin = pl.pallas_call(
    _fin_body,
    grid=(N // MMB,),
    in_specs=[
        pl.BlockSpec((NC, MMB, C), lambda i: (0, i, 0)),
        pl.BlockSpec((MMB, 1), lambda i: (i, 0)),
        pl.BlockSpec((MMB, 1), lambda i: (i, 0)),
        pl.BlockSpec((1, C), lambda i: (0, 0)),
    ],
    out_specs=pl.BlockSpec((MMB, C), lambda i: (i, 0)),
    out_shape=jax.ShapeDtypeStruct((N, C), jnp.float32),
)


@jax.jit
def kernel(x, edge_index, W, att_src, att_dst, bias):
    sigma = jnp.asarray(_SIGMA)
    pad = (jnp.arange(NT * (EPTP - EPT), dtype=edge_index.dtype) % N
           ).reshape(NT, EPTP - EPT)
    src = jnp.concatenate(
        [edge_index[0].reshape(NT, EPT), pad], axis=1).reshape(E_PAD)
    dst = jnp.concatenate(
        [edge_index[1].reshape(NT, EPT), pad], axis=1).reshape(E_PAD)
    h, a_s, a_d, ms, md = _mm(x, jnp.take(W, sigma, axis=1),
                              jnp.take(att_src.reshape(1, C), sigma, axis=1),
                              jnp.take(att_dst.reshape(1, C), sigma, axis=1))
    m0 = ms[0, 0] + md[0, 0]
    mstab = jnp.where(m0 > 0, m0, 0.2 * m0)
    mvec = jnp.full((16,), mstab, jnp.float32)
    zeros = jnp.zeros((N,), jnp.float32)
    h32 = lax.bitcast_convert_type(h.reshape(N, C // 2, 2), jnp.uint32)
    o_part, s0, s1 = _sc(h32, a_s.reshape(N), a_d.reshape(N), src, dst, mvec,
                         zeros)
    return _fin(o_part, s0.reshape(N, 1), s1.reshape(N, 1), bias.reshape(1, C))

# --- scband reference (transcript-rebuilt; emitter-appended) ---
"""Pipeline reference for scband-gatlayer-27891517620706 (READ-ONLY COPY).

The authoritative reference and input builder live on the scoring server;
editing this copy changes nothing except your own understanding.
"""

import jax, jax.numpy as jnp
import numpy as np

N = 10000
E = 320000
D_IN = 128
H = 1
C = 128


def setup_inputs(seed: int = 0) -> dict:
    key = jax.random.key(seed)
    k = jax.random.split(key, 6)
    x = jax.random.normal(k[0], (N, D_IN), dtype=jnp.float32)
    edge_index = jax.random.randint(k[1], (2, E), 0, N)
    W = jax.random.normal(k[2], (D_IN, H * C), dtype=jnp.float32) * (1.0 / np.sqrt(D_IN))
    att_src = jax.random.normal(k[3], (H, C), dtype=jnp.float32) * 0.1
    att_dst = jax.random.normal(k[4], (H, C), dtype=jnp.float32) * 0.1
    bias = jnp.zeros((H * C,), dtype=jnp.float32)
    return {"x": x, "edge_index": edge_index, "W": W, "att_src": att_src, "att_dst": att_dst, "bias": bias}


def reference(x, edge_index, W, att_src, att_dst, bias):
    # GATConv (PyG semantics), eval mode (attention dropout inactive)
    src = edge_index[0]
    dst = edge_index[1]
    h = (x @ W).reshape(N, H, C)                      # linear transform per head
    a_src = jnp.sum(h * att_src[None, :, :], axis=-1)  # [N, H]
    a_dst = jnp.sum(h * att_dst[None, :, :], axis=-1)  # [N, H]
    e = a_src[src] + a_dst[dst]                        # gather per edge [E, H]
    e = jax.nn.leaky_relu(e, 0.2)
    # numerically-stable softmax over incoming edges of each dst node
    m = jax.ops.segment_max(e, dst, num_segments=N)
    m = jnp.where(jnp.isfinite(m), m, 0.0)
    ex = jnp.exp(e - m[dst])
    s = jax.ops.segment_sum(ex, dst, num_segments=N)
    alpha = ex / (s[dst] + 1e-16)                      # [E, H]
    msg = h[src] * alpha[:, :, None]                   # gather + weight [E, H, C]
    out = jax.ops.segment_sum(msg, dst, num_segments=N)  # scatter-add [N, H, C]
    return out.reshape(N, H * C) + bias[None, :]

if __name__ == "__main__":
    import jax
    _d = setup_inputs()
    print(jax.jit(kernel)(*tuple(_d.values())))

</pallas_src>

<mosaic_0001>
#map = affine_map<(d0, d1) -> (0, 0)>
#map1 = affine_map<(d0, d1) -> (0)>
#map2 = affine_map<(d0, d1) -> (0, 0, 0)>
module attributes {stable_mosaic.version = 14 : i64} {
  func.func @_sc_body(%arg0: i32, %arg1: i32, %arg2: memref<10000x64xi32, #tpu.memory_space<hbm>>, %arg3: memref<10000xf32, #tpu.memory_space<hbm>>, %arg4: memref<10000xf32, #tpu.memory_space<hbm>>, %arg5: memref<327680xi32, #tpu.memory_space<hbm>>, %arg6: memref<327680xi32, #tpu.memory_space<hbm>>, %arg7: memref<16xf32, #tpu.memory_space<hbm>>, %arg8: memref<10000xf32, #tpu.memory_space<hbm>>, %arg9: memref<2x10000x128xf32, #tpu.memory_space<hbm>>, %arg10: memref<10000xf32, #tpu.memory_space<hbm>>, %arg11: memref<10000xf32, #tpu.memory_space<hbm>>, %arg12: memref<4x64xi32, #tpu.memory_space<vmem>>, %arg13: memref<4x64xi32, #tpu.memory_space<vmem>>, %arg14: memref<4x64xf32, #tpu.memory_space<vmem>>, %arg15: memref<4x64xf32, #tpu.memory_space<vmem>>, %arg16: memref<256xf32, #tpu.memory_space<vmem>>, %arg17: memref<4x64x64xi32, #tpu.memory_space<vmem>>, %arg18: memref<4x64x128xf32, #tpu.memory_space<vmem>>, %arg19: memref<10000x128xf32, #tpu.memory_space<vmem_shared>>, %arg20: memref<10000xf32, #tpu.memory_space<vmem_shared>>, %arg21: memref<!tpu.dma_semaphore, #tpu.memory_space<semaphore_mem>>, %arg22: memref<!tpu.dma_semaphore, #tpu.memory_space<semaphore_mem>>, %arg23: memref<!tpu.dma_semaphore, #tpu.memory_space<semaphore_mem>>, %arg24: memref<!tpu.dma_semaphore, #tpu.memory_space<semaphore_mem>>, %arg25: memref<!tpu.dma_semaphore, #tpu.memory_space<semaphore_mem>>, %arg26: memref<!tpu.dma_semaphore, #tpu.memory_space<semaphore_mem>>, %arg27: memref<!tpu.dma_semaphore, #tpu.memory_space<semaphore_mem>>, %arg28: memref<!tpu.dma_semaphore, #tpu.memory_space<semaphore_mem>>, %arg29: memref<!tpu.dma_semaphore, #tpu.memory_space<semaphore_mem>>, %arg30: memref<!tpu.dma_semaphore, #tpu.memory_space<semaphore_mem>>, %arg31: memref<!tpu.dma_semaphore, #tpu.memory_space<semaphore_mem>>, %arg32: memref<!tpu.dma_semaphore, #tpu.memory_space<semaphore_mem>>) attributes {dimension_semantics = [#tpu.dimension_semantics<core_parallel>, #tpu.dimension_semantics<subcore_parallel>], iteration_bounds = array<i64: 2, 16>, scalar_prefetch = 0 : i64, scratch_operands = 21 : i64, tpu.core_type = #tpu.core_type<sc_vector_subcore>, window_params = [{transform_indices = #map}, {transform_indices = #map1}, {transform_indices = #map1}, {transform_indices = #map1}, {transform_indices = #map1}, {transform_indices = #map1}, {transform_indices = #map1}, {transform_indices = #map2}, {transform_indices = #map1}, {transform_indices = #map1}]} {
    %broadcast_in_dim3A = arith.constant 0.000000e+00 : f32
    %broadcast_in_dim3A_0 = vector.broadcast %broadcast_in_dim3A : f32 to vector<16xf32>
    %scan3A = arith.constant 0 : i32
    %scan3A_1 = arith.constant 64 : i32
    %scan3A_2 = arith.addi %scan3A, %scan3A_1 : i32
    %scan3A_3 = arith.constant 1 : i32
    scf.for %scan3A_248 = %scan3A to %scan3A_2 step %scan3A_3  : i32 {
      %mul3A_249 = arith.constant 1 : i32
      %mul3A_250 = arith.muli %scan3A_248, %mul3A_249 : i32
      %add3A_251 = arith.constant 0 : i32
      %add3A_252 = arith.addi %add3A_251, %mul3A_250 : i32
      %swap3A = arith.constant 0 : i32
      %swap3A_253 = arith.index_cast %swap3A : i32 to index
      %swap3A_254 = arith.index_cast %add3A_252 : i32 to index
      %swap3A_255 = arith.constant 0 : index
      %swap3A_256 = tpu.vector_load %arg18[%swap3A_253, %swap3A_254, %swap3A_255] {strides = array<i32>} : memref<4x64x128xf32, #tpu.memory_space<vmem>>, vector<16xf32>,
      tpu.vector_store %arg18[%swap3A_253, %swap3A_254, %swap3A_255], %broadcast_in_dim3A_0 {strides = array<i32>} : memref<4x64x128xf32, #tpu.memory_space<vmem>>, vector<16xf32>,
      %swap3A_257 = arith.constant 0 : i32
      %swap3A_258 = arith.index_cast %swap3A_257 : i32 to index
      %swap3A_259 = arith.index_cast %add3A_252 : i32 to index
      %swap3A_260 = arith.constant 16 : index
      %swap3A_261 = tpu.vector_load %arg18[%swap3A_258, %swap3A_259, %swap3A_260] {strides = array<i32>} : memref<4x64x128xf32, #tpu.memory_space<vmem>>, vector<16xf32>,
      tpu.vector_store %arg18[%swap3A_258, %swap3A_259, %swap3A_260], %broadcast_in_dim3A_0 {strides = array<i32>} : memref<4x64x128xf32, #tpu.memory_space<vmem>>, vector<16xf32>,
      %swap3A_262 = arith.constant 0 : i32
      %swap3A_263 = arith.index_cast %swap3A_262 : i32 to index
      %swap3A_264 = arith.index_cast %add3A_252 : i32 to index
      %swap3A_265 = arith.constant 32 : index
      %swap3A_266 = tpu.vector_load %arg18[%swap3A_263, %swap3A_264, %swap3A_265] {strides = array<i32>} : memref<4x64x128xf32, #tpu.memory_space<vmem>>, vector<16xf32>,
      tpu.vector_store %arg18[%swap3A_263, %swap3A_264, %swap3A_265], %broadcast_in_dim3A_0 {strides = array<i32>} : memref<4x64x128xf32, #tpu.memory_space<vmem>>, vector<16xf32>,
      %swap3A_267 = arith.constant 0 : i32
      %swap3A_268 = arith.index_cast %swap3A_267 : i32 to index
      %swap3A_269 = arith.index_cast %add3A_252 : i32 to index
      %swap3A_270 = arith.constant 48 : index
      %swap3A_271 = tpu.vector_load %arg18[%swap3A_268, %swap3A_269, %swap3A_270] {strides = array<i32>} : memref<4x64x128xf32, #tpu.memory_space<vmem>>, vector<16xf32>,
      tpu.vector_store %arg18[%swap3A_268, %swap3A_269, %swap3A_270], %broadcast_in_dim3A_0 {strides = array<i32>} : memref<4x64x128xf32, #tpu.memory_space<vmem>>, vector<16xf32>,
      %swap3A_272 = arith.constant 0 : i32
      %swap3A_273 = arith.index_cast %swap3A_272 : i32 to index
      %swap3A_274 = arith.index_cast %add3A_252 : i32 to index
      %swap3A_275 = arith.constant 64 : index
      %swap3A_276 = tpu.vector_load %arg18[%swap3A_273, %swap3A_274, %swap3A_275] {strides = array<i32>} : memref<4x64x128xf32, #tpu.memory_space<vmem>>, vector<16xf32>,
      tpu.vector_store %arg18[%swap3A_273, %swap3A_274, %swap3A_275], %broadcast_in_dim3A_0 {strides = array<i32>} : memref<4x64x128xf32, #tpu.memory_space<vmem>>, vector<16xf32>,
      %swap3A_277 = arith.constant 0 : i32
      %swap3A_278 = arith.index_cast %swap3A_277 : i32 to index
      %swap3A_279 = arith.index_cast %add3A_252 : i32 to index
      %swap3A_280 = arith.constant 80 : index
      %swap3A_281 = tpu.vector_load %arg18[%swap3A_278, %swap3A_279, %swap3A_280] {strides = array<i32>} : memref<4x64x128xf32, #tpu.memory_space<vmem>>, vector<16xf32>,
      tpu.vector_store %arg18[%swap3A_278, %swap3A_279, %swap3A_280], %broadcast_in_dim3A_0 {strides = array<i32>} : memref<4x64x128xf32, #tpu.memory_space<vmem>>, vector<16xf32>,
      %swap3A_282 = arith.constant 0 : i32
      %swap3A_283 = arith.index_cast %swap3A_282 : i32 to index
      %swap3A_284 = arith.index_cast %add3A_252 : i32 to index
      %swap3A_285 = arith.constant 96 : index
      %swap3A_286 = tpu.vector_load %arg18[%swap3A_283, %swap3A_284, %swap3A_285] {strides = array<i32>} : memref<4x64x128xf32, #tpu.memory_space<vmem>>, vector<16xf32>,
      tpu.vector_store %arg18[%swap3A_283, %swap3A_284, %swap3A_285], %broadcast_in_dim3A_0 {strides = array<i32>} : memref<4x64x128xf32, #tpu.memory_space<vmem>>, vector<16xf32>,
      %swap3A_287 = arith.constant 0 : i32
      %swap3A_288 = arith.index_cast %swap3A_287 : i32 to index
      %swap3A_289 = arith.index_cast %add3A_252 : i32 to index
      %swap3A_290 = arith.constant 112 : index
      %swap3A_291 = tpu.vector_load %arg18[%swap3A_288, %swap3A_289, %swap3A_290] {strides = array<i32>} : memref<4x64x128xf32, #tpu.memory_space<vmem>>, vector<16xf32>,
      tpu.vector_store %arg18[%swap3A_288, %swap3A_289, %swap3A_290], %broadcast_in_dim3A_0 {strides = array<i32>} : memref<4x64x128xf32, #tpu.memory_space<vmem>>, vector<16xf32>,
    }
    %scan3A_4 = arith.constant 64 : i32
    %add3A = arith.constant 0 : i32
    %add3A_5 = arith.addi %arg1, %add3A : i32
    %lt3A = arith.constant 156 : i32
    %lt3A_6 = arith.cmpi slt, %add3A_5, %lt3A : i32
    %convert_element_type3A = arith.extui %lt3A_6 : i1 to i32
    %cond3A = arith.constant 0 : i32
    %cond3A_7 = arith.cmpi ne, %convert_element_type3A, %cond3A : i32
    scf.if %cond3A_7 {
      %mul3A_248 = arith.constant 64 : i32
      %mul3A_249 = arith.muli %add3A_5, %mul3A_248 : i32
      %run_scoped3A_250 = arith.constant 0 : i32
      "tpu.region"() ({
        %run_scoped3A_251 = tpu.sem_alloc : memref<!tpu.dma_semaphore, #tpu.memory_space<semaphore_mem>>
        %dma_start3A_252 = arith.constant 0 : i32
        %dma_start3A_253 = arith.constant 0 : i32
        %dma_start3A_254 = tpu.memref_slice %arg18[%run_scoped3A_250, %dma_start3A_252, %dma_start3A_253] : memref<4x64x128xf32, #tpu.memory_space<vmem>> -> memref<1x64x128xf32, #tpu.memory_space<vmem>>
        %dma_start3A_255 = tpu.memref_squeeze %dma_start3A_254 : memref<1x64x128xf32, #tpu.memory_space<vmem>> -> memref<64x128xf32, #tpu.memory_space<vmem>>
        %dma_start3A_256 = arith.constant 0 : i32
        %dma_start3A_257 = tpu.memref_slice %arg19[%mul3A_249, %dma_start3A_256] : memref<10000x128xf32, #tpu.memory_space<vmem_shared>> -> memref<64x128xf32, #tpu.memory_space<vmem_shared>>
        %dma_start3A_258 = arith.constant 0 : i32
        %dma_start3A_259 = tpu.memref_slice %arg19[%mul3A_249, %dma_start3A_258] : memref<10000x128xf32, #tpu.memory_space<vmem_shared>> -> memref<64x128xf32, #tpu.memory_space<vmem_shared>>
        %dma_start3A_260 = arith.constant 0 : i32
        %dma_start3A_261 = arith.constant 0 : i32
        %dma_start3A_262 = tpu.memref_slice %arg18[%run_scoped3A_250, %dma_start3A_260, %dma_start3A_261] : memref<4x64x128xf32, #tpu.memory_space<vmem>> -> memref<1x64x128xf32, #tpu.memory_space<vmem>>
        %dma_start3A_263 = tpu.memref_squeeze %dma_start3A_262 : memref<1x64x128xf32, #tpu.memory_space<vmem>> -> memref<64x128xf32, #tpu.memory_space<vmem>>
        tpu.enqueue_dma source(%dma_start3A_263 : memref<64x128xf32, #tpu.memory_space<vmem>>) target(%dma_start3A_259 : memref<64x128xf32, #tpu.memory_space<vmem_shared>>) target_semaphore(%run_scoped3A_251 : memref<!tpu.dma_semaphore, #tpu.memory_space<semaphore_mem>>)
        %dma_wait3A_264 = arith.constant 0 : i32
        %dma_wait3A_265 = arith.constant 0 : i32
        %dma_wait3A_266 = tpu.memref_slice %arg18[%run_scoped3A_250, %dma_wait3A_264, %dma_wait3A_265] : memref<4x64x128xf32, #tpu.memory_space<vmem>> -> memref<1x64x128xf32, #tpu.memory_space<vmem>>
        %dma_wait3A_267 = tpu.memref_squeeze %dma_wait3A_266 : memref<1x64x128xf32, #tpu.memory_space<vmem>> -> memref<64x128xf32, #tpu.memory_space<vmem>>
        %dma_wait3A_268 = arith.constant 0 : i32
        %dma_wait3A_269 = tpu.memref_slice %arg19[%mul3A_249, %dma_wait3A_268] : memref<10000x128xf32, #tpu.memory_space<vmem_shared>> -> memref<64x128xf32, #tpu.memory_space<vmem_shared>>
        %dma_wait3A_270 = arith.constant 0 : i32
        %dma_wait3A_271 = tpu.memref_slice %arg19[%mul3A_249, %dma_wait3A_270] : memref<10000x128xf32, #tpu.memory_space<vmem_shared>> -> memref<64x128xf32, #tpu.memory_space<vmem_shared>>
        %dma_wait3A_272 = arith.constant 0 : i32
        %dma_wait3A_273 = arith.constant 0 : i32
        %dma_wait3A_274 = tpu.memref_slice %arg18[%run_scoped3A_250, %dma_wait3A_272, %dma_wait3A_273] : memref<4x64x128xf32, #tpu.memory_space<vmem>> -> memref<1x64x128xf32, #tpu.memory_space<vmem>>
        %dma_wait3A_275 = tpu.memref_squeeze %dma_wait3A_274 : memref<1x64x128xf32, #tpu.memory_space<vmem>> -> memref<64x128xf32, #tpu.memory_space<vmem>>
        tpu.wait_dma2 semaphore(%run_scoped3A_251 : memref<!tpu.dma_semaphore, #tpu.memory_space<semaphore_mem>>) src(%dma_wait3A_275 : memref<64x128xf32, #tpu.memory_space<vmem>>) dst(%dma_wait3A_271 : memref<64x128xf32, #tpu.memory_space<vmem_shared>>)
        tpu.yield
      }) : () -> ()
    } else {
    }
    %add3A_8 = arith.constant 16 : i32
    %add3A_9 = arith.addi %arg1, %add3A_8 : i32
    %lt3A_10 = arith.constant 156 : i32
    %lt3A_11 = arith.cmpi slt, %add3A_9, %lt3A_10 : i32
    %convert_element_type3A_12 = arith.extui %lt3A_11 : i1 to i32
    %cond3A_13 = arith.constant 0 : i32
    %cond3A_14 = arith.cmpi ne, %convert_element_type3A_12, %cond3A_13 : i32
    scf.if %cond3A_14 {
      %mul3A_248 = arith.constant 64 : i32
      %mul3A_249 = arith.muli %add3A_9, %mul3A_248 : i32
      %run_scoped3A_250 = arith.constant 0 : i32
      "tpu.region"() ({
        %run_scoped3A_251 = tpu.sem_alloc : memref<!tpu.dma_semaphore, #tpu.memory_space<semaphore_mem>>
        %dma_start3A_252 = arith.constant 0 : i32
        %dma_start3A_253 = arith.constant 0 : i32
        %dma_start3A_254 = tpu.memref_slice %arg18[%run_scoped3A_250, %dma_start3A_252, %dma_start3A_253] : memref<4x64x128xf32, #tpu.memory_space<vmem>> -> memref<1x64x128xf32, #tpu.memory_space<vmem>>
        %dma_start3A_255 = tpu.memref_squeeze %dma_start3A_254 : memref<1x64x128xf32, #tpu.memory_space<vmem>> -> memref<64x128xf32, #tpu.memory_space<vmem>>
        %dma_start3A_256 = arith.constant 0 : i32
        %dma_start3A_257 = tpu.memref_slice %arg19[%mul3A_249, %dma_start3A_256] : memref<10000x128xf32, #tpu.memory_space<vmem_shared>> -> memref<64x128xf32, #tpu.memory_space<vmem_shared>>
        %dma_start3A_258 = arith.constant 0 : i32
        %dma_start3A_259 = tpu.memref_slice %arg19[%mul3A_249, %dma_start3A_258] : memref<10000x128xf32, #tpu.memory_space<vmem_shared>> -> memref<64x128xf32, #tpu.memory_space<vmem_shared>>
        %dma_start3A_260 = arith.constant 0 : i32
        %dma_start3A_261 = arith.constant 0 : i32
        %dma_start3A_262 = tpu.memref_slice %arg18[%run_scoped3A_250, %dma_start3A_260, %dma_start3A_261] : memref<4x64x128xf32, #tpu.memory_space<vmem>> -> memref<1x64x128xf32, #tpu.memory_space<vmem>>
        %dma_start3A_263 = tpu.memref_squeeze %dma_start3A_262 : memref<1x64x128xf32, #tpu.memory_space<vmem>> -> memref<64x128xf32, #tpu.memory_space<vmem>>
        tpu.enqueue_dma source(%dma_start3A_263 : memref<64x128xf32, #tpu.memory_space<vmem>>) target(%dma_start3A_259 : memref<64x128xf32, #tpu.memory_space<vmem_shared>>) target_semaphore(%run_scoped3A_251 : memref<!tpu.dma_semaphore, #tpu.memory_space<semaphore_mem>>)
        %dma_wait3A_264 = arith.constant 0 : i32
        %dma_wait3A_265 = arith.constant 0 : i32
        %dma_wait3A_266 = tpu.memref_slice %arg18[%run_scoped3A_250, %dma_wait3A_264, %dma_wait3A_265] : memref<4x64x128xf32, #tpu.memory_space<vmem>> -> memref<1x64x128xf32, #tpu.memory_space<vmem>>
        %dma_wait3A_267 = tpu.memref_squeeze %dma_wait3A_266 : memref<1x64x128xf32, #tpu.memory_space<vmem>> -> memref<64x128xf32, #tpu.memory_space<vmem>>
        %dma_wait3A_268 = arith.constant 0 : i32
        %dma_wait3A_269 = tpu.memref_slice %arg19[%mul3A_249, %dma_wait3A_268] : memref<10000x128xf32, #tpu.memory_space<vmem_shared>> -> memref<64x128xf32, #tpu.memory_space<vmem_shared>>
        %dma_wait3A_270 = arith.constant 0 : i32
        %dma_wait3A_271 = tpu.memref_slice %arg19[%mul3A_249, %dma_wait3A_270] : memref<10000x128xf32, #tpu.memory_space<vmem_shared>> -> memref<64x128xf32, #tpu.memory_space<vmem_shared>>
        %dma_wait3A_272 = arith.constant 0 : i32
        %dma_wait3A_273 = arith.constant 0 : i32
        %dma_wait3A_274 = tpu.memref_slice %arg18[%run_scoped3A_250, %dma_wait3A_272, %dma_wait3A_273] : memref<4x64x128xf32, #tpu.memory_space<vmem>> -> memref<1x64x128xf32, #tpu.memory_space<vmem>>
        %dma_wait3A_275 = tpu.memref_squeeze %dma_wait3A_274 : memref<1x64x128xf32, #tpu.memory_space<vmem>> -> memref<64x128xf32, #tpu.memory_space<vmem>>
        tpu.wait_dma2 semaphore(%run_scoped3A_251 : memref<!tpu.dma_semaphore, #tpu.memory_space<semaphore_mem>>) src(%dma_wait3A_275 : memref<64x128xf32, #tpu.memory_space<vmem>>) dst(%dma_wait3A_271 : memref<64x128xf32, #tpu.memory_space<vmem_shared>>)
        tpu.yield
      }) : () -> ()
    } else {
    }
    %add3A_15 = arith.constant 32 : i32
    %add3A_16 = arith.addi %arg1, %add3A_15 : i32
    %lt3A_17 = arith.constant 156 : i32
    %lt3A_18 = arith.cmpi slt, %add3A_16, %lt3A_17 : i32
    %convert_element_type3A_19 = arith.extui %lt3A_18 : i1 to i32
    %cond3A_20 = arith.constant 0 : i32
    %cond3A_21 = arith.cmpi ne, %convert_element_type3A_19, %cond3A_20 : i32
    scf.if %cond3A_21 {
      %mul3A_248 = arith.constant 64 : i32
      %mul3A_249 = arith.muli %add3A_16, %mul3A_248 : i32
      %run_scoped3A_250 = arith.constant 0 : i32
      "tpu.region"() ({
        %run_scoped3A_251 = tpu.sem_alloc : memref<!tpu.dma_semaphore, #tpu.memory_space<semaphore_mem>>
        %dma_start3A_252 = arith.constant 0 : i32
        %dma_start3A_253 = arith.constant 0 : i32
        %dma_start3A_254 = tpu.memref_slice %arg18[%run_scoped3A_250, %dma_start3A_252, %dma_start3A_253] : memref<4x64x128xf32, #tpu.memory_space<vmem>> -> memref<1x64x128xf32, #tpu.memory_space<vmem>>
        %dma_start3A_255 = tpu.memref_squeeze %dma_start3A_254 : memref<1x64x128xf32, #tpu.memory_space<vmem>> -> memref<64x128xf32, #tpu.memory_space<vmem>>
        %dma_start3A_256 = arith.constant 0 : i32
        %dma_start3A_257 = tpu.memref_slice %arg19[%mul3A_249, %dma_start3A_256] : memref<10000x128xf32, #tpu.memory_space<vmem_shared>> -> memref<64x128xf32, #tpu.memory_space<vmem_shared>>
        %dma_start3A_258 = arith.constant 0 : i32
        %dma_start3A_259 = tpu.memref_slice %arg19[%mul3A_249, %dma_start3A_258] : memref<10000x128xf32, #tpu.memory_space<vmem_shared>> -> memref<64x128xf32, #tpu.memory_space<vmem_shared>>
        %dma_start3A_260 = arith.constant 0 : i32
        %dma_start3A_261 = arith.constant 0 : i32
        %dma_start3A_262 = tpu.memref_slice %arg18[%run_scoped3A_250, %dma_start3A_260, %dma_start3A_261] : memref<4x64x128xf32, #tpu.memory_space<vmem>> -> memref<1x64x128xf32, #tpu.memory_space<vmem>>
        %dma_start3A_263 = tpu.memref_squeeze %dma_start3A_262 : memref<1x64x128xf32, #tpu.memory_space<vmem>> -> memref<64x128xf32, #tpu.memory_space<vmem>>
        tpu.enqueue_dma source(%dma_start3A_263 : memref<64x128xf32, #tpu.memory_space<vmem>>) target(%dma_start3A_259 : memref<64x128xf32, #tpu.memory_space<vmem_shared>>) target_semaphore(%run_scoped3A_251 : memref<!tpu.dma_semaphore, #tpu.memory_space<semaphore_mem>>)
        %dma_wait3A_264 = arith.constant 0 : i32
        %dma_wait3A_265 = arith.constant 0 : i32
        %dma_wait3A_266 = tpu.memref_slice %arg18[%run_scoped3A_250, %dma_wait3A_264, %dma_wait3A_265] : memref<4x64x128xf32, #tpu.memory_space<vmem>> -> memref<1x64x128xf32, #tpu.memory_space<vmem>>
        %dma_wait3A_267 = tpu.memref_squeeze %dma_wait3A_266 : memref<1x64x128xf32, #tpu.memory_space<vmem>> -> memref<64x128xf32, #tpu.memory_space<vmem>>
        %dma_wait3A_268 = arith.constant 0 : i32
        %dma_wait3A_269 = tpu.memref_slice %arg19[%mul3A_249, %dma_wait3A_268] : memref<10000x128xf32, #tpu.memory_space<vmem_shared>> -> memref<64x128xf32, #tpu.memory_space<vmem_shared>>
        %dma_wait3A_270 = arith.constant 0 : i32
        %dma_wait3A_271 = tpu.memref_slice %arg19[%mul3A_249, %dma_wait3A_270] : memref<10000x128xf32, #tpu.memory_space<vmem_shared>> -> memref<64x128xf32, #tpu.memory_space<vmem_shared>>
        %dma_wait3A_272 = arith.constant 0 : i32
        %dma_wait3A_273 = arith.constant 0 : i32
        %dma_wait3A_274 = tpu.memref_slice %arg18[%run_scoped3A_250, %dma_wait3A_272, %dma_wait3A_273] : memref<4x64x128xf32, #tpu.memory_space<vmem>> -> memref<1x64x128xf32, #tpu.memory_space<vmem>>
        %dma_wait3A_275 = tpu.memref_squeeze %dma_wait3A_274 : memref<1x64x128xf32, #tpu.memory_space<vmem>> -> memref<64x128xf32, #tpu.memory_space<vmem>>
        tpu.wait_dma2 semaphore(%run_scoped3A_251 : memref<!tpu.dma_semaphore, #tpu.memory_space<semaphore_mem>>) src(%dma_wait3A_275 : memref<64x128xf32, #tpu.memory_space<vmem>>) dst(%dma_wait3A_271 : memref<64x128xf32, #tpu.memory_space<vmem_shared>>)
        tpu.yield
      }) : () -> ()
    } else {
    }
    %add3A_22 = arith.constant 48 : i32
    %add3A_23 = arith.addi %arg1, %add3A_22 : i32
    %lt3A_24 = arith.constant 156 : i32
    %lt3A_25 = arith.cmpi slt, %add3A_23, %lt3A_24 : i32
    %convert_element_type3A_26 = arith.extui %lt3A_25 : i1 to i32
    %cond3A_27 = arith.constant 0 : i32
    %cond3A_28 = arith.cmpi ne, %convert_element_type3A_26, %cond3A_27 : i32
    scf.if %cond3A_28 {
      %mul3A_248 = arith.constant 64 : i32
      %mul3A_249 = arith.muli %add3A_23, %mul3A_248 : i32
      %run_scoped3A_250 = arith.constant 0 : i32
      "tpu.region"() ({
        %run_scoped3A_251 = tpu.sem_alloc : memref<!tpu.dma_semaphore, #tpu.memory_space<semaphore_mem>>
        %dma_start3A_252 = arith.constant 0 : i32
        %dma_start3A_253 = arith.constant 0 : i32
        %dma_start3A_254 = tpu.memref_slice %arg18[%run_scoped3A_250, %dma_start3A_252, %dma_start3A_253] : memref<4x64x128xf32, #tpu.memory_space<vmem>> -> memref<1x64x128xf32, #tpu.memory_space<vmem>>
        %dma_start3A_255 = tpu.memref_squeeze %dma_start3A_254 : memref<1x64x128xf32, #tpu.memory_space<vmem>> -> memref<64x128xf32, #tpu.memory_space<vmem>>
        %dma_start3A_256 = arith.constant 0 : i32
        %dma_start3A_257 = tpu.memref_slice %arg19[%mul3A_249, %dma_start3A_256] : memref<10000x128xf32, #tpu.memory_space<vmem_shared>> -> memref<64x128xf32, #tpu.memory_space<vmem_shared>>
        %dma_start3A_258 = arith.constant 0 : i32
        %dma_start3A_259 = tpu.memref_slice %arg19[%mul3A_249, %dma_start3A_258] : memref<10000x128xf32, #tpu.memory_space<vmem_shared>> -> memref<64x128xf32, #tpu.memory_space<vmem_shared>>
        %dma_start3A_260 = arith.constant 0 : i32
        %dma_start3A_261 = arith.constant 0 : i32
        %dma_start3A_262 = tpu.memref_slice %arg18[%run_scoped3A_250, %dma_start3A_260, %dma_start3A_261] : memref<4x64x128xf32, #tpu.memory_space<vmem>> -> memref<1x64x128xf32, #tpu.memory_space<vmem>>
        %dma_start3A_263 = tpu.memref_squeeze %dma_start3A_262 : memref<1x64x128xf32, #tpu.memory_space<vmem>> -> memref<64x128xf32, #tpu.memory_space<vmem>>
        tpu.enqueue_dma source(%dma_start3A_263 : memref<64x128xf32, #tpu.memory_space<vmem>>) target(%dma_start3A_259 : memref<64x128xf32, #tpu.memory_space<vmem_shared>>) target_semaphore(%run_scoped3A_251 : memref<!tpu.dma_semaphore, #tpu.memory_space<semaphore_mem>>)
        %dma_wait3A_264 = arith.constant 0 : i32
        %dma_wait3A_265 = arith.constant 0 : i32
        %dma_wait3A_266 = tpu.memref_slice %arg18[%run_scoped3A_250, %dma_wait3A_264, %dma_wait3A_265] : memref<4x64x128xf32, #tpu.memory_space<vmem>> -> memref<1x64x128xf32, #tpu.memory_space<vmem>>
        %dma_wait3A_267 = tpu.memref_squeeze %dma_wait3A_266 : memref<1x64x128xf32, #tpu.memory_space<vmem>> -> memref<64x128xf32, #tpu.memory_space<vmem>>
        %dma_wait3A_268 = arith.constant 0 : i32
        %dma_wait3A_269 = tpu.memref_slice %arg19[%mul3A_249, %dma_wait3A_268] : memref<10000x128xf32, #tpu.memory_space<vmem_shared>> -> memref<64x128xf32, #tpu.memory_space<vmem_shared>>
        %dma_wait3A_270 = arith.constant 0 : i32
        %dma_wait3A_271 = tpu.memref_slice %arg19[%mul3A_249, %dma_wait3A_270] : memref<10000x128xf32, #tpu.memory_space<vmem_shared>> -> memref<64x128xf32, #tpu.memory_space<vmem_shared>>
        %dma_wait3A_272 = arith.constant 0 : i32
        %dma_wait3A_273 = arith.constant 0 : i32
        %dma_wait3A_274 = tpu.memref_slice %arg18[%run_scoped3A_250, %dma_wait3A_272, %dma_wait3A_273] : memref<4x64x128xf32, #tpu.memory_space<vmem>> -> memref<1x64x128xf32, #tpu.memory_space<vmem>>
        %dma_wait3A_275 = tpu.memref_squeeze %dma_wait3A_274 : memref<1x64x128xf32, #tpu.memory_space<vmem>> -> memref<64x128xf32, #tpu.memory_space<vmem>>
        tpu.wait_dma2 semaphore(%run_scoped3A_251 : memref<!tpu.dma_semaphore, #tpu.memory_space<semaphore_mem>>) src(%dma_wait3A_275 : memref<64x128xf32, #tpu.memory_space<vmem>>) dst(%dma_wait3A_271 : memref<64x128xf32, #tpu.memory_space<vmem_shared>>)
        tpu.yield
      }) : () -> ()
    } else {
    }
    %add3A_29 = arith.constant 64 : i32
    %add3A_30 = arith.addi %arg1, %add3A_29 : i32
    %lt3A_31 = arith.constant 156 : i32
    %lt3A_32 = arith.cmpi slt, %add3A_30, %lt3A_31 : i32
    %convert_element_type3A_33 = arith.extui %lt3A_32 : i1 to i32
    %cond3A_34 = arith.constant 0 : i32
    %cond3A_35 = arith.cmpi ne, %convert_element_type3A_33, %cond3A_34 : i32
    scf.if %cond3A_35 {
      %mul3A_248 = arith.constant 64 : i32
      %mul3A_249 = arith.muli %add3A_30, %mul3A_248 : i32
      %run_scoped3A_250 = arith.constant 0 : i32
      "tpu.region"() ({
        %run_scoped3A_251 = tpu.sem_alloc : memref<!tpu.dma_semaphore, #tpu.memory_space<semaphore_mem>>
        %dma_start3A_252 = arith.constant 0 : i32
        %dma_start3A_253 = arith.constant 0 : i32
        %dma_start3A_254 = tpu.memref_slice %arg18[%run_scoped3A_250, %dma_start3A_252, %dma_start3A_253] : memref<4x64x128xf32, #tpu.memory_space<vmem>> -> memref<1x64x128xf32, #tpu.memory_space<vmem>>
        %dma_start3A_255 = tpu.memref_squeeze %dma_start3A_254 : memref<1x64x128xf32, #tpu.memory_space<vmem>> -> memref<64x128xf32, #tpu.memory_space<vmem>>
        %dma_start3A_256 = arith.constant 0 : i32
        %dma_start3A_257 = tpu.memref_slice %arg19[%mul3A_249, %dma_start3A_256] : memref<10000x128xf32, #tpu.memory_space<vmem_shared>> -> memref<64x128xf32, #tpu.memory_space<vmem_shared>>
        %dma_start3A_258 = arith.constant 0 : i32
        %dma_start3A_259 = tpu.memref_slice %arg19[%mul3A_249, %dma_start3A_258] : memref<10000x128xf32, #tpu.memory_space<vmem_shared>> -> memref<64x128xf32, #tpu.memory_space<vmem_shared>>
        %dma_start3A_260 = arith.constant 0 : i32
        %dma_start3A_261 = arith.constant 0 : i32
        %dma_start3A_262 = tpu.memref_slice %arg18[%run_scoped3A_250, %dma_start3A_260, %dma_start3A_261] : memref<4x64x128xf32, #tpu.memory_space<vmem>> -> memref<1x64x128xf32, #tpu.memory_space<vmem>>
        %dma_start3A_263 = tpu.memref_squeeze %dma_start3A_262 : memref<1x64x128xf32, #tpu.memory_space<vmem>> -> memref<64x128xf32, #tpu.memory_space<vmem>>
        tpu.enqueue_dma source(%dma_start3A_263 : memref<64x128xf32, #tpu.memory_space<vmem>>) target(%dma_start3A_259 : memref<64x128xf32, #tpu.memory_space<vmem_shared>>) target_semaphore(%run_scoped3A_251 : memref<!tpu.dma_semaphore, #tpu.memory_space<semaphore_mem>>)
        %dma_wait3A_264 = arith.constant 0 : i32
        %dma_wait3A_265 = arith.constant 0 : i32
        %dma_wait3A_266 = tpu.memref_slice %arg18[%run_scoped3A_250, %dma_wait3A_264, %dma_wait3A_265] : memref<4x64x128xf32, #tpu.memory_space<vmem>> -> memref<1x64x128xf32, #tpu.memory_space<vmem>>
        %dma_wait3A_267 = tpu.memref_squeeze %dma_wait3A_266 : memref<1x64x128xf32, #tpu.memory_space<vmem>> -> memref<64x128xf32, #tpu.memory_space<vmem>>
        %dma_wait3A_268 = arith.constant 0 : i32
        %dma_wait3A_269 = tpu.memref_slice %arg19[%mul3A_249, %dma_wait3A_268] : memref<10000x128xf32, #tpu.memory_space<vmem_shared>> -> memref<64x128xf32, #tpu.memory_space<vmem_shared>>
        %dma_wait3A_270 = arith.constant 0 : i32
        %dma_wait3A_271 = tpu.memref_slice %arg19[%mul3A_249, %dma_wait3A_270] : memref<10000x128xf32, #tpu.memory_space<vmem_shared>> -> memref<64x128xf32, #tpu.memory_space<vmem_shared>>
        %dma_wait3A_272 = arith.constant 0 : i32
        %dma_wait3A_273 = arith.constant 0 : i32
        %dma_wait3A_274 = tpu.memref_slice %arg18[%run_scoped3A_250, %dma_wait3A_272, %dma_wait3A_273] : memref<4x64x128xf32, #tpu.memory_space<vmem>> -> memref<1x64x128xf32, #tpu.memory_space<vmem>>
        %dma_wait3A_275 = tpu.memref_squeeze %dma_wait3A_274 : memref<1x64x128xf32, #tpu.memory_space<vmem>> -> memref<64x128xf32, #tpu.memory_space<vmem>>
        tpu.wait_dma2 semaphore(%run_scoped3A_251 : memref<!tpu.dma_semaphore, #tpu.memory_space<semaphore_mem>>) src(%dma_wait3A_275 : memref<64x128xf32, #tpu.memory_space<vmem>>) dst(%dma_wait3A_271 : memref<64x128xf32, #tpu.memory_space<vmem_shared>>)
        tpu.yield
      }) : () -> ()
    } else {
    }
    %add3A_36 = arith.constant 80 : i32
    %add3A_37 = arith.addi %arg1, %add3A_36 : i32
    %lt3A_38 = arith.constant 156 : i32
    %lt3A_39 = arith.cmpi slt, %add3A_37, %lt3A_38 : i32
    %convert_element_type3A_40 = arith.extui %lt3A_39 : i1 to i32
    %cond3A_41 = arith.constant 0 : i32
    %cond3A_42 = arith.cmpi ne, %convert_element_type3A_40, %cond3A_41 : i32
    scf.if %cond3A_42 {
      %mul3A_248 = arith.constant 64 : i32
      %mul3A_249 = arith.muli %add3A_37, %mul3A_248 : i32
      %run_scoped3A_250 = arith.constant 0 : i32
      "tpu.region"() ({
        %run_scoped3A_251 = tpu.sem_alloc : memref<!tpu.dma_semaphore, #tpu.memory_space<semaphore_mem>>
        %dma_start3A_252 = arith.constant 0 : i32
        %dma_start3A_253 = arith.constant 0 : i32
        %dma_start3A_254 = tpu.memref_slice %arg18[%run_scoped3A_250, %dma_start3A_252, %dma_start3A_253] : memref<4x64x128xf32, #tpu.memory_space<vmem>> -> memref<1x64x128xf32, #tpu.memory_space<vmem>>
        %dma_start3A_255 = tpu.memref_squeeze %dma_start3A_254 : memref<1x64x128xf32, #tpu.memory_space<vmem>> -> memref<64x128xf32, #tpu.memory_space<vmem>>
        %dma_start3A_256 = arith.constant 0 : i32
        %dma_start3A_257 = tpu.memref_slice %arg19[%mul3A_249, %dma_start3A_256] : memref<10000x128xf32, #tpu.memory_space<vmem_shared>> -> memref<64x128xf32, #tpu.memory_space<vmem_shared>>
        %dma_start3A_258 = arith.constant 0 : i32
        %dma_start3A_259 = tpu.memref_slice %arg19[%mul3A_249, %dma_start3A_258] : memref<10000x128xf32, #tpu.memory_space<vmem_shared>> -> memref<64x128xf32, #tpu.memory_space<vmem_shared>>
        %dma_start3A_260 = arith.constant 0 : i32
        %dma_start3A_261 = arith.constant 0 : i32
        %dma_start3A_262 = tpu.memref_slice %arg18[%run_scoped3A_250, %dma_start3A_260, %dma_start3A_261] : memref<4x64x128xf32, #tpu.memory_space<vmem>> -> memref<1x64x128xf32, #tpu.memory_space<vmem>>
        %dma_start3A_263 = tpu.memref_squeeze %dma_start3A_262 : memref<1x64x128xf32, #tpu.memory_space<vmem>> -> memref<64x128xf32, #tpu.memory_space<vmem>>
        tpu.enqueue_dma source(%dma_start3A_263 : memref<64x128xf32, #tpu.memory_space<vmem>>) target(%dma_start3A_259 : memref<64x128xf32, #tpu.memory_space<vmem_shared>>) target_semaphore(%run_scoped3A_251 : memref<!tpu.dma_semaphore, #tpu.memory_space<semaphore_mem>>)
        %dma_wait3A_264 = arith.constant 0 : i32
        %dma_wait3A_265 = arith.constant 0 : i32
        %dma_wait3A_266 = tpu.memref_slice %arg18[%run_scoped3A_250, %dma_wait3A_264, %dma_wait3A_265] : memref<4x64x128xf32, #tpu.memory_space<vmem>> -> memref<1x64x128xf32, #tpu.memory_space<vmem>>
        %dma_wait3A_267 = tpu.memref_squeeze %dma_wait3A_266 : memref<1x64x128xf32, #tpu.memory_space<vmem>> -> memref<64x128xf32, #tpu.memory_space<vmem>>
        %dma_wait3A_268 = arith.constant 0 : i32
        %dma_wait3A_269 = tpu.memref_slice %arg19[%mul3A_249, %dma_wait3A_268] : memref<10000x128xf32, #tpu.memory_space<vmem_shared>> -> memref<64x128xf32, #tpu.memory_space<vmem_shared>>
        %dma_wait3A_270 = arith.constant 0 : i32
        %dma_wait3A_271 = tpu.memref_slice %arg19[%mul3A_249, %dma_wait3A_270] : memref<10000x128xf32, #tpu.memory_space<vmem_shared>> -> memref<64x128xf32, #tpu.memory_space<vmem_shared>>
        %dma_wait3A_272 = arith.constant 0 : i32
        %dma_wait3A_273 = arith.constant 0 : i32
        %dma_wait3A_274 = tpu.memref_slice %arg18[%run_scoped3A_250, %dma_wait3A_272, %dma_wait3A_273] : memref<4x64x128xf32, #tpu.memory_space<vmem>> -> memref<1x64x128xf32, #tpu.memory_space<vmem>>
        %dma_wait3A_275 = tpu.memref_squeeze %dma_wait3A_274 : memref<1x64x128xf32, #tpu.memory_space<vmem>> -> memref<64x128xf32, #tpu.memory_space<vmem>>
        tpu.wait_dma2 semaphore(%run_scoped3A_251 : memref<!tpu.dma_semaphore, #tpu.memory_space<semaphore_mem>>) src(%dma_wait3A_275 : memref<64x128xf32, #tpu.memory_space<vmem>>) dst(%dma_wait3A_271 : memref<64x128xf32, #tpu.memory_space<vmem_shared>>)
        tpu.yield
      }) : () -> ()
    } else {
    }
    %add3A_43 = arith.constant 96 : i32
    %add3A_44 = arith.addi %arg1, %add3A_43 : i32
    %lt3A_45 = arith.constant 156 : i32
    %lt3A_46 = arith.cmpi slt, %add3A_44, %lt3A_45 : i32
    %convert_element_type3A_47 = arith.extui %lt3A_46 : i1 to i32
    %cond3A_48 = arith.constant 0 : i32
    %cond3A_49 = arith.cmpi ne, %convert_element_type3A_47, %cond3A_48 : i32
    scf.if %cond3A_49 {
      %mul3A_248 = arith.constant 64 : i32
      %mul3A_249 = arith.muli %add3A_44, %mul3A_248 : i32
      %run_scoped3A_250 = arith.constant 0 : i32
      "tpu.region"() ({
        %run_scoped3A_251 = tpu.sem_alloc : memref<!tpu.dma_semaphore, #tpu.memory_space<semaphore_mem>>
        %dma_start3A_252 = arith.constant 0 : i32
        %dma_start3A_253 = arith.constant 0 : i32
        %dma_start3A_254 = tpu.memref_slice %arg18[%run_scoped3A_250, %dma_start3A_252, %dma_start3A_253] : memref<4x64x128xf32, #tpu.memory_space<vmem>> -> memref<1x64x128xf32, #tpu.memory_space<vmem>>
        %dma_start3A_255 = tpu.memref_squeeze %dma_start3A_254 : memref<1x64x128xf32, #tpu.memory_space<vmem>> -> memref<64x128xf32, #tpu.memory_space<vmem>>
        %dma_start3A_256 = arith.constant 0 : i32
        %dma_start3A_257 = tpu.memref_slice %arg19[%mul3A_249, %dma_start3A_256] : memref<10000x128xf32, #tpu.memory_space<vmem_shared>> -> memref<64x128xf32, #tpu.memory_space<vmem_shared>>
        %dma_start3A_258 = arith.constant 0 : i32
        %dma_start3A_259 = tpu.memref_slice %arg19[%mul3A_249, %dma_start3A_258] : memref<10000x128xf32, #tpu.memory_space<vmem_shared>> -> memref<64x128xf32, #tpu.memory_space<vmem_shared>>
        %dma_start3A_260 = arith.constant 0 : i32
        %dma_start3A_261 = arith.constant 0 : i32
        %dma_start3A_262 = tpu.memref_slice %arg18[%run_scoped3A_250, %dma_start3A_260, %dma_start3A_261] : memref<4x64x128xf32, #tpu.memory_space<vmem>> -> memref<1x64x128xf32, #tpu.memory_space<vmem>>
        %dma_start3A_263 = tpu.memref_squeeze %dma_start3A_262 : memref<1x64x128xf32, #tpu.memory_space<vmem>> -> memref<64x128xf32, #tpu.memory_space<vmem>>
        tpu.enqueue_dma source(%dma_start3A_263 : memref<64x128xf32, #tpu.memory_space<vmem>>) target(%dma_start3A_259 : memref<64x128xf32, #tpu.memory_space<vmem_shared>>) target_semaphore(%run_scoped3A_251 : memref<!tpu.dma_semaphore, #tpu.memory_space<semaphore_mem>>)
        %dma_wait3A_264 = arith.constant 0 : i32
        %dma_wait3A_265 = arith.constant 0 : i32
        %dma_wait3A_266 = tpu.memref_slice %arg18[%run_scoped3A_250, %dma_wait3A_264, %dma_wait3A_265] : memref<4x64x128xf32, #tpu.memory_space<vmem>> -> memref<1x64x128xf32, #tpu.memory_space<vmem>>
        %dma_wait3A_267 = tpu.memref_squeeze %dma_wait3A_266 : memref<1x64x128xf32, #tpu.memory_space<vmem>> -> memref<64x128xf32, #tpu.memory_space<vmem>>
        %dma_wait3A_268 = arith.constant 0 : i32
        %dma_wait3A_269 = tpu.memref_slice %arg19[%mul3A_249, %dma_wait3A_268] : memref<10000x128xf32, #tpu.memory_space<vmem_shared>> -> memref<64x128xf32, #tpu.memory_space<vmem_shared>>
        %dma_wait3A_270 = arith.constant 0 : i32
        %dma_wait3A_271 = tpu.memref_slice %arg19[%mul3A_249, %dma_wait3A_270] : memref<10000x128xf32, #tpu.memory_space<vmem_shared>> -> memref<64x128xf32, #tpu.memory_space<vmem_shared>>
        %dma_wait3A_272 = arith.constant 0 : i32
        %dma_wait3A_273 = arith.constant 0 : i32
        %dma_wait3A_274 = tpu.memref_slice %arg18[%run_scoped3A_250, %dma_wait3A_272, %dma_wait3A_273] : memref<4x64x128xf32, #tpu.memory_space<vmem>> -> memref<1x64x128xf32, #tpu.memory_space<vmem>>
        %dma_wait3A_275 = tpu.memref_squeeze %dma_wait3A_274 : memref<1x64x128xf32, #tpu.memory_space<vmem>> -> memref<64x128xf32, #tpu.memory_space<vmem>>
        tpu.wait_dma2 semaphore(%run_scoped3A_251 : memref<!tpu.dma_semaphore, #tpu.memory_space<semaphore_mem>>) src(%dma_wait3A_275 : memref<64x128xf32, #tpu.memory_space<vmem>>) dst(%dma_wait3A_271 : memref<64x128xf32, #tpu.memory_space<vmem_shared>>)
        tpu.yield
      }) : () -> ()
    } else {
    }
    %add3A_50 = arith.constant 112 : i32
    %add3A_51 = arith.addi %arg1, %add3A_50 : i32
    %lt3A_52 = arith.constant 156 : i32
    %lt3A_53 = arith.cmpi slt, %add3A_51, %lt3A_52 : i32
    %convert_element_type3A_54 = arith.extui %lt3A_53 : i1 to i32
    %cond3A_55 = arith.constant 0 : i32
    %cond3A_56 = arith.cmpi ne, %convert_element_type3A_54, %cond3A_55 : i32
    scf.if %cond3A_56 {
      %mul3A_248 = arith.constant 64 : i32
      %mul3A_249 = arith.muli %add3A_51, %mul3A_248 : i32
      %run_scoped3A_250 = arith.constant 0 : i32
      "tpu.region"() ({
        %run_scoped3A_251 = tpu.sem_alloc : memref<!tpu.dma_semaphore, #tpu.memory_space<semaphore_mem>>
        %dma_start3A_252 = arith.constant 0 : i32
        %dma_start3A_253 = arith.constant 0 : i32
        %dma_start3A_254 = tpu.memref_slice %arg18[%run_scoped3A_250, %dma_start3A_252, %dma_start3A_253] : memref<4x64x128xf32, #tpu.memory_space<vmem>> -> memref<1x64x128xf32, #tpu.memory_space<vmem>>
        %dma_start3A_255 = tpu.memref_squeeze %dma_start3A_254 : memref<1x64x128xf32, #tpu.memory_space<vmem>> -> memref<64x128xf32, #tpu.memory_space<vmem>>
        %dma_start3A_256 = arith.constant 0 : i32
        %dma_start3A_257 = tpu.memref_slice %arg19[%mul3A_249, %dma_start3A_256] : memref<10000x128xf32, #tpu.memory_space<vmem_shared>> -> memref<64x128xf32, #tpu.memory_space<vmem_shared>>
        %dma_start3A_258 = arith.constant 0 : i32
        %dma_start3A_259 = tpu.memref_slice %arg19[%mul3A_249, %dma_start3A_258] : memref<10000x128xf32, #tpu.memory_space<vmem_shared>> -> memref<64x128xf32, #tpu.memory_space<vmem_shared>>
        %dma_start3A_260 = arith.constant 0 : i32
        %dma_start3A_261 = arith.constant 0 : i32
        %dma_start3A_262 = tpu.memref_slice %arg18[%run_scoped3A_250, %dma_start3A_260, %dma_start3A_261] : memref<4x64x128xf32, #tpu.memory_space<vmem>> -> memref<1x64x128xf32, #tpu.memory_space<vmem>>
        %dma_start3A_263 = tpu.memref_squeeze %dma_start3A_262 : memref<1x64x128xf32, #tpu.memory_space<vmem>> -> memref<64x128xf32, #tpu.memory_space<vmem>>
        tpu.enqueue_dma source(%dma_start3A_263 : memref<64x128xf32, #tpu.memory_space<vmem>>) target(%dma_start3A_259 : memref<64x128xf32, #tpu.memory_space<vmem_shared>>) target_semaphore(%run_scoped3A_251 : memref<!tpu.dma_semaphore, #tpu.memory_space<semaphore_mem>>)
        %dma_wait3A_264 = arith.constant 0 : i32
        %dma_wait3A_265 = arith.constant 0 : i32
        %dma_wait3A_266 = tpu.memref_slice %arg18[%run_scoped3A_250, %dma_wait3A_264, %dma_wait3A_265] : memref<4x64x128xf32, #tpu.memory_space<vmem>> -> memref<1x64x128xf32, #tpu.memory_space<vmem>>
        %dma_wait3A_267 = tpu.memref_squeeze %dma_wait3A_266 : memref<1x64x128xf32, #tpu.memory_space<vmem>> -> memref<64x128xf32, #tpu.memory_space<vmem>>
        %dma_wait3A_268 = arith.constant 0 : i32
        %dma_wait3A_269 = tpu.memref_slice %arg19[%mul3A_249, %dma_wait3A_268] : memref<10000x128xf32, #tpu.memory_space<vmem_shared>> -> memref<64x128xf32, #tpu.memory_space<vmem_shared>>
        %dma_wait3A_270 = arith.constant 0 : i32
        %dma_wait3A_271 = tpu.memref_slice %arg19[%mul3A_249, %dma_wait3A_270] : memref<10000x128xf32, #tpu.memory_space<vmem_shared>> -> memref<64x128xf32, #tpu.memory_space<vmem_shared>>
        %dma_wait3A_272 = arith.constant 0 : i32
        %dma_wait3A_273 = arith.constant 0 : i32
        %dma_wait3A_274 = tpu.memref_slice %arg18[%run_scoped3A_250, %dma_wait3A_272, %dma_wait3A_273] : memref<4x64x128xf32, #tpu.memory_space<vmem>> -> memref<1x64x128xf32, #tpu.memory_space<vmem>>
        %dma_wait3A_275 = tpu.memref_squeeze %dma_wait3A_274 : memref<1x64x128xf32, #tpu.memory_space<vmem>> -> memref<64x128xf32, #tpu.memory_space<vmem>>
        tpu.wait_dma2 semaphore(%run_scoped3A_251 : memref<!tpu.dma_semaphore, #tpu.memory_space<semaphore_mem>>) src(%dma_wait3A_275 : memref<64x128xf32, #tpu.memory_space<vmem>>) dst(%dma_wait3A_271 : memref<64x128xf32, #tpu.memory_space<vmem_shared>>)
        tpu.yield
      }) : () -> ()
    } else {
    }
    %add3A_57 = arith.constant 128 : i32
    %add3A_58 = arith.addi %arg1, %add3A_57 : i32
    %lt3A_59 = arith.constant 156 : i32
    %lt3A_60 = arith.cmpi slt, %add3A_58, %lt3A_59 : i32
    %convert_element_type3A_61 = arith.extui %lt3A_60 : i1 to i32
    %cond3A_62 = arith.constant 0 : i32
    %cond3A_63 = arith.cmpi ne, %convert_element_type3A_61, %cond3A_62 : i32
    scf.if %cond3A_63 {
      %mul3A_248 = arith.constant 64 : i32
      %mul3A_249 = arith.muli %add3A_58, %mul3A_248 : i32
      %run_scoped3A_250 = arith.constant 0 : i32
      "tpu.region"() ({
        %run_scoped3A_251 = tpu.sem_alloc : memref<!tpu.dma_semaphore, #tpu.memory_space<semaphore_mem>>
        %dma_start3A_252 = arith.constant 0 : i32
        %dma_start3A_253 = arith.constant 0 : i32
        %dma_start3A_254 = tpu.memref_slice %arg18[%run_scoped3A_250, %dma_start3A_252, %dma_start3A_253] : memref<4x64x128xf32, #tpu.memory_space<vmem>> -> memref<1x64x128xf32, #tpu.memory_space<vmem>>
        %dma_start3A_255 = tpu.memref_squeeze %dma_start3A_254 : memref<1x64x128xf32, #tpu.memory_space<vmem>> -> memref<64x128xf32, #tpu.memory_space<vmem>>
        %dma_start3A_256 = arith.constant 0 : i32
        %dma_start3A_257 = tpu.memref_slice %arg19[%mul3A_249, %dma_start3A_256] : memref<10000x128xf32, #tpu.memory_space<vmem_shared>> -> memref<64x128xf32, #tpu.memory_space<vmem_shared>>
        %dma_start3A_258 = arith.constant 0 : i32
        %dma_start3A_259 = tpu.memref_slice %arg19[%mul3A_249, %dma_start3A_258] : memref<10000x128xf32, #tpu.memory_space<vmem_shared>> -> memref<64x128xf32, #tpu.memory_space<vmem_shared>>
        %dma_start3A_260 = arith.constant 0 : i32
        %dma_start3A_261 = arith.constant 0 : i32
        %dma_start3A_262 = tpu.memref_slice %arg18[%run_scoped3A_250, %dma_start3A_260, %dma_start3A_261] : memref<4x64x128xf32, #tpu.memory_space<vmem>> -> memref<1x64x128xf32, #tpu.memory_space<vmem>>
        %dma_start3A_263 = tpu.memref_squeeze %dma_start3A_262 : memref<1x64x128xf32, #tpu.memory_space<vmem>> -> memref<64x128xf32, #tpu.memory_space<vmem>>
        tpu.enqueue_dma source(%dma_start3A_263 : memref<64x128xf32, #tpu.memory_space<vmem>>) target(%dma_start3A_259 : memref<64x128xf32, #tpu.memory_space<vmem_shared>>) target_semaphore(%run_scoped3A_251 : memref<!tpu.dma_semaphore, #tpu.memory_space<semaphore_mem>>)
        %dma_wait3A_264 = arith.constant 0 : i32
        %dma_wait3A_265 = arith.constant 0 : i32
        %dma_wait3A_266 = tpu.memref_slice %arg18[%run_scoped3A_250, %dma_wait3A_264, %dma_wait3A_265] : memref<4x64x128xf32, #tpu.memory_space<vmem>> -> memref<1x64x128xf32, #tpu.memory_space<vmem>>
        %dma_wait3A_267 = tpu.memref_squeeze %dma_wait3A_266 : memref<1x64x128xf32, #tpu.memory_space<vmem>> -> memref<64x128xf32, #tpu.memory_space<vmem>>
        %dma_wait3A_268 = arith.constant 0 : i32
        %dma_wait3A_269 = tpu.memref_slice %arg19[%mul3A_249, %dma_wait3A_268] : memref<10000x128xf32, #tpu.memory_space<vmem_shared>> -> memref<64x128xf32, #tpu.memory_space<vmem_shared>>
        %dma_wait3A_270 = arith.constant 0 : i32
        %dma_wait3A_271 = tpu.memref_slice %arg19[%mul3A_249, %dma_wait3A_270] : memref<10000x128xf32, #tpu.memory_space<vmem_shared>> -> memref<64x128xf32, #tpu.memory_space<vmem_shared>>
        %dma_wait3A_272 = arith.constant 0 : i32
        %dma_wait3A_273 = arith.constant 0 : i32
        %dma_wait3A_274 = tpu.memref_slice %arg18[%run_scoped3A_250, %dma_wait3A_272, %dma_wait3A_273] : memref<4x64x128xf32, #tpu.memory_space<vmem>> -> memref<1x64x128xf32, #tpu.memory_space<vmem>>
        %dma_wait3A_275 = tpu.memref_squeeze %dma_wait3A_274 : memref<1x64x128xf32, #tpu.memory_space<vmem>> -> memref<64x128xf32, #tpu.memory_space<vmem>>
        tpu.wait_dma2 semaphore(%run_scoped3A_251 : memref<!tpu.dma_semaphore, #tpu.memory_space<semaphore_mem>>) src(%dma_wait3A_275 : memref<64x128xf32, #tpu.memory_space<vmem>>) dst(%dma_wait3A_271 : memref<64x128xf32, #tpu.memory_space<vmem_shared>>)
        tpu.yield
      }) : () -> ()
    } else {
    }
    %add3A_64 = arith.constant 144 : i32
    %add3A_65 = arith.addi %arg1, %add3A_64 : i32
    %lt3A_66 = arith.constant 156 : i32
    %lt3A_67 = arith.cmpi slt, %add3A_65, %lt3A_66 : i32
    %convert_element_type3A_68 = arith.extui %lt3A_67 : i1 to i32
    %cond3A_69 = arith.constant 0 : i32
    %cond3A_70 = arith.cmpi ne, %convert_element_type3A_68, %cond3A_69 : i32
    scf.if %cond3A_70 {
      %mul3A_248 = arith.constant 64 : i32
      %mul3A_249 = arith.muli %add3A_65, %mul3A_248 : i32
      %run_scoped3A_250 = arith.constant 0 : i32
      "tpu.region"() ({
        %run_scoped3A_251 = tpu.sem_alloc : memref<!tpu.dma_semaphore, #tpu.memory_space<semaphore_mem>>
        %dma_start3A_252 = arith.constant 0 : i32
        %dma_start3A_253 = arith.constant 0 : i32
        %dma_start3A_254 = tpu.memref_slice %arg18[%run_scoped3A_250, %dma_start3A_252, %dma_start3A_253] : memref<4x64x128xf32, #tpu.memory_space<vmem>> -> memref<1x64x128xf32, #tpu.memory_space<vmem>>
        %dma_start3A_255 = tpu.memref_squeeze %dma_start3A_254 : memref<1x64x128xf32, #tpu.memory_space<vmem>> -> memref<64x128xf32, #tpu.memory_space<vmem>>
        %dma_start3A_256 = arith.constant 0 : i32
        %dma_start3A_257 = tpu.memref_slice %arg19[%mul3A_249, %dma_start3A_256] : memref<10000x128xf32, #tpu.memory_space<vmem_shared>> -> memref<64x128xf32, #tpu.memory_space<vmem_shared>>
        %dma_start3A_258 = arith.constant 0 : i32
        %dma_start3A_259 = tpu.memref_slice %arg19[%mul3A_249, %dma_start3A_258] : memref<10000x128xf32, #tpu.memory_space<vmem_shared>> -> memref<64x128xf32, #tpu.memory_space<vmem_shared>>
        %dma_start3A_260 = arith.constant 0 : i32
        %dma_start3A_261 = arith.constant 0 : i32
        %dma_start3A_262 = tpu.memref_slice %arg18[%run_scoped3A_250, %dma_start3A_260, %dma_start3A_261] : memref<4x64x128xf32, #tpu.memory_space<vmem>> -> memref<1x64x128xf32, #tpu.memory_space<vmem>>
        %dma_start3A_263 = tpu.memref_squeeze %dma_start3A_262 : memref<1x64x128xf32, #tpu.memory_space<vmem>> -> memref<64x128xf32, #tpu.memory_space<vmem>>
        tpu.enqueue_dma source(%dma_start3A_263 : memref<64x128xf32, #tpu.memory_space<vmem>>) target(%dma_start3A_259 : memref<64x128xf32, #tpu.memory_space<vmem_shared>>) target_semaphore(%run_scoped3A_251 : memref<!tpu.dma_semaphore, #tpu.memory_space<semaphore_mem>>)
        %dma_wait3A_264 = arith.constant 0 : i32
        %dma_wait3A_265 = arith.constant 0 : i32
        %dma_wait3A_266 = tpu.memref_slice %arg18[%run_scoped3A_250, %dma_wait3A_264, %dma_wait3A_265] : memref<4x64x128xf32, #tpu.memory_space<vmem>> -> memref<1x64x128xf32, #tpu.memory_space<vmem>>
        %dma_wait3A_267 = tpu.memref_squeeze %dma_wait3A_266 : memref<1x64x128xf32, #tpu.memory_space<vmem>> -> memref<64x128xf32, #tpu.memory_space<vmem>>
        %dma_wait3A_268 = arith.constant 0 : i32
        %dma_wait3A_269 = tpu.memref_slice %arg19[%mul3A_249, %dma_wait3A_268] : memref<10000x128xf32, #tpu.memory_space<vmem_shared>> -> memref<64x128xf32, #tpu.memory_space<vmem_shared>>
        %dma_wait3A_270 = arith.constant 0 : i32
        %dma_wait3A_271 = tpu.memref_slice %arg19[%mul3A_249, %dma_wait3A_270] : memref<10000x128xf32, #tpu.memory_space<vmem_shared>> -> memref<64x128xf32, #tpu.memory_space<vmem_shared>>
        %dma_wait3A_272 = arith.constant 0 : i32
        %dma_wait3A_273 = arith.constant 0 : i32
        %dma_wait3A_274 = tpu.memref_slice %arg18[%run_scoped3A_250, %dma_wait3A_272, %dma_wait3A_273] : memref<4x64x128xf32, #tpu.memory_space<vmem>> -> memref<1x64x128xf32, #tpu.memory_space<vmem>>
        %dma_wait3A_275 = tpu.memref_squeeze %dma_wait3A_274 : memref<1x64x128xf32, #tpu.memory_space<vmem>> -> memref<64x128xf32, #tpu.memory_space<vmem>>
        tpu.wait_dma2 semaphore(%run_scoped3A_251 : memref<!tpu.dma_semaphore, #tpu.memory_space<semaphore_mem>>) src(%dma_wait3A_275 : memref<64x128xf32, #tpu.memory_space<vmem>>) dst(%dma_wait3A_271 : memref<64x128xf32, #tpu.memory_space<vmem_shared>>)
        tpu.yield
      }) : () -> ()
    } else {
    }
    %eq3A = arith.constant 1 : i32
    %eq3A_71 = arith.cmpi eq, %arg1, %eq3A : i32
    %convert_element_type3A_72 = arith.extui %eq3A_71 : i1 to i32
    %cond3A_73 = arith.constant 0 : i32
    %cond3A_74 = arith.cmpi ne, %convert_element_type3A_72, %cond3A_73 : i32
    scf.if %cond3A_74 {
      %run_scoped3A_248 = arith.constant 0 : i32
      "tpu.region"() ({
        %run_scoped3A_249 = tpu.sem_alloc : memref<!tpu.dma_semaphore, #tpu.memory_space<semaphore_mem>>
        %dma_start3A_250 = arith.constant 0 : i32
        %dma_start3A_251 = arith.constant 0 : i32
        %dma_start3A_252 = tpu.memref_slice %arg18[%run_scoped3A_248, %dma_start3A_250, %dma_start3A_251] : memref<4x64x128xf32, #tpu.memory_space<vmem>> -> memref<1x64x128xf32, #tpu.memory_space<vmem>>
        %dma_start3A_253 = tpu.memref_squeeze %dma_start3A_252 : memref<1x64x128xf32, #tpu.memory_space<vmem>> -> memref<64x128xf32, #tpu.memory_space<vmem>>
        %dma_start3A_254 = arith.constant 0 : i32
        %dma_start3A_255 = arith.constant 0 : i32
        %dma_start3A_256 = tpu.memref_slice %dma_start3A_253[%dma_start3A_254, %dma_start3A_255] : memref<64x128xf32, #tpu.memory_space<vmem>> -> memref<16x128xf32, #tpu.memory_space<vmem>>
        %dma_start3A_257 = arith.constant 9984 : i32
        %dma_start3A_258 = arith.constant 0 : i32
        %dma_start3A_259 = tpu.memref_slice %arg19[%dma_start3A_257, %dma_start3A_258] : memref<10000x128xf32, #tpu.memory_space<vmem_shared>> -> memref<16x128xf32, #tpu.memory_space<vmem_shared>>
        %dma_start3A_260 = arith.constant 9984 : i32
        %dma_start3A_261 = arith.constant 0 : i32
        %dma_start3A_262 = tpu.memref_slice %arg19[%dma_start3A_260, %dma_start3A_261] : memref<10000x128xf32, #tpu.memory_space<vmem_shared>> -> memref<16x128xf32, #tpu.memory_space<vmem_shared>>
        %dma_start3A_263 = arith.constant 0 : i32
        %dma_start3A_264 = arith.constant 0 : i32
        %dma_start3A_265 = tpu.memref_slice %arg18[%run_scoped3A_248, %dma_start3A_263, %dma_start3A_264] : memref<4x64x128xf32, #tpu.memory_space<vmem>> -> memref<1x64x128xf32, #tpu.memory_space<vmem>>
        %dma_start3A_266 = tpu.memref_squeeze %dma_start3A_265 : memref<1x64x128xf32, #tpu.memory_space<vmem>> -> memref<64x128xf32, #tpu.memory_space<vmem>>
        %dma_start3A_267 = arith.constant 0 : i32
        %dma_start3A_268 = arith.constant 0 : i32
        %dma_start3A_269 = tpu.memref_slice %dma_start3A_266[%dma_start3A_267, %dma_start3A_268] : memref<64x128xf32, #tpu.memory_space<vmem>> -> memref<16x128xf32, #tpu.memory_space<vmem>>
        tpu.enqueue_dma source(%dma_start3A_269 : memref<16x128xf32, #tpu.memory_space<vmem>>) target(%dma_start3A_262 : memref<16x128xf32, #tpu.memory_space<vmem_shared>>) target_semaphore(%run_scoped3A_249 : memref<!tpu.dma_semaphore, #tpu.memory_space<semaphore_mem>>)
        %dma_wait3A_270 = arith.constant 0 : i32
        %dma_wait3A_271 = arith.constant 0 : i32
        %dma_wait3A_272 = tpu.memref_slice %arg18[%run_scoped3A_248, %dma_wait3A_270, %dma_wait3A_271] : memref<4x64x128xf32, #tpu.memory_space<vmem>> -> memref<1x64x128xf32, #tpu.memory_space<vmem>>
        %dma_wait3A_273 = tpu.memref_squeeze %dma_wait3A_272 : memref<1x64x128xf32, #tpu.memory_space<vmem>> -> memref<64x128xf32, #tpu.memory_space<vmem>>
        %dma_wait3A_274 = arith.constant 0 : i32
        %dma_wait3A_275 = arith.constant 0 : i32
        %dma_wait3A_276 = tpu.memref_slice %dma_wait3A_273[%dma_wait3A_274, %dma_wait3A_275] : memref<64x128xf32, #tpu.memory_space<vmem>> -> memref<16x128xf32, #tpu.memory_space<vmem>>
        %dma_wait3A_277 = arith.constant 9984 : i32
        %dma_wait3A_278 = arith.constant 0 : i32
        %dma_wait3A_279 = tpu.memref_slice %arg19[%dma_wait3A_277, %dma_wait3A_278] : memref<10000x128xf32, #tpu.memory_space<vmem_shared>> -> memref<16x128xf32, #tpu.memory_space<vmem_shared>>
        %dma_wait3A_280 = arith.constant 9984 : i32
        %dma_wait3A_281 = arith.constant 0 : i32
        %dma_wait3A_282 = tpu.memref_slice %arg19[%dma_wait3A_280, %dma_wait3A_281] : memref<10000x128xf32, #tpu.memory_space<vmem_shared>> -> memref<16x128xf32, #tpu.memory_space<vmem_shared>>
        %dma_wait3A_283 = arith.constant 0 : i32
        %dma_wait3A_284 = arith.constant 0 : i32
        %dma_wait3A_285 = tpu.memref_slice %arg18[%run_scoped3A_248, %dma_wait3A_283, %dma_wait3A_284] : memref<4x64x128xf32, #tpu.memory_space<vmem>> -> memref<1x64x128xf32, #tpu.memory_space<vmem>>
        %dma_wait3A_286 = tpu.memref_squeeze %dma_wait3A_285 : memref<1x64x128xf32, #tpu.memory_space<vmem>> -> memref<64x128xf32, #tpu.memory_space<vmem>>
        %dma_wait3A_287 = arith.constant 0 : i32
        %dma_wait3A_288 = arith.constant 0 : i32
        %dma_wait3A_289 = tpu.memref_slice %dma_wait3A_286[%dma_wait3A_287, %dma_wait3A_288] : memref<64x128xf32, #tpu.memory_space<vmem>> -> memref<16x128xf32, #tpu.memory_space<vmem>>
        tpu.wait_dma2 semaphore(%run_scoped3A_249 : memref<!tpu.dma_semaphore, #tpu.memory_space<semaphore_mem>>) src(%dma_wait3A_289 : memref<16x128xf32, #tpu.memory_space<vmem>>) dst(%dma_wait3A_282 : memref<16x128xf32, #tpu.memory_space<vmem_shared>>)
        tpu.yield
      }) : () -> ()
    } else {
    }
    %eq3A_75 = arith.constant 0 : i32
    %eq3A_76 = arith.cmpi eq, %arg1, %eq3A_75 : i32
    %convert_element_type3A_77 = arith.extui %eq3A_76 : i1 to i32
    %cond3A_78 = arith.constant 0 : i32
    %cond3A_79 = arith.cmpi ne, %convert_element_type3A_77, %cond3A_78 : i32
    scf.if %cond3A_79 {
      "tpu.region"() ({
        %run_scoped3A_248 = tpu.sem_alloc : memref<!tpu.dma_semaphore, #tpu.memory_space<semaphore_mem>>
        tpu.enqueue_dma source(%arg8 : memref<10000xf32, #tpu.memory_space<hbm>>) target(%arg20 : memref<10000xf32, #tpu.memory_space<vmem_shared>>) target_semaphore(%run_scoped3A_248 : memref<!tpu.dma_semaphore, #tpu.memory_space<semaphore_mem>>)
        tpu.wait_dma2 semaphore(%run_scoped3A_248 : memref<!tpu.dma_semaphore, #tpu.memory_space<semaphore_mem>>) src(%arg8 : memref<10000xf32, #tpu.memory_space<hbm>>) dst(%arg20 : memref<10000xf32, #tpu.memory_space<vmem_shared>>)
        tpu.yield
      }) : () -> ()
    } else {
    }
    "tpu.region"() ({
      %run_scoped3A_248 = tpu.sem_alloc : memref<!tpu.dma_semaphore, #tpu.memory_space<semaphore_mem>>
      %dma_start3A_249 = arith.constant 0 : i32
      %dma_start3A_250 = tpu.memref_slice %arg16[%dma_start3A_249] : memref<256xf32, #tpu.memory_space<vmem>> -> memref<16xf32, #tpu.memory_space<vmem>>
      %dma_start3A_251 = arith.constant 0 : i32
      %dma_start3A_252 = tpu.memref_slice %arg16[%dma_start3A_251] : memref<256xf32, #tpu.memory_space<vmem>> -> memref<16xf32, #tpu.memory_space<vmem>>
      tpu.enqueue_dma source(%arg7 : memref<16xf32, #tpu.memory_space<hbm>>) target(%dma_start3A_252 : memref<16xf32, #tpu.memory_space<vmem>>) target_semaphore(%run_scoped3A_248 : memref<!tpu.dma_semaphore, #tpu.memory_space<semaphore_mem>>)
      %dma_wait3A_253 = arith.constant 0 : i32
      %dma_wait3A_254 = tpu.memref_slice %arg16[%dma_wait3A_253] : memref<256xf32, #tpu.memory_space<vmem>> -> memref<16xf32, #tpu.memory_space<vmem>>
      %dma_wait3A_255 = arith.constant 0 : i32
      %dma_wait3A_256 = tpu.memref_slice %arg16[%dma_wait3A_255] : memref<256xf32, #tpu.memory_space<vmem>> -> memref<16xf32, #tpu.memory_space<vmem>>
      tpu.wait_dma2 semaphore(%run_scoped3A_248 : memref<!tpu.dma_semaphore, #tpu.memory_space<semaphore_mem>>) src(%arg7 : memref<16xf32, #tpu.memory_space<hbm>>) dst(%dma_wait3A_256 : memref<16xf32, #tpu.memory_space<vmem>>)
      tpu.yield
    }) : () -> ()
    %get3A = arith.constant 0 : index
    %get3A_80 = tpu.vector_load %arg16[%get3A] {strides = array<i32>} : memref<256xf32, #tpu.memory_space<vmem>>, vector<16xf32>,
    %barrier3A = arith.constant 0 : index
    tpu.barrier barrier_id(%barrier3A)
    %mul3A = arith.constant 16 : i32
    %mul3A_81 = arith.muli %arg0, %mul3A : i32
    %add3A_82 = arith.addi %mul3A_81, %arg1 : i32
    %mul3A_83 = arith.constant 10240 : i32
    %mul3A_84 = arith.muli %add3A_82, %mul3A_83 : i32
    %run_scoped3A = arith.constant 0 : i32
    "tpu.region"() ({
      %run_scoped3A_248 = tpu.sem_alloc : memref<!tpu.dma_semaphore, #tpu.memory_space<semaphore_mem>>
      %dma_start3A_249 = arith.constant 0 : i32
      %dma_start3A_250 = tpu.memref_slice %arg12[%run_scoped3A, %dma_start3A_249] : memref<4x64xi32, #tpu.memory_space<vmem>> -> memref<1x64xi32, #tpu.memory_space<vmem>>
      %dma_start3A_251 = tpu.memref_squeeze %dma_start3A_250 : memref<1x64xi32, #tpu.memory_space<vmem>> -> memref<64xi32, #tpu.memory_space<vmem>>
      %dma_start3A_252 = tpu.memref_slice %arg5[%mul3A_84] : memref<327680xi32, #tpu.memory_space<hbm>> -> memref<64xi32, #tpu.memory_space<hbm>>
      %dma_start3A_253 = arith.constant 0 : i32
      %dma_start3A_254 = tpu.memref_slice %arg12[%run_scoped3A, %dma_start3A_253] : memref<4x64xi32, #tpu.memory_space<vmem>> -> memref<1x64xi32, #tpu.memory_space<vmem>>
      %dma_start3A_255 = tpu.memref_squeeze %dma_start3A_254 : memref<1x64xi32, #tpu.memory_space<vmem>> -> memref<64xi32, #tpu.memory_space<vmem>>
      %dma_start3A_256 = tpu.memref_slice %arg5[%mul3A_84] : memref<327680xi32, #tpu.memory_space<hbm>> -> memref<64xi32, #tpu.memory_space<hbm>>
      tpu.enqueue_dma source(%dma_start3A_256 : memref<64xi32, #tpu.memory_space<hbm>>) target(%dma_start3A_255 : memref<64xi32, #tpu.memory_space<vmem>>) target_semaphore(%run_scoped3A_248 : memref<!tpu.dma_semaphore, #tpu.memory_space<semaphore_mem>>)
      %dma_wait3A_257 = arith.constant 0 : i32
      %dma_wait3A_258 = tpu.memref_slice %arg12[%run_scoped3A, %dma_wait3A_257] : memref<4x64xi32, #tpu.memory_space<vmem>> -> memref<1x64xi32, #tpu.memory_space<vmem>>
      %dma_wait3A_259 = tpu.memref_squeeze %dma_wait3A_258 : memref<1x64xi32, #tpu.memory_space<vmem>> -> memref<64xi32, #tpu.memory_space<vmem>>
      %dma_wait3A_260 = tpu.memref_slice %arg5[%mul3A_84] : memref<327680xi32, #tpu.memory_space<hbm>> -> memref<64xi32, #tpu.memory_space<hbm>>
      %dma_wait3A_261 = arith.constant 0 : i32
      %dma_wait3A_262 = tpu.memref_slice %arg12[%run_scoped3A, %dma_wait3A_261] : memref<4x64xi32, #tpu.memory_space<vmem>> -> memref<1x64xi32, #tpu.memory_space<vmem>>
      %dma_wait3A_263 = tpu.memref_squeeze %dma_wait3A_262 : memref<1x64xi32, #tpu.memory_space<vmem>> -> memref<64xi32, #tpu.memory_space<vmem>>
      %dma_wait3A_264 = tpu.memref_slice %arg5[%mul3A_84] : memref<327680xi32, #tpu.memory_space<hbm>> -> memref<64xi32, #tpu.memory_space<hbm>>
      tpu.wait_dma2 semaphore(%run_scoped3A_248 : memref<!tpu.dma_semaphore, #tpu.memory_space<semaphore_mem>>) src(%dma_wait3A_264 : memref<64xi32, #tpu.memory_space<hbm>>) dst(%dma_wait3A_263 : memref<64xi32, #tpu.memory_space<vmem>>)
      tpu.yield
    }) : () -> ()
    %run_scoped3A_85 = arith.constant 0 : i32
    "tpu.region"() ({
      %run_scoped3A_248 = tpu.sem_alloc : memref<!tpu.dma_semaphore, #tpu.memory_space<semaphore_mem>>
      %dma_start3A_249 = arith.constant 0 : i32
      %dma_start3A_250 = tpu.memref_slice %arg13[%run_scoped3A_85, %dma_start3A_249] : memref<4x64xi32, #tpu.memory_space<vmem>> -> memref<1x64xi32, #tpu.memory_space<vmem>>
      %dma_start3A_251 = tpu.memref_squeeze %dma_start3A_250 : memref<1x64xi32, #tpu.memory_space<vmem>> -> memref<64xi32, #tpu.memory_space<vmem>>
      %dma_start3A_252 = tpu.memref_slice %arg6[%mul3A_84] : memref<327680xi32, #tpu.memory_space<hbm>> -> memref<64xi32, #tpu.memory_space<hbm>>
      %dma_start3A_253 = arith.constant 0 : i32
      %dma_start3A_254 = tpu.memref_slice %arg13[%run_scoped3A_85, %dma_start3A_253] : memref<4x64xi32, #tpu.memory_space<vmem>> -> memref<1x64xi32, #tpu.memory_space<vmem>>
      %dma_start3A_255 = tpu.memref_squeeze %dma_start3A_254 : memref<1x64xi32, #tpu.memory_space<vmem>> -> memref<64xi32, #tpu.memory_space<vmem>>
      %dma_start3A_256 = tpu.memref_slice %arg6[%mul3A_84] : memref<327680xi32, #tpu.memory_space<hbm>> -> memref<64xi32, #tpu.memory_space<hbm>>
      tpu.enqueue_dma source(%dma_start3A_256 : memref<64xi32, #tpu.memory_space<hbm>>) target(%dma_start3A_255 : memref<64xi32, #tpu.memory_space<vmem>>) target_semaphore(%run_scoped3A_248 : memref<!tpu.dma_semaphore, #tpu.memory_space<semaphore_mem>>)
      %dma_wait3A_257 = arith.constant 0 : i32
      %dma_wait3A_258 = tpu.memref_slice %arg13[%run_scoped3A_85, %dma_wait3A_257] : memref<4x64xi32, #tpu.memory_space<vmem>> -> memref<1x64xi32, #tpu.memory_space<vmem>>
      %dma_wait3A_259 = tpu.memref_squeeze %dma_wait3A_258 : memref<1x64xi32, #tpu.memory_space<vmem>> -> memref<64xi32, #tpu.memory_space<vmem>>
      %dma_wait3A_260 = tpu.memref_slice %arg6[%mul3A_84] : memref<327680xi32, #tpu.memory_space<hbm>> -> memref<64xi32, #tpu.memory_space<hbm>>
      %dma_wait3A_261 = arith.constant 0 : i32
      %dma_wait3A_262 = tpu.memref_slice %arg13[%run_scoped3A_85, %dma_wait3A_261] : memref<4x64xi32, #tpu.memory_space<vmem>> -> memref<1x64xi32, #tpu.memory_space<vmem>>
      %dma_wait3A_263 = tpu.memref_squeeze %dma_wait3A_262 : memref<1x64xi32, #tpu.memory_space<vmem>> -> memref<64xi32, #tpu.memory_space<vmem>>
      %dma_wait3A_264 = tpu.memref_slice %arg6[%mul3A_84] : memref<327680xi32, #tpu.memory_space<hbm>> -> memref<64xi32, #tpu.memory_space<hbm>>
      tpu.wait_dma2 semaphore(%run_scoped3A_248 : memref<!tpu.dma_semaphore, #tpu.memory_space<semaphore_mem>>) src(%dma_wait3A_264 : memref<64xi32, #tpu.memory_space<hbm>>) dst(%dma_wait3A_263 : memref<64xi32, #tpu.memory_space<vmem>>)
      tpu.yield
    }) : () -> ()
    %dma_start3A = arith.constant 0 : i32
    %dma_start3A_86 = arith.constant 0 : i32
    %dma_start3A_87 = arith.constant 0 : i32
    %dma_start3A_88 = arith.constant 0 : i32
    %dma_start3A_89 = tpu.memref_slice %arg17[%dma_start3A_86, %dma_start3A_87, %dma_start3A_88] : memref<4x64x64xi32, #tpu.memory_space<vmem>> -> memref<1x64x64xi32, #tpu.memory_space<vmem>>
    %dma_start3A_90 = tpu.memref_squeeze %dma_start3A_89 : memref<1x64x64xi32, #tpu.memory_space<vmem>> -> memref<64x64xi32, #tpu.memory_space<vmem>>
    %dma_start3A_91 = arith.constant 0 : i32
    %dma_start3A_92 = tpu.memref_slice %arg12[%dma_start3A, %dma_start3A_91] : memref<4x64xi32, #tpu.memory_space<vmem>> -> memref<1x64xi32, #tpu.memory_space<vmem>>
    %dma_start3A_93 = tpu.memref_squeeze %dma_start3A_92 : memref<1x64xi32, #tpu.memory_space<vmem>> -> memref<64xi32, #tpu.memory_space<vmem>>
    %dma_start3A_94 = arith.constant 0 : i32
    %dma_start3A_95 = arith.constant 0 : i32
    %dma_start3A_96 = tpu.memref_slice %arg2[%dma_start3A_94, %dma_start3A_95] : memref<10000x64xi32, #tpu.memory_space<hbm>> -> memref<10000x64xi32, #tpu.memory_space<hbm>>
    tpu.enqueue_indirect_dma source(%dma_start3A_96 : memref<10000x64xi32, #tpu.memory_space<hbm>>) target(%dma_start3A_90 : memref<64x64xi32, #tpu.memory_space<vmem>>) offsets(%dma_start3A_93 : memref<64xi32, #tpu.memory_space<vmem>>) semaphore(%arg25 : memref<!tpu.dma_semaphore, #tpu.memory_space<semaphore_mem>>)
    %dma_start3A_97 = arith.constant 0 : i32
    %dma_start3A_98 = arith.constant 0 : i32
    %dma_start3A_99 = arith.constant 0 : i32
    %dma_start3A_100 = tpu.memref_slice %arg14[%dma_start3A_98, %dma_start3A_99] : memref<4x64xf32, #tpu.memory_space<vmem>> -> memref<1x64xf32, #tpu.memory_space<vmem>>
    %dma_start3A_101 = tpu.memref_squeeze %dma_start3A_100 : memref<1x64xf32, #tpu.memory_space<vmem>> -> memref<64xf32, #tpu.memory_space<vmem>>
    %dma_start3A_102 = arith.constant 0 : i32
    %dma_start3A_103 = tpu.memref_slice %arg12[%dma_start3A_97, %dma_start3A_102] : memref<4x64xi32, #tpu.memory_space<vmem>> -> memref<1x64xi32, #tpu.memory_space<vmem>>
    %dma_start3A_104 = tpu.memref_squeeze %dma_start3A_103 : memref<1x64xi32, #tpu.memory_space<vmem>> -> memref<64xi32, #tpu.memory_space<vmem>>
    %dma_start3A_105 = arith.constant 0 : i32
    %dma_start3A_106 = tpu.memref_slice %arg3[%dma_start3A_105] : memref<10000xf32, #tpu.memory_space<hbm>> -> memref<10000xf32, #tpu.memory_space<hbm>>
    tpu.enqueue_indirect_dma source(%dma_start3A_106 : memref<10000xf32, #tpu.memory_space<hbm>>) target(%dma_start3A_101 : memref<64xf32, #tpu.memory_space<vmem>>) offsets(%dma_start3A_104 : memref<64xi32, #tpu.memory_space<vmem>>) semaphore(%arg25 : memref<!tpu.dma_semaphore, #tpu.memory_space<semaphore_mem>>)
    %dma_start3A_107 = arith.constant 0 : i32
    %dma_start3A_108 = arith.constant 0 : i32
    %dma_start3A_109 = arith.constant 0 : i32
    %dma_start3A_110 = tpu.memref_slice %arg15[%dma_start3A_108, %dma_start3A_109] : memref<4x64xf32, #tpu.memory_space<vmem>> -> memref<1x64xf32, #tpu.memory_space<vmem>>
    %dma_start3A_111 = tpu.memref_squeeze %dma_start3A_110 : memref<1x64xf32, #tpu.memory_space<vmem>> -> memref<64xf32, #tpu.memory_space<vmem>>
    %dma_start3A_112 = arith.constant 0 : i32
    %dma_start3A_113 = tpu.memref_slice %arg13[%dma_start3A_107, %dma_start3A_112] : memref<4x64xi32, #tpu.memory_space<vmem>> -> memref<1x64xi32, #tpu.memory_space<vmem>>
    %dma_start3A_114 = tpu.memref_squeeze %dma_start3A_113 : memref<1x64xi32, #tpu.memory_space<vmem>> -> memref<64xi32, #tpu.memory_space<vmem>>
    %dma_start3A_115 = arith.constant 0 : i32
    %dma_start3A_116 = tpu.memref_slice %arg4[%dma_start3A_115] : memref<10000xf32, #tpu.memory_space<hbm>> -> memref<10000xf32, #tpu.memory_space<hbm>>
    tpu.enqueue_indirect_dma source(%dma_start3A_116 : memref<10000xf32, #tpu.memory_space<hbm>>) target(%dma_start3A_111 : memref<64xf32, #tpu.memory_space<vmem>>) offsets(%dma_start3A_114 : memref<64xi32, #tpu.memory_space<vmem>>) semaphore(%arg25 : memref<!tpu.dma_semaphore, #tpu.memory_space<semaphore_mem>>)
    %add3A_117 = arith.constant 64 : i32
    %add3A_118 = arith.addi %mul3A_84, %add3A_117 : i32
    %dma_start3A_119 = arith.constant 1 : i32
    %dma_start3A_120 = arith.constant 0 : i32
    %dma_start3A_121 = tpu.memref_slice %arg12[%dma_start3A_119, %dma_start3A_120] : memref<4x64xi32, #tpu.memory_space<vmem>> -> memref<1x64xi32, #tpu.memory_space<vmem>>
    %dma_start3A_122 = tpu.memref_squeeze %dma_start3A_121 : memref<1x64xi32, #tpu.memory_space<vmem>> -> memref<64xi32, #tpu.memory_space<vmem>>
    %dma_start3A_123 = tpu.memref_slice %arg5[%add3A_118] : memref<327680xi32, #tpu.memory_space<hbm>> -> memref<64xi32, #tpu.memory_space<hbm>>
    %dma_start3A_124 = arith.constant 0 : i32
    %dma_start3A_125 = tpu.memref_slice %arg12[%dma_start3A_119, %dma_start3A_124] : memref<4x64xi32, #tpu.memory_space<vmem>> -> memref<1x64xi32, #tpu.memory_space<vmem>>
    %dma_start3A_126 = tpu.memref_squeeze %dma_start3A_125 : memref<1x64xi32, #tpu.memory_space<vmem>> -> memref<64xi32, #tpu.memory_space<vmem>>
    %dma_start3A_127 = tpu.memref_slice %arg5[%add3A_118] : memref<327680xi32, #tpu.memory_space<hbm>> -> memref<64xi32, #tpu.memory_space<hbm>>
    tpu.enqueue_dma source(%dma_start3A_127 : memref<64xi32, #tpu.memory_space<hbm>>) target(%dma_start3A_126 : memref<64xi32, #tpu.memory_space<vmem>>) target_semaphore(%arg22 : memref<!tpu.dma_semaphore, #tpu.memory_space<semaphore_mem>>)
    %add3A_128 = arith.constant 64 : i32
    %add3A_129 = arith.addi %mul3A_84, %add3A_128 : i32
    %dma_start3A_130 = arith.constant 1 : i32
    %dma_start3A_131 = arith.constant 0 : i32
    %dma_start3A_132 = tpu.memref_slice %arg13[%dma_start3A_130, %dma_start3A_131] : memref<4x64xi32, #tpu.memory_space<vmem>> -> memref<1x64xi32, #tpu.memory_space<vmem>>
    %dma_start3A_133 = tpu.memref_squeeze %dma_start3A_132 : memref<1x64xi32, #tpu.memory_space<vmem>> -> memref<64xi32, #tpu.memory_space<vmem>>
    %dma_start3A_134 = tpu.memref_slice %arg6[%add3A_129] : memref<327680xi32, #tpu.memory_space<hbm>> -> memref<64xi32, #tpu.memory_space<hbm>>
    %dma_start3A_135 = arith.constant 0 : i32
    %dma_start3A_136 = tpu.memref_slice %arg13[%dma_start3A_130, %dma_start3A_135] : memref<4x64xi32, #tpu.memory_space<vmem>> -> memref<1x64xi32, #tpu.memory_space<vmem>>
    %dma_start3A_137 = tpu.memref_squeeze %dma_start3A_136 : memref<1x64xi32, #tpu.memory_space<vmem>> -> memref<64xi32, #tpu.memory_space<vmem>>
    %dma_start3A_138 = tpu.memref_slice %arg6[%add3A_129] : memref<327680xi32, #tpu.memory_space<hbm>> -> memref<64xi32, #tpu.memory_space<hbm>>
    tpu.enqueue_dma source(%dma_start3A_138 : memref<64xi32, #tpu.memory_space<hbm>>) target(%dma_start3A_137 : memref<64xi32, #tpu.memory_space<vmem>>) target_semaphore(%arg22 : memref<!tpu.dma_semaphore, #tpu.memory_space<semaphore_mem>>)
    %scan3A_139 = arith.constant 0 : i32
    %scan3A_140 = arith.constant 40 : i32
    %scan3A_141 = arith.addi %scan3A_139, %scan3A_140 : i32
    %scan3A_142 = arith.constant 1 : i32
    scf.for %scan3A_248 = %scan3A_139 to %scan3A_141 step %scan3A_142  : i32 {
      %mul3A_249 = arith.constant 1 : i32
      %mul3A_250 = arith.muli %scan3A_248, %mul3A_249 : i32
      %add3A_251 = arith.constant 0 : i32
      %add3A_252 = arith.addi %add3A_251, %mul3A_250 : i32
      %mul3A_253 = arith.constant 4 : i32
      %mul3A_254 = arith.muli %add3A_252, %mul3A_253 : i32
      %add3A_255 = arith.constant 0 : i32
      %add3A_256 = arith.addi %mul3A_254, %add3A_255 : i32
      %add3A_257 = arith.constant 1 : i32
      %add3A_258 = arith.addi %add3A_256, %add3A_257 : i32
      %mul3A_259 = arith.constant 64 : i32
      %mul3A_260 = arith.muli %add3A_258, %mul3A_259 : i32
      %add3A_261 = arith.addi %mul3A_84, %mul3A_260 : i32
      %dma_wait3A_262 = arith.constant 1 : i32
      %dma_wait3A_263 = arith.constant 0 : i32
      %dma_wait3A_264 = tpu.memref_slice %arg12[%dma_wait3A_262, %dma_wait3A_263] : memref<4x64xi32, #tpu.memory_space<vmem>> -> memref<1x64xi32, #tpu.memory_space<vmem>>
      %dma_wait3A_265 = tpu.memref_squeeze %dma_wait3A_264 : memref<1x64xi32, #tpu.memory_space<vmem>> -> memref<64xi32, #tpu.memory_space<vmem>>
      %dma_wait3A_266 = tpu.memref_slice %arg5[%add3A_261] : memref<327680xi32, #tpu.memory_space<hbm>> -> memref<64xi32, #tpu.memory_space<hbm>>
      %dma_wait3A_267 = arith.constant 0 : i32
      %dma_wait3A_268 = tpu.memref_slice %arg12[%dma_wait3A_262, %dma_wait3A_267] : memref<4x64xi32, #tpu.memory_space<vmem>> -> memref<1x64xi32, #tpu.memory_space<vmem>>
      %dma_wait3A_269 = tpu.memref_squeeze %dma_wait3A_268 : memref<1x64xi32, #tpu.memory_space<vmem>> -> memref<64xi32, #tpu.memory_space<vmem>>
      %dma_wait3A_270 = tpu.memref_slice %arg5[%add3A_261] : memref<327680xi32, #tpu.memory_space<hbm>> -> memref<64xi32, #tpu.memory_space<hbm>>
      tpu.wait_dma2 semaphore(%arg22 : memref<!tpu.dma_semaphore, #tpu.memory_space<semaphore_mem>>) src(%dma_wait3A_270 : memref<64xi32, #tpu.memory_space<hbm>>) dst(%dma_wait3A_269 : memref<64xi32, #tpu.memory_space<vmem>>)
      %mul3A_271 = arith.constant 64 : i32
      %mul3A_272 = arith.muli %add3A_258, %mul3A_271 : i32
      %add3A_273 = arith.addi %mul3A_84, %mul3A_272 : i32
      %dma_wait3A_274 = arith.constant 1 : i32
      %dma_wait3A_275 = arith.constant 0 : i32
      %dma_wait3A_276 = tpu.memref_slice %arg13[%dma_wait3A_274, %dma_wait3A_275] : memref<4x64xi32, #tpu.memory_space<vmem>> -> memref<1x64xi32, #tpu.memory_space<vmem>>
      %dma_wait3A_277 = tpu.memref_squeeze %dma_wait3A_276 : memref<1x64xi32, #tpu.memory_space<vmem>> -> memref<64xi32, #tpu.memory_space<vmem>>
      %dma_wait3A_278 = tpu.memref_slice %arg6[%add3A_273] : memref<327680xi32, #tpu.memory_space<hbm>> -> memref<64xi32, #tpu.memory_space<hbm>>
      %dma_wait3A_279 = arith.constant 0 : i32
      %dma_wait3A_280 = tpu.memref_slice %arg13[%dma_wait3A_274, %dma_wait3A_279] : memref<4x64xi32, #tpu.memory_space<vmem>> -> memref<1x64xi32, #tpu.memory_space<vmem>>
      %dma_wait3A_281 = tpu.memref_squeeze %dma_wait3A_280 : memref<1x64xi32, #tpu.memory_space<vmem>> -> memref<64xi32, #tpu.memory_space<vmem>>
      %dma_wait3A_282 = tpu.memref_slice %arg6[%add3A_273] : memref<327680xi32, #tpu.memory_space<hbm>> -> memref<64xi32, #tpu.memory_space<hbm>>
      tpu.wait_dma2 semaphore(%arg22 : memref<!tpu.dma_semaphore, #tpu.memory_space<semaphore_mem>>) src(%dma_wait3A_282 : memref<64xi32, #tpu.memory_space<hbm>>) dst(%dma_wait3A_281 : memref<64xi32, #tpu.memory_space<vmem>>)
      %gt3A = arith.constant 0 : i32
      %gt3A_283 = arith.cmpi sgt, %add3A_252, %gt3A : i32
      %convert_element_type3A_284 = arith.extui %gt3A_283 : i1 to i32
      %cond3A_285 = arith.constant 0 : i32
      %cond3A_286 = arith.cmpi ne, %convert_element_type3A_284, %cond3A_285 : i32
      scf.if %cond3A_286 {
        %dma_wait3A_1274 = arith.constant 2 : i32
        %dma_wait3A_1275 = arith.constant 2 : i32
        %dma_wait3A_1276 = arith.constant 0 : i32
        %dma_wait3A_1277 = arith.constant 0 : i32
        %dma_wait3A_1278 = tpu.memref_slice %arg18[%dma_wait3A_1274, %dma_wait3A_1276, %dma_wait3A_1277] : memref<4x64x128xf32, #tpu.memory_space<vmem>> -> memref<1x64x128xf32, #tpu.memory_space<vmem>>
        %dma_wait3A_1279 = tpu.memref_squeeze %dma_wait3A_1278 : memref<1x64x128xf32, #tpu.memory_space<vmem>> -> memref<64x128xf32, #tpu.memory_space<vmem>>
        %dma_wait3A_1280 = arith.constant 0 : i32
        %dma_wait3A_1281 = tpu.memref_slice %arg13[%dma_wait3A_1275, %dma_wait3A_1280] : memref<4x64xi32, #tpu.memory_space<vmem>> -> memref<1x64xi32, #tpu.memory_space<vmem>>
        %dma_wait3A_1282 = tpu.memref_squeeze %dma_wait3A_1281 : memref<1x64xi32, #tpu.memory_space<vmem>> -> memref<64xi32, #tpu.memory_space<vmem>>
        %dma_wait3A_1283 = arith.constant 0 : i32
        %dma_wait3A_1284 = arith.constant 0 : i32
        %dma_wait3A_1285 = tpu.memref_slice %arg19[%dma_wait3A_1283, %dma_wait3A_1284] : memref<10000x128xf32, #tpu.memory_space<vmem_shared>> -> memref<10000x128xf32, #tpu.memory_space<vmem_shared>>
        tpu.wait_indirect_dma semaphore(%arg31 : memref<!tpu.dma_semaphore, #tpu.memory_space<semaphore_mem>>) src(%dma_wait3A_1279 : memref<64x128xf32, #tpu.memory_space<vmem>>) dst(%dma_wait3A_1285 : memref<10000x128xf32, #tpu.memory_space<vmem_shared>>)
      } else {
      }
      %dma_start3A_287 = arith.constant 1 : i32
      %dma_start3A_288 = arith.constant 1 : i32
      %dma_start3A_289 = arith.constant 0 : i32
      %dma_start3A_290 = arith.constant 0 : i32
      %dma_start3A_291 = tpu.memref_slice %arg17[%dma_start3A_288, %dma_start3A_289, %dma_start3A_290] : memref<4x64x64xi32, #tpu.memory_space<vmem>> -> memref<1x64x64xi32, #tpu.memory_space<vmem>>
      %dma_start3A_292 = tpu.memref_squeeze %dma_start3A_291 : memref<1x64x64xi32, #tpu.memory_space<vmem>> -> memref<64x64xi32, #tpu.memory_space<vmem>>
      %dma_start3A_293 = arith.constant 0 : i32
      %dma_start3A_294 = tpu.memref_slice %arg12[%dma_start3A_287, %dma_start3A_293] : memref<4x64xi32, #tpu.memory_space<vmem>> -> memref<1x64xi32, #tpu.memory_space<vmem>>
      %dma_start3A_295 = tpu.memref_squeeze %dma_start3A_294 : memref<1x64xi32, #tpu.memory_space<vmem>> -> memref<64xi32, #tpu.memory_space<vmem>>
      %dma_start3A_296 = arith.constant 0 : i32
      %dma_start3A_297 = arith.constant 0 : i32
      %dma_start3A_298 = tpu.memref_slice %arg2[%dma_start3A_296, %dma_start3A_297] : memref<10000x64xi32, #tpu.memory_space<hbm>> -> memref<10000x64xi32, #tpu.memory_space<hbm>>
      tpu.enqueue_indirect_dma source(%dma_start3A_298 : memref<10000x64xi32, #tpu.memory_space<hbm>>) target(%dma_start3A_292 : memref<64x64xi32, #tpu.memory_space<vmem>>) offsets(%dma_start3A_295 : memref<64xi32, #tpu.memory_space<vmem>>) semaphore(%arg26 : memref<!tpu.dma_semaphore, #tpu.memory_space<semaphore_mem>>)
      %dma_start3A_299 = arith.constant 1 : i32
      %dma_start3A_300 = arith.constant 1 : i32
      %dma_start3A_301 = arith.constant 0 : i32
      %dma_start3A_302 = tpu.memref_slice %arg14[%dma_start3A_300, %dma_start3A_301] : memref<4x64xf32, #tpu.memory_space<vmem>> -> memref<1x64xf32, #tpu.memory_space<vmem>>
      %dma_start3A_303 = tpu.memref_squeeze %dma_start3A_302 : memref<1x64xf32, #tpu.memory_space<vmem>> -> memref<64xf32, #tpu.memory_space<vmem>>
      %dma_start3A_304 = arith.constant 0 : i32
      %dma_start3A_305 = tpu.memref_slice %arg12[%dma_start3A_299, %dma_start3A_304] : memref<4x64xi32, #tpu.memory_space<vmem>> -> memref<1x64xi32, #tpu.memory_space<vmem>>
      %dma_start3A_306 = tpu.memref_squeeze %dma_start3A_305 : memref<1x64xi32, #tpu.memory_space<vmem>> -> memref<64xi32, #tpu.memory_space<vmem>>
      %dma_start3A_307 = arith.constant 0 : i32
      %dma_start3A_308 = tpu.memref_slice %arg3[%dma_start3A_307] : memref<10000xf32, #tpu.memory_space<hbm>> -> memref<10000xf32, #tpu.memory_space<hbm>>
      tpu.enqueue_indirect_dma source(%dma_start3A_308 : memref<10000xf32, #tpu.memory_space<hbm>>) target(%dma_start3A_303 : memref<64xf32, #tpu.memory_space<vmem>>) offsets(%dma_start3A_306 : memref<64xi32, #tpu.memory_space<vmem>>) semaphore(%arg26 : memref<!tpu.dma_semaphore, #tpu.memory_space<semaphore_mem>>)
      %dma_start3A_309 = arith.constant 1 : i32
      %dma_start3A_310 = arith.constant 1 : i32
      %dma_start3A_311 = arith.constant 0 : i32
      %dma_start3A_312 = tpu.memref_slice %arg15[%dma_start3A_310, %dma_start3A_311] : memref<4x64xf32, #tpu.memory_space<vmem>> -> memref<1x64xf32, #tpu.memory_space<vmem>>
      %dma_start3A_313 = tpu.memref_squeeze %dma_start3A_312 : memref<1x64xf32, #tpu.memory_space<vmem>> -> memref<64xf32, #tpu.memory_space<vmem>>
      %dma_start3A_314 = arith.constant 0 : i32
      %dma_start3A_315 = tpu.memref_slice %arg13[%dma_start3A_309, %dma_start3A_314] : memref<4x64xi32, #tpu.memory_space<vmem>> -> memref<1x64xi32, #tpu.memory_space<vmem>>
      %dma_start3A_316 = tpu.memref_squeeze %dma_start3A_315 : memref<1x64xi32, #tpu.memory_space<vmem>> -> memref<64xi32, #tpu.memory_space<vmem>>
      %dma_start3A_317 = arith.constant 0 : i32
      %dma_start3A_318 = tpu.memref_slice %arg4[%dma_start3A_317] : memref<10000xf32, #tpu.memory_space<hbm>> -> memref<10000xf32, #tpu.memory_space<hbm>>
      tpu.enqueue_indirect_dma source(%dma_start3A_318 : memref<10000xf32, #tpu.memory_space<hbm>>) target(%dma_start3A_313 : memref<64xf32, #tpu.memory_space<vmem>>) offsets(%dma_start3A_316 : memref<64xi32, #tpu.memory_space<vmem>>) semaphore(%arg26 : memref<!tpu.dma_semaphore, #tpu.memory_space<semaphore_mem>>)
      %dma_wait3A_319 = arith.constant 0 : i32
      %dma_wait3A_320 = arith.constant 0 : i32
      %dma_wait3A_321 = arith.constant 0 : i32
      %dma_wait3A_322 = arith.constant 0 : i32
      %dma_wait3A_323 = tpu.memref_slice %arg17[%dma_wait3A_320, %dma_wait3A_321, %dma_wait3A_322] : memref<4x64x64xi32, #tpu.memory_space<vmem>> -> memref<1x64x64xi32, #tpu.memory_space<vmem>>
      %dma_wait3A_324 = tpu.memref_squeeze %dma_wait3A_323 : memref<1x64x64xi32, #tpu.memory_space<vmem>> -> memref<64x64xi32, #tpu.memory_space<vmem>>
      %dma_wait3A_325 = arith.constant 0 : i32
      %dma_wait3A_326 = tpu.memref_slice %arg12[%dma_wait3A_319, %dma_wait3A_325] : memref<4x64xi32, #tpu.memory_space<vmem>> -> memref<1x64xi32, #tpu.memory_space<vmem>>
      %dma_wait3A_327 = tpu.memref_squeeze %dma_wait3A_326 : memref<1x64xi32, #tpu.memory_space<vmem>> -> memref<64xi32, #tpu.memory_space<vmem>>
      %dma_wait3A_328 = arith.constant 0 : i32
      %dma_wait3A_329 = arith.constant 0 : i32
      %dma_wait3A_330 = tpu.memref_slice %arg2[%dma_wait3A_328, %dma_wait3A_329] : memref<10000x64xi32, #tpu.memory_space<hbm>> -> memref<10000x64xi32, #tpu.memory_space<hbm>>
      tpu.wait_indirect_dma semaphore(%arg25 : memref<!tpu.dma_semaphore, #tpu.memory_space<semaphore_mem>>) src(%dma_wait3A_330 : memref<10000x64xi32, #tpu.memory_space<hbm>>) dst(%dma_wait3A_324 : memref<64x64xi32, #tpu.memory_space<vmem>>)
      %dma_wait3A_331 = arith.constant 0 : i32
      %dma_wait3A_332 = arith.constant 0 : i32
      %dma_wait3A_333 = arith.constant 0 : i32
      %dma_wait3A_334 = tpu.memref_slice %arg14[%dma_wait3A_332, %dma_wait3A_333] : memref<4x64xf32, #tpu.memory_space<vmem>> -> memref<1x64xf32, #tpu.memory_space<vmem>>
      %dma_wait3A_335 = tpu.memref_squeeze %dma_wait3A_334 : memref<1x64xf32, #tpu.memory_space<vmem>> -> memref<64xf32, #tpu.memory_space<vmem>>
      %dma_wait3A_336 = arith.constant 0 : i32
      %dma_wait3A_337 = tpu.memref_slice %arg12[%dma_wait3A_331, %dma_wait3A_336] : memref<4x64xi32, #tpu.memory_space<vmem>> -> memref<1x64xi32, #tpu.memory_space<vmem>>
      %dma_wait3A_338 = tpu.memref_squeeze %dma_wait3A_337 : memref<1x64xi32, #tpu.memory_space<vmem>> -> memref<64xi32, #tpu.memory_space<vmem>>
      %dma_wait3A_339 = arith.constant 0 : i32
      %dma_wait3A_340 = tpu.memref_slice %arg3[%dma_wait3A_339] : memref<10000xf32, #tpu.memory_space<hbm>> -> memref<10000xf32, #tpu.memory_space<hbm>>
      tpu.wait_indirect_dma semaphore(%arg25 : memref<!tpu.dma_semaphore, #tpu.memory_space<semaphore_mem>>) src(%dma_wait3A_340 : memref<10000xf32, #tpu.memory_space<hbm>>) dst(%dma_wait3A_335 : memref<64xf32, #tpu.memory_space<vmem>>)
      %dma_wait3A_341 = arith.constant 0 : i32
      %dma_wait3A_342 = arith.constant 0 : i32
      %dma_wait3A_343 = arith.constant 0 : i32
      %dma_wait3A_344 = tpu.memref_slice %arg15[%dma_wait3A_342, %dma_wait3A_343] : memref<4x64xf32, #tpu.memory_space<vmem>> -> memref<1x64xf32, #tpu.memory_space<vmem>>
      %dma_wait3A_345 = tpu.memref_squeeze %dma_wait3A_344 : memref<1x64xf32, #tpu.memory_space<vmem>> -> memref<64xf32, #tpu.memory_space<vmem>>
      %dma_wait3A_346 = arith.constant 0 : i32
      %dma_wait3A_347 = tpu.memref_slice %arg13[%dma_wait3A_341, %dma_wait3A_346] : memref<4x64xi32, #tpu.memory_space<vmem>> -> memref<1x64xi32, #tpu.memory_space<vmem>>
      %dma_wait3A_348 = tpu.memref_squeeze %dma_wait3A_347 : memref<1x64xi32, #tpu.memory_space<vmem>> -> memref<64xi32, #tpu.memory_space<vmem>>
      %dma_wait3A_349 = arith.constant 0 : i32
      %dma_wait3A_350 = tpu.memref_slice %arg4[%dma_wait3A_349] : memref<10000xf32, #tpu.memory_space<hbm>> -> memref<10000xf32, #tpu.memory_space<hbm>>
      tpu.wait_indirect_dma semaphore(%arg25 : memref<!tpu.dma_semaphore, #tpu.memory_space<semaphore_mem>>) src(%dma_wait3A_350 : memref<10000xf32, #tpu.memory_space<hbm>>) dst(%dma_wait3A_345 : memref<64xf32, #tpu.memory_space<vmem>>)
      %add3A_351 = arith.constant 2 : i32
      %add3A_352 = arith.addi %add3A_256, %add3A_351 : i32
      %mul3A_353 = arith.constant 64 : i32
      %mul3A_354 = arith.muli %add3A_352, %mul3A_353 : i32
      %add3A_355 = arith.addi %mul3A_84, %mul3A_354 : i32
      %dma_start3A_356 = arith.constant 2 : i32
      %dma_start3A_357 = arith.constant 0 : i32
      %dma_start3A_358 = tpu.memref_slice %arg12[%dma_start3A_356, %dma_start3A_357] : memref<4x64xi32, #tpu.memory_space<vmem>> -> memref<1x64xi32, #tpu.memory_space<vmem>>
      %dma_start3A_359 = tpu.memref_squeeze %dma_start3A_358 : memref<1x64xi32, #tpu.memory_space<vmem>> -> memref<64xi32, #tpu.memory_space<vmem>>
      %dma_start3A_360 = tpu.memref_slice %arg5[%add3A_355] : memref<327680xi32, #tpu.memory_space<hbm>> -> memref<64xi32, #tpu.memory_space<hbm>>
      %dma_start3A_361 = arith.constant 0 : i32
      %dma_start3A_362 = tpu.memref_slice %arg12[%dma_start3A_356, %dma_start3A_361] : memref<4x64xi32, #tpu.memory_space<vmem>> -> memref<1x64xi32, #tpu.memory_space<vmem>>
      %dma_start3A_363 = tpu.memref_squeeze %dma_start3A_362 : memref<1x64xi32, #tpu.memory_space<vmem>> -> memref<64xi32, #tpu.memory_space<vmem>>
      %dma_start3A_364 = tpu.memref_slice %arg5[%add3A_355] : memref<327680xi32, #tpu.memory_space<hbm>> -> memref<64xi32, #tpu.memory_space<hbm>>
      tpu.enqueue_dma source(%dma_start3A_364 : memref<64xi32, #tpu.memory_space<hbm>>) target(%dma_start3A_363 : memref<64xi32, #tpu.memory_space<vmem>>) target_semaphore(%arg23 : memref<!tpu.dma_semaphore, #tpu.memory_space<semaphore_mem>>)
      %mul3A_365 = arith.constant 64 : i32
      %mul3A_366 = arith.muli %add3A_352, %mul3A_365 : i32
      %add3A_367 = arith.addi %mul3A_84, %mul3A_366 : i32
      %dma_start3A_368 = arith.constant 2 : i32
      %dma_start3A_369 = arith.constant 0 : i32
      %dma_start3A_370 = tpu.memref_slice %arg13[%dma_start3A_368, %dma_start3A_369] : memref<4x64xi32, #tpu.memory_space<vmem>> -> memref<1x64xi32, #tpu.memory_space<vmem>>
      %dma_start3A_371 = tpu.memref_squeeze %dma_start3A_370 : memref<1x64xi32, #tpu.memory_space<vmem>> -> memref<64xi32, #tpu.memory_space<vmem>>
      %dma_start3A_372 = tpu.memref_slice %arg6[%add3A_367] : memref<327680xi32, #tpu.memory_space<hbm>> -> memref<64xi32, #tpu.memory_space<hbm>>
      %dma_start3A_373 = arith.constant 0 : i32
      %dma_start3A_374 = tpu.memref_slice %arg13[%dma_start3A_368, %dma_start3A_373] : memref<4x64xi32, #tpu.memory_space<vmem>> -> memref<1x64xi32, #tpu.memory_space<vmem>>
      %dma_start3A_375 = tpu.memref_squeeze %dma_start3A_374 : memref<1x64xi32, #tpu.memory_space<vmem>> -> memref<64xi32, #tpu.memory_space<vmem>>
      %dma_start3A_376 = tpu.memref_slice %arg6[%add3A_367] : memref<327680xi32, #tpu.memory_space<hbm>> -> memref<64xi32, #tpu.memory_space<hbm>>
      tpu.enqueue_dma source(%dma_start3A_376 : memref<64xi32, #tpu.memory_space<hbm>>) target(%dma_start3A_375 : memref<64xi32, #tpu.memory_space<vmem>>) target_semaphore(%arg23 : memref<!tpu.dma_semaphore, #tpu.memory_space<semaphore_mem>>)
      %get3A_377 = arith.constant 0 : i32
      %get3A_378 = arith.index_cast %get3A_377 : i32 to index
      %get3A_379 = arith.constant 0 : index
      %get3A_380 = tpu.vector_load %arg14[%get3A_378, %get3A_379] {strides = array<i32>} : memref<4x64xf32, #tpu.memory_space<vmem>>, vector<16xf32>,
      %get3A_381 = arith.constant 0 : i32
      %get3A_382 = arith.index_cast %get3A_381 : i32 to index
      %get3A_383 = arith.constant 0 : index
      %get3A_384 = tpu.vector_load %arg15[%get3A_382, %get3A_383] {strides = array<i32>} : memref<4x64xf32, #tpu.memory_space<vmem>>, vector<16xf32>,
      %add3A_385 = arith.addf %get3A_380, %get3A_384 : vector<16xf32>
      %gt3A_386 = arith.constant 0.000000e+00 : f32
      %gt3A_387 = vector.broadcast %gt3A_386 : f32 to vector<16xf32>
      %gt3A_388 = arith.cmpf ogt, %add3A_385, %gt3A_387 : vector<16xf32>
      %mul3A_389 = arith.constant 2.000000e-01 : f32
      %mul3A_390 = vector.broadcast %mul3A_389 : f32 to vector<16xf32>
      %mul3A_391 = arith.mulf %add3A_385, %mul3A_390 : vector<16xf32>
      %select_n3A = arith.select %gt3A_388, %add3A_385, %mul3A_391 : vector<16xi1>, vector<16xf32>
      %sub3A = arith.subf %select_n3A, %get3A_80 : vector<16xf32>
      %exp3A = math.exp %sub3A : vector<16xf32>
      %mul3A_392 = arith.constant 64 : i32
      %mul3A_393 = arith.muli %add3A_256, %mul3A_392 : i32
      %add3A_394 = arith.constant 0 : i32
      %add3A_395 = arith.addi %mul3A_393, %add3A_394 : i32
      %iota3A = tpu.iota {dimensions = array<i32: 0>} : vector<16xi32>
      %add3A_396 = vector.broadcast %add3A_395 : i32 to vector<16xi32>
      %add3A_397 = arith.addi %add3A_396, %iota3A : vector<16xi32>
      %lt3A_398 = arith.constant 10000 : i32
      %lt3A_399 = vector.broadcast %lt3A_398 : i32 to vector<16xi32>
      %lt3A_400 = arith.cmpi slt, %add3A_397, %lt3A_399 : vector<16xi32>
      %jit3A = arith.constant 0.000000e+00 : f32
      %broadcast_in_dim3A_401 = vector.broadcast %jit3A : f32 to vector<16xf32>
      %select_n3A_402 = arith.select %lt3A_400, %exp3A, %broadcast_in_dim3A_401 : vector<16xi1>, vector<16xf32>
      %swap3A = arith.constant 0 : index
      %swap3A_403 = tpu.vector_load %arg16[%swap3A] {strides = array<i32>} : memref<256xf32, #tpu.memory_space<vmem>>, vector<16xf32>,
      tpu.vector_store %arg16[%swap3A], %select_n3A_402 {strides = array<i32>} : memref<256xf32, #tpu.memory_space<vmem>>, vector<16xf32>,
      %get3A_404 = arith.constant 0 : i32
      %get3A_405 = arith.index_cast %get3A_404 : i32 to index
      %get3A_406 = arith.constant 16 : index
      %get3A_407 = tpu.vector_load %arg14[%get3A_405, %get3A_406] {strides = array<i32>} : memref<4x64xf32, #tpu.memory_space<vmem>>, vector<16xf32>,
      %get3A_408 = arith.constant 0 : i32
      %get3A_409 = arith.index_cast %get3A_408 : i32 to index
      %get3A_410 = arith.constant 16 : index
      %get3A_411 = tpu.vector_load %arg15[%get3A_409, %get3A_410] {strides = array<i32>} : memref<4x64xf32, #tpu.memory_space<vmem>>, vector<16xf32>,
      %add3A_412 = arith.addf %get3A_407, %get3A_411 : vector<16xf32>
      %gt3A_413 = arith.constant 0.000000e+00 : f32
      %gt3A_414 = vector.broadcast %gt3A_413 : f32 to vector<16xf32>
      %gt3A_415 = arith.cmpf ogt, %add3A_412, %gt3A_414 : vector<16xf32>
      %mul3A_416 = arith.constant 2.000000e-01 : f32
      %mul3A_417 = vector.broadcast %mul3A_416 : f32 to vector<16xf32>
      %mul3A_418 = arith.mulf %add3A_412, %mul3A_417 : vector<16xf32>
      %select_n3A_419 = arith.select %gt3A_415, %add3A_412, %mul3A_418 : vector<16xi1>, vector<16xf32>
      %sub3A_420 = arith.subf %select_n3A_419, %get3A_80 : vector<16xf32>
      %exp3A_421 = math.exp %sub3A_420 : vector<16xf32>
      %mul3A_422 = arith.constant 64 : i32
      %mul3A_423 = arith.muli %add3A_256, %mul3A_422 : i32
      %add3A_424 = arith.constant 16 : i32
      %add3A_425 = arith.addi %mul3A_423, %add3A_424 : i32
      %iota3A_426 = tpu.iota {dimensions = array<i32: 0>} : vector<16xi32>
      %add3A_427 = vector.broadcast %add3A_425 : i32 to vector<16xi32>
      %add3A_428 = arith.addi %add3A_427, %iota3A_426 : vector<16xi32>
      %lt3A_429 = arith.constant 10000 : i32
      %lt3A_430 = vector.broadcast %lt3A_429 : i32 to vector<16xi32>
      %lt3A_431 = arith.cmpi slt, %add3A_428, %lt3A_430 : vector<16xi32>
      %jit3A_432 = arith.constant 0.000000e+00 : f32
      %broadcast_in_dim3A_433 = vector.broadcast %jit3A_432 : f32 to vector<16xf32>
      %select_n3A_434 = arith.select %lt3A_431, %exp3A_421, %broadcast_in_dim3A_433 : vector<16xi1>, vector<16xf32>
      %swap3A_435 = arith.constant 16 : index
      %swap3A_436 = tpu.vector_load %arg16[%swap3A_435] {strides = array<i32>} : memref<256xf32, #tpu.memory_space<vmem>>, vector<16xf32>,
      tpu.vector_store %arg16[%swap3A_435], %select_n3A_434 {strides = array<i32>} : memref<256xf32, #tpu.memory_space<vmem>>, vector<16xf32>,
      %get3A_437 = arith.constant 0 : i32
      %get3A_438 = arith.index_cast %get3A_437 : i32 to index
      %get3A_439 = arith.constant 32 : index
      %get3A_440 = tpu.vector_load %arg14[%get3A_438, %get3A_439] {strides = array<i32>} : memref<4x64xf32, #tpu.memory_space<vmem>>, vector<16xf32>,
      %get3A_441 = arith.constant 0 : i32
      %get3A_442 = arith.index_cast %get3A_441 : i32 to index
      %get3A_443 = arith.constant 32 : index
      %get3A_444 = tpu.vector_load %arg15[%get3A_442, %get3A_443] {strides = array<i32>} : memref<4x64xf32, #tpu.memory_space<vmem>>, vector<16xf32>,
      %add3A_445 = arith.addf %get3A_440, %get3A_444 : vector<16xf32>
      %gt3A_446 = arith.constant 0.000000e+00 : f32
      %gt3A_447 = vector.broadcast %gt3A_446 : f32 to vector<16xf32>
      %gt3A_448 = arith.cmpf ogt, %add3A_445, %gt3A_447 : vector<16xf32>
      %mul3A_449 = arith.constant 2.000000e-01 : f32
      %mul3A_450 = vector.broadcast %mul3A_449 : f32 to vector<16xf32>
      %mul3A_451 = arith.mulf %add3A_445, %mul3A_450 : vector<16xf32>
      %select_n3A_452 = arith.select %gt3A_448, %add3A_445, %mul3A_451 : vector<16xi1>, vector<16xf32>
      %sub3A_453 = arith.subf %select_n3A_452, %get3A_80 : vector<16xf32>
      %exp3A_454 = math.exp %sub3A_453 : vector<16xf32>
      %mul3A_455 = arith.constant 64 : i32
      %mul3A_456 = arith.muli %add3A_256, %mul3A_455 : i32
      %add3A_457 = arith.constant 32 : i32
      %add3A_458 = arith.addi %mul3A_456, %add3A_457 : i32
      %iota3A_459 = tpu.iota {dimensions = array<i32: 0>} : vector<16xi32>
      %add3A_460 = vector.broadcast %add3A_458 : i32 to vector<16xi32>
      %add3A_461 = arith.addi %add3A_460, %iota3A_459 : vector<16xi32>
      %lt3A_462 = arith.constant 10000 : i32
      %lt3A_463 = vector.broadcast %lt3A_462 : i32 to vector<16xi32>
      %lt3A_464 = arith.cmpi slt, %add3A_461, %lt3A_463 : vector<16xi32>
      %jit3A_465 = arith.constant 0.000000e+00 : f32
      %broadcast_in_dim3A_466 = vector.broadcast %jit3A_465 : f32 to vector<16xf32>
      %select_n3A_467 = arith.select %lt3A_464, %exp3A_454, %broadcast_in_dim3A_466 : vector<16xi1>, vector<16xf32>
      %swap3A_468 = arith.constant 32 : index
      %swap3A_469 = tpu.vector_load %arg16[%swap3A_468] {strides = array<i32>} : memref<256xf32, #tpu.memory_space<vmem>>, vector<16xf32>,
      tpu.vector_store %arg16[%swap3A_468], %select_n3A_467 {strides = array<i32>} : memref<256xf32, #tpu.memory_space<vmem>>, vector<16xf32>,
      %get3A_470 = arith.constant 0 : i32
      %get3A_471 = arith.index_cast %get3A_470 : i32 to index
      %get3A_472 = arith.constant 48 : index
      %get3A_473 = tpu.vector_load %arg14[%get3A_471, %get3A_472] {strides = array<i32>} : memref<4x64xf32, #tpu.memory_space<vmem>>, vector<16xf32>,
      %get3A_474 = arith.constant 0 : i32
      %get3A_475 = arith.index_cast %get3A_474 : i32 to index
      %get3A_476 = arith.constant 48 : index
      %get3A_477 = tpu.vector_load %arg15[%get3A_475, %get3A_476] {strides = array<i32>} : memref<4x64xf32, #tpu.memory_space<vmem>>, vector<16xf32>,
      %add3A_478 = arith.addf %get3A_473, %get3A_477 : vector<16xf32>
      %gt3A_479 = arith.constant 0.000000e+00 : f32
      %gt3A_480 = vector.broadcast %gt3A_479 : f32 to vector<16xf32>
      %gt3A_481 = arith.cmpf ogt, %add3A_478, %gt3A_480 : vector<16xf32>
      %mul3A_482 = arith.constant 2.000000e-01 : f32
      %mul3A_483 = vector.broadcast %mul3A_482 : f32 to vector<16xf32>
      %mul3A_484 = arith.mulf %add3A_478, %mul3A_483 : vector<16xf32>
      %select_n3A_485 = arith.select %gt3A_481, %add3A_478, %mul3A_484 : vector<16xi1>, vector<16xf32>
      %sub3A_486 = arith.subf %select_n3A_485, %get3A_80 : vector<16xf32>
      %exp3A_487 = math.exp %sub3A_486 : vector<16xf32>
      %mul3A_488 = arith.constant 64 : i32
      %mul3A_489 = arith.muli %add3A_256, %mul3A_488 : i32
      %add3A_490 = arith.constant 48 : i32
      %add3A_491 = arith.addi %mul3A_489, %add3A_490 : i32
      %iota3A_492 = tpu.iota {dimensions = array<i32: 0>} : vector<16xi32>
      %add3A_493 = vector.broadcast %add3A_491 : i32 to vector<16xi32>
      %add3A_494 = arith.addi %add3A_493, %iota3A_492 : vector<16xi32>
      %lt3A_495 = arith.constant 10000 : i32
      %lt3A_496 = vector.broadcast %lt3A_495 : i32 to vector<16xi32>
      %lt3A_497 = arith.cmpi slt, %add3A_494, %lt3A_496 : vector<16xi32>
      %jit3A_498 = arith.constant 0.000000e+00 : f32
      %broadcast_in_dim3A_499 = vector.broadcast %jit3A_498 : f32 to vector<16xf32>
      %select_n3A_500 = arith.select %lt3A_497, %exp3A_487, %broadcast_in_dim3A_499 : vector<16xi1>, vector<16xf32>
      %swap3A_501 = arith.constant 48 : index
      %swap3A_502 = tpu.vector_load %arg16[%swap3A_501] {strides = array<i32>} : memref<256xf32, #tpu.memory_space<vmem>>, vector<16xf32>,
      tpu.vector_store %arg16[%swap3A_501], %select_n3A_500 {strides = array<i32>} : memref<256xf32, #tpu.memory_space<vmem>>, vector<16xf32>,
      %run_scoped3A_503 = arith.constant 0 : i32
      "tpu.region"() ({
        %run_scoped3A_1274 = tpu.sem_alloc : memref<!tpu.dma_semaphore, #tpu.memory_space<semaphore_mem>>
        %dma_start3A_1275 = arith.constant 0 : i32
        %dma_start3A_1276 = tpu.memref_slice %arg16[%dma_start3A_1275] : memref<256xf32, #tpu.memory_space<vmem>> -> memref<64xf32, #tpu.memory_space<vmem>>
        %dma_start3A_1277 = arith.constant 0 : i32
        %dma_start3A_1278 = tpu.memref_slice %arg13[%run_scoped3A_503, %dma_start3A_1277] : memref<4x64xi32, #tpu.memory_space<vmem>> -> memref<1x64xi32, #tpu.memory_space<vmem>>
        %dma_start3A_1279 = tpu.memref_squeeze %dma_start3A_1278 : memref<1x64xi32, #tpu.memory_space<vmem>> -> memref<64xi32, #tpu.memory_space<vmem>>
        %dma_start3A_1280 = arith.constant 0 : i32
        %dma_start3A_1281 = tpu.memref_slice %arg20[%dma_start3A_1280] : memref<10000xf32, #tpu.memory_space<vmem_shared>> -> memref<10000xf32, #tpu.memory_space<vmem_shared>>
        tpu.enqueue_indirect_dma source(%dma_start3A_1276 : memref<64xf32, #tpu.memory_space<vmem>>) target(%dma_start3A_1281 : memref<10000xf32, #tpu.memory_space<vmem_shared>>) offsets(%dma_start3A_1279 : memref<64xi32, #tpu.memory_space<vmem>>) semaphore(%run_scoped3A_1274 : memref<!tpu.dma_semaphore, #tpu.memory_space<semaphore_mem>>) {add = true}
        %dma_wait3A_1282 = arith.constant 0 : i32
        %dma_wait3A_1283 = tpu.memref_slice %arg16[%dma_wait3A_1282] : memref<256xf32, #tpu.memory_space<vmem>> -> memref<64xf32, #tpu.memory_space<vmem>>
        %dma_wait3A_1284 = arith.constant 0 : i32
        %dma_wait3A_1285 = tpu.memref_slice %arg13[%run_scoped3A_503, %dma_wait3A_1284] : memref<4x64xi32, #tpu.memory_space<vmem>> -> memref<1x64xi32, #tpu.memory_space<vmem>>
        %dma_wait3A_1286 = tpu.memref_squeeze %dma_wait3A_1285 : memref<1x64xi32, #tpu.memory_space<vmem>> -> memref<64xi32, #tpu.memory_space<vmem>>
        %dma_wait3A_1287 = arith.constant 0 : i32
        %dma_wait3A_1288 = tpu.memref_slice %arg20[%dma_wait3A_1287] : memref<10000xf32, #tpu.memory_space<vmem_shared>> -> memref<10000xf32, #tpu.memory_space<vmem_shared>>
        tpu.wait_indirect_dma semaphore(%run_scoped3A_1274 : memref<!tpu.dma_semaphore, #tpu.memory_space<semaphore_mem>>) src(%dma_wait3A_1283 : memref<64xf32, #tpu.memory_space<vmem>>) dst(%dma_wait3A_1288 : memref<10000xf32, #tpu.memory_space<vmem_shared>>)
        tpu.yield
      }) : () -> ()
      %scan3A_504 = arith.constant 0 : i32
      %scan3A_505 = arith.constant 64 : i32
      %scan3A_506 = arith.addi %scan3A_504, %scan3A_505 : i32
      %scan3A_507 = arith.constant 1 : i32
      scf.for %scan3A_1274 = %scan3A_504 to %scan3A_506 step %scan3A_507  : i32 {
        %mul3A_1275 = arith.constant 1 : i32
        %mul3A_1276 = arith.muli %scan3A_1274, %mul3A_1275 : i32
        %add3A_1277 = arith.constant 0 : i32
        %add3A_1278 = arith.addi %add3A_1277, %mul3A_1276 : i32
        %add3A_1279 = arith.constant 0 : i32
        %add3A_1280 = arith.addi %add3A_1279, %add3A_1278 : i32
        %broadcast_in_dim3A_1281 = vector.broadcast %add3A_1280 : i32 to vector<16xi32>
        %gather3A = tpu.vector_load_idx %arg16[%broadcast_in_dim3A_1281] : memref<256xf32, #tpu.memory_space<vmem>>[vector<16xi32>], vector<16xf32>,
        %get3A_1282 = arith.constant 0 : i32
        %get3A_1283 = arith.index_cast %get3A_1282 : i32 to index
        %get3A_1284 = arith.index_cast %add3A_1278 : i32 to index
        %get3A_1285 = arith.constant 0 : index
        %get3A_1286 = tpu.vector_load %arg17[%get3A_1283, %get3A_1284, %get3A_1285] {strides = array<i32>} : memref<4x64x64xi32, #tpu.memory_space<vmem>>, vector<16xi32>,
        %bitcast3A = vector.bitcast %get3A_1286 : vector<16xi32> to vector<32xbf16>
        %unpack3A = tpu.unpack_subelements %bitcast3A, 0 {pack_format = #tpu.pack_format<interleaved>} : vector<32xbf16> -> vector<16xf32>
        %unpack3A_1287 = tpu.unpack_subelements %bitcast3A, 1 {pack_format = #tpu.pack_format<interleaved>} : vector<32xbf16> -> vector<16xf32>
        %mul3A_1288 = arith.mulf %unpack3A, %gather3A : vector<16xf32>
        %swap3A_1289 = arith.constant 0 : i32
        %swap3A_1290 = arith.index_cast %swap3A_1289 : i32 to index
        %swap3A_1291 = arith.index_cast %add3A_1278 : i32 to index
        %swap3A_1292 = arith.constant 0 : index
        %swap3A_1293 = tpu.vector_load %arg18[%swap3A_1290, %swap3A_1291, %swap3A_1292] {strides = array<i32>} : memref<4x64x128xf32, #tpu.memory_space<vmem>>, vector<16xf32>,
        tpu.vector_store %arg18[%swap3A_1290, %swap3A_1291, %swap3A_1292], %mul3A_1288 {strides = array<i32>} : memref<4x64x128xf32, #tpu.memory_space<vmem>>, vector<16xf32>,
        %mul3A_1294 = arith.mulf %unpack3A_1287, %gather3A : vector<16xf32>
        %swap3A_1295 = arith.constant 0 : i32
        %swap3A_1296 = arith.index_cast %swap3A_1295 : i32 to index
        %swap3A_1297 = arith.index_cast %add3A_1278 : i32 to index
        %swap3A_1298 = arith.constant 16 : index
        %swap3A_1299 = tpu.vector_load %arg18[%swap3A_1296, %swap3A_1297, %swap3A_1298] {strides = array<i32>} : memref<4x64x128xf32, #tpu.memory_space<vmem>>, vector<16xf32>,
        tpu.vector_store %arg18[%swap3A_1296, %swap3A_1297, %swap3A_1298], %mul3A_1294 {strides = array<i32>} : memref<4x64x128xf32, #tpu.memory_space<vmem>>, vector<16xf32>,
        %get3A_1300 = arith.constant 0 : i32
        %get3A_1301 = arith.index_cast %get3A_1300 : i32 to index
        %get3A_1302 = arith.index_cast %add3A_1278 : i32 to index
        %get3A_1303 = arith.constant 16 : index
        %get3A_1304 = tpu.vector_load %arg17[%get3A_1301, %get3A_1302, %get3A_1303] {strides = array<i32>} : memref<4x64x64xi32, #tpu.memory_space<vmem>>, vector<16xi32>,
        %bitcast3A_1305 = vector.bitcast %get3A_1304 : vector<16xi32> to vector<32xbf16>
        %unpack3A_1306 = tpu.unpack_subelements %bitcast3A_1305, 0 {pack_format = #tpu.pack_format<interleaved>} : vector<32xbf16> -> vector<16xf32>
        %unpack3A_1307 = tpu.unpack_subelements %bitcast3A_1305, 1 {pack_format = #tpu.pack_format<interleaved>} : vector<32xbf16> -> vector<16xf32>
        %mul3A_1308 = arith.mulf %unpack3A_1306, %gather3A : vector<16xf32>
        %swap3A_1309 = arith.constant 0 : i32
        %swap3A_1310 = arith.index_cast %swap3A_1309 : i32 to index
        %swap3A_1311 = arith.index_cast %add3A_1278 : i32 to index
        %swap3A_1312 = arith.constant 32 : index
        %swap3A_1313 = tpu.vector_load %arg18[%swap3A_1310, %swap3A_1311, %swap3A_1312] {strides = array<i32>} : memref<4x64x128xf32, #tpu.memory_space<vmem>>, vector<16xf32>,
        tpu.vector_store %arg18[%swap3A_1310, %swap3A_1311, %swap3A_1312], %mul3A_1308 {strides = array<i32>} : memref<4x64x128xf32, #tpu.memory_space<vmem>>, vector<16xf32>,
        %mul3A_1314 = arith.mulf %unpack3A_1307, %gather3A : vector<16xf32>
        %swap3A_1315 = arith.constant 0 : i32
        %swap3A_1316 = arith.index_cast %swap3A_1315 : i32 to index
        %swap3A_1317 = arith.index_cast %add3A_1278 : i32 to index
        %swap3A_1318 = arith.constant 48 : index
        %swap3A_1319 = tpu.vector_load %arg18[%swap3A_1316, %swap3A_1317, %swap3A_1318] {strides = array<i32>} : memref<4x64x128xf32, #tpu.memory_space<vmem>>, vector<16xf32>,
        tpu.vector_store %arg18[%swap3A_1316, %swap3A_1317, %swap3A_1318], %mul3A_1314 {strides = array<i32>} : memref<4x64x128xf32, #tpu.memory_space<vmem>>, vector<16xf32>,
        %get3A_1320 = arith.constant 0 : i32
        %get3A_1321 = arith.index_cast %get3A_1320 : i32 to index
        %get3A_1322 = arith.index_cast %add3A_1278 : i32 to index
        %get3A_1323 = arith.constant 32 : index
        %get3A_1324 = tpu.vector_load %arg17[%get3A_1321, %get3A_1322, %get3A_1323] {strides = array<i32>} : memref<4x64x64xi32, #tpu.memory_space<vmem>>, vector<16xi32>,
        %bitcast3A_1325 = vector.bitcast %get3A_1324 : vector<16xi32> to vector<32xbf16>
        %unpack3A_1326 = tpu.unpack_subelements %bitcast3A_1325, 0 {pack_format = #tpu.pack_format<interleaved>} : vector<32xbf16> -> vector<16xf32>
        %unpack3A_1327 = tpu.unpack_subelements %bitcast3A_1325, 1 {pack_format = #tpu.pack_format<interleaved>} : vector<32xbf16> -> vector<16xf32>
        %mul3A_1328 = arith.mulf %unpack3A_1326, %gather3A : vector<16xf32>
        %swap3A_1329 = arith.constant 0 : i32
        %swap3A_1330 = arith.index_cast %swap3A_1329 : i32 to index
        %swap3A_1331 = arith.index_cast %add3A_1278 : i32 to index
        %swap3A_1332 = arith.constant 64 : index
        %swap3A_1333 = tpu.vector_load %arg18[%swap3A_1330, %swap3A_1331, %swap3A_1332] {strides = array<i32>} : memref<4x64x128xf32, #tpu.memory_space<vmem>>, vector<16xf32>,
        tpu.vector_store %arg18[%swap3A_1330, %swap3A_1331, %swap3A_1332], %mul3A_1328 {strides = array<i32>} : memref<4x64x128xf32, #tpu.memory_space<vmem>>, vector<16xf32>,
        %mul3A_1334 = arith.mulf %unpack3A_1327, %gather3A : vector<16xf32>
        %swap3A_1335 = arith.constant 0 : i32
        %swap3A_1336 = arith.index_cast %swap3A_1335 : i32 to index
        %swap3A_1337 = arith.index_cast %add3A_1278 : i32 to index
        %swap3A_1338 = arith.constant 80 : index
        %swap3A_1339 = tpu.vector_load %arg18[%swap3A_1336, %swap3A_1337, %swap3A_1338] {strides = array<i32>} : memref<4x64x128xf32, #tpu.memory_space<vmem>>, vector<16xf32>,
        tpu.vector_store %arg18[%swap3A_1336, %swap3A_1337, %swap3A_1338], %mul3A_1334 {strides = array<i32>} : memref<4x64x128xf32, #tpu.memory_space<vmem>>, vector<16xf32>,
        %get3A_1340 = arith.constant 0 : i32
        %get3A_1341 = arith.index_cast %get3A_1340 : i32 to index
        %get3A_1342 = arith.index_cast %add3A_1278 : i32 to index
        %get3A_1343 = arith.constant 48 : index
        %get3A_1344 = tpu.vector_load %arg17[%get3A_1341, %get3A_1342, %get3A_1343] {strides = array<i32>} : memref<4x64x64xi32, #tpu.memory_space<vmem>>, vector<16xi32>,
        %bitcast3A_1345 = vector.bitcast %get3A_1344 : vector<16xi32> to vector<32xbf16>
        %unpack3A_1346 = tpu.unpack_subelements %bitcast3A_1345, 0 {pack_format = #tpu.pack_format<interleaved>} : vector<32xbf16> -> vector<16xf32>
        %unpack3A_1347 = tpu.unpack_subelements %bitcast3A_1345, 1 {pack_format = #tpu.pack_format<interleaved>} : vector<32xbf16> -> vector<16xf32>
        %mul3A_1348 = arith.mulf %unpack3A_1346, %gather3A : vector<16xf32>
        %swap3A_1349 = arith.constant 0 : i32
        %swap3A_1350 = arith.index_cast %swap3A_1349 : i32 to index
        %swap3A_1351 = arith.index_cast %add3A_1278 : i32 to index
        %swap3A_1352 = arith.constant 96 : index
        %swap3A_1353 = tpu.vector_load %arg18[%swap3A_1350, %swap3A_1351, %swap3A_1352] {strides = array<i32>} : memref<4x64x128xf32, #tpu.memory_space<vmem>>, vector<16xf32>,
        tpu.vector_store %arg18[%swap3A_1350, %swap3A_1351, %swap3A_1352], %mul3A_1348 {strides = array<i32>} : memref<4x64x128xf32, #tpu.memory_space<vmem>>, vector<16xf32>,
        %mul3A_1354 = arith.mulf %unpack3A_1347, %gather3A : vector<16xf32>
        %swap3A_1355 = arith.constant 0 : i32
        %swap3A_1356 = arith.index_cast %swap3A_1355 : i32 to index
        %swap3A_1357 = arith.index_cast %add3A_1278 : i32 to index
        %swap3A_1358 = arith.constant 112 : index
        %swap3A_1359 = tpu.vector_load %arg18[%swap3A_1356, %swap3A_1357, %swap3A_1358] {strides = array<i32>} : memref<4x64x128xf32, #tpu.memory_space<vmem>>, vector<16xf32>,
        tpu.vector_store %arg18[%swap3A_1356, %swap3A_1357, %swap3A_1358], %mul3A_1354 {strides = array<i32>} : memref<4x64x128xf32, #tpu.memory_space<vmem>>, vector<16xf32>,
      }
      %scan3A_508 = arith.constant 64 : i32
      %dma_start3A_509 = arith.constant 0 : i32
      %dma_start3A_510 = arith.constant 0 : i32
      %dma_start3A_511 = arith.constant 0 : i32
      %dma_start3A_512 = arith.constant 0 : i32
      %dma_start3A_513 = tpu.memref_slice %arg18[%dma_start3A_509, %dma_start3A_511, %dma_start3A_512] : memref<4x64x128xf32, #tpu.memory_space<vmem>> -> memref<1x64x128xf32, #tpu.memory_space<vmem>>
      %dma_start3A_514 = tpu.memref_squeeze %dma_start3A_513 : memref<1x64x128xf32, #tpu.memory_space<vmem>> -> memref<64x128xf32, #tpu.memory_space<vmem>>
      %dma_start3A_515 = arith.constant 0 : i32
      %dma_start3A_516 = tpu.memref_slice %arg13[%dma_start3A_510, %dma_start3A_515] : memref<4x64xi32, #tpu.memory_space<vmem>> -> memref<1x64xi32, #tpu.memory_space<vmem>>
      %dma_start3A_517 = tpu.memref_squeeze %dma_start3A_516 : memref<1x64xi32, #tpu.memory_space<vmem>> -> memref<64xi32, #tpu.memory_space<vmem>>
      %dma_start3A_518 = arith.constant 0 : i32
      %dma_start3A_519 = arith.constant 0 : i32
      %dma_start3A_520 = tpu.memref_slice %arg19[%dma_start3A_518, %dma_start3A_519] : memref<10000x128xf32, #tpu.memory_space<vmem_shared>> -> memref<10000x128xf32, #tpu.memory_space<vmem_shared>>
      tpu.enqueue_indirect_dma source(%dma_start3A_514 : memref<64x128xf32, #tpu.memory_space<vmem>>) target(%dma_start3A_520 : memref<10000x128xf32, #tpu.memory_space<vmem_shared>>) offsets(%dma_start3A_517 : memref<64xi32, #tpu.memory_space<vmem>>) semaphore(%arg29 : memref<!tpu.dma_semaphore, #tpu.memory_space<semaphore_mem>>) {add = true}
      %mul3A_521 = arith.constant 4 : i32
      %mul3A_522 = arith.muli %add3A_252, %mul3A_521 : i32
      %add3A_523 = arith.constant 1 : i32
      %add3A_524 = arith.addi %mul3A_522, %add3A_523 : i32
      %add3A_525 = arith.constant 1 : i32
      %add3A_526 = arith.addi %add3A_524, %add3A_525 : i32
      %mul3A_527 = arith.constant 64 : i32
      %mul3A_528 = arith.muli %add3A_526, %mul3A_527 : i32
      %add3A_529 = arith.addi %mul3A_84, %mul3A_528 : i32
      %dma_wait3A_530 = arith.constant 2 : i32
      %dma_wait3A_531 = arith.constant 0 : i32
      %dma_wait3A_532 = tpu.memref_slice %arg12[%dma_wait3A_530, %dma_wait3A_531] : memref<4x64xi32, #tpu.memory_space<vmem>> -> memref<1x64xi32, #tpu.memory_space<vmem>>
      %dma_wait3A_533 = tpu.memref_squeeze %dma_wait3A_532 : memref<1x64xi32, #tpu.memory_space<vmem>> -> memref<64xi32, #tpu.memory_space<vmem>>
      %dma_wait3A_534 = tpu.memref_slice %arg5[%add3A_529] : memref<327680xi32, #tpu.memory_space<hbm>> -> memref<64xi32, #tpu.memory_space<hbm>>
      %dma_wait3A_535 = arith.constant 0 : i32
      %dma_wait3A_536 = tpu.memref_slice %arg12[%dma_wait3A_530, %dma_wait3A_535] : memref<4x64xi32, #tpu.memory_space<vmem>> -> memref<1x64xi32, #tpu.memory_space<vmem>>
      %dma_wait3A_537 = tpu.memref_squeeze %dma_wait3A_536 : memref<1x64xi32, #tpu.memory_space<vmem>> -> memref<64xi32, #tpu.memory_space<vmem>>
      %dma_wait3A_538 = tpu.memref_slice %arg5[%add3A_529] : memref<327680xi32, #tpu.memory_space<hbm>> -> memref<64xi32, #tpu.memory_space<hbm>>
      tpu.wait_dma2 semaphore(%arg23 : memref<!tpu.dma_semaphore, #tpu.memory_space<semaphore_mem>>) src(%dma_wait3A_538 : memref<64xi32, #tpu.memory_space<hbm>>) dst(%dma_wait3A_537 : memref<64xi32, #tpu.memory_space<vmem>>)
      %mul3A_539 = arith.constant 64 : i32
      %mul3A_540 = arith.muli %add3A_526, %mul3A_539 : i32
      %add3A_541 = arith.addi %mul3A_84, %mul3A_540 : i32
      %dma_wait3A_542 = arith.constant 2 : i32
      %dma_wait3A_543 = arith.constant 0 : i32
      %dma_wait3A_544 = tpu.memref_slice %arg13[%dma_wait3A_542, %dma_wait3A_543] : memref<4x64xi32, #tpu.memory_space<vmem>> -> memref<1x64xi32, #tpu.memory_space<vmem>>
      %dma_wait3A_545 = tpu.memref_squeeze %dma_wait3A_544 : memref<1x64xi32, #tpu.memory_space<vmem>> -> memref<64xi32, #tpu.memory_space<vmem>>
      %dma_wait3A_546 = tpu.memref_slice %arg6[%add3A_541] : memref<327680xi32, #tpu.memory_space<hbm>> -> memref<64xi32, #tpu.memory_space<hbm>>
      %dma_wait3A_547 = arith.constant 0 : i32
      %dma_wait3A_548 = tpu.memref_slice %arg13[%dma_wait3A_542, %dma_wait3A_547] : memref<4x64xi32, #tpu.memory_space<vmem>> -> memref<1x64xi32, #tpu.memory_space<vmem>>
      %dma_wait3A_549 = tpu.memref_squeeze %dma_wait3A_548 : memref<1x64xi32, #tpu.memory_space<vmem>> -> memref<64xi32, #tpu.memory_space<vmem>>
      %dma_wait3A_550 = tpu.memref_slice %arg6[%add3A_541] : memref<327680xi32, #tpu.memory_space<hbm>> -> memref<64xi32, #tpu.memory_space<hbm>>
      tpu.wait_dma2 semaphore(%arg23 : memref<!tpu.dma_semaphore, #tpu.memory_space<semaphore_mem>>) src(%dma_wait3A_550 : memref<64xi32, #tpu.memory_space<hbm>>) dst(%dma_wait3A_549 : memref<64xi32, #tpu.memory_space<vmem>>)
      %gt3A_551 = arith.constant 0 : i32
      %gt3A_552 = arith.cmpi sgt, %add3A_252, %gt3A_551 : i32
      %convert_element_type3A_553 = arith.extui %gt3A_552 : i1 to i32
      %cond3A_554 = arith.constant 0 : i32
      %cond3A_555 = arith.cmpi ne, %convert_element_type3A_553, %cond3A_554 : i32
      scf.if %cond3A_555 {
        %dma_wait3A_1274 = arith.constant 3 : i32
        %dma_wait3A_1275 = arith.constant 3 : i32
        %dma_wait3A_1276 = arith.constant 0 : i32
        %dma_wait3A_1277 = arith.constant 0 : i32
        %dma_wait3A_1278 = tpu.memref_slice %arg18[%dma_wait3A_1274, %dma_wait3A_1276, %dma_wait3A_1277] : memref<4x64x128xf32, #tpu.memory_space<vmem>> -> memref<1x64x128xf32, #tpu.memory_space<vmem>>
        %dma_wait3A_1279 = tpu.memref_squeeze %dma_wait3A_1278 : memref<1x64x128xf32, #tpu.memory_space<vmem>> -> memref<64x128xf32, #tpu.memory_space<vmem>>
        %dma_wait3A_1280 = arith.constant 0 : i32
        %dma_wait3A_1281 = tpu.memref_slice %arg13[%dma_wait3A_1275, %dma_wait3A_1280] : memref<4x64xi32, #tpu.memory_space<vmem>> -> memref<1x64xi32, #tpu.memory_space<vmem>>
        %dma_wait3A_1282 = tpu.memref_squeeze %dma_wait3A_1281 : memref<1x64xi32, #tpu.memory_space<vmem>> -> memref<64xi32, #tpu.memory_space<vmem>>
        %dma_wait3A_1283 = arith.constant 0 : i32
        %dma_wait3A_1284 = arith.constant 0 : i32
        %dma_wait3A_1285 = tpu.memref_slice %arg19[%dma_wait3A_1283, %dma_wait3A_1284] : memref<10000x128xf32, #tpu.memory_space<vmem_shared>> -> memref<10000x128xf32, #tpu.memory_space<vmem_shared>>
        tpu.wait_indirect_dma semaphore(%arg32 : memref<!tpu.dma_semaphore, #tpu.memory_space<semaphore_mem>>) src(%dma_wait3A_1279 : memref<64x128xf32, #tpu.memory_space<vmem>>) dst(%dma_wait3A_1285 : memref<10000x128xf32, #tpu.memory_space<vmem_shared>>)
      } else {
      }
      %dma_start3A_556 = arith.constant 2 : i32
      %dma_start3A_557 = arith.constant 2 : i32
      %dma_start3A_558 = arith.constant 0 : i32
      %dma_start3A_559 = arith.constant 0 : i32
      %dma_start3A_560 = tpu.memref_slice %arg17[%dma_start3A_557, %dma_start3A_558, %dma_start3A_559] : memref<4x64x64xi32, #tpu.memory_space<vmem>> -> memref<1x64x64xi32, #tpu.memory_space<vmem>>
      %dma_start3A_561 = tpu.memref_squeeze %dma_start3A_560 : memref<1x64x64xi32, #tpu.memory_space<vmem>> -> memref<64x64xi32, #tpu.memory_space<vmem>>
      %dma_start3A_562 = arith.constant 0 : i32
      %dma_start3A_563 = tpu.memref_slice %arg12[%dma_start3A_556, %dma_start3A_562] : memref<4x64xi32, #tpu.memory_space<vmem>> -> memref<1x64xi32, #tpu.memory_space<vmem>>
      %dma_start3A_564 = tpu.memref_squeeze %dma_start3A_563 : memref<1x64xi32, #tpu.memory_space<vmem>> -> memref<64xi32, #tpu.memory_space<vmem>>
      %dma_start3A_565 = arith.constant 0 : i32
      %dma_start3A_566 = arith.constant 0 : i32
      %dma_start3A_567 = tpu.memref_slice %arg2[%dma_start3A_565, %dma_start3A_566] : memref<10000x64xi32, #tpu.memory_space<hbm>> -> memref<10000x64xi32, #tpu.memory_space<hbm>>
      tpu.enqueue_indirect_dma source(%dma_start3A_567 : memref<10000x64xi32, #tpu.memory_space<hbm>>) target(%dma_start3A_561 : memref<64x64xi32, #tpu.memory_space<vmem>>) offsets(%dma_start3A_564 : memref<64xi32, #tpu.memory_space<vmem>>) semaphore(%arg27 : memref<!tpu.dma_semaphore, #tpu.memory_space<semaphore_mem>>)
      %dma_start3A_568 = arith.constant 2 : i32
      %dma_start3A_569 = arith.constant 2 : i32
      %dma_start3A_570 = arith.constant 0 : i32
      %dma_start3A_571 = tpu.memref_slice %arg14[%dma_start3A_569, %dma_start3A_570] : memref<4x64xf32, #tpu.memory_space<vmem>> -> memref<1x64xf32, #tpu.memory_space<vmem>>
      %dma_start3A_572 = tpu.memref_squeeze %dma_start3A_571 : memref<1x64xf32, #tpu.memory_space<vmem>> -> memref<64xf32, #tpu.memory_space<vmem>>
      %dma_start3A_573 = arith.constant 0 : i32
      %dma_start3A_574 = tpu.memref_slice %arg12[%dma_start3A_568, %dma_start3A_573] : memref<4x64xi32, #tpu.memory_space<vmem>> -> memref<1x64xi32, #tpu.memory_space<vmem>>
      %dma_start3A_575 = tpu.memref_squeeze %dma_start3A_574 : memref<1x64xi32, #tpu.memory_space<vmem>> -> memref<64xi32, #tpu.memory_space<vmem>>
      %dma_start3A_576 = arith.constant 0 : i32
      %dma_start3A_577 = tpu.memref_slice %arg3[%dma_start3A_576] : memref<10000xf32, #tpu.memory_space<hbm>> -> memref<10000xf32, #tpu.memory_space<hbm>>
      tpu.enqueue_indirect_dma source(%dma_start3A_577 : memref<10000xf32, #tpu.memory_space<hbm>>) target(%dma_start3A_572 : memref<64xf32, #tpu.memory_space<vmem>>) offsets(%dma_start3A_575 : memref<64xi32, #tpu.memory_space<vmem>>) semaphore(%arg27 : memref<!tpu.dma_semaphore, #tpu.memory_space<semaphore_mem>>)
      %dma_start3A_578 = arith.constant 2 : i32
      %dma_start3A_579 = arith.constant 2 : i32
      %dma_start3A_580 = arith.constant 0 : i32
      %dma_start3A_581 = tpu.memref_slice %arg15[%dma_start3A_579, %dma_start3A_580] : memref<4x64xf32, #tpu.memory_space<vmem>> -> memref<1x64xf32, #tpu.memory_space<vmem>>
      %dma_start3A_582 = tpu.memref_squeeze %dma_start3A_581 : memref<1x64xf32, #tpu.memory_space<vmem>> -> memref<64xf32, #tpu.memory_space<vmem>>
      %dma_start3A_583 = arith.constant 0 : i32
      %dma_start3A_584 = tpu.memref_slice %arg13[%dma_start3A_578, %dma_start3A_583] : memref<4x64xi32, #tpu.memory_space<vmem>> -> memref<1x64xi32, #tpu.memory_space<vmem>>
      %dma_start3A_585 = tpu.memref_squeeze %dma_start3A_584 : memref<1x64xi32, #tpu.memory_space<vmem>> -> memref<64xi32, #tpu.memory_space<vmem>>
      %dma_start3A_586 = arith.constant 0 : i32
      %dma_start3A_587 = tpu.memref_slice %arg4[%dma_start3A_586] : memref<10000xf32, #tpu.memory_space<hbm>> -> memref<10000xf32, #tpu.memory_space<hbm>>
      tpu.enqueue_indirect_dma source(%dma_start3A_587 : memref<10000xf32, #tpu.memory_space<hbm>>) target(%dma_start3A_582 : memref<64xf32, #tpu.memory_space<vmem>>) offsets(%dma_start3A_585 : memref<64xi32, #tpu.memory_space<vmem>>) semaphore(%arg27 : memref<!tpu.dma_semaphore, #tpu.memory_space<semaphore_mem>>)
      %dma_wait3A_588 = arith.constant 1 : i32
      %dma_wait3A_589 = arith.constant 1 : i32
      %dma_wait3A_590 = arith.constant 0 : i32
      %dma_wait3A_591 = arith.constant 0 : i32
      %dma_wait3A_592 = tpu.memref_slice %arg17[%dma_wait3A_589, %dma_wait3A_590, %dma_wait3A_591] : memref<4x64x64xi32, #tpu.memory_space<vmem>> -> memref<1x64x64xi32, #tpu.memory_space<vmem>>
      %dma_wait3A_593 = tpu.memref_squeeze %dma_wait3A_592 : memref<1x64x64xi32, #tpu.memory_space<vmem>> -> memref<64x64xi32, #tpu.memory_space<vmem>>
      %dma_wait3A_594 = arith.constant 0 : i32
      %dma_wait3A_595 = tpu.memref_slice %arg12[%dma_wait3A_588, %dma_wait3A_594] : memref<4x64xi32, #tpu.memory_space<vmem>> -> memref<1x64xi32, #tpu.memory_space<vmem>>
      %dma_wait3A_596 = tpu.memref_squeeze %dma_wait3A_595 : memref<1x64xi32, #tpu.memory_space<vmem>> -> memref<64xi32, #tpu.memory_space<vmem>>
      %dma_wait3A_597 = arith.constant 0 : i32
      %dma_wait3A_598 = arith.constant 0 : i32
      %dma_wait3A_599 = tpu.memref_slice %arg2[%dma_wait3A_597, %dma_wait3A_598] : memref<10000x64xi32, #tpu.memory_space<hbm>> -> memref<10000x64xi32, #tpu.memory_space<hbm>>
      tpu.wait_indirect_dma semaphore(%arg26 : memref<!tpu.dma_semaphore, #tpu.memory_space<semaphore_mem>>) src(%dma_wait3A_599 : memref<10000x64xi32, #tpu.memory_space<hbm>>) dst(%dma_wait3A_593 : memref<64x64xi32, #tpu.memory_space<vmem>>)
      %dma_wait3A_600 = arith.constant 1 : i32
      %dma_wait3A_601 = arith.constant 1 : i32
      %dma_wait3A_602 = arith.constant 0 : i32
      %dma_wait3A_603 = tpu.memref_slice %arg14[%dma_wait3A_601, %dma_wait3A_602] : memref<4x64xf32, #tpu.memory_space<vmem>> -> memref<1x64xf32, #tpu.memory_space<vmem>>
      %dma_wait3A_604 = tpu.memref_squeeze %dma_wait3A_603 : memref<1x64xf32, #tpu.memory_space<vmem>> -> memref<64xf32, #tpu.memory_space<vmem>>
      %dma_wait3A_605 = arith.constant 0 : i32
      %dma_wait3A_606 = tpu.memref_slice %arg12[%dma_wait3A_600, %dma_wait3A_605] : memref<4x64xi32, #tpu.memory_space<vmem>> -> memref<1x64xi32, #tpu.memory_space<vmem>>
      %dma_wait3A_607 = tpu.memref_squeeze %dma_wait3A_606 : memref<1x64xi32, #tpu.memory_space<vmem>> -> memref<64xi32, #tpu.memory_space<vmem>>
      %dma_wait3A_608 = arith.constant 0 : i32
      %dma_wait3A_609 = tpu.memref_slice %arg3[%dma_wait3A_608] : memref<10000xf32, #tpu.memory_space<hbm>> -> memref<10000xf32, #tpu.memory_space<hbm>>
      tpu.wait_indirect_dma semaphore(%arg26 : memref<!tpu.dma_semaphore, #tpu.memory_space<semaphore_mem>>) src(%dma_wait3A_609 : memref<10000xf32, #tpu.memory_space<hbm>>) dst(%dma_wait3A_604 : memref<64xf32, #tpu.memory_space<vmem>>)
      %dma_wait3A_610 = arith.constant 1 : i32
      %dma_wait3A_611 = arith.constant 1 : i32
      %dma_wait3A_612 = arith.constant 0 : i32
      %dma_wait3A_613 = tpu.memref_slice %arg15[%dma_wait3A_611, %dma_wait3A_612] : memref<4x64xf32, #tpu.memory_space<vmem>> -> memref<1x64xf32, #tpu.memory_space<vmem>>
      %dma_wait3A_614 = tpu.memref_squeeze %dma_wait3A_613 : memref<1x64xf32, #tpu.memory_space<vmem>> -> memref<64xf32, #tpu.memory_space<vmem>>
      %dma_wait3A_615 = arith.constant 0 : i32
      %dma_wait3A_616 = tpu.memref_slice %arg13[%dma_wait3A_610, %dma_wait3A_615] : memref<4x64xi32, #tpu.memory_space<vmem>> -> memref<1x64xi32, #tpu.memory_space<vmem>>
      %dma_wait3A_617 = tpu.memref_squeeze %dma_wait3A_616 : memref<1x64xi32, #tpu.memory_space<vmem>> -> memref<64xi32, #tpu.memory_space<vmem>>
      %dma_wait3A_618 = arith.constant 0 : i32
      %dma_wait3A_619 = tpu.memref_slice %arg4[%dma_wait3A_618] : memref<10000xf32, #tpu.memory_space<hbm>> -> memref<10000xf32, #tpu.memory_space<hbm>>
      tpu.wait_indirect_dma semaphore(%arg26 : memref<!tpu.dma_semaphore, #tpu.memory_space<semaphore_mem>>) src(%dma_wait3A_619 : memref<10000xf32, #tpu.memory_space<hbm>>) dst(%dma_wait3A_614 : memref<64xf32, #tpu.memory_space<vmem>>)
      %add3A_620 = arith.constant 2 : i32
      %add3A_621 = arith.addi %add3A_524, %add3A_620 : i32
      %mul3A_622 = arith.constant 64 : i32
      %mul3A_623 = arith.muli %add3A_621, %mul3A_622 : i32
      %add3A_624 = arith.addi %mul3A_84, %mul3A_623 : i32
      %dma_start3A_625 = arith.constant 3 : i32
      %dma_start3A_626 = arith.constant 0 : i32
      %dma_start3A_627 = tpu.memref_slice %arg12[%dma_start3A_625, %dma_start3A_626] : memref<4x64xi32, #tpu.memory_space<vmem>> -> memref<1x64xi32, #tpu.memory_space<vmem>>
      %dma_start3A_628 = tpu.memref_squeeze %dma_start3A_627 : memref<1x64xi32, #tpu.memory_space<vmem>> -> memref<64xi32, #tpu.memory_space<vmem>>
      %dma_start3A_629 = tpu.memref_slice %arg5[%add3A_624] : memref<327680xi32, #tpu.memory_space<hbm>> -> memref<64xi32, #tpu.memory_space<hbm>>
      %dma_start3A_630 = arith.constant 0 : i32
      %dma_start3A_631 = tpu.memref_slice %arg12[%dma_start3A_625, %dma_start3A_630] : memref<4x64xi32, #tpu.memory_space<vmem>> -> memref<1x64xi32, #tpu.memory_space<vmem>>
      %dma_start3A_632 = tpu.memref_squeeze %dma_start3A_631 : memref<1x64xi32, #tpu.memory_space<vmem>> -> memref<64xi32, #tpu.memory_space<vmem>>
      %dma_start3A_633 = tpu.memref_slice %arg5[%add3A_624] : memref<327680xi32, #tpu.memory_space<hbm>> -> memref<64xi32, #tpu.memory_space<hbm>>
      tpu.enqueue_dma source(%dma_start3A_633 : memref<64xi32, #tpu.memory_space<hbm>>) target(%dma_start3A_632 : memref<64xi32, #tpu.memory_space<vmem>>) target_semaphore(%arg24 : memref<!tpu.dma_semaphore, #tpu.memory_space<semaphore_mem>>)
      %mul3A_634 = arith.constant 64 : i32
      %mul3A_635 = arith.muli %add3A_621, %mul3A_634 : i32
      %add3A_636 = arith.addi %mul3A_84, %mul3A_635 : i32
      %dma_start3A_637 = arith.constant 3 : i32
      %dma_start3A_638 = arith.constant 0 : i32
      %dma_start3A_639 = tpu.memref_slice %arg13[%dma_start3A_637, %dma_start3A_638] : memref<4x64xi32, #tpu.memory_space<vmem>> -> memref<1x64xi32, #tpu.memory_space<vmem>>
      %dma_start3A_640 = tpu.memref_squeeze %dma_start3A_639 : memref<1x64xi32, #tpu.memory_space<vmem>> -> memref<64xi32, #tpu.memory_space<vmem>>
      %dma_start3A_641 = tpu.memref_slice %arg6[%add3A_636] : memref<327680xi32, #tpu.memory_space<hbm>> -> memref<64xi32, #tpu.memory_space<hbm>>
      %dma_start3A_642 = arith.constant 0 : i32
      %dma_start3A_643 = tpu.memref_slice %arg13[%dma_start3A_637, %dma_start3A_642] : memref<4x64xi32, #tpu.memory_space<vmem>> -> memref<1x64xi32, #tpu.memory_space<vmem>>
      %dma_start3A_644 = tpu.memref_squeeze %dma_start3A_643 : memref<1x64xi32, #tpu.memory_space<vmem>> -> memref<64xi32, #tpu.memory_space<vmem>>
      %dma_start3A_645 = tpu.memref_slice %arg6[%add3A_636] : memref<327680xi32, #tpu.memory_space<hbm>> -> memref<64xi32, #tpu.memory_space<hbm>>
      tpu.enqueue_dma source(%dma_start3A_645 : memref<64xi32, #tpu.memory_space<hbm>>) target(%dma_start3A_644 : memref<64xi32, #tpu.memory_space<vmem>>) target_semaphore(%arg24 : memref<!tpu.dma_semaphore, #tpu.memory_space<semaphore_mem>>)
      %get3A_646 = arith.constant 1 : i32
      %get3A_647 = arith.index_cast %get3A_646 : i32 to index
      %get3A_648 = arith.constant 0 : index
      %get3A_649 = tpu.vector_load %arg14[%get3A_647, %get3A_648] {strides = array<i32>} : memref<4x64xf32, #tpu.memory_space<vmem>>, vector<16xf32>,
      %get3A_650 = arith.constant 1 : i32
      %get3A_651 = arith.index_cast %get3A_650 : i32 to index
      %get3A_652 = arith.constant 0 : index
      %get3A_653 = tpu.vector_load %arg15[%get3A_651, %get3A_652] {strides = array<i32>} : memref<4x64xf32, #tpu.memory_space<vmem>>, vector<16xf32>,
      %add3A_654 = arith.addf %get3A_649, %get3A_653 : vector<16xf32>
      %gt3A_655 = arith.constant 0.000000e+00 : f32
      %gt3A_656 = vector.broadcast %gt3A_655 : f32 to vector<16xf32>
      %gt3A_657 = arith.cmpf ogt, %add3A_654, %gt3A_656 : vector<16xf32>
      %mul3A_658 = arith.constant 2.000000e-01 : f32
      %mul3A_659 = vector.broadcast %mul3A_658 : f32 to vector<16xf32>
      %mul3A_660 = arith.mulf %add3A_654, %mul3A_659 : vector<16xf32>
      %select_n3A_661 = arith.select %gt3A_657, %add3A_654, %mul3A_660 : vector<16xi1>, vector<16xf32>
      %sub3A_662 = arith.subf %select_n3A_661, %get3A_80 : vector<16xf32>
      %exp3A_663 = math.exp %sub3A_662 : vector<16xf32>
      %mul3A_664 = arith.constant 64 : i32
      %mul3A_665 = arith.muli %add3A_524, %mul3A_664 : i32
      %add3A_666 = arith.constant 0 : i32
      %add3A_667 = arith.addi %mul3A_665, %add3A_666 : i32
      %iota3A_668 = tpu.iota {dimensions = array<i32: 0>} : vector<16xi32>
      %add3A_669 = vector.broadcast %add3A_667 : i32 to vector<16xi32>
      %add3A_670 = arith.addi %add3A_669, %iota3A_668 : vector<16xi32>
      %lt3A_671 = arith.constant 10000 : i32
      %lt3A_672 = vector.broadcast %lt3A_671 : i32 to vector<16xi32>
      %lt3A_673 = arith.cmpi slt, %add3A_670, %lt3A_672 : vector<16xi32>
      %jit3A_674 = arith.constant 0.000000e+00 : f32
      %broadcast_in_dim3A_675 = vector.broadcast %jit3A_674 : f32 to vector<16xf32>
      %select_n3A_676 = arith.select %lt3A_673, %exp3A_663, %broadcast_in_dim3A_675 : vector<16xi1>, vector<16xf32>
      %swap3A_677 = arith.constant 64 : index
      %swap3A_678 = tpu.vector_load %arg16[%swap3A_677] {strides = array<i32>} : memref<256xf32, #tpu.memory_space<vmem>>, vector<16xf32>,
      tpu.vector_store %arg16[%swap3A_677], %select_n3A_676 {strides = array<i32>} : memref<256xf32, #tpu.memory_space<vmem>>, vector<16xf32>,
      %get3A_679 = arith.constant 1 : i32
      %get3A_680 = arith.index_cast %get3A_679 : i32 to index
      %get3A_681 = arith.constant 16 : index
      %get3A_682 = tpu.vector_load %arg14[%get3A_680, %get3A_681] {strides = array<i32>} : memref<4x64xf32, #tpu.memory_space<vmem>>, vector<16xf32>,
      %get3A_683 = arith.constant 1 : i32
      %get3A_684 = arith.index_cast %get3A_683 : i32 to index
      %get3A_685 = arith.constant 16 : index
      %get3A_686 = tpu.vector_load %arg15[%get3A_684, %get3A_685] {strides = array<i32>} : memref<4x64xf32, #tpu.memory_space<vmem>>, vector<16xf32>,
      %add3A_687 = arith.addf %get3A_682, %get3A_686 : vector<16xf32>
      %gt3A_688 = arith.constant 0.000000e+00 : f32
      %gt3A_689 = vector.broadcast %gt3A_688 : f32 to vector<16xf32>
      %gt3A_690 = arith.cmpf ogt, %add3A_687, %gt3A_689 : vector<16xf32>
      %mul3A_691 = arith.constant 2.000000e-01 : f32
      %mul3A_692 = vector.broadcast %mul3A_691 : f32 to vector<16xf32>
      %mul3A_693 = arith.mulf %add3A_687, %mul3A_692 : vector<16xf32>
      %select_n3A_694 = arith.select %gt3A_690, %add3A_687, %mul3A_693 : vector<16xi1>, vector<16xf32>
      %sub3A_695 = arith.subf %select_n3A_694, %get3A_80 : vector<16xf32>
      %exp3A_696 = math.exp %sub3A_695 : vector<16xf32>
      %mul3A_697 = arith.constant 64 : i32
      %mul3A_698 = arith.muli %add3A_524, %mul3A_697 : i32
      %add3A_699 = arith.constant 16 : i32
      %add3A_700 = arith.addi %mul3A_698, %add3A_699 : i32
      %iota3A_701 = tpu.iota {dimensions = array<i32: 0>} : vector<16xi32>
      %add3A_702 = vector.broadcast %add3A_700 : i32 to vector<16xi32>
      %add3A_703 = arith.addi %add3A_702, %iota3A_701 : vector<16xi32>
      %lt3A_704 = arith.constant 10000 : i32
      %lt3A_705 = vector.broadcast %lt3A_704 : i32 to vector<16xi32>
      %lt3A_706 = arith.cmpi slt, %add3A_703, %lt3A_705 : vector<16xi32>
      %jit3A_707 = arith.constant 0.000000e+00 : f32
      %broadcast_in_dim3A_708 = vector.broadcast %jit3A_707 : f32 to vector<16xf32>
      %select_n3A_709 = arith.select %lt3A_706, %exp3A_696, %broadcast_in_dim3A_708 : vector<16xi1>, vector<16xf32>
      %swap3A_710 = arith.constant 80 : index
      %swap3A_711 = tpu.vector_load %arg16[%swap3A_710] {strides = array<i32>} : memref<256xf32, #tpu.memory_space<vmem>>, vector<16xf32>,
      tpu.vector_store %arg16[%swap3A_710], %select_n3A_709 {strides = array<i32>} : memref<256xf32, #tpu.memory_space<vmem>>, vector<16xf32>,
      %get3A_712 = arith.constant 1 : i32
      %get3A_713 = arith.index_cast %get3A_712 : i32 to index
      %get3A_714 = arith.constant 32 : index
      %get3A_715 = tpu.vector_load %arg14[%get3A_713, %get3A_714] {strides = array<i32>} : memref<4x64xf32, #tpu.memory_space<vmem>>, vector<16xf32>,
      %get3A_716 = arith.constant 1 : i32
      %get3A_717 = arith.index_cast %get3A_716 : i32 to index
      %get3A_718 = arith.constant 32 : index
      %get3A_719 = tpu.vector_load %arg15[%get3A_717, %get3A_718] {strides = array<i32>} : memref<4x64xf32, #tpu.memory_space<vmem>>, vector<16xf32>,
      %add3A_720 = arith.addf %get3A_715, %get3A_719 : vector<16xf32>
      %gt3A_721 = arith.constant 0.000000e+00 : f32
      %gt3A_722 = vector.broadcast %gt3A_721 : f32 to vector<16xf32>
      %gt3A_723 = arith.cmpf ogt, %add3A_720, %gt3A_722 : vector<16xf32>
      %mul3A_724 = arith.constant 2.000000e-01 : f32
      %mul3A_725 = vector.broadcast %mul3A_724 : f32 to vector<16xf32>
      %mul3A_726 = arith.mulf %add3A_720, %mul3A_725 : vector<16xf32>
      %select_n3A_727 = arith.select %gt3A_723, %add3A_720, %mul3A_726 : vector<16xi1>, vector<16xf32>
      %sub3A_728 = arith.subf %select_n3A_727, %get3A_80 : vector<16xf32>
      %exp3A_729 = math.exp %sub3A_728 : vector<16xf32>
      %mul3A_730 = arith.constant 64 : i32
      %mul3A_731 = arith.muli %add3A_524, %mul3A_730 : i32
      %add3A_732 = arith.constant 32 : i32
      %add3A_733 = arith.addi %mul3A_731, %add3A_732 : i32
      %iota3A_734 = tpu.iota {dimensions = array<i32: 0>} : vector<16xi32>
      %add3A_735 = vector.broadcast %add3A_733 : i32 to vector<16xi32>
      %add3A_736 = arith.addi %add3A_735, %iota3A_734 : vector<16xi32>
      %lt3A_737 = arith.constant 10000 : i32
      %lt3A_738 = vector.broadcast %lt3A_737 : i32 to vector<16xi32>
      %lt3A_739 = arith.cmpi slt, %add3A_736, %lt3A_738 : vector<16xi32>
      %jit3A_740 = arith.constant 0.000000e+00 : f32
      %broadcast_in_dim3A_741 = vector.broadcast %jit3A_740 : f32 to vector<16xf32>
      %select_n3A_742 = arith.select %lt3A_739, %exp3A_729, %broadcast_in_dim3A_741 : vector<16xi1>, vector<16xf32>
      %swap3A_743 = arith.constant 96 : index
      %swap3A_744 = tpu.vector_load %arg16[%swap3A_743] {strides = array<i32>} : memref<256xf32, #tpu.memory_space<vmem>>, vector<16xf32>,
      tpu.vector_store %arg16[%swap3A_743], %select_n3A_742 {strides = array<i32>} : memref<256xf32, #tpu.memory_space<vmem>>, vector<16xf32>,
      %get3A_745 = arith.constant 1 : i32
      %get3A_746 = arith.index_cast %get3A_745 : i32 to index
      %get3A_747 = arith.constant 48 : index
      %get3A_748 = tpu.vector_load %arg14[%get3A_746, %get3A_747] {strides = array<i32>} : memref<4x64xf32, #tpu.memory_space<vmem>>, vector<16xf32>,
      %get3A_749 = arith.constant 1 : i32
      %get3A_750 = arith.index_cast %get3A_749 : i32 to index
      %get3A_751 = arith.constant 48 : index
      %get3A_752 = tpu.vector_load %arg15[%get3A_750, %get3A_751] {strides = array<i32>} : memref<4x64xf32, #tpu.memory_space<vmem>>, vector<16xf32>,
      %add3A_753 = arith.addf %get3A_748, %get3A_752 : vector<16xf32>
      %gt3A_754 = arith.constant 0.000000e+00 : f32
      %gt3A_755 = vector.broadcast %gt3A_754 : f32 to vector<16xf32>
      %gt3A_756 = arith.cmpf ogt, %add3A_753, %gt3A_755 : vector<16xf32>
      %mul3A_757 = arith.constant 2.000000e-01 : f32
      %mul3A_758 = vector.broadcast %mul3A_757 : f32 to vector<16xf32>
      %mul3A_759 = arith.mulf %add3A_753, %mul3A_758 : vector<16xf32>
      %select_n3A_760 = arith.select %gt3A_756, %add3A_753, %mul3A_759 : vector<16xi1>, vector<16xf32>
      %sub3A_761 = arith.subf %select_n3A_760, %get3A_80 : vector<16xf32>
      %exp3A_762 = math.exp %sub3A_761 : vector<16xf32>
      %mul3A_763 = arith.constant 64 : i32
      %mul3A_764 = arith.muli %add3A_524, %mul3A_763 : i32
      %add3A_765 = arith.constant 48 : i32
      %add3A_766 = arith.addi %mul3A_764, %add3A_765 : i32
      %iota3A_767 = tpu.iota {dimensions = array<i32: 0>} : vector<16xi32>
      %add3A_768 = vector.broadcast %add3A_766 : i32 to vector<16xi32>
      %add3A_769 = arith.addi %add3A_768, %iota3A_767 : vector<16xi32>
      %lt3A_770 = arith.constant 10000 : i32
      %lt3A_771 = vector.broadcast %lt3A_770 : i32 to vector<16xi32>
      %lt3A_772 = arith.cmpi slt, %add3A_769, %lt3A_771 : vector<16xi32>
      %jit3A_773 = arith.constant 0.000000e+00 : f32
      %broadcast_in_dim3A_774 = vector.broadcast %jit3A_773 : f32 to vector<16xf32>
      %select_n3A_775 = arith.select %lt3A_772, %exp3A_762, %broadcast_in_dim3A_774 : vector<16xi1>, vector<16xf32>
      %swap3A_776 = arith.constant 112 : index
      %swap3A_777 = tpu.vector_load %arg16[%swap3A_776] {strides = array<i32>} : memref<256xf32, #tpu.memory_space<vmem>>, vector<16xf32>,
      tpu.vector_store %arg16[%swap3A_776], %select_n3A_775 {strides = array<i32>} : memref<256xf32, #tpu.memory_space<vmem>>, vector<16xf32>,
      %run_scoped3A_778 = arith.constant 1 : i32
      "tpu.region"() ({
        %run_scoped3A_1274 = tpu.sem_alloc : memref<!tpu.dma_semaphore, #tpu.memory_space<semaphore_mem>>
        %dma_start3A_1275 = arith.constant 64 : i32
        %dma_start3A_1276 = tpu.memref_slice %arg16[%dma_start3A_1275] : memref<256xf32, #tpu.memory_space<vmem>> -> memref<64xf32, #tpu.memory_space<vmem>>
        %dma_start3A_1277 = arith.constant 0 : i32
        %dma_start3A_1278 = tpu.memref_slice %arg13[%run_scoped3A_778, %dma_start3A_1277] : memref<4x64xi32, #tpu.memory_space<vmem>> -> memref<1x64xi32, #tpu.memory_space<vmem>>
        %dma_start3A_1279 = tpu.memref_squeeze %dma_start3A_1278 : memref<1x64xi32, #tpu.memory_space<vmem>> -> memref<64xi32, #tpu.memory_space<vmem>>
        %dma_start3A_1280 = arith.constant 0 : i32
        %dma_start3A_1281 = tpu.memref_slice %arg20[%dma_start3A_1280] : memref<10000xf32, #tpu.memory_space<vmem_shared>> -> memref<10000xf32, #tpu.memory_space<vmem_shared>>
        tpu.enqueue_indirect_dma source(%dma_start3A_1276 : memref<64xf32, #tpu.memory_space<vmem>>) target(%dma_start3A_1281 : memref<10000xf32, #tpu.memory_space<vmem_shared>>) offsets(%dma_start3A_1279 : memref<64xi32, #tpu.memory_space<vmem>>) semaphore(%run_scoped3A_1274 : memref<!tpu.dma_semaphore, #tpu.memory_space<semaphore_mem>>) {add = true}
        %dma_wait3A_1282 = arith.constant 64 : i32
        %dma_wait3A_1283 = tpu.memref_slice %arg16[%dma_wait3A_1282] : memref<256xf32, #tpu.memory_space<vmem>> -> memref<64xf32, #tpu.memory_space<vmem>>
        %dma_wait3A_1284 = arith.constant 0 : i32
        %dma_wait3A_1285 = tpu.memref_slice %arg13[%run_scoped3A_778, %dma_wait3A_1284] : memref<4x64xi32, #tpu.memory_space<vmem>> -> memref<1x64xi32, #tpu.memory_space<vmem>>
        %dma_wait3A_1286 = tpu.memref_squeeze %dma_wait3A_1285 : memref<1x64xi32, #tpu.memory_space<vmem>> -> memref<64xi32, #tpu.memory_space<vmem>>
        %dma_wait3A_1287 = arith.constant 0 : i32
        %dma_wait3A_1288 = tpu.memref_slice %arg20[%dma_wait3A_1287] : memref<10000xf32, #tpu.memory_space<vmem_shared>> -> memref<10000xf32, #tpu.memory_space<vmem_shared>>
        tpu.wait_indirect_dma semaphore(%run_scoped3A_1274 : memref<!tpu.dma_semaphore, #tpu.memory_space<semaphore_mem>>) src(%dma_wait3A_1283 : memref<64xf32, #tpu.memory_space<vmem>>) dst(%dma_wait3A_1288 : memref<10000xf32, #tpu.memory_space<vmem_shared>>)
        tpu.yield
      }) : () -> ()
      %scan3A_779 = arith.constant 0 : i32
      %scan3A_780 = arith.constant 64 : i32
      %scan3A_781 = arith.addi %scan3A_779, %scan3A_780 : i32
      %scan3A_782 = arith.constant 1 : i32
      scf.for %scan3A_1274 = %scan3A_779 to %scan3A_781 step %scan3A_782  : i32 {
        %mul3A_1275 = arith.constant 1 : i32
        %mul3A_1276 = arith.muli %scan3A_1274, %mul3A_1275 : i32
        %add3A_1277 = arith.constant 0 : i32
        %add3A_1278 = arith.addi %add3A_1277, %mul3A_1276 : i32
        %add3A_1279 = arith.constant 64 : i32
        %add3A_1280 = arith.addi %add3A_1279, %add3A_1278 : i32
        %broadcast_in_dim3A_1281 = vector.broadcast %add3A_1280 : i32 to vector<16xi32>
        %gather3A = tpu.vector_load_idx %arg16[%broadcast_in_dim3A_1281] : memref<256xf32, #tpu.memory_space<vmem>>[vector<16xi32>], vector<16xf32>,
        %get3A_1282 = arith.constant 1 : i32
        %get3A_1283 = arith.index_cast %get3A_1282 : i32 to index
        %get3A_1284 = arith.index_cast %add3A_1278 : i32 to index
        %get3A_1285 = arith.constant 0 : index
        %get3A_1286 = tpu.vector_load %arg17[%get3A_1283, %get3A_1284, %get3A_1285] {strides = array<i32>} : memref<4x64x64xi32, #tpu.memory_space<vmem>>, vector<16xi32>,
        %bitcast3A = vector.bitcast %get3A_1286 : vector<16xi32> to vector<32xbf16>
        %unpack3A = tpu.unpack_subelements %bitcast3A, 0 {pack_format = #tpu.pack_format<interleaved>} : vector<32xbf16> -> vector<16xf32>
        %unpack3A_1287 = tpu.unpack_subelements %bitcast3A, 1 {pack_format = #tpu.pack_format<interleaved>} : vector<32xbf16> -> vector<16xf32>
        %mul3A_1288 = arith.mulf %unpack3A, %gather3A : vector<16xf32>
        %swap3A_1289 = arith.constant 1 : i32
        %swap3A_1290 = arith.index_cast %swap3A_1289 : i32 to index
        %swap3A_1291 = arith.index_cast %add3A_1278 : i32 to index
        %swap3A_1292 = arith.constant 0 : index
        %swap3A_1293 = tpu.vector_load %arg18[%swap3A_1290, %swap3A_1291, %swap3A_1292] {strides = array<i32>} : memref<4x64x128xf32, #tpu.memory_space<vmem>>, vector<16xf32>,
        tpu.vector_store %arg18[%swap3A_1290, %swap3A_1291, %swap3A_1292], %mul3A_1288 {strides = array<i32>} : memref<4x64x128xf32, #tpu.memory_space<vmem>>, vector<16xf32>,
        %mul3A_1294 = arith.mulf %unpack3A_1287, %gather3A : vector<16xf32>
        %swap3A_1295 = arith.constant 1 : i32
        %swap3A_1296 = arith.index_cast %swap3A_1295 : i32 to index
        %swap3A_1297 = arith.index_cast %add3A_1278 : i32 to index
        %swap3A_1298 = arith.constant 16 : index
        %swap3A_1299 = tpu.vector_load %arg18[%swap3A_1296, %swap3A_1297, %swap3A_1298] {strides = array<i32>} : memref<4x64x128xf32, #tpu.memory_space<vmem>>, vector<16xf32>,
        tpu.vector_store %arg18[%swap3A_1296, %swap3A_1297, %swap3A_1298], %mul3A_1294 {strides = array<i32>} : memref<4x64x128xf32, #tpu.memory_space<vmem>>, vector<16xf32>,
        %get3A_1300 = arith.constant 1 : i32
        %get3A_1301 = arith.index_cast %get3A_1300 : i32 to index
        %get3A_1302 = arith.index_cast %add3A_1278 : i32 to index
        %get3A_1303 = arith.constant 16 : index
        %get3A_1304 = tpu.vector_load %arg17[%get3A_1301, %get3A_1302, %get3A_1303] {strides = array<i32>} : memref<4x64x64xi32, #tpu.memory_space<vmem>>, vector<16xi32>,
        %bitcast3A_1305 = vector.bitcast %get3A_1304 : vector<16xi32> to vector<32xbf16>
        %unpack3A_1306 = tpu.unpack_subelements %bitcast3A_1305, 0 {pack_format = #tpu.pack_format<interleaved>} : vector<32xbf16> -> vector<16xf32>
        %unpack3A_1307 = tpu.unpack_subelements %bitcast3A_1305, 1 {pack_format = #tpu.pack_format<interleaved>} : vector<32xbf16> -> vector<16xf32>
        %mul3A_1308 = arith.mulf %unpack3A_1306, %gather3A : vector<16xf32>
        %swap3A_1309 = arith.constant 1 : i32
        %swap3A_1310 = arith.index_cast %swap3A_1309 : i32 to index
        %swap3A_1311 = arith.index_cast %add3A_1278 : i32 to index
        %swap3A_1312 = arith.constant 32 : index
        %swap3A_1313 = tpu.vector_load %arg18[%swap3A_1310, %swap3A_1311, %swap3A_1312] {strides = array<i32>} : memref<4x64x128xf32, #tpu.memory_space<vmem>>, vector<16xf32>,
        tpu.vector_store %arg18[%swap3A_1310, %swap3A_1311, %swap3A_1312], %mul3A_1308 {strides = array<i32>} : memref<4x64x128xf32, #tpu.memory_space<vmem>>, vector<16xf32>,
        %mul3A_1314 = arith.mulf %unpack3A_1307, %gather3A : vector<16xf32>
        %swap3A_1315 = arith.constant 1 : i32
        %swap3A_1316 = arith.index_cast %swap3A_1315 : i32 to index
        %swap3A_1317 = arith.index_cast %add3A_1278 : i32 to index
        %swap3A_1318 = arith.constant 48 : index
        %swap3A_1319 = tpu.vector_load %arg18[%swap3A_1316, %swap3A_1317, %swap3A_1318] {strides = array<i32>} : memref<4x64x128xf32, #tpu.memory_space<vmem>>, vector<16xf32>,
        tpu.vector_store %arg18[%swap3A_1316, %swap3A_1317, %swap3A_1318], %mul3A_1314 {strides = array<i32>} : memref<4x64x128xf32, #tpu.memory_space<vmem>>, vector<16xf32>,
        %get3A_1320 = arith.constant 1 : i32
        %get3A_1321 = arith.index_cast %get3A_1320 : i32 to index
        %get3A_1322 = arith.index_cast %add3A_1278 : i32 to index
        %get3A_1323 = arith.constant 32 : index
        %get3A_1324 = tpu.vector_load %arg17[%get3A_1321, %get3A_1322, %get3A_1323] {strides = array<i32>} : memref<4x64x64xi32, #tpu.memory_space<vmem>>, vector<16xi32>,
        %bitcast3A_1325 = vector.bitcast %get3A_1324 : vector<16xi32> to vector<32xbf16>
        %unpack3A_1326 = tpu.unpack_subelements %bitcast3A_1325, 0 {pack_format = #tpu.pack_format<interleaved>} : vector<32xbf16> -> vector<16xf32>
        %unpack3A_1327 = tpu.unpack_subelements %bitcast3A_1325, 1 {pack_format = #tpu.pack_format<interleaved>} : vector<32xbf16> -> vector<16xf32>
        %mul3A_1328 = arith.mulf %unpack3A_1326, %gather3A : vector<16xf32>
        %swap3A_1329 = arith.constant 1 : i32
        %swap3A_1330 = arith.index_cast %swap3A_1329 : i32 to index
        %swap3A_1331 = arith.index_cast %add3A_1278 : i32 to index
        %swap3A_1332 = arith.constant 64 : index
        %swap3A_1333 = tpu.vector_load %arg18[%swap3A_1330, %swap3A_1331, %swap3A_1332] {strides = array<i32>} : memref<4x64x128xf32, #tpu.memory_space<vmem>>, vector<16xf32>,
        tpu.vector_store %arg18[%swap3A_1330, %swap3A_1331, %swap3A_1332], %mul3A_1328 {strides = array<i32>} : memref<4x64x128xf32, #tpu.memory_space<vmem>>, vector<16xf32>,
        %mul3A_1334 = arith.mulf %unpack3A_1327, %gather3A : vector<16xf32>
        %swap3A_1335 = arith.constant 1 : i32
        %swap3A_1336 = arith.index_cast %swap3A_1335 : i32 to index
        %swap3A_1337 = arith.index_cast %add3A_1278 : i32 to index
        %swap3A_1338 = arith.constant 80 : index
        %swap3A_1339 = tpu.vector_load %arg18[%swap3A_1336, %swap3A_1337, %swap3A_1338] {strides = array<i32>} : memref<4x64x128xf32, #tpu.memory_space<vmem>>, vector<16xf32>,
        tpu.vector_store %arg18[%swap3A_1336, %swap3A_1337, %swap3A_1338], %mul3A_1334 {strides = array<i32>} : memref<4x64x128xf32, #tpu.memory_space<vmem>>, vector<16xf32>,
        %get3A_1340 = arith.constant 1 : i32
        %get3A_1341 = arith.index_cast %get3A_1340 : i32 to index
        %get3A_1342 = arith.index_cast %add3A_1278 : i32 to index
        %get3A_1343 = arith.constant 48 : index
        %get3A_1344 = tpu.vector_load %arg17[%get3A_1341, %get3A_1342, %get3A_1343] {strides = array<i32>} : memref<4x64x64xi32, #tpu.memory_space<vmem>>, vector<16xi32>,
        %bitcast3A_1345 = vector.bitcast %get3A_1344 : vector<16xi32> to vector<32xbf16>
        %unpack3A_1346 = tpu.unpack_subelements %bitcast3A_1345, 0 {pack_format = #tpu.pack_format<interleaved>} : vector<32xbf16> -> vector<16xf32>
        %unpack3A_1347 = tpu.unpack_subelements %bitcast3A_1345, 1 {pack_format = #tpu.pack_format<interleaved>} : vector<32xbf16> -> vector<16xf32>
        %mul3A_1348 = arith.mulf %unpack3A_1346, %gather3A : vector<16xf32>
        %swap3A_1349 = arith.constant 1 : i32
        %swap3A_1350 = arith.index_cast %swap3A_1349 : i32 to index
        %swap3A_1351 = arith.index_cast %add3A_1278 : i32 to index
        %swap3A_1352 = arith.constant 96 : index
        %swap3A_1353 = tpu.vector_load %arg18[%swap3A_1350, %swap3A_1351, %swap3A_1352] {strides = array<i32>} : memref<4x64x128xf32, #tpu.memory_space<vmem>>, vector<16xf32>,
        tpu.vector_store %arg18[%swap3A_1350, %swap3A_1351, %swap3A_1352], %mul3A_1348 {strides = array<i32>} : memref<4x64x128xf32, #tpu.memory_space<vmem>>, vector<16xf32>,
        %mul3A_1354 = arith.mulf %unpack3A_1347, %gather3A : vector<16xf32>
        %swap3A_1355 = arith.constant 1 : i32
        %swap3A_1356 = arith.index_cast %swap3A_1355 : i32 to index
        %swap3A_1357 = arith.index_cast %add3A_1278 : i32 to index
        %swap3A_1358 = arith.constant 112 : index
        %swap3A_1359 = tpu.vector_load %arg18[%swap3A_1356, %swap3A_1357, %swap3A_1358] {strides = array<i32>} : memref<4x64x128xf32, #tpu.memory_space<vmem>>, vector<16xf32>,
        tpu.vector_store %arg18[%swap3A_1356, %swap3A_1357, %swap3A_1358], %mul3A_1354 {strides = array<i32>} : memref<4x64x128xf32, #tpu.memory_space<vmem>>, vector<16xf32>,
      }
      %scan3A_783 = arith.constant 64 : i32
      %dma_start3A_784 = arith.constant 1 : i32
      %dma_start3A_785 = arith.constant 1 : i32
      %dma_start3A_786 = arith.constant 0 : i32
      %dma_start3A_787 = arith.constant 0 : i32
      %dma_start3A_788 = tpu.memref_slice %arg18[%dma_start3A_784, %dma_start3A_786, %dma_start3A_787] : memref<4x64x128xf32, #tpu.memory_space<vmem>> -> memref<1x64x128xf32, #tpu.memory_space<vmem>>
      %dma_start3A_789 = tpu.memref_squeeze %dma_start3A_788 : memref<1x64x128xf32, #tpu.memory_space<vmem>> -> memref<64x128xf32, #tpu.memory_space<vmem>>
      %dma_start3A_790 = arith.constant 0 : i32
      %dma_start3A_791 = tpu.memref_slice %arg13[%dma_start3A_785, %dma_start3A_790] : memref<4x64xi32, #tpu.memory_space<vmem>> -> memref<1x64xi32, #tpu.memory_space<vmem>>
      %dma_start3A_792 = tpu.memref_squeeze %dma_start3A_791 : memref<1x64xi32, #tpu.memory_space<vmem>> -> memref<64xi32, #tpu.memory_space<vmem>>
      %dma_start3A_793 = arith.constant 0 : i32
      %dma_start3A_794 = arith.constant 0 : i32
      %dma_start3A_795 = tpu.memref_slice %arg19[%dma_start3A_793, %dma_start3A_794] : memref<10000x128xf32, #tpu.memory_space<vmem_shared>> -> memref<10000x128xf32, #tpu.memory_space<vmem_shared>>
      tpu.enqueue_indirect_dma source(%dma_start3A_789 : memref<64x128xf32, #tpu.memory_space<vmem>>) target(%dma_start3A_795 : memref<10000x128xf32, #tpu.memory_space<vmem_shared>>) offsets(%dma_start3A_792 : memref<64xi32, #tpu.memory_space<vmem>>) semaphore(%arg30 : memref<!tpu.dma_semaphore, #tpu.memory_space<semaphore_mem>>) {add = true}
      %mul3A_796 = arith.constant 4 : i32
      %mul3A_797 = arith.muli %add3A_252, %mul3A_796 : i32
      %add3A_798 = arith.constant 2 : i32
      %add3A_799 = arith.addi %mul3A_797, %add3A_798 : i32
      %add3A_800 = arith.constant 1 : i32
      %add3A_801 = arith.addi %add3A_799, %add3A_800 : i32
      %mul3A_802 = arith.constant 64 : i32
      %mul3A_803 = arith.muli %add3A_801, %mul3A_802 : i32
      %add3A_804 = arith.addi %mul3A_84, %mul3A_803 : i32
      %dma_wait3A_805 = arith.constant 3 : i32
      %dma_wait3A_806 = arith.constant 0 : i32
      %dma_wait3A_807 = tpu.memref_slice %arg12[%dma_wait3A_805, %dma_wait3A_806] : memref<4x64xi32, #tpu.memory_space<vmem>> -> memref<1x64xi32, #tpu.memory_space<vmem>>
      %dma_wait3A_808 = tpu.memref_squeeze %dma_wait3A_807 : memref<1x64xi32, #tpu.memory_space<vmem>> -> memref<64xi32, #tpu.memory_space<vmem>>
      %dma_wait3A_809 = tpu.memref_slice %arg5[%add3A_804] : memref<327680xi32, #tpu.memory_space<hbm>> -> memref<64xi32, #tpu.memory_space<hbm>>
      %dma_wait3A_810 = arith.constant 0 : i32
      %dma_wait3A_811 = tpu.memref_slice %arg12[%dma_wait3A_805, %dma_wait3A_810] : memref<4x64xi32, #tpu.memory_space<vmem>> -> memref<1x64xi32, #tpu.memory_space<vmem>>
      %dma_wait3A_812 = tpu.memref_squeeze %dma_wait3A_811 : memref<1x64xi32, #tpu.memory_space<vmem>> -> memref<64xi32, #tpu.memory_space<vmem>>
      %dma_wait3A_813 = tpu.memref_slice %arg5[%add3A_804] : memref<327680xi32, #tpu.memory_space<hbm>> -> memref<64xi32, #tpu.memory_space<hbm>>
      tpu.wait_dma2 semaphore(%arg24 : memref<!tpu.dma_semaphore, #tpu.memory_space<semaphore_mem>>) src(%dma_wait3A_813 : memref<64xi32, #tpu.memory_space<hbm>>) dst(%dma_wait3A_812 : memref<64xi32, #tpu.memory_space<vmem>>)
      %mul3A_814 = arith.constant 64 : i32
      %mul3A_815 = arith.muli %add3A_801, %mul3A_814 : i32
      %add3A_816 = arith.addi %mul3A_84, %mul3A_815 : i32
      %dma_wait3A_817 = arith.constant 3 : i32
      %dma_wait3A_818 = arith.constant 0 : i32
      %dma_wait3A_819 = tpu.memref_slice %arg13[%dma_wait3A_817, %dma_wait3A_818] : memref<4x64xi32, #tpu.memory_space<vmem>> -> memref<1x64xi32, #tpu.memory_space<vmem>>
      %dma_wait3A_820 = tpu.memref_squeeze %dma_wait3A_819 : memref<1x64xi32, #tpu.memory_space<vmem>> -> memref<64xi32, #tpu.memory_space<vmem>>
      %dma_wait3A_821 = tpu.memref_slice %arg6[%add3A_816] : memref<327680xi32, #tpu.memory_space<hbm>> -> memref<64xi32, #tpu.memory_space<hbm>>
      %dma_wait3A_822 = arith.constant 0 : i32
      %dma_wait3A_823 = tpu.memref_slice %arg13[%dma_wait3A_817, %dma_wait3A_822] : memref<4x64xi32, #tpu.memory_space<vmem>> -> memref<1x64xi32, #tpu.memory_space<vmem>>
      %dma_wait3A_824 = tpu.memref_squeeze %dma_wait3A_823 : memref<1x64xi32, #tpu.memory_space<vmem>> -> memref<64xi32, #tpu.memory_space<vmem>>
      %dma_wait3A_825 = tpu.memref_slice %arg6[%add3A_816] : memref<327680xi32, #tpu.memory_space<hbm>> -> memref<64xi32, #tpu.memory_space<hbm>>
      tpu.wait_dma2 semaphore(%arg24 : memref<!tpu.dma_semaphore, #tpu.memory_space<semaphore_mem>>) src(%dma_wait3A_825 : memref<64xi32, #tpu.memory_space<hbm>>) dst(%dma_wait3A_824 : memref<64xi32, #tpu.memory_space<vmem>>)
      %dma_wait3A_826 = arith.constant 0 : i32
      %dma_wait3A_827 = arith.constant 0 : i32
      %dma_wait3A_828 = arith.constant 0 : i32
      %dma_wait3A_829 = arith.constant 0 : i32
      %dma_wait3A_830 = tpu.memref_slice %arg18[%dma_wait3A_826, %dma_wait3A_828, %dma_wait3A_829] : memref<4x64x128xf32, #tpu.memory_space<vmem>> -> memref<1x64x128xf32, #tpu.memory_space<vmem>>
      %dma_wait3A_831 = tpu.memref_squeeze %dma_wait3A_830 : memref<1x64x128xf32, #tpu.memory_space<vmem>> -> memref<64x128xf32, #tpu.memory_space<vmem>>
      %dma_wait3A_832 = arith.constant 0 : i32
      %dma_wait3A_833 = tpu.memref_slice %arg13[%dma_wait3A_827, %dma_wait3A_832] : memref<4x64xi32, #tpu.memory_space<vmem>> -> memref<1x64xi32, #tpu.memory_space<vmem>>
      %dma_wait3A_834 = tpu.memref_squeeze %dma_wait3A_833 : memref<1x64xi32, #tpu.memory_space<vmem>> -> memref<64xi32, #tpu.memory_space<vmem>>
      %dma_wait3A_835 = arith.constant 0 : i32
      %dma_wait3A_836 = arith.constant 0 : i32
      %dma_wait3A_837 = tpu.memref_slice %arg19[%dma_wait3A_835, %dma_wait3A_836] : memref<10000x128xf32, #tpu.memory_space<vmem_shared>> -> memref<10000x128xf32, #tpu.memory_space<vmem_shared>>
      tpu.wait_indirect_dma semaphore(%arg29 : memref<!tpu.dma_semaphore, #tpu.memory_space<semaphore_mem>>) src(%dma_wait3A_831 : memref<64x128xf32, #tpu.memory_space<vmem>>) dst(%dma_wait3A_837 : memref<10000x128xf32, #tpu.memory_space<vmem_shared>>)
      %dma_start3A_838 = arith.constant 3 : i32
      %dma_start3A_839 = arith.constant 3 : i32
      %dma_start3A_840 = arith.constant 0 : i32
      %dma_start3A_841 = arith.constant 0 : i32
      %dma_start3A_842 = tpu.memref_slice %arg17[%dma_start3A_839, %dma_start3A_840, %dma_start3A_841] : memref<4x64x64xi32, #tpu.memory_space<vmem>> -> memref<1x64x64xi32, #tpu.memory_space<vmem>>
      %dma_start3A_843 = tpu.memref_squeeze %dma_start3A_842 : memref<1x64x64xi32, #tpu.memory_space<vmem>> -> memref<64x64xi32, #tpu.memory_space<vmem>>
      %dma_start3A_844 = arith.constant 0 : i32
      %dma_start3A_845 = tpu.memref_slice %arg12[%dma_start3A_838, %dma_start3A_844] : memref<4x64xi32, #tpu.memory_space<vmem>> -> memref<1x64xi32, #tpu.memory_space<vmem>>
      %dma_start3A_846 = tpu.memref_squeeze %dma_start3A_845 : memref<1x64xi32, #tpu.memory_space<vmem>> -> memref<64xi32, #tpu.memory_space<vmem>>
      %dma_start3A_847 = arith.constant 0 : i32
      %dma_start3A_848 = arith.constant 0 : i32
      %dma_start3A_849 = tpu.memref_slice %arg2[%dma_start3A_847, %dma_start3A_848] : memref<10000x64xi32, #tpu.memory_space<hbm>> -> memref<10000x64xi32, #tpu.memory_space<hbm>>
      tpu.enqueue_indirect_dma source(%dma_start3A_849 : memref<10000x64xi32, #tpu.memory_space<hbm>>) target(%dma_start3A_843 : memref<64x64xi32, #tpu.memory_space<vmem>>) offsets(%dma_start3A_846 : memref<64xi32, #tpu.memory_space<vmem>>) semaphore(%arg28 : memref<!tpu.dma_semaphore, #tpu.memory_space<semaphore_mem>>)
      %dma_start3A_850 = arith.constant 3 : i32
      %dma_start3A_851 = arith.constant 3 : i32
      %dma_start3A_852 = arith.constant 0 : i32
      %dma_start3A_853 = tpu.memref_slice %arg14[%dma_start3A_851, %dma_start3A_852] : memref<4x64xf32, #tpu.memory_space<vmem>> -> memref<1x64xf32, #tpu.memory_space<vmem>>
      %dma_start3A_854 = tpu.memref_squeeze %dma_start3A_853 : memref<1x64xf32, #tpu.memory_space<vmem>> -> memref<64xf32, #tpu.memory_space<vmem>>
      %dma_start3A_855 = arith.constant 0 : i32
      %dma_start3A_856 = tpu.memref_slice %arg12[%dma_start3A_850, %dma_start3A_855] : memref<4x64xi32, #tpu.memory_space<vmem>> -> memref<1x64xi32, #tpu.memory_space<vmem>>
      %dma_start3A_857 = tpu.memref_squeeze %dma_start3A_856 : memref<1x64xi32, #tpu.memory_space<vmem>> -> memref<64xi32, #tpu.memory_space<vmem>>
      %dma_start3A_858 = arith.constant 0 : i32
      %dma_start3A_859 = tpu.memref_slice %arg3[%dma_start3A_858] : memref<10000xf32, #tpu.memory_space<hbm>> -> memref<10000xf32, #tpu.memory_space<hbm>>
      tpu.enqueue_indirect_dma source(%dma_start3A_859 : memref<10000xf32, #tpu.memory_space<hbm>>) target(%dma_start3A_854 : memref<64xf32, #tpu.memory_space<vmem>>) offsets(%dma_start3A_857 : memref<64xi32, #tpu.memory_space<vmem>>) semaphore(%arg28 : memref<!tpu.dma_semaphore, #tpu.memory_space<semaphore_mem>>)
      %dma_start3A_860 = arith.constant 3 : i32
      %dma_start3A_861 = arith.constant 3 : i32
      %dma_start3A_862 = arith.constant 0 : i32
      %dma_start3A_863 = tpu.memref_slice %arg15[%dma_start3A_861, %dma_start3A_862] : memref<4x64xf32, #tpu.memory_space<vmem>> -> memref<1x64xf32, #tpu.memory_space<vmem>>
      %dma_start3A_864 = tpu.memref_squeeze %dma_start3A_863 : memref<1x64xf32, #tpu.memory_space<vmem>> -> memref<64xf32, #tpu.memory_space<vmem>>
      %dma_start3A_865 = arith.constant 0 : i32
      %dma_start3A_866 = tpu.memref_slice %arg13[%dma_start3A_860, %dma_start3A_865] : memref<4x64xi32, #tpu.memory_space<vmem>> -> memref<1x64xi32, #tpu.memory_space<vmem>>
      %dma_start3A_867 = tpu.memref_squeeze %dma_start3A_866 : memref<1x64xi32, #tpu.memory_space<vmem>> -> memref<64xi32, #tpu.memory_space<vmem>>
      %dma_start3A_868 = arith.constant 0 : i32
      %dma_start3A_869 = tpu.memref_slice %arg4[%dma_start3A_868] : memref<10000xf32, #tpu.memory_space<hbm>> -> memref<10000xf32, #tpu.memory_space<hbm>>
      tpu.enqueue_indirect_dma source(%dma_start3A_869 : memref<10000xf32, #tpu.memory_space<hbm>>) target(%dma_start3A_864 : memref<64xf32, #tpu.memory_space<vmem>>) offsets(%dma_start3A_867 : memref<64xi32, #tpu.memory_space<vmem>>) semaphore(%arg28 : memref<!tpu.dma_semaphore, #tpu.memory_space<semaphore_mem>>)
      %dma_wait3A_870 = arith.constant 2 : i32
      %dma_wait3A_871 = arith.constant 2 : i32
      %dma_wait3A_872 = arith.constant 0 : i32
      %dma_wait3A_873 = arith.constant 0 : i32
      %dma_wait3A_874 = tpu.memref_slice %arg17[%dma_wait3A_871, %dma_wait3A_872, %dma_wait3A_873] : memref<4x64x64xi32, #tpu.memory_space<vmem>> -> memref<1x64x64xi32, #tpu.memory_space<vmem>>
      %dma_wait3A_875 = tpu.memref_squeeze %dma_wait3A_874 : memref<1x64x64xi32, #tpu.memory_space<vmem>> -> memref<64x64xi32, #tpu.memory_space<vmem>>
      %dma_wait3A_876 = arith.constant 0 : i32
      %dma_wait3A_877 = tpu.memref_slice %arg12[%dma_wait3A_870, %dma_wait3A_876] : memref<4x64xi32, #tpu.memory_space<vmem>> -> memref<1x64xi32, #tpu.memory_space<vmem>>
      %dma_wait3A_878 = tpu.memref_squeeze %dma_wait3A_877 : memref<1x64xi32, #tpu.memory_space<vmem>> -> memref<64xi32, #tpu.memory_space<vmem>>
      %dma_wait3A_879 = arith.constant 0 : i32
      %dma_wait3A_880 = arith.constant 0 : i32
      %dma_wait3A_881 = tpu.memref_slice %arg2[%dma_wait3A_879, %dma_wait3A_880] : memref<10000x64xi32, #tpu.memory_space<hbm>> -> memref<10000x64xi32, #tpu.memory_space<hbm>>
      tpu.wait_indirect_dma semaphore(%arg27 : memref<!tpu.dma_semaphore, #tpu.memory_space<semaphore_mem>>) src(%dma_wait3A_881 : memref<10000x64xi32, #tpu.memory_space<hbm>>) dst(%dma_wait3A_875 : memref<64x64xi32, #tpu.memory_space<vmem>>)
      %dma_wait3A_882 = arith.constant 2 : i32
      %dma_wait3A_883 = arith.constant 2 : i32
      %dma_wait3A_884 = arith.constant 0 : i32
      %dma_wait3A_885 = tpu.memref_slice %arg14[%dma_wait3A_883, %dma_wait3A_884] : memref<4x64xf32, #tpu.memory_space<vmem>> -> memref<1x64xf32, #tpu.memory_space<vmem>>
      %dma_wait3A_886 = tpu.memref_squeeze %dma_wait3A_885 : memref<1x64xf32, #tpu.memory_space<vmem>> -> memref<64xf32, #tpu.memory_space<vmem>>
      %dma_wait3A_887 = arith.constant 0 : i32
      %dma_wait3A_888 = tpu.memref_slice %arg12[%dma_wait3A_882, %dma_wait3A_887] : memref<4x64xi32, #tpu.memory_space<vmem>> -> memref<1x64xi32, #tpu.memory_space<vmem>>
      %dma_wait3A_889 = tpu.memref_squeeze %dma_wait3A_888 : memref<1x64xi32, #tpu.memory_space<vmem>> -> memref<64xi32, #tpu.memory_space<vmem>>
      %dma_wait3A_890 = arith.constant 0 : i32
      %dma_wait3A_891 = tpu.memref_slice %arg3[%dma_wait3A_890] : memref<10000xf32, #tpu.memory_space<hbm>> -> memref<10000xf32, #tpu.memory_space<hbm>>
      tpu.wait_indirect_dma semaphore(%arg27 : memref<!tpu.dma_semaphore, #tpu.memory_space<semaphore_mem>>) src(%dma_wait3A_891 : memref<10000xf32, #tpu.memory_space<hbm>>) dst(%dma_wait3A_886 : memref<64xf32, #tpu.memory_space<vmem>>)
      %dma_wait3A_892 = arith.constant 2 : i32
      %dma_wait3A_893 = arith.constant 2 : i32
      %dma_wait3A_894 = arith.constant 0 : i32
      %dma_wait3A_895 = tpu.memref_slice %arg15[%dma_wait3A_893, %dma_wait3A_894] : memref<4x64xf32, #tpu.memory_space<vmem>> -> memref<1x64xf32, #tpu.memory_space<vmem>>
      %dma_wait3A_896 = tpu.memref_squeeze %dma_wait3A_895 : memref<1x64xf32, #tpu.memory_space<vmem>> -> memref<64xf32, #tpu.memory_space<vmem>>
      %dma_wait3A_897 = arith.constant 0 : i32
      %dma_wait3A_898 = tpu.memref_slice %arg13[%dma_wait3A_892, %dma_wait3A_897] : memref<4x64xi32, #tpu.memory_space<vmem>> -> memref<1x64xi32, #tpu.memory_space<vmem>>
      %dma_wait3A_899 = tpu.memref_squeeze %dma_wait3A_898 : memref<1x64xi32, #tpu.memory_space<vmem>> -> memref<64xi32, #tpu.memory_space<vmem>>
      %dma_wait3A_900 = arith.constant 0 : i32
      %dma_wait3A_901 = tpu.memref_slice %arg4[%dma_wait3A_900] : memref<10000xf32, #tpu.memory_space<hbm>> -> memref<10000xf32, #tpu.memory_space<hbm>>
      tpu.wait_indirect_dma semaphore(%arg27 : memref<!tpu.dma_semaphore, #tpu.memory_space<semaphore_mem>>) src(%dma_wait3A_901 : memref<10000xf32, #tpu.memory_space<hbm>>) dst(%dma_wait3A_896 : memref<64xf32, #tpu.memory_space<vmem>>)
      %add3A_902 = arith.constant 2 : i32
      %add3A_903 = arith.addi %add3A_799, %add3A_902 : i32
      %lt3A_904 = arith.constant 160 : i32
      %lt3A_905 = arith.cmpi slt, %add3A_903, %lt3A_904 : i32
      %convert_element_type3A_906 = arith.extui %lt3A_905 : i1 to i32
      %cond3A_907 = arith.constant 0 : i32
      %cond3A_908 = arith.cmpi ne, %convert_element_type3A_906, %cond3A_907 : i32
      scf.if %cond3A_908 {
        %add3A_1274 = arith.constant 2 : i32
        %add3A_1275 = arith.addi %add3A_799, %add3A_1274 : i32
        %mul3A_1276 = arith.constant 64 : i32
        %mul3A_1277 = arith.muli %add3A_1275, %mul3A_1276 : i32
        %add3A_1278 = arith.addi %mul3A_84, %mul3A_1277 : i32
        %dma_start3A_1279 = arith.constant 0 : i32
        %dma_start3A_1280 = arith.constant 0 : i32
        %dma_start3A_1281 = tpu.memref_slice %arg12[%dma_start3A_1279, %dma_start3A_1280] : memref<4x64xi32, #tpu.memory_space<vmem>> -> memref<1x64xi32, #tpu.memory_space<vmem>>
        %dma_start3A_1282 = tpu.memref_squeeze %dma_start3A_1281 : memref<1x64xi32, #tpu.memory_space<vmem>> -> memref<64xi32, #tpu.memory_space<vmem>>
        %dma_start3A_1283 = tpu.memref_slice %arg5[%add3A_1278] : memref<327680xi32, #tpu.memory_space<hbm>> -> memref<64xi32, #tpu.memory_space<hbm>>
        %dma_start3A_1284 = arith.constant 0 : i32
        %dma_start3A_1285 = tpu.memref_slice %arg12[%dma_start3A_1279, %dma_start3A_1284] : memref<4x64xi32, #tpu.memory_space<vmem>> -> memref<1x64xi32, #tpu.memory_space<vmem>>
        %dma_start3A_1286 = tpu.memref_squeeze %dma_start3A_1285 : memref<1x64xi32, #tpu.memory_space<vmem>> -> memref<64xi32, #tpu.memory_space<vmem>>
        %dma_start3A_1287 = tpu.memref_slice %arg5[%add3A_1278] : memref<327680xi32, #tpu.memory_space<hbm>> -> memref<64xi32, #tpu.memory_space<hbm>>
        tpu.enqueue_dma source(%dma_start3A_1287 : memref<64xi32, #tpu.memory_space<hbm>>) target(%dma_start3A_1286 : memref<64xi32, #tpu.memory_space<vmem>>) target_semaphore(%arg21 : memref<!tpu.dma_semaphore, #tpu.memory_space<semaphore_mem>>)
        %mul3A_1288 = arith.constant 64 : i32
        %mul3A_1289 = arith.muli %add3A_1275, %mul3A_1288 : i32
        %add3A_1290 = arith.addi %mul3A_84, %mul3A_1289 : i32
        %dma_start3A_1291 = arith.constant 0 : i32
        %dma_start3A_1292 = arith.constant 0 : i32
        %dma_start3A_1293 = tpu.memref_slice %arg13[%dma_start3A_1291, %dma_start3A_1292] : memref<4x64xi32, #tpu.memory_space<vmem>> -> memref<1x64xi32, #tpu.memory_space<vmem>>
        %dma_start3A_1294 = tpu.memref_squeeze %dma_start3A_1293 : memref<1x64xi32, #tpu.memory_space<vmem>> -> memref<64xi32, #tpu.memory_space<vmem>>
        %dma_start3A_1295 = tpu.memref_slice %arg6[%add3A_1290] : memref<327680xi32, #tpu.memory_space<hbm>> -> memref<64xi32, #tpu.memory_space<hbm>>
        %dma_start3A_1296 = arith.constant 0 : i32
        %dma_start3A_1297 = tpu.memref_slice %arg13[%dma_start3A_1291, %dma_start3A_1296] : memref<4x64xi32, #tpu.memory_space<vmem>> -> memref<1x64xi32, #tpu.memory_space<vmem>>
        %dma_start3A_1298 = tpu.memref_squeeze %dma_start3A_1297 : memref<1x64xi32, #tpu.memory_space<vmem>> -> memref<64xi32, #tpu.memory_space<vmem>>
        %dma_start3A_1299 = tpu.memref_slice %arg6[%add3A_1290] : memref<327680xi32, #tpu.memory_space<hbm>> -> memref<64xi32, #tpu.memory_space<hbm>>
        tpu.enqueue_dma source(%dma_start3A_1299 : memref<64xi32, #tpu.memory_space<hbm>>) target(%dma_start3A_1298 : memref<64xi32, #tpu.memory_space<vmem>>) target_semaphore(%arg21 : memref<!tpu.dma_semaphore, #tpu.memory_space<semaphore_mem>>)
      } else {
      }
      %get3A_909 = arith.constant 2 : i32
      %get3A_910 = arith.index_cast %get3A_909 : i32 to index
      %get3A_911 = arith.constant 0 : index
      %get3A_912 = tpu.vector_load %arg14[%get3A_910, %get3A_911] {strides = array<i32>} : memref<4x64xf32, #tpu.memory_space<vmem>>, vector<16xf32>,
      %get3A_913 = arith.constant 2 : i32
      %get3A_914 = arith.index_cast %get3A_913 : i32 to index
      %get3A_915 = arith.constant 0 : index
      %get3A_916 = tpu.vector_load %arg15[%get3A_914, %get3A_915] {strides = array<i32>} : memref<4x64xf32, #tpu.memory_space<vmem>>, vector<16xf32>,
      %add3A_917 = arith.addf %get3A_912, %get3A_916 : vector<16xf32>
      %gt3A_918 = arith.constant 0.000000e+00 : f32
      %gt3A_919 = vector.broadcast %gt3A_918 : f32 to vector<16xf32>
      %gt3A_920 = arith.cmpf ogt, %add3A_917, %gt3A_919 : vector<16xf32>
      %mul3A_921 = arith.constant 2.000000e-01 : f32
      %mul3A_922 = vector.broadcast %mul3A_921 : f32 to vector<16xf32>
      %mul3A_923 = arith.mulf %add3A_917, %mul3A_922 : vector<16xf32>
      %select_n3A_924 = arith.select %gt3A_920, %add3A_917, %mul3A_923 : vector<16xi1>, vector<16xf32>
      %sub3A_925 = arith.subf %select_n3A_924, %get3A_80 : vector<16xf32>
      %exp3A_926 = math.exp %sub3A_925 : vector<16xf32>
      %mul3A_927 = arith.constant 64 : i32
      %mul3A_928 = arith.muli %add3A_799, %mul3A_927 : i32
      %add3A_929 = arith.constant 0 : i32
      %add3A_930 = arith.addi %mul3A_928, %add3A_929 : i32
      %iota3A_931 = tpu.iota {dimensions = array<i32: 0>} : vector<16xi32>
      %add3A_932 = vector.broadcast %add3A_930 : i32 to vector<16xi32>
      %add3A_933 = arith.addi %add3A_932, %iota3A_931 : vector<16xi32>
      %lt3A_934 = arith.constant 10000 : i32
      %lt3A_935 = vector.broadcast %lt3A_934 : i32 to vector<16xi32>
      %lt3A_936 = arith.cmpi slt, %add3A_933, %lt3A_935 : vector<16xi32>
      %jit3A_937 = arith.constant 0.000000e+00 : f32
      %broadcast_in_dim3A_938 = vector.broadcast %jit3A_937 : f32 to vector<16xf32>
      %select_n3A_939 = arith.select %lt3A_936, %exp3A_926, %broadcast_in_dim3A_938 : vector<16xi1>, vector<16xf32>
      %swap3A_940 = arith.constant 128 : index
      %swap3A_941 = tpu.vector_load %arg16[%swap3A_940] {strides = array<i32>} : memref<256xf32, #tpu.memory_space<vmem>>, vector<16xf32>,
      tpu.vector_store %arg16[%swap3A_940], %select_n3A_939 {strides = array<i32>} : memref<256xf32, #tpu.memory_space<vmem>>, vector<16xf32>,
      %get3A_942 = arith.constant 2 : i32
      %get3A_943 = arith.index_cast %get3A_942 : i32 to index
      %get3A_944 = arith.constant 16 : index
      %get3A_945 = tpu.vector_load %arg14[%get3A_943, %get3A_944] {strides = array<i32>} : memref<4x64xf32, #tpu.memory_space<vmem>>, vector<16xf32>,
      %get3A_946 = arith.constant 2 : i32
      %get3A_947 = arith.index_cast %get3A_946 : i32 to index
      %get3A_948 = arith.constant 16 : index
      %get3A_949 = tpu.vector_load %arg15[%get3A_947, %get3A_948] {strides = array<i32>} : memref<4x64xf32, #tpu.memory_space<vmem>>, vector<16xf32>,
      %add3A_950 = arith.addf %get3A_945, %get3A_949 : vector<16xf32>
      %gt3A_951 = arith.constant 0.000000e+00 : f32
      %gt3A_952 = vector.broadcast %gt3A_951 : f32 to vector<16xf32>
      %gt3A_953 = arith.cmpf ogt, %add3A_950, %gt3A_952 : vector<16xf32>
      %mul3A_954 = arith.constant 2.000000e-01 : f32
      %mul3A_955 = vector.broadcast %mul3A_954 : f32 to vector<16xf32>
      %mul3A_956 = arith.mulf %add3A_950, %mul3A_955 : vector<16xf32>
      %select_n3A_957 = arith.select %gt3A_953, %add3A_950, %mul3A_956 : vector<16xi1>, vector<16xf32>
      %sub3A_958 = arith.subf %select_n3A_957, %get3A_80 : vector<16xf32>
      %exp3A_959 = math.exp %sub3A_958 : vector<16xf32>
      %mul3A_960 = arith.constant 64 : i32
      %mul3A_961 = arith.muli %add3A_799, %mul3A_960 : i32
      %add3A_962 = arith.constant 16 : i32
      %add3A_963 = arith.addi %mul3A_961, %add3A_962 : i32
      %iota3A_964 = tpu.iota {dimensions = array<i32: 0>} : vector<16xi32>
      %add3A_965 = vector.broadcast %add3A_963 : i32 to vector<16xi32>
      %add3A_966 = arith.addi %add3A_965, %iota3A_964 : vector<16xi32>
      %lt3A_967 = arith.constant 10000 : i32
      %lt3A_968 = vector.broadcast %lt3A_967 : i32 to vector<16xi32>
      %lt3A_969 = arith.cmpi slt, %add3A_966, %lt3A_968 : vector<16xi32>
      %jit3A_970 = arith.constant 0.000000e+00 : f32
      %broadcast_in_dim3A_971 = vector.broadcast %jit3A_970 : f32 to vector<16xf32>
      %select_n3A_972 = arith.select %lt3A_969, %exp3A_959, %broadcast_in_dim3A_971 : vector<16xi1>, vector<16xf32>
      %swap3A_973 = arith.constant 144 : index
      %swap3A_974 = tpu.vector_load %arg16[%swap3A_973] {strides = array<i32>} : memref<256xf32, #tpu.memory_space<vmem>>, vector<16xf32>,
      tpu.vector_store %arg16[%swap3A_973], %select_n3A_972 {strides = array<i32>} : memref<256xf32, #tpu.memory_space<vmem>>, vector<16xf32>,
      %get3A_975 = arith.constant 2 : i32
      %get3A_976 = arith.index_cast %get3A_975 : i32 to index
      %get3A_977 = arith.constant 32 : index
      %get3A_978 = tpu.vector_load %arg14[%get3A_976, %get3A_977] {strides = array<i32>} : memref<4x64xf32, #tpu.memory_space<vmem>>, vector<16xf32>,
      %get3A_979 = arith.constant 2 : i32
      %get3A_980 = arith.index_cast %get3A_979 : i32 to index
      %get3A_981 = arith.constant 32 : index
      %get3A_982 = tpu.vector_load %arg15[%get3A_980, %get3A_981] {strides = array<i32>} : memref<4x64xf32, #tpu.memory_space<vmem>>, vector<16xf32>,
      %add3A_983 = arith.addf %get3A_978, %get3A_982 : vector<16xf32>
      %gt3A_984 = arith.constant 0.000000e+00 : f32
      %gt3A_985 = vector.broadcast %gt3A_984 : f32 to vector<16xf32>
      %gt3A_986 = arith.cmpf ogt, %add3A_983, %gt3A_985 : vector<16xf32>
      %mul3A_987 = arith.constant 2.000000e-01 : f32
      %mul3A_988 = vector.broadcast %mul3A_987 : f32 to vector<16xf32>
      %mul3A_989 = arith.mulf %add3A_983, %mul3A_988 : vector<16xf32>
      %select_n3A_990 = arith.select %gt3A_986, %add3A_983, %mul3A_989 : vector<16xi1>, vector<16xf32>
      %sub3A_991 = arith.subf %select_n3A_990, %get3A_80 : vector<16xf32>
      %exp3A_992 = math.exp %sub3A_991 : vector<16xf32>
      %mul3A_993 = arith.constant 64 : i32
      %mul3A_994 = arith.muli %add3A_799, %mul3A_993 : i32
      %add3A_995 = arith.constant 32 : i32
      %add3A_996 = arith.addi %mul3A_994, %add3A_995 : i32
      %iota3A_997 = tpu.iota {dimensions = array<i32: 0>} : vector<16xi32>
      %add3A_998 = vector.broadcast %add3A_996 : i32 to vector<16xi32>
      %add3A_999 = arith.addi %add3A_998, %iota3A_997 : vector<16xi32>
      %lt3A_1000 = arith.constant 10000 : i32
      %lt3A_1001 = vector.broadcast %lt3A_1000 : i32 to vector<16xi32>
      %lt3A_1002 = arith.cmpi slt, %add3A_999, %lt3A_1001 : vector<16xi32>
      %jit3A_1003 = arith.constant 0.000000e+00 : f32
      %broadcast_in_dim3A_1004 = vector.broadcast %jit3A_1003 : f32 to vector<16xf32>
      %select_n3A_1005 = arith.select %lt3A_1002, %exp3A_992, %broadcast_in_dim3A_1004 : vector<16xi1>, vector<16xf32>
      %swap3A_1006 = arith.constant 160 : index
      %swap3A_1007 = tpu.vector_load %arg16[%swap3A_1006] {strides = array<i32>} : memref<256xf32, #tpu.memory_space<vmem>>, vector<16xf32>,
      tpu.vector_store %arg16[%swap3A_1006], %select_n3A_1005 {strides = array<i32>} : memref<256xf32, #tpu.memory_space<vmem>>, vector<16xf32>,
      %get3A_1008 = arith.constant 2 : i32
      %get3A_1009 = arith.index_cast %get3A_1008 : i32 to index
      %get3A_1010 = arith.constant 48 : index
      %get3A_1011 = tpu.vector_load %arg14[%get3A_1009, %get3A_1010] {strides = array<i32>} : memref<4x64xf32, #tpu.memory_space<vmem>>, vector<16xf32>,
      %get3A_1012 = arith.constant 2 : i32
      %get3A_1013 = arith.index_cast %get3A_1012 : i32 to index
      %get3A_1014 = arith.constant 48 : index
      %get3A_1015 = tpu.vector_load %arg15[%get3A_1013, %get3A_1014] {strides = array<i32>} : memref<4x64xf32, #tpu.memory_space<vmem>>, vector<16xf32>,
      %add3A_1016 = arith.addf %get3A_1011, %get3A_1015 : vector<16xf32>
      %gt3A_1017 = arith.constant 0.000000e+00 : f32
      %gt3A_1018 = vector.broadcast %gt3A_1017 : f32 to vector<16xf32>
      %gt3A_1019 = arith.cmpf ogt, %add3A_1016, %gt3A_1018 : vector<16xf32>
      %mul3A_1020 = arith.constant 2.000000e-01 : f32
      %mul3A_1021 = vector.broadcast %mul3A_1020 : f32 to vector<16xf32>
      %mul3A_1022 = arith.mulf %add3A_1016, %mul3A_1021 : vector<16xf32>
      %select_n3A_1023 = arith.select %gt3A_1019, %add3A_1016, %mul3A_1022 : vector<16xi1>, vector<16xf32>
      %sub3A_1024 = arith.subf %select_n3A_1023, %get3A_80 : vector<16xf32>
      %exp3A_1025 = math.exp %sub3A_1024 : vector<16xf32>
      %mul3A_1026 = arith.constant 64 : i32
      %mul3A_1027 = arith.muli %add3A_799, %mul3A_1026 : i32
      %add3A_1028 = arith.constant 48 : i32
      %add3A_1029 = arith.addi %mul3A_1027, %add3A_1028 : i32
      %iota3A_1030 = tpu.iota {dimensions = array<i32: 0>} : vector<16xi32>
      %add3A_1031 = vector.broadcast %add3A_1029 : i32 to vector<16xi32>
      %add3A_1032 = arith.addi %add3A_1031, %iota3A_1030 : vector<16xi32>
      %lt3A_1033 = arith.constant 10000 : i32
      %lt3A_1034 = vector.broadcast %lt3A_1033 : i32 to vector<16xi32>
      %lt3A_1035 = arith.cmpi slt, %add3A_1032, %lt3A_1034 : vector<16xi32>
      %jit3A_1036 = arith.constant 0.000000e+00 : f32
      %broadcast_in_dim3A_1037 = vector.broadcast %jit3A_1036 : f32 to vector<16xf32>
      %select_n3A_1038 = arith.select %lt3A_1035, %exp3A_1025, %broadcast_in_dim3A_1037 : vector<16xi1>, vector<16xf32>
      %swap3A_1039 = arith.constant 176 : index
      %swap3A_1040 = tpu.vector_load %arg16[%swap3A_1039] {strides = array<i32>} : memref<256xf32, #tpu.memory_space<vmem>>, vector<16xf32>,
      tpu.vector_store %arg16[%swap3A_1039], %select_n3A_1038 {strides = array<i32>} : memref<256xf32, #tpu.memory_space<vmem>>, vector<16xf32>,
      %run_scoped3A_1041 = arith.constant 2 : i32
      "tpu.region"() ({
        %run_scoped3A_1274 = tpu.sem_alloc : memref<!tpu.dma_semaphore, #tpu.memory_space<semaphore_mem>>
        %dma_start3A_1275 = arith.constant 128 : i32
        %dma_start3A_1276 = tpu.memref_slice %arg16[%dma_start3A_1275] : memref<256xf32, #tpu.memory_space<vmem>> -> memref<64xf32, #tpu.memory_space<vmem>>
        %dma_start3A_1277 = arith.constant 0 : i32
        %dma_start3A_1278 = tpu.memref_slice %arg13[%run_scoped3A_1041, %dma_start3A_1277] : memref<4x64xi32, #tpu.memory_space<vmem>> -> memref<1x64xi32, #tpu.memory_space<vmem>>
        %dma_start3A_1279 = tpu.memref_squeeze %dma_start3A_1278 : memref<1x64xi32, #tpu.memory_space<vmem>> -> memref<64xi32, #tpu.memory_space<vmem>>
        %dma_start3A_1280 = arith.constant 0 : i32
        %dma_start3A_1281 = tpu.memref_slice %arg20[%dma_start3A_1280] : memref<10000xf32, #tpu.memory_space<vmem_shared>> -> memref<10000xf32, #tpu.memory_space<vmem_shared>>
        tpu.enqueue_indirect_dma source(%dma_start3A_1276 : memref<64xf32, #tpu.memory_space<vmem>>) target(%dma_start3A_1281 : memref<10000xf32, #tpu.memory_space<vmem_shared>>) offsets(%dma_start3A_1279 : memref<64xi32, #tpu.memory_space<vmem>>) semaphore(%run_scoped3A_1274 : memref<!tpu.dma_semaphore, #tpu.memory_space<semaphore_mem>>) {add = true}
        %dma_wait3A_1282 = arith.constant 128 : i32
        %dma_wait3A_1283 = tpu.memref_slice %arg16[%dma_wait3A_1282] : memref<256xf32, #tpu.memory_space<vmem>> -> memref<64xf32, #tpu.memory_space<vmem>>
        %dma_wait3A_1284 = arith.constant 0 : i32
        %dma_wait3A_1285 = tpu.memref_slice %arg13[%run_scoped3A_1041, %dma_wait3A_1284] : memref<4x64xi32, #tpu.memory_space<vmem>> -> memref<1x64xi32, #tpu.memory_space<vmem>>
        %dma_wait3A_1286 = tpu.memref_squeeze %dma_wait3A_1285 : memref<1x64xi32, #tpu.memory_space<vmem>> -> memref<64xi32, #tpu.memory_space<vmem>>
        %dma_wait3A_1287 = arith.constant 0 : i32
        %dma_wait3A_1288 = tpu.memref_slice %arg20[%dma_wait3A_1287] : memref<10000xf32, #tpu.memory_space<vmem_shared>> -> memref<10000xf32, #tpu.memory_space<vmem_shared>>
        tpu.wait_indirect_dma semaphore(%run_scoped3A_1274 : memref<!tpu.dma_semaphore, #tpu.memory_space<semaphore_mem>>) src(%dma_wait3A_1283 : memref<64xf32, #tpu.memory_space<vmem>>) dst(%dma_wait3A_1288 : memref<10000xf32, #tpu.memory_space<vmem_shared>>)
        tpu.yield
      }) : () -> ()
      %scan3A_1042 = arith.constant 0 : i32
      %scan3A_1043 = arith.constant 64 : i32
      %scan3A_1044 = arith.addi %scan3A_1042, %scan3A_1043 : i32
      %scan3A_1045 = arith.constant 1 : i32
      scf.for %scan3A_1274 = %scan3A_1042 to %scan3A_1044 step %scan3A_1045  : i32 {
        %mul3A_1275 = arith.constant 1 : i32
        %mul3A_1276 = arith.muli %scan3A_1274, %mul3A_1275 : i32
        %add3A_1277 = arith.constant 0 : i32
        %add3A_1278 = arith.addi %add3A_1277, %mul3A_1276 : i32
        %add3A_1279 = arith.constant 128 : i32
        %add3A_1280 = arith.addi %add3A_1279, %add3A_1278 : i32
        %broadcast_in_dim3A_1281 = vector.broadcast %add3A_1280 : i32 to vector<16xi32>
        %gather3A = tpu.vector_load_idx %arg16[%broadcast_in_dim3A_1281] : memref<256xf32, #tpu.memory_space<vmem>>[vector<16xi32>], vector<16xf32>,
        %get3A_1282 = arith.constant 2 : i32
        %get3A_1283 = arith.index_cast %get3A_1282 : i32 to index
        %get3A_1284 = arith.index_cast %add3A_1278 : i32 to index
        %get3A_1285 = arith.constant 0 : index
        %get3A_1286 = tpu.vector_load %arg17[%get3A_1283, %get3A_1284, %get3A_1285] {strides = array<i32>} : memref<4x64x64xi32, #tpu.memory_space<vmem>>, vector<16xi32>,
        %bitcast3A = vector.bitcast %get3A_1286 : vector<16xi32> to vector<32xbf16>
        %unpack3A = tpu.unpack_subelements %bitcast3A, 0 {pack_format = #tpu.pack_format<interleaved>} : vector<32xbf16> -> vector<16xf32>
        %unpack3A_1287 = tpu.unpack_subelements %bitcast3A, 1 {pack_format = #tpu.pack_format<interleaved>} : vector<32xbf16> -> vector<16xf32>
        %mul3A_1288 = arith.mulf %unpack3A, %gather3A : vector<16xf32>
        %swap3A_1289 = arith.constant 2 : i32
        %swap3A_1290 = arith.index_cast %swap3A_1289 : i32 to index
        %swap3A_1291 = arith.index_cast %add3A_1278 : i32 to index
        %swap3A_1292 = arith.constant 0 : index
        %swap3A_1293 = tpu.vector_load %arg18[%swap3A_1290, %swap3A_1291, %swap3A_1292] {strides = array<i32>} : memref<4x64x128xf32, #tpu.memory_space<vmem>>, vector<16xf32>,
        tpu.vector_store %arg18[%swap3A_1290, %swap3A_1291, %swap3A_1292], %mul3A_1288 {strides = array<i32>} : memref<4x64x128xf32, #tpu.memory_space<vmem>>, vector<16xf32>,
        %mul3A_1294 = arith.mulf %unpack3A_1287, %gather3A : vector<16xf32>
        %swap3A_1295 = arith.constant 2 : i32
        %swap3A_1296 = arith.index_cast %swap3A_1295 : i32 to index
        %swap3A_1297 = arith.index_cast %add3A_1278 : i32 to index
        %swap3A_1298 = arith.constant 16 : index
        %swap3A_1299 = tpu.vector_load %arg18[%swap3A_1296, %swap3A_1297, %swap3A_1298] {strides = array<i32>} : memref<4x64x128xf32, #tpu.memory_space<vmem>>, vector<16xf32>,
        tpu.vector_store %arg18[%swap3A_1296, %swap3A_1297, %swap3A_1298], %mul3A_1294 {strides = array<i32>} : memref<4x64x128xf32, #tpu.memory_space<vmem>>, vector<16xf32>,
        %get3A_1300 = arith.constant 2 : i32
        %get3A_1301 = arith.index_cast %get3A_1300 : i32 to index
        %get3A_1302 = arith.index_cast %add3A_1278 : i32 to index
        %get3A_1303 = arith.constant 16 : index
        %get3A_1304 = tpu.vector_load %arg17[%get3A_1301, %get3A_1302, %get3A_1303] {strides = array<i32>} : memref<4x64x64xi32, #tpu.memory_space<vmem>>, vector<16xi32>,
        %bitcast3A_1305 = vector.bitcast %get3A_1304 : vector<16xi32> to vector<32xbf16>
        %unpack3A_1306 = tpu.unpack_subelements %bitcast3A_1305, 0 {pack_format = #tpu.pack_format<interleaved>} : vector<32xbf16> -> vector<16xf32>
        %unpack3A_1307 = tpu.unpack_subelements %bitcast3A_1305, 1 {pack_format = #tpu.pack_format<interleaved>} : vector<32xbf16> -> vector<16xf32>
        %mul3A_1308 = arith.mulf %unpack3A_1306, %gather3A : vector<16xf32>
        %swap3A_1309 = arith.constant 2 : i32
        %swap3A_1310 = arith.index_cast %swap3A_1309 : i32 to index
        %swap3A_1311 = arith.index_cast %add3A_1278 : i32 to index
        %swap3A_1312 = arith.constant 32 : index
        %swap3A_1313 = tpu.vector_load %arg18[%swap3A_1310, %swap3A_1311, %swap3A_1312] {strides = array<i32>} : memref<4x64x128xf32, #tpu.memory_space<vmem>>, vector<16xf32>,
        tpu.vector_store %arg18[%swap3A_1310, %swap3A_1311, %swap3A_1312], %mul3A_1308 {strides = array<i32>} : memref<4x64x128xf32, #tpu.memory_space<vmem>>, vector<16xf32>,
        %mul3A_1314 = arith.mulf %unpack3A_1307, %gather3A : vector<16xf32>
        %swap3A_1315 = arith.constant 2 : i32
        %swap3A_1316 = arith.index_cast %swap3A_1315 : i32 to index
        %swap3A_1317 = arith.index_cast %add3A_1278 : i32 to index
        %swap3A_1318 = arith.constant 48 : index
        %swap3A_1319 = tpu.vector_load %arg18[%swap3A_1316, %swap3A_1317, %swap3A_1318] {strides = array<i32>} : memref<4x64x128xf32, #tpu.memory_space<vmem>>, vector<16xf32>,
        tpu.vector_store %arg18[%swap3A_1316, %swap3A_1317, %swap3A_1318], %mul3A_1314 {strides = array<i32>} : memref<4x64x128xf32, #tpu.memory_space<vmem>>, vector<16xf32>,
        %get3A_1320 = arith.constant 2 : i32
        %get3A_1321 = arith.index_cast %get3A_1320 : i32 to index
        %get3A_1322 = arith.index_cast %add3A_1278 : i32 to index
        %get3A_1323 = arith.constant 32 : index
        %get3A_1324 = tpu.vector_load %arg17[%get3A_1321, %get3A_1322, %get3A_1323] {strides = array<i32>} : memref<4x64x64xi32, #tpu.memory_space<vmem>>, vector<16xi32>,
        %bitcast3A_1325 = vector.bitcast %get3A_1324 : vector<16xi32> to vector<32xbf16>
        %unpack3A_1326 = tpu.unpack_subelements %bitcast3A_1325, 0 {pack_format = #tpu.pack_format<interleaved>} : vector<32xbf16> -> vector<16xf32>
        %unpack3A_1327 = tpu.unpack_subelements %bitcast3A_1325, 1 {pack_format = #tpu.pack_format<interleaved>} : vector<32xbf16> -> vector<16xf32>
        %mul3A_1328 = arith.mulf %unpack3A_1326, %gather3A : vector<16xf32>
        %swap3A_1329 = arith.constant 2 : i32
        %swap3A_1330 = arith.index_cast %swap3A_1329 : i32 to index
        %swap3A_1331 = arith.index_cast %add3A_1278 : i32 to index
        %swap3A_1332 = arith.constant 64 : index
        %swap3A_1333 = tpu.vector_load %arg18[%swap3A_1330, %swap3A_1331, %swap3A_1332] {strides = array<i32>} : memref<4x64x128xf32, #tpu.memory_space<vmem>>, vector<16xf32>,
        tpu.vector_store %arg18[%swap3A_1330, %swap3A_1331, %swap3A_1332], %mul3A_1328 {strides = array<i32>} : memref<4x64x128xf32, #tpu.memory_space<vmem>>, vector<16xf32>,
        %mul3A_1334 = arith.mulf %unpack3A_1327, %gather3A : vector<16xf32>
        %swap3A_1335 = arith.constant 2 : i32
        %swap3A_1336 = arith.index_cast %swap3A_1335 : i32 to index
        %swap3A_1337 = arith.index_cast %add3A_1278 : i32 to index
        %swap3A_1338 = arith.constant 80 : index
        %swap3A_1339 = tpu.vector_load %arg18[%swap3A_1336, %swap3A_1337, %swap3A_1338] {strides = array<i32>} : memref<4x64x128xf32, #tpu.memory_space<vmem>>, vector<16xf32>,
        tpu.vector_store %arg18[%swap3A_1336, %swap3A_1337, %swap3A_1338], %mul3A_1334 {strides = array<i32>} : memref<4x64x128xf32, #tpu.memory_space<vmem>>, vector<16xf32>,
        %get3A_1340 = arith.constant 2 : i32
        %get3A_1341 = arith.index_cast %get3A_1340 : i32 to index
        %get3A_1342 = arith.index_cast %add3A_1278 : i32 to index
        %get3A_1343 = arith.constant 48 : index
        %get3A_1344 = tpu.vector_load %arg17[%get3A_1341, %get3A_1342, %get3A_1343] {strides = array<i32>} : memref<4x64x64xi32, #tpu.memory_space<vmem>>, vector<16xi32>,
        %bitcast3A_1345 = vector.bitcast %get3A_1344 : vector<16xi32> to vector<32xbf16>
        %unpack3A_1346 = tpu.unpack_subelements %bitcast3A_1345, 0 {pack_format = #tpu.pack_format<interleaved>} : vector<32xbf16> -> vector<16xf32>
        %unpack3A_1347 = tpu.unpack_subelements %bitcast3A_1345, 1 {pack_format = #tpu.pack_format<interleaved>} : vector<32xbf16> -> vector<16xf32>
        %mul3A_1348 = arith.mulf %unpack3A_1346, %gather3A : vector<16xf32>
        %swap3A_1349 = arith.constant 2 : i32
        %swap3A_1350 = arith.index_cast %swap3A_1349 : i32 to index
        %swap3A_1351 = arith.index_cast %add3A_1278 : i32 to index
        %swap3A_1352 = arith.constant 96 : index
        %swap3A_1353 = tpu.vector_load %arg18[%swap3A_1350, %swap3A_1351, %swap3A_1352] {strides = array<i32>} : memref<4x64x128xf32, #tpu.memory_space<vmem>>, vector<16xf32>,
        tpu.vector_store %arg18[%swap3A_1350, %swap3A_1351, %swap3A_1352], %mul3A_1348 {strides = array<i32>} : memref<4x64x128xf32, #tpu.memory_space<vmem>>, vector<16xf32>,
        %mul3A_1354 = arith.mulf %unpack3A_1347, %gather3A : vector<16xf32>
        %swap3A_1355 = arith.constant 2 : i32
        %swap3A_1356 = arith.index_cast %swap3A_1355 : i32 to index
        %swap3A_1357 = arith.index_cast %add3A_1278 : i32 to index
        %swap3A_1358 = arith.constant 112 : index
        %swap3A_1359 = tpu.vector_load %arg18[%swap3A_1356, %swap3A_1357, %swap3A_1358] {strides = array<i32>} : memref<4x64x128xf32, #tpu.memory_space<vmem>>, vector<16xf32>,
        tpu.vector_store %arg18[%swap3A_1356, %swap3A_1357, %swap3A_1358], %mul3A_1354 {strides = array<i32>} : memref<4x64x128xf32, #tpu.memory_space<vmem>>, vector<16xf32>,
      }
      %scan3A_1046 = arith.constant 64 : i32
      %dma_start3A_1047 = arith.constant 2 : i32
      %dma_start3A_1048 = arith.constant 2 : i32
      %dma_start3A_1049 = arith.constant 0 : i32
      %dma_start3A_1050 = arith.constant 0 : i32
      %dma_start3A_1051 = tpu.memref_slice %arg18[%dma_start3A_1047, %dma_start3A_1049, %dma_start3A_1050] : memref<4x64x128xf32, #tpu.memory_space<vmem>> -> memref<1x64x128xf32, #tpu.memory_space<vmem>>
      %dma_start3A_1052 = tpu.memref_squeeze %dma_start3A_1051 : memref<1x64x128xf32, #tpu.memory_space<vmem>> -> memref<64x128xf32, #tpu.memory_space<vmem>>
      %dma_start3A_1053 = arith.constant 0 : i32
      %dma_start3A_1054 = tpu.memref_slice %arg13[%dma_start3A_1048, %dma_start3A_1053] : memref<4x64xi32, #tpu.memory_space<vmem>> -> memref<1x64xi32, #tpu.memory_space<vmem>>
      %dma_start3A_1055 = tpu.memref_squeeze %dma_start3A_1054 : memref<1x64xi32, #tpu.memory_space<vmem>> -> memref<64xi32, #tpu.memory_space<vmem>>
      %dma_start3A_1056 = arith.constant 0 : i32
      %dma_start3A_1057 = arith.constant 0 : i32
      %dma_start3A_1058 = tpu.memref_slice %arg19[%dma_start3A_1056, %dma_start3A_1057] : memref<10000x128xf32, #tpu.memory_space<vmem_shared>> -> memref<10000x128xf32, #tpu.memory_space<vmem_shared>>
      tpu.enqueue_indirect_dma source(%dma_start3A_1052 : memref<64x128xf32, #tpu.memory_space<vmem>>) target(%dma_start3A_1058 : memref<10000x128xf32, #tpu.memory_space<vmem_shared>>) offsets(%dma_start3A_1055 : memref<64xi32, #tpu.memory_space<vmem>>) semaphore(%arg31 : memref<!tpu.dma_semaphore, #tpu.memory_space<semaphore_mem>>) {add = true}
      %mul3A_1059 = arith.constant 4 : i32
      %mul3A_1060 = arith.muli %add3A_252, %mul3A_1059 : i32
      %add3A_1061 = arith.constant 3 : i32
      %add3A_1062 = arith.addi %mul3A_1060, %add3A_1061 : i32
      %lt3A_1063 = arith.constant 39 : i32
      %lt3A_1064 = arith.cmpi slt, %add3A_252, %lt3A_1063 : i32
      %convert_element_type3A_1065 = arith.extui %lt3A_1064 : i1 to i32
      %cond3A_1066 = arith.constant 0 : i32
      %cond3A_1067 = arith.cmpi ne, %convert_element_type3A_1065, %cond3A_1066 : i32
      scf.if %cond3A_1067 {
        %add3A_1274 = arith.constant 1 : i32
        %add3A_1275 = arith.addi %add3A_1062, %add3A_1274 : i32
        %mul3A_1276 = arith.constant 64 : i32
        %mul3A_1277 = arith.muli %add3A_1275, %mul3A_1276 : i32
        %add3A_1278 = arith.addi %mul3A_84, %mul3A_1277 : i32
        %dma_wait3A_1279 = arith.constant 0 : i32
        %dma_wait3A_1280 = arith.constant 0 : i32
        %dma_wait3A_1281 = tpu.memref_slice %arg12[%dma_wait3A_1279, %dma_wait3A_1280] : memref<4x64xi32, #tpu.memory_space<vmem>> -> memref<1x64xi32, #tpu.memory_space<vmem>>
        %dma_wait3A_1282 = tpu.memref_squeeze %dma_wait3A_1281 : memref<1x64xi32, #tpu.memory_space<vmem>> -> memref<64xi32, #tpu.memory_space<vmem>>
        %dma_wait3A_1283 = tpu.memref_slice %arg5[%add3A_1278] : memref<327680xi32, #tpu.memory_space<hbm>> -> memref<64xi32, #tpu.memory_space<hbm>>
        %dma_wait3A_1284 = arith.constant 0 : i32
        %dma_wait3A_1285 = tpu.memref_slice %arg12[%dma_wait3A_1279, %dma_wait3A_1284] : memref<4x64xi32, #tpu.memory_space<vmem>> -> memref<1x64xi32, #tpu.memory_space<vmem>>
        %dma_wait3A_1286 = tpu.memref_squeeze %dma_wait3A_1285 : memref<1x64xi32, #tpu.memory_space<vmem>> -> memref<64xi32, #tpu.memory_space<vmem>>
        %dma_wait3A_1287 = tpu.memref_slice %arg5[%add3A_1278] : memref<327680xi32, #tpu.memory_space<hbm>> -> memref<64xi32, #tpu.memory_space<hbm>>
        tpu.wait_dma2 semaphore(%arg21 : memref<!tpu.dma_semaphore, #tpu.memory_space<semaphore_mem>>) src(%dma_wait3A_1287 : memref<64xi32, #tpu.memory_space<hbm>>) dst(%dma_wait3A_1286 : memref<64xi32, #tpu.memory_space<vmem>>)
        %mul3A_1288 = arith.constant 64 : i32
        %mul3A_1289 = arith.muli %add3A_1275, %mul3A_1288 : i32
        %add3A_1290 = arith.addi %mul3A_84, %mul3A_1289 : i32
        %dma_wait3A_1291 = arith.constant 0 : i32
        %dma_wait3A_1292 = arith.constant 0 : i32
        %dma_wait3A_1293 = tpu.memref_slice %arg13[%dma_wait3A_1291, %dma_wait3A_1292] : memref<4x64xi32, #tpu.memory_space<vmem>> -> memref<1x64xi32, #tpu.memory_space<vmem>>
        %dma_wait3A_1294 = tpu.memref_squeeze %dma_wait3A_1293 : memref<1x64xi32, #tpu.memory_space<vmem>> -> memref<64xi32, #tpu.memory_space<vmem>>
        %dma_wait3A_1295 = tpu.memref_slice %arg6[%add3A_1290] : memref<327680xi32, #tpu.memory_space<hbm>> -> memref<64xi32, #tpu.memory_space<hbm>>
        %dma_wait3A_1296 = arith.constant 0 : i32
        %dma_wait3A_1297 = tpu.memref_slice %arg13[%dma_wait3A_1291, %dma_wait3A_1296] : memref<4x64xi32, #tpu.memory_space<vmem>> -> memref<1x64xi32, #tpu.memory_space<vmem>>
        %dma_wait3A_1298 = tpu.memref_squeeze %dma_wait3A_1297 : memref<1x64xi32, #tpu.memory_space<vmem>> -> memref<64xi32, #tpu.memory_space<vmem>>
        %dma_wait3A_1299 = tpu.memref_slice %arg6[%add3A_1290] : memref<327680xi32, #tpu.memory_space<hbm>> -> memref<64xi32, #tpu.memory_space<hbm>>
        tpu.wait_dma2 semaphore(%arg21 : memref<!tpu.dma_semaphore, #tpu.memory_space<semaphore_mem>>) src(%dma_wait3A_1299 : memref<64xi32, #tpu.memory_space<hbm>>) dst(%dma_wait3A_1298 : memref<64xi32, #tpu.memory_space<vmem>>)
      } else {
      }
      %dma_wait3A_1068 = arith.constant 1 : i32
      %dma_wait3A_1069 = arith.constant 1 : i32
      %dma_wait3A_1070 = arith.constant 0 : i32
      %dma_wait3A_1071 = arith.constant 0 : i32
      %dma_wait3A_1072 = tpu.memref_slice %arg18[%dma_wait3A_1068, %dma_wait3A_1070, %dma_wait3A_1071] : memref<4x64x128xf32, #tpu.memory_space<vmem>> -> memref<1x64x128xf32, #tpu.memory_space<vmem>>
      %dma_wait3A_1073 = tpu.memref_squeeze %dma_wait3A_1072 : memref<1x64x128xf32, #tpu.memory_space<vmem>> -> memref<64x128xf32, #tpu.memory_space<vmem>>
      %dma_wait3A_1074 = arith.constant 0 : i32
      %dma_wait3A_1075 = tpu.memref_slice %arg13[%dma_wait3A_1069, %dma_wait3A_1074] : memref<4x64xi32, #tpu.memory_space<vmem>> -> memref<1x64xi32, #tpu.memory_space<vmem>>
      %dma_wait3A_1076 = tpu.memref_squeeze %dma_wait3A_1075 : memref<1x64xi32, #tpu.memory_space<vmem>> -> memref<64xi32, #tpu.memory_space<vmem>>
      %dma_wait3A_1077 = arith.constant 0 : i32
      %dma_wait3A_1078 = arith.constant 0 : i32
      %dma_wait3A_1079 = tpu.memref_slice %arg19[%dma_wait3A_1077, %dma_wait3A_1078] : memref<10000x128xf32, #tpu.memory_space<vmem_shared>> -> memref<10000x128xf32, #tpu.memory_space<vmem_shared>>
      tpu.wait_indirect_dma semaphore(%arg30 : memref<!tpu.dma_semaphore, #tpu.memory_space<semaphore_mem>>) src(%dma_wait3A_1073 : memref<64x128xf32, #tpu.memory_space<vmem>>) dst(%dma_wait3A_1079 : memref<10000x128xf32, #tpu.memory_space<vmem_shared>>)
      %lt3A_1080 = arith.constant 39 : i32
      %lt3A_1081 = arith.cmpi slt, %add3A_252, %lt3A_1080 : i32
      %convert_element_type3A_1082 = arith.extui %lt3A_1081 : i1 to i32
      %cond3A_1083 = arith.constant 0 : i32
      %cond3A_1084 = arith.cmpi ne, %convert_element_type3A_1082, %cond3A_1083 : i32
      scf.if %cond3A_1084 {
        %dma_start3A_1274 = arith.constant 0 : i32
        %dma_start3A_1275 = arith.constant 0 : i32
        %dma_start3A_1276 = arith.constant 0 : i32
        %dma_start3A_1277 = arith.constant 0 : i32
        %dma_start3A_1278 = tpu.memref_slice %arg17[%dma_start3A_1275, %dma_start3A_1276, %dma_start3A_1277] : memref<4x64x64xi32, #tpu.memory_space<vmem>> -> memref<1x64x64xi32, #tpu.memory_space<vmem>>
        %dma_start3A_1279 = tpu.memref_squeeze %dma_start3A_1278 : memref<1x64x64xi32, #tpu.memory_space<vmem>> -> memref<64x64xi32, #tpu.memory_space<vmem>>
        %dma_start3A_1280 = arith.constant 0 : i32
        %dma_start3A_1281 = tpu.memref_slice %arg12[%dma_start3A_1274, %dma_start3A_1280] : memref<4x64xi32, #tpu.memory_space<vmem>> -> memref<1x64xi32, #tpu.memory_space<vmem>>
        %dma_start3A_1282 = tpu.memref_squeeze %dma_start3A_1281 : memref<1x64xi32, #tpu.memory_space<vmem>> -> memref<64xi32, #tpu.memory_space<vmem>>
        %dma_start3A_1283 = arith.constant 0 : i32
        %dma_start3A_1284 = arith.constant 0 : i32
        %dma_start3A_1285 = tpu.memref_slice %arg2[%dma_start3A_1283, %dma_start3A_1284] : memref<10000x64xi32, #tpu.memory_space<hbm>> -> memref<10000x64xi32, #tpu.memory_space<hbm>>
        tpu.enqueue_indirect_dma source(%dma_start3A_1285 : memref<10000x64xi32, #tpu.memory_space<hbm>>) target(%dma_start3A_1279 : memref<64x64xi32, #tpu.memory_space<vmem>>) offsets(%dma_start3A_1282 : memref<64xi32, #tpu.memory_space<vmem>>) semaphore(%arg25 : memref<!tpu.dma_semaphore, #tpu.memory_space<semaphore_mem>>)
        %dma_start3A_1286 = arith.constant 0 : i32
        %dma_start3A_1287 = arith.constant 0 : i32
        %dma_start3A_1288 = arith.constant 0 : i32
        %dma_start3A_1289 = tpu.memref_slice %arg14[%dma_start3A_1287, %dma_start3A_1288] : memref<4x64xf32, #tpu.memory_space<vmem>> -> memref<1x64xf32, #tpu.memory_space<vmem>>
        %dma_start3A_1290 = tpu.memref_squeeze %dma_start3A_1289 : memref<1x64xf32, #tpu.memory_space<vmem>> -> memref<64xf32, #tpu.memory_space<vmem>>
        %dma_start3A_1291 = arith.constant 0 : i32
        %dma_start3A_1292 = tpu.memref_slice %arg12[%dma_start3A_1286, %dma_start3A_1291] : memref<4x64xi32, #tpu.memory_space<vmem>> -> memref<1x64xi32, #tpu.memory_space<vmem>>
        %dma_start3A_1293 = tpu.memref_squeeze %dma_start3A_1292 : memref<1x64xi32, #tpu.memory_space<vmem>> -> memref<64xi32, #tpu.memory_space<vmem>>
        %dma_start3A_1294 = arith.constant 0 : i32
        %dma_start3A_1295 = tpu.memref_slice %arg3[%dma_start3A_1294] : memref<10000xf32, #tpu.memory_space<hbm>> -> memref<10000xf32, #tpu.memory_space<hbm>>
        tpu.enqueue_indirect_dma source(%dma_start3A_1295 : memref<10000xf32, #tpu.memory_space<hbm>>) target(%dma_start3A_1290 : memref<64xf32, #tpu.memory_space<vmem>>) offsets(%dma_start3A_1293 : memref<64xi32, #tpu.memory_space<vmem>>) semaphore(%arg25 : memref<!tpu.dma_semaphore, #tpu.memory_space<semaphore_mem>>)
        %dma_start3A_1296 = arith.constant 0 : i32
        %dma_start3A_1297 = arith.constant 0 : i32
        %dma_start3A_1298 = arith.constant 0 : i32
        %dma_start3A_1299 = tpu.memref_slice %arg15[%dma_start3A_1297, %dma_start3A_1298] : memref<4x64xf32, #tpu.memory_space<vmem>> -> memref<1x64xf32, #tpu.memory_space<vmem>>
        %dma_start3A_1300 = tpu.memref_squeeze %dma_start3A_1299 : memref<1x64xf32, #tpu.memory_space<vmem>> -> memref<64xf32, #tpu.memory_space<vmem>>
        %dma_start3A_1301 = arith.constant 0 : i32
        %dma_start3A_1302 = tpu.memref_slice %arg13[%dma_start3A_1296, %dma_start3A_1301] : memref<4x64xi32, #tpu.memory_space<vmem>> -> memref<1x64xi32, #tpu.memory_space<vmem>>
        %dma_start3A_1303 = tpu.memref_squeeze %dma_start3A_1302 : memref<1x64xi32, #tpu.memory_space<vmem>> -> memref<64xi32, #tpu.memory_space<vmem>>
        %dma_start3A_1304 = arith.constant 0 : i32
        %dma_start3A_1305 = tpu.memref_slice %arg4[%dma_start3A_1304] : memref<10000xf32, #tpu.memory_space<hbm>> -> memref<10000xf32, #tpu.memory_space<hbm>>
        tpu.enqueue_indirect_dma source(%dma_start3A_1305 : memref<10000xf32, #tpu.memory_space<hbm>>) target(%dma_start3A_1300 : memref<64xf32, #tpu.memory_space<vmem>>) offsets(%dma_start3A_1303 : memref<64xi32, #tpu.memory_space<vmem>>) semaphore(%arg25 : memref<!tpu.dma_semaphore, #tpu.memory_space<semaphore_mem>>)
      } else {
      }
      %dma_wait3A_1085 = arith.constant 3 : i32
      %dma_wait3A_1086 = arith.constant 3 : i32
      %dma_wait3A_1087 = arith.constant 0 : i32
      %dma_wait3A_1088 = arith.constant 0 : i32
      %dma_wait3A_1089 = tpu.memref_slice %arg17[%dma_wait3A_1086, %dma_wait3A_1087, %dma_wait3A_1088] : memref<4x64x64xi32, #tpu.memory_space<vmem>> -> memref<1x64x64xi32, #tpu.memory_space<vmem>>
      %dma_wait3A_1090 = tpu.memref_squeeze %dma_wait3A_1089 : memref<1x64x64xi32, #tpu.memory_space<vmem>> -> memref<64x64xi32, #tpu.memory_space<vmem>>
      %dma_wait3A_1091 = arith.constant 0 : i32
      %dma_wait3A_1092 = tpu.memref_slice %arg12[%dma_wait3A_1085, %dma_wait3A_1091] : memref<4x64xi32, #tpu.memory_space<vmem>> -> memref<1x64xi32, #tpu.memory_space<vmem>>
      %dma_wait3A_1093 = tpu.memref_squeeze %dma_wait3A_1092 : memref<1x64xi32, #tpu.memory_space<vmem>> -> memref<64xi32, #tpu.memory_space<vmem>>
      %dma_wait3A_1094 = arith.constant 0 : i32
      %dma_wait3A_1095 = arith.constant 0 : i32
      %dma_wait3A_1096 = tpu.memref_slice %arg2[%dma_wait3A_1094, %dma_wait3A_1095] : memref<10000x64xi32, #tpu.memory_space<hbm>> -> memref<10000x64xi32, #tpu.memory_space<hbm>>
      tpu.wait_indirect_dma semaphore(%arg28 : memref<!tpu.dma_semaphore, #tpu.memory_space<semaphore_mem>>) src(%dma_wait3A_1096 : memref<10000x64xi32, #tpu.memory_space<hbm>>) dst(%dma_wait3A_1090 : memref<64x64xi32, #tpu.memory_space<vmem>>)
      %dma_wait3A_1097 = arith.constant 3 : i32
      %dma_wait3A_1098 = arith.constant 3 : i32
      %dma_wait3A_1099 = arith.constant 0 : i32
      %dma_wait3A_1100 = tpu.memref_slice %arg14[%dma_wait3A_1098, %dma_wait3A_1099] : memref<4x64xf32, #tpu.memory_space<vmem>> -> memref<1x64xf32, #tpu.memory_space<vmem>>
      %dma_wait3A_1101 = tpu.memref_squeeze %dma_wait3A_1100 : memref<1x64xf32, #tpu.memory_space<vmem>> -> memref<64xf32, #tpu.memory_space<vmem>>
      %dma_wait3A_1102 = arith.constant 0 : i32
      %dma_wait3A_1103 = tpu.memref_slice %arg12[%dma_wait3A_1097, %dma_wait3A_1102] : memref<4x64xi32, #tpu.memory_space<vmem>> -> memref<1x64xi32, #tpu.memory_space<vmem>>
      %dma_wait3A_1104 = tpu.memref_squeeze %dma_wait3A_1103 : memref<1x64xi32, #tpu.memory_space<vmem>> -> memref<64xi32, #tpu.memory_space<vmem>>
      %dma_wait3A_1105 = arith.constant 0 : i32
      %dma_wait3A_1106 = tpu.memref_slice %arg3[%dma_wait3A_1105] : memref<10000xf32, #tpu.memory_space<hbm>> -> memref<10000xf32, #tpu.memory_space<hbm>>
      tpu.wait_indirect_dma semaphore(%arg28 : memref<!tpu.dma_semaphore, #tpu.memory_space<semaphore_mem>>) src(%dma_wait3A_1106 : memref<10000xf32, #tpu.memory_space<hbm>>) dst(%dma_wait3A_1101 : memref<64xf32, #tpu.memory_space<vmem>>)
      %dma_wait3A_1107 = arith.constant 3 : i32
      %dma_wait3A_1108 = arith.constant 3 : i32
      %dma_wait3A_1109 = arith.constant 0 : i32
      %dma_wait3A_1110 = tpu.memref_slice %arg15[%dma_wait3A_1108, %dma_wait3A_1109] : memref<4x64xf32, #tpu.memory_space<vmem>> -> memref<1x64xf32, #tpu.memory_space<vmem>>
      %dma_wait3A_1111 = tpu.memref_squeeze %dma_wait3A_1110 : memref<1x64xf32, #tpu.memory_space<vmem>> -> memref<64xf32, #tpu.memory_space<vmem>>
      %dma_wait3A_1112 = arith.constant 0 : i32
      %dma_wait3A_1113 = tpu.memref_slice %arg13[%dma_wait3A_1107, %dma_wait3A_1112] : memref<4x64xi32, #tpu.memory_space<vmem>> -> memref<1x64xi32, #tpu.memory_space<vmem>>
      %dma_wait3A_1114 = tpu.memref_squeeze %dma_wait3A_1113 : memref<1x64xi32, #tpu.memory_space<vmem>> -> memref<64xi32, #tpu.memory_space<vmem>>
      %dma_wait3A_1115 = arith.constant 0 : i32
      %dma_wait3A_1116 = tpu.memref_slice %arg4[%dma_wait3A_1115] : memref<10000xf32, #tpu.memory_space<hbm>> -> memref<10000xf32, #tpu.memory_space<hbm>>
      tpu.wait_indirect_dma semaphore(%arg28 : memref<!tpu.dma_semaphore, #tpu.memory_space<semaphore_mem>>) src(%dma_wait3A_1116 : memref<10000xf32, #tpu.memory_space<hbm>>) dst(%dma_wait3A_1111 : memref<64xf32, #tpu.memory_space<vmem>>)
      %add3A_1117 = arith.constant 2 : i32
      %add3A_1118 = arith.addi %add3A_1062, %add3A_1117 : i32
      %lt3A_1119 = arith.constant 160 : i32
      %lt3A_1120 = arith.cmpi slt, %add3A_1118, %lt3A_1119 : i32
      %convert_element_type3A_1121 = arith.extui %lt3A_1120 : i1 to i32
      %cond3A_1122 = arith.constant 0 : i32
      %cond3A_1123 = arith.cmpi ne, %convert_element_type3A_1121, %cond3A_1122 : i32
      scf.if %cond3A_1123 {
        %add3A_1274 = arith.constant 2 : i32
        %add3A_1275 = arith.addi %add3A_1062, %add3A_1274 : i32
        %mul3A_1276 = arith.constant 64 : i32
        %mul3A_1277 = arith.muli %add3A_1275, %mul3A_1276 : i32
        %add3A_1278 = arith.addi %mul3A_84, %mul3A_1277 : i32
        %dma_start3A_1279 = arith.constant 1 : i32
        %dma_start3A_1280 = arith.constant 0 : i32
        %dma_start3A_1281 = tpu.memref_slice %arg12[%dma_start3A_1279, %dma_start3A_1280] : memref<4x64xi32, #tpu.memory_space<vmem>> -> memref<1x64xi32, #tpu.memory_space<vmem>>
        %dma_start3A_1282 = tpu.memref_squeeze %dma_start3A_1281 : memref<1x64xi32, #tpu.memory_space<vmem>> -> memref<64xi32, #tpu.memory_space<vmem>>
        %dma_start3A_1283 = tpu.memref_slice %arg5[%add3A_1278] : memref<327680xi32, #tpu.memory_space<hbm>> -> memref<64xi32, #tpu.memory_space<hbm>>
        %dma_start3A_1284 = arith.constant 0 : i32
        %dma_start3A_1285 = tpu.memref_slice %arg12[%dma_start3A_1279, %dma_start3A_1284] : memref<4x64xi32, #tpu.memory_space<vmem>> -> memref<1x64xi32, #tpu.memory_space<vmem>>
        %dma_start3A_1286 = tpu.memref_squeeze %dma_start3A_1285 : memref<1x64xi32, #tpu.memory_space<vmem>> -> memref<64xi32, #tpu.memory_space<vmem>>
        %dma_start3A_1287 = tpu.memref_slice %arg5[%add3A_1278] : memref<327680xi32, #tpu.memory_space<hbm>> -> memref<64xi32, #tpu.memory_space<hbm>>
        tpu.enqueue_dma source(%dma_start3A_1287 : memref<64xi32, #tpu.memory_space<hbm>>) target(%dma_start3A_1286 : memref<64xi32, #tpu.memory_space<vmem>>) target_semaphore(%arg22 : memref<!tpu.dma_semaphore, #tpu.memory_space<semaphore_mem>>)
        %mul3A_1288 = arith.constant 64 : i32
        %mul3A_1289 = arith.muli %add3A_1275, %mul3A_1288 : i32
        %add3A_1290 = arith.addi %mul3A_84, %mul3A_1289 : i32
        %dma_start3A_1291 = arith.constant 1 : i32
        %dma_start3A_1292 = arith.constant 0 : i32
        %dma_start3A_1293 = tpu.memref_slice %arg13[%dma_start3A_1291, %dma_start3A_1292] : memref<4x64xi32, #tpu.memory_space<vmem>> -> memref<1x64xi32, #tpu.memory_space<vmem>>
        %dma_start3A_1294 = tpu.memref_squeeze %dma_start3A_1293 : memref<1x64xi32, #tpu.memory_space<vmem>> -> memref<64xi32, #tpu.memory_space<vmem>>
        %dma_start3A_1295 = tpu.memref_slice %arg6[%add3A_1290] : memref<327680xi32, #tpu.memory_space<hbm>> -> memref<64xi32, #tpu.memory_space<hbm>>
        %dma_start3A_1296 = arith.constant 0 : i32
        %dma_start3A_1297 = tpu.memref_slice %arg13[%dma_start3A_1291, %dma_start3A_1296] : memref<4x64xi32, #tpu.memory_space<vmem>> -> memref<1x64xi32, #tpu.memory_space<vmem>>
        %dma_start3A_1298 = tpu.memref_squeeze %dma_start3A_1297 : memref<1x64xi32, #tpu.memory_space<vmem>> -> memref<64xi32, #tpu.memory_space<vmem>>
        %dma_start3A_1299 = tpu.memref_slice %arg6[%add3A_1290] : memref<327680xi32, #tpu.memory_space<hbm>> -> memref<64xi32, #tpu.memory_space<hbm>>
        tpu.enqueue_dma source(%dma_start3A_1299 : memref<64xi32, #tpu.memory_space<hbm>>) target(%dma_start3A_1298 : memref<64xi32, #tpu.memory_space<vmem>>) target_semaphore(%arg22 : memref<!tpu.dma_semaphore, #tpu.memory_space<semaphore_mem>>)
      } else {
      }
      %get3A_1124 = arith.constant 3 : i32
      %get3A_1125 = arith.index_cast %get3A_1124 : i32 to index
      %get3A_1126 = arith.constant 0 : index
      %get3A_1127 = tpu.vector_load %arg14[%get3A_1125, %get3A_1126] {strides = array<i32>} : memref<4x64xf32, #tpu.memory_space<vmem>>, vector<16xf32>,
      %get3A_1128 = arith.constant 3 : i32
      %get3A_1129 = arith.index_cast %get3A_1128 : i32 to index
      %get3A_1130 = arith.constant 0 : index
      %get3A_1131 = tpu.vector_load %arg15[%get3A_1129, %get3A_1130] {strides = array<i32>} : memref<4x64xf32, #tpu.memory_space<vmem>>, vector<16xf32>,
      %add3A_1132 = arith.addf %get3A_1127, %get3A_1131 : vector<16xf32>
      %gt3A_1133 = arith.constant 0.000000e+00 : f32
      %gt3A_1134 = vector.broadcast %gt3A_1133 : f32 to vector<16xf32>
      %gt3A_1135 = arith.cmpf ogt, %add3A_1132, %gt3A_1134 : vector<16xf32>
      %mul3A_1136 = arith.constant 2.000000e-01 : f32
      %mul3A_1137 = vector.broadcast %mul3A_1136 : f32 to vector<16xf32>
      %mul3A_1138 = arith.mulf %add3A_1132, %mul3A_1137 : vector<16xf32>
      %select_n3A_1139 = arith.select %gt3A_1135, %add3A_1132, %mul3A_1138 : vector<16xi1>, vector<16xf32>
      %sub3A_1140 = arith.subf %select_n3A_1139, %get3A_80 : vector<16xf32>
      %exp3A_1141 = math.exp %sub3A_1140 : vector<16xf32>
      %mul3A_1142 = arith.constant 64 : i32
      %mul3A_1143 = arith.muli %add3A_1062, %mul3A_1142 : i32
      %add3A_1144 = arith.constant 0 : i32
      %add3A_1145 = arith.addi %mul3A_1143, %add3A_1144 : i32
      %iota3A_1146 = tpu.iota {dimensions = array<i32: 0>} : vector<16xi32>
      %add3A_1147 = vector.broadcast %add3A_1145 : i32 to vector<16xi32>
      %add3A_1148 = arith.addi %add3A_1147, %iota3A_1146 : vector<16xi32>
      %lt3A_1149 = arith.constant 10000 : i32
      %lt3A_1150 = vector.broadcast %lt3A_1149 : i32 to vector<16xi32>
      %lt3A_1151 = arith.cmpi slt, %add3A_1148, %lt3A_1150 : vector<16xi32>
      %jit3A_1152 = arith.constant 0.000000e+00 : f32
      %broadcast_in_dim3A_1153 = vector.broadcast %jit3A_1152 : f32 to vector<16xf32>
      %select_n3A_1154 = arith.select %lt3A_1151, %exp3A_1141, %broadcast_in_dim3A_1153 : vector<16xi1>, vector<16xf32>
      %swap3A_1155 = arith.constant 192 : index
      %swap3A_1156 = tpu.vector_load %arg16[%swap3A_1155] {strides = array<i32>} : memref<256xf32, #tpu.memory_space<vmem>>, vector<16xf32>,
      tpu.vector_store %arg16[%swap3A_1155], %select_n3A_1154 {strides = array<i32>} : memref<256xf32, #tpu.memory_space<vmem>>, vector<16xf32>,
      %get3A_1157 = arith.constant 3 : i32
      %get3A_1158 = arith.index_cast %get3A_1157 : i32 to index
      %get3A_1159 = arith.constant 16 : index
      %get3A_1160 = tpu.vector_load %arg14[%get3A_1158, %get3A_1159] {strides = array<i32>} : memref<4x64xf32, #tpu.memory_space<vmem>>, vector<16xf32>,
      %get3A_1161 = arith.constant 3 : i32
      %get3A_1162 = arith.index_cast %get3A_1161 : i32 to index
      %get3A_1163 = arith.constant 16 : index
      %get3A_1164 = tpu.vector_load %arg15[%get3A_1162, %get3A_1163] {strides = array<i32>} : memref<4x64xf32, #tpu.memory_space<vmem>>, vector<16xf32>,
      %add3A_1165 = arith.addf %get3A_1160, %get3A_1164 : vector<16xf32>
      %gt3A_1166 = arith.constant 0.000000e+00 : f32
      %gt3A_1167 = vector.broadcast %gt3A_1166 : f32 to vector<16xf32>
      %gt3A_1168 = arith.cmpf ogt, %add3A_1165, %gt3A_1167 : vector<16xf32>
      %mul3A_1169 = arith.constant 2.000000e-01 : f32
      %mul3A_1170 = vector.broadcast %mul3A_1169 : f32 to vector<16xf32>
      %mul3A_1171 = arith.mulf %add3A_1165, %mul3A_1170 : vector<16xf32>
      %select_n3A_1172 = arith.select %gt3A_1168, %add3A_1165, %mul3A_1171 : vector<16xi1>, vector<16xf32>
      %sub3A_1173 = arith.subf %select_n3A_1172, %get3A_80 : vector<16xf32>
      %exp3A_1174 = math.exp %sub3A_1173 : vector<16xf32>
      %mul3A_1175 = arith.constant 64 : i32
      %mul3A_1176 = arith.muli %add3A_1062, %mul3A_1175 : i32
      %add3A_1177 = arith.constant 16 : i32
      %add3A_1178 = arith.addi %mul3A_1176, %add3A_1177 : i32
      %iota3A_1179 = tpu.iota {dimensions = array<i32: 0>} : vector<16xi32>
      %add3A_1180 = vector.broadcast %add3A_1178 : i32 to vector<16xi32>
      %add3A_1181 = arith.addi %add3A_1180, %iota3A_1179 : vector<16xi32>
      %lt3A_1182 = arith.constant 10000 : i32
      %lt3A_1183 = vector.broadcast %lt3A_1182 : i32 to vector<16xi32>
      %lt3A_1184 = arith.cmpi slt, %add3A_1181, %lt3A_1183 : vector<16xi32>
      %jit3A_1185 = arith.constant 0.000000e+00 : f32
      %broadcast_in_dim3A_1186 = vector.broadcast %jit3A_1185 : f32 to vector<16xf32>
      %select_n3A_1187 = arith.select %lt3A_1184, %exp3A_1174, %broadcast_in_dim3A_1186 : vector<16xi1>, vector<16xf32>
      %swap3A_1188 = arith.constant 208 : index
      %swap3A_1189 = tpu.vector_load %arg16[%swap3A_1188] {strides = array<i32>} : memref<256xf32, #tpu.memory_space<vmem>>, vector<16xf32>,
      tpu.vector_store %arg16[%swap3A_1188], %select_n3A_1187 {strides = array<i32>} : memref<256xf32, #tpu.memory_space<vmem>>, vector<16xf32>,
      %get3A_1190 = arith.constant 3 : i32
      %get3A_1191 = arith.index_cast %get3A_1190 : i32 to index
      %get3A_1192 = arith.constant 32 : index
      %get3A_1193 = tpu.vector_load %arg14[%get3A_1191, %get3A_1192] {strides = array<i32>} : memref<4x64xf32, #tpu.memory_space<vmem>>, vector<16xf32>,
      %get3A_1194 = arith.constant 3 : i32
      %get3A_1195 = arith.index_cast %get3A_1194 : i32 to index
      %get3A_1196 = arith.constant 32 : index
      %get3A_1197 = tpu.vector_load %arg15[%get3A_1195, %get3A_1196] {strides = array<i32>} : memref<4x64xf32, #tpu.memory_space<vmem>>, vector<16xf32>,
      %add3A_1198 = arith.addf %get3A_1193, %get3A_1197 : vector<16xf32>
      %gt3A_1199 = arith.constant 0.000000e+00 : f32
      %gt3A_1200 = vector.broadcast %gt3A_1199 : f32 to vector<16xf32>
      %gt3A_1201 = arith.cmpf ogt, %add3A_1198, %gt3A_1200 : vector<16xf32>
      %mul3A_1202 = arith.constant 2.000000e-01 : f32
      %mul3A_1203 = vector.broadcast %mul3A_1202 : f32 to vector<16xf32>
      %mul3A_1204 = arith.mulf %add3A_1198, %mul3A_1203 : vector<16xf32>
      %select_n3A_1205 = arith.select %gt3A_1201, %add3A_1198, %mul3A_1204 : vector<16xi1>, vector<16xf32>
      %sub3A_1206 = arith.subf %select_n3A_1205, %get3A_80 : vector<16xf32>
      %exp3A_1207 = math.exp %sub3A_1206 : vector<16xf32>
      %mul3A_1208 = arith.constant 64 : i32
      %mul3A_1209 = arith.muli %add3A_1062, %mul3A_1208 : i32
      %add3A_1210 = arith.constant 32 : i32
      %add3A_1211 = arith.addi %mul3A_1209, %add3A_1210 : i32
      %iota3A_1212 = tpu.iota {dimensions = array<i32: 0>} : vector<16xi32>
      %add3A_1213 = vector.broadcast %add3A_1211 : i32 to vector<16xi32>
      %add3A_1214 = arith.addi %add3A_1213, %iota3A_1212 : vector<16xi32>
      %lt3A_1215 = arith.constant 10000 : i32
      %lt3A_1216 = vector.broadcast %lt3A_1215 : i32 to vector<16xi32>
      %lt3A_1217 = arith.cmpi slt, %add3A_1214, %lt3A_1216 : vector<16xi32>
      %jit3A_1218 = arith.constant 0.000000e+00 : f32
      %broadcast_in_dim3A_1219 = vector.broadcast %jit3A_1218 : f32 to vector<16xf32>
      %select_n3A_1220 = arith.select %lt3A_1217, %exp3A_1207, %broadcast_in_dim3A_1219 : vector<16xi1>, vector<16xf32>
      %swap3A_1221 = arith.constant 224 : index
      %swap3A_1222 = tpu.vector_load %arg16[%swap3A_1221] {strides = array<i32>} : memref<256xf32, #tpu.memory_space<vmem>>, vector<16xf32>,
      tpu.vector_store %arg16[%swap3A_1221], %select_n3A_1220 {strides = array<i32>} : memref<256xf32, #tpu.memory_space<vmem>>, vector<16xf32>,
      %get3A_1223 = arith.constant 3 : i32
      %get3A_1224 = arith.index_cast %get3A_1223 : i32 to index
      %get3A_1225 = arith.constant 48 : index
      %get3A_1226 = tpu.vector_load %arg14[%get3A_1224, %get3A_1225] {strides = array<i32>} : memref<4x64xf32, #tpu.memory_space<vmem>>, vector<16xf32>,
      %get3A_1227 = arith.constant 3 : i32
      %get3A_1228 = arith.index_cast %get3A_1227 : i32 to index
      %get3A_1229 = arith.constant 48 : index
      %get3A_1230 = tpu.vector_load %arg15[%get3A_1228, %get3A_1229] {strides = array<i32>} : memref<4x64xf32, #tpu.memory_space<vmem>>, vector<16xf32>,
      %add3A_1231 = arith.addf %get3A_1226, %get3A_1230 : vector<16xf32>
      %gt3A_1232 = arith.constant 0.000000e+00 : f32
      %gt3A_1233 = vector.broadcast %gt3A_1232 : f32 to vector<16xf32>
      %gt3A_1234 = arith.cmpf ogt, %add3A_1231, %gt3A_1233 : vector<16xf32>
      %mul3A_1235 = arith.constant 2.000000e-01 : f32
      %mul3A_1236 = vector.broadcast %mul3A_1235 : f32 to vector<16xf32>
      %mul3A_1237 = arith.mulf %add3A_1231, %mul3A_1236 : vector<16xf32>
      %select_n3A_1238 = arith.select %gt3A_1234, %add3A_1231, %mul3A_1237 : vector<16xi1>, vector<16xf32>
      %sub3A_1239 = arith.subf %select_n3A_1238, %get3A_80 : vector<16xf32>
      %exp3A_1240 = math.exp %sub3A_1239 : vector<16xf32>
      %mul3A_1241 = arith.constant 64 : i32
      %mul3A_1242 = arith.muli %add3A_1062, %mul3A_1241 : i32
      %add3A_1243 = arith.constant 48 : i32
      %add3A_1244 = arith.addi %mul3A_1242, %add3A_1243 : i32
      %iota3A_1245 = tpu.iota {dimensions = array<i32: 0>} : vector<16xi32>
      %add3A_1246 = vector.broadcast %add3A_1244 : i32 to vector<16xi32>
      %add3A_1247 = arith.addi %add3A_1246, %iota3A_1245 : vector<16xi32>
      %lt3A_1248 = arith.constant 10000 : i32
      %lt3A_1249 = vector.broadcast %lt3A_1248 : i32 to vector<16xi32>
      %lt3A_1250 = arith.cmpi slt, %add3A_1247, %lt3A_1249 : vector<16xi32>
      %jit3A_1251 = arith.constant 0.000000e+00 : f32
      %broadcast_in_dim3A_1252 = vector.broadcast %jit3A_1251 : f32 to vector<16xf32>
      %select_n3A_1253 = arith.select %lt3A_1250, %exp3A_1240, %broadcast_in_dim3A_1252 : vector<16xi1>, vector<16xf32>
      %swap3A_1254 = arith.constant 240 : index
      %swap3A_1255 = tpu.vector_load %arg16[%swap3A_1254] {strides = array<i32>} : memref<256xf32, #tpu.memory_space<vmem>>, vector<16xf32>,
      tpu.vector_store %arg16[%swap3A_1254], %select_n3A_1253 {strides = array<i32>} : memref<256xf32, #tpu.memory_space<vmem>>, vector<16xf32>,
      %run_scoped3A_1256 = arith.constant 3 : i32
      "tpu.region"() ({
        %run_scoped3A_1274 = tpu.sem_alloc : memref<!tpu.dma_semaphore, #tpu.memory_space<semaphore_mem>>
        %dma_start3A_1275 = arith.constant 192 : i32
        %dma_start3A_1276 = tpu.memref_slice %arg16[%dma_start3A_1275] : memref<256xf32, #tpu.memory_space<vmem>> -> memref<64xf32, #tpu.memory_space<vmem>>
        %dma_start3A_1277 = arith.constant 0 : i32
        %dma_start3A_1278 = tpu.memref_slice %arg13[%run_scoped3A_1256, %dma_start3A_1277] : memref<4x64xi32, #tpu.memory_space<vmem>> -> memref<1x64xi32, #tpu.memory_space<vmem>>
        %dma_start3A_1279 = tpu.memref_squeeze %dma_start3A_1278 : memref<1x64xi32, #tpu.memory_space<vmem>> -> memref<64xi32, #tpu.memory_space<vmem>>
        %dma_start3A_1280 = arith.constant 0 : i32
        %dma_start3A_1281 = tpu.memref_slice %arg20[%dma_start3A_1280] : memref<10000xf32, #tpu.memory_space<vmem_shared>> -> memref<10000xf32, #tpu.memory_space<vmem_shared>>
        tpu.enqueue_indirect_dma source(%dma_start3A_1276 : memref<64xf32, #tpu.memory_space<vmem>>) target(%dma_start3A_1281 : memref<10000xf32, #tpu.memory_space<vmem_shared>>) offsets(%dma_start3A_1279 : memref<64xi32, #tpu.memory_space<vmem>>) semaphore(%run_scoped3A_1274 : memref<!tpu.dma_semaphore, #tpu.memory_space<semaphore_mem>>) {add = true}
        %dma_wait3A_1282 = arith.constant 192 : i32
        %dma_wait3A_1283 = tpu.memref_slice %arg16[%dma_wait3A_1282] : memref<256xf32, #tpu.memory_space<vmem>> -> memref<64xf32, #tpu.memory_space<vmem>>
        %dma_wait3A_1284 = arith.constant 0 : i32
        %dma_wait3A_1285 = tpu.memref_slice %arg13[%run_scoped3A_1256, %dma_wait3A_1284] : memref<4x64xi32, #tpu.memory_space<vmem>> -> memref<1x64xi32, #tpu.memory_space<vmem>>
        %dma_wait3A_1286 = tpu.memref_squeeze %dma_wait3A_1285 : memref<1x64xi32, #tpu.memory_space<vmem>> -> memref<64xi32, #tpu.memory_space<vmem>>
        %dma_wait3A_1287 = arith.constant 0 : i32
        %dma_wait3A_1288 = tpu.memref_slice %arg20[%dma_wait3A_1287] : memref<10000xf32, #tpu.memory_space<vmem_shared>> -> memref<10000xf32, #tpu.memory_space<vmem_shared>>
        tpu.wait_indirect_dma semaphore(%run_scoped3A_1274 : memref<!tpu.dma_semaphore, #tpu.memory_space<semaphore_mem>>) src(%dma_wait3A_1283 : memref<64xf32, #tpu.memory_space<vmem>>) dst(%dma_wait3A_1288 : memref<10000xf32, #tpu.memory_space<vmem_shared>>)
        tpu.yield
      }) : () -> ()
      %scan3A_1257 = arith.constant 0 : i32
      %scan3A_1258 = arith.constant 64 : i32
      %scan3A_1259 = arith.addi %scan3A_1257, %scan3A_1258 : i32
      %scan3A_1260 = arith.constant 1 : i32
      scf.for %scan3A_1274 = %scan3A_1257 to %scan3A_1259 step %scan3A_1260  : i32 {
        %mul3A_1275 = arith.constant 1 : i32
        %mul3A_1276 = arith.muli %scan3A_1274, %mul3A_1275 : i32
        %add3A_1277 = arith.constant 0 : i32
        %add3A_1278 = arith.addi %add3A_1277, %mul3A_1276 : i32
        %add3A_1279 = arith.constant 192 : i32
        %add3A_1280 = arith.addi %add3A_1279, %add3A_1278 : i32
        %broadcast_in_dim3A_1281 = vector.broadcast %add3A_1280 : i32 to vector<16xi32>
        %gather3A = tpu.vector_load_idx %arg16[%broadcast_in_dim3A_1281] : memref<256xf32, #tpu.memory_space<vmem>>[vector<16xi32>], vector<16xf32>,
        %get3A_1282 = arith.constant 3 : i32
        %get3A_1283 = arith.index_cast %get3A_1282 : i32 to index
        %get3A_1284 = arith.index_cast %add3A_1278 : i32 to index
        %get3A_1285 = arith.constant 0 : index
        %get3A_1286 = tpu.vector_load %arg17[%get3A_1283, %get3A_1284, %get3A_1285] {strides = array<i32>} : memref<4x64x64xi32, #tpu.memory_space<vmem>>, vector<16xi32>,
        %bitcast3A = vector.bitcast %get3A_1286 : vector<16xi32> to vector<32xbf16>
        %unpack3A = tpu.unpack_subelements %bitcast3A, 0 {pack_format = #tpu.pack_format<interleaved>} : vector<32xbf16> -> vector<16xf32>
        %unpack3A_1287 = tpu.unpack_subelements %bitcast3A, 1 {pack_format = #tpu.pack_format<interleaved>} : vector<32xbf16> -> vector<16xf32>
        %mul3A_1288 = arith.mulf %unpack3A, %gather3A : vector<16xf32>
        %swap3A_1289 = arith.constant 3 : i32
        %swap3A_1290 = arith.index_cast %swap3A_1289 : i32 to index
        %swap3A_1291 = arith.index_cast %add3A_1278 : i32 to index
        %swap3A_1292 = arith.constant 0 : index
        %swap3A_1293 = tpu.vector_load %arg18[%swap3A_1290, %swap3A_1291, %swap3A_1292] {strides = array<i32>} : memref<4x64x128xf32, #tpu.memory_space<vmem>>, vector<16xf32>,
        tpu.vector_store %arg18[%swap3A_1290, %swap3A_1291, %swap3A_1292], %mul3A_1288 {strides = array<i32>} : memref<4x64x128xf32, #tpu.memory_space<vmem>>, vector<16xf32>,
        %mul3A_1294 = arith.mulf %unpack3A_1287, %gather3A : vector<16xf32>
        %swap3A_1295 = arith.constant 3 : i32
        %swap3A_1296 = arith.index_cast %swap3A_1295 : i32 to index
        %swap3A_1297 = arith.index_cast %add3A_1278 : i32 to index
        %swap3A_1298 = arith.constant 16 : index
        %swap3A_1299 = tpu.vector_load %arg18[%swap3A_1296, %swap3A_1297, %swap3A_1298] {strides = array<i32>} : memref<4x64x128xf32, #tpu.memory_space<vmem>>, vector<16xf32>,
        tpu.vector_store %arg18[%swap3A_1296, %swap3A_1297, %swap3A_1298], %mul3A_1294 {strides = array<i32>} : memref<4x64x128xf32, #tpu.memory_space<vmem>>, vector<16xf32>,
        %get3A_1300 = arith.constant 3 : i32
        %get3A_1301 = arith.index_cast %get3A_1300 : i32 to index
        %get3A_1302 = arith.index_cast %add3A_1278 : i32 to index
        %get3A_1303 = arith.constant 16 : index
        %get3A_1304 = tpu.vector_load %arg17[%get3A_1301, %get3A_1302, %get3A_1303] {strides = array<i32>} : memref<4x64x64xi32, #tpu.memory_space<vmem>>, vector<16xi32>,
        %bitcast3A_1305 = vector.bitcast %get3A_1304 : vector<16xi32> to vector<32xbf16>
        %unpack3A_1306 = tpu.unpack_subelements %bitcast3A_1305, 0 {pack_format = #tpu.pack_format<interleaved>} : vector<32xbf16> -> vector<16xf32>
        %unpack3A_1307 = tpu.unpack_subelements %bitcast3A_1305, 1 {pack_format = #tpu.pack_format<interleaved>} : vector<32xbf16> -> vector<16xf32>
        %mul3A_1308 = arith.mulf %unpack3A_1306, %gather3A : vector<16xf32>
        %swap3A_1309 = arith.constant 3 : i32
        %swap3A_1310 = arith.index_cast %swap3A_1309 : i32 to index
        %swap3A_1311 = arith.index_cast %add3A_1278 : i32 to index
        %swap3A_1312 = arith.constant 32 : index
        %swap3A_1313 = tpu.vector_load %arg18[%swap3A_1310, %swap3A_1311, %swap3A_1312] {strides = array<i32>} : memref<4x64x128xf32, #tpu.memory_space<vmem>>, vector<16xf32>,
        tpu.vector_store %arg18[%swap3A_1310, %swap3A_1311, %swap3A_1312], %mul3A_1308 {strides = array<i32>} : memref<4x64x128xf32, #tpu.memory_space<vmem>>, vector<16xf32>,
        %mul3A_1314 = arith.mulf %unpack3A_1307, %gather3A : vector<16xf32>
        %swap3A_1315 = arith.constant 3 : i32
        %swap3A_1316 = arith.index_cast %swap3A_1315 : i32 to index
        %swap3A_1317 = arith.index_cast %add3A_1278 : i32 to index
        %swap3A_1318 = arith.constant 48 : index
        %swap3A_1319 = tpu.vector_load %arg18[%swap3A_1316, %swap3A_1317, %swap3A_1318] {strides = array<i32>} : memref<4x64x128xf32, #tpu.memory_space<vmem>>, vector<16xf32>,
        tpu.vector_store %arg18[%swap3A_1316, %swap3A_1317, %swap3A_1318], %mul3A_1314 {strides = array<i32>} : memref<4x64x128xf32, #tpu.memory_space<vmem>>, vector<16xf32>,
        %get3A_1320 = arith.constant 3 : i32
        %get3A_1321 = arith.index_cast %get3A_1320 : i32 to index
        %get3A_1322 = arith.index_cast %add3A_1278 : i32 to index
        %get3A_1323 = arith.constant 32 : index
        %get3A_1324 = tpu.vector_load %arg17[%get3A_1321, %get3A_1322, %get3A_1323] {strides = array<i32>} : memref<4x64x64xi32, #tpu.memory_space<vmem>>, vector<16xi32>,
        %bitcast3A_1325 = vector.bitcast %get3A_1324 : vector<16xi32> to vector<32xbf16>
        %unpack3A_1326 = tpu.unpack_subelements %bitcast3A_1325, 0 {pack_format = #tpu.pack_format<interleaved>} : vector<32xbf16> -> vector<16xf32>
        %unpack3A_1327 = tpu.unpack_subelements %bitcast3A_1325, 1 {pack_format = #tpu.pack_format<interleaved>} : vector<32xbf16> -> vector<16xf32>
        %mul3A_1328 = arith.mulf %unpack3A_1326, %gather3A : vector<16xf32>
        %swap3A_1329 = arith.constant 3 : i32
        %swap3A_1330 = arith.index_cast %swap3A_1329 : i32 to index
        %swap3A_1331 = arith.index_cast %add3A_1278 : i32 to index
        %swap3A_1332 = arith.constant 64 : index
        %swap3A_1333 = tpu.vector_load %arg18[%swap3A_1330, %swap3A_1331, %swap3A_1332] {strides = array<i32>} : memref<4x64x128xf32, #tpu.memory_space<vmem>>, vector<16xf32>,
        tpu.vector_store %arg18[%swap3A_1330, %swap3A_1331, %swap3A_1332], %mul3A_1328 {strides = array<i32>} : memref<4x64x128xf32, #tpu.memory_space<vmem>>, vector<16xf32>,
        %mul3A_1334 = arith.mulf %unpack3A_1327, %gather3A : vector<16xf32>
        %swap3A_1335 = arith.constant 3 : i32
        %swap3A_1336 = arith.index_cast %swap3A_1335 : i32 to index
        %swap3A_1337 = arith.index_cast %add3A_1278 : i32 to index
        %swap3A_1338 = arith.constant 80 : index
        %swap3A_1339 = tpu.vector_load %arg18[%swap3A_1336, %swap3A_1337, %swap3A_1338] {strides = array<i32>} : memref<4x64x128xf32, #tpu.memory_space<vmem>>, vector<16xf32>,
        tpu.vector_store %arg18[%swap3A_1336, %swap3A_1337, %swap3A_1338], %mul3A_1334 {strides = array<i32>} : memref<4x64x128xf32, #tpu.memory_space<vmem>>, vector<16xf32>,
        %get3A_1340 = arith.constant 3 : i32
        %get3A_1341 = arith.index_cast %get3A_1340 : i32 to index
        %get3A_1342 = arith.index_cast %add3A_1278 : i32 to index
        %get3A_1343 = arith.constant 48 : index
        %get3A_1344 = tpu.vector_load %arg17[%get3A_1341, %get3A_1342, %get3A_1343] {strides = array<i32>} : memref<4x64x64xi32, #tpu.memory_space<vmem>>, vector<16xi32>,
        %bitcast3A_1345 = vector.bitcast %get3A_1344 : vector<16xi32> to vector<32xbf16>
        %unpack3A_1346 = tpu.unpack_subelements %bitcast3A_1345, 0 {pack_format = #tpu.pack_format<interleaved>} : vector<32xbf16> -> vector<16xf32>
        %unpack3A_1347 = tpu.unpack_subelements %bitcast3A_1345, 1 {pack_format = #tpu.pack_format<interleaved>} : vector<32xbf16> -> vector<16xf32>
        %mul3A_1348 = arith.mulf %unpack3A_1346, %gather3A : vector<16xf32>
        %swap3A_1349 = arith.constant 3 : i32
        %swap3A_1350 = arith.index_cast %swap3A_1349 : i32 to index
        %swap3A_1351 = arith.index_cast %add3A_1278 : i32 to index
        %swap3A_1352 = arith.constant 96 : index
        %swap3A_1353 = tpu.vector_load %arg18[%swap3A_1350, %swap3A_1351, %swap3A_1352] {strides = array<i32>} : memref<4x64x128xf32, #tpu.memory_space<vmem>>, vector<16xf32>,
        tpu.vector_store %arg18[%swap3A_1350, %swap3A_1351, %swap3A_1352], %mul3A_1348 {strides = array<i32>} : memref<4x64x128xf32, #tpu.memory_space<vmem>>, vector<16xf32>,
        %mul3A_1354 = arith.mulf %unpack3A_1347, %gather3A : vector<16xf32>
        %swap3A_1355 = arith.constant 3 : i32
        %swap3A_1356 = arith.index_cast %swap3A_1355 : i32 to index
        %swap3A_1357 = arith.index_cast %add3A_1278 : i32 to index
        %swap3A_1358 = arith.constant 112 : index
        %swap3A_1359 = tpu.vector_load %arg18[%swap3A_1356, %swap3A_1357, %swap3A_1358] {strides = array<i32>} : memref<4x64x128xf32, #tpu.memory_space<vmem>>, vector<16xf32>,
        tpu.vector_store %arg18[%swap3A_1356, %swap3A_1357, %swap3A_1358], %mul3A_1354 {strides = array<i32>} : memref<4x64x128xf32, #tpu.memory_space<vmem>>, vector<16xf32>,
      }
      %scan3A_1261 = arith.constant 64 : i32
      %dma_start3A_1262 = arith.constant 3 : i32
      %dma_start3A_1263 = arith.constant 3 : i32
      %dma_start3A_1264 = arith.constant 0 : i32
      %dma_start3A_1265 = arith.constant 0 : i32
      %dma_start3A_1266 = tpu.memref_slice %arg18[%dma_start3A_1262, %dma_start3A_1264, %dma_start3A_1265] : memref<4x64x128xf32, #tpu.memory_space<vmem>> -> memref<1x64x128xf32, #tpu.memory_space<vmem>>
      %dma_start3A_1267 = tpu.memref_squeeze %dma_start3A_1266 : memref<1x64x128xf32, #tpu.memory_space<vmem>> -> memref<64x128xf32, #tpu.memory_space<vmem>>
      %dma_start3A_1268 = arith.constant 0 : i32
      %dma_start3A_1269 = tpu.memref_slice %arg13[%dma_start3A_1263, %dma_start3A_1268] : memref<4x64xi32, #tpu.memory_space<vmem>> -> memref<1x64xi32, #tpu.memory_space<vmem>>
      %dma_start3A_1270 = tpu.memref_squeeze %dma_start3A_1269 : memref<1x64xi32, #tpu.memory_space<vmem>> -> memref<64xi32, #tpu.memory_space<vmem>>
      %dma_start3A_1271 = arith.constant 0 : i32
      %dma_start3A_1272 = arith.constant 0 : i32
      %dma_start3A_1273 = tpu.memref_slice %arg19[%dma_start3A_1271, %dma_start3A_1272] : memref<10000x128xf32, #tpu.memory_space<vmem_shared>> -> memref<10000x128xf32, #tpu.memory_space<vmem_shared>>
      tpu.enqueue_indirect_dma source(%dma_start3A_1267 : memref<64x128xf32, #tpu.memory_space<vmem>>) target(%dma_start3A_1273 : memref<10000x128xf32, #tpu.memory_space<vmem_shared>>) offsets(%dma_start3A_1270 : memref<64xi32, #tpu.memory_space<vmem>>) semaphore(%arg32 : memref<!tpu.dma_semaphore, #tpu.memory_space<semaphore_mem>>) {add = true}
    }
    %scan3A_143 = arith.constant 40 : i32
    %dma_wait3A = arith.constant 2 : i32
    %dma_wait3A_144 = arith.constant 2 : i32
    %dma_wait3A_145 = arith.constant 0 : i32
    %dma_wait3A_146 = arith.constant 0 : i32
    %dma_wait3A_147 = tpu.memref_slice %arg18[%dma_wait3A, %dma_wait3A_145, %dma_wait3A_146] : memref<4x64x128xf32, #tpu.memory_space<vmem>> -> memref<1x64x128xf32, #tpu.memory_space<vmem>>
    %dma_wait3A_148 = tpu.memref_squeeze %dma_wait3A_147 : memref<1x64x128xf32, #tpu.memory_space<vmem>> -> memref<64x128xf32, #tpu.memory_space<vmem>>
    %dma_wait3A_149 = arith.constant 0 : i32
    %dma_wait3A_150 = tpu.memref_slice %arg13[%dma_wait3A_144, %dma_wait3A_149] : memref<4x64xi32, #tpu.memory_space<vmem>> -> memref<1x64xi32, #tpu.memory_space<vmem>>
    %dma_wait3A_151 = tpu.memref_squeeze %dma_wait3A_150 : memref<1x64xi32, #tpu.memory_space<vmem>> -> memref<64xi32, #tpu.memory_space<vmem>>
    %dma_wait3A_152 = arith.constant 0 : i32
    %dma_wait3A_153 = arith.constant 0 : i32
    %dma_wait3A_154 = tpu.memref_slice %arg19[%dma_wait3A_152, %dma_wait3A_153] : memref<10000x128xf32, #tpu.memory_space<vmem_shared>> -> memref<10000x128xf32, #tpu.memory_space<vmem_shared>>
    tpu.wait_indirect_dma semaphore(%arg31 : memref<!tpu.dma_semaphore, #tpu.memory_space<semaphore_mem>>) src(%dma_wait3A_148 : memref<64x128xf32, #tpu.memory_space<vmem>>) dst(%dma_wait3A_154 : memref<10000x128xf32, #tpu.memory_space<vmem_shared>>)
    %dma_wait3A_155 = arith.constant 3 : i32
    %dma_wait3A_156 = arith.constant 3 : i32
    %dma_wait3A_157 = arith.constant 0 : i32
    %dma_wait3A_158 = arith.constant 0 : i32
    %dma_wait3A_159 = tpu.memref_slice %arg18[%dma_wait3A_155, %dma_wait3A_157, %dma_wait3A_158] : memref<4x64x128xf32, #tpu.memory_space<vmem>> -> memref<1x64x128xf32, #tpu.memory_space<vmem>>
    %dma_wait3A_160 = tpu.memref_squeeze %dma_wait3A_159 : memref<1x64x128xf32, #tpu.memory_space<vmem>> -> memref<64x128xf32, #tpu.memory_space<vmem>>
    %dma_wait3A_161 = arith.constant 0 : i32
    %dma_wait3A_162 = tpu.memref_slice %arg13[%dma_wait3A_156, %dma_wait3A_161] : memref<4x64xi32, #tpu.memory_space<vmem>> -> memref<1x64xi32, #tpu.memory_space<vmem>>
    %dma_wait3A_163 = tpu.memref_squeeze %dma_wait3A_162 : memref<1x64xi32, #tpu.memory_space<vmem>> -> memref<64xi32, #tpu.memory_space<vmem>>
    %dma_wait3A_164 = arith.constant 0 : i32
    %dma_wait3A_165 = arith.constant 0 : i32
    %dma_wait3A_166 = tpu.memref_slice %arg19[%dma_wait3A_164, %dma_wait3A_165] : memref<10000x128xf32, #tpu.memory_space<vmem_shared>> -> memref<10000x128xf32, #tpu.memory_space<vmem_shared>>
    tpu.wait_indirect_dma semaphore(%arg32 : memref<!tpu.dma_semaphore, #tpu.memory_space<semaphore_mem>>) src(%dma_wait3A_160 : memref<64x128xf32, #tpu.memory_space<vmem>>) dst(%dma_wait3A_166 : memref<10000x128xf32, #tpu.memory_space<vmem_shared>>)
    %barrier3A_167 = arith.constant 0 : index
    tpu.barrier barrier_id(%barrier3A_167)
    %add3A_168 = arith.constant 0 : i32
    %add3A_169 = arith.addi %arg1, %add3A_168 : i32
    %lt3A_170 = arith.constant 156 : i32
    %lt3A_171 = arith.cmpi slt, %add3A_169, %lt3A_170 : i32
    %convert_element_type3A_172 = arith.extui %lt3A_171 : i1 to i32
    %cond3A_173 = arith.constant 0 : i32
    %cond3A_174 = arith.cmpi ne, %convert_element_type3A_172, %cond3A_173 : i32
    scf.if %cond3A_174 {
      %mul3A_248 = arith.constant 64 : i32
      %mul3A_249 = arith.muli %add3A_169, %mul3A_248 : i32
      %mul3A_250 = arith.constant 64 : i32
      %mul3A_251 = arith.muli %add3A_169, %mul3A_250 : i32
      "tpu.region"() ({
        %run_scoped3A_252 = tpu.sem_alloc : memref<!tpu.dma_semaphore, #tpu.memory_space<semaphore_mem>>
        %dma_start3A_253 = arith.constant 0 : i32
        %dma_start3A_254 = tpu.memref_slice %arg9[%arg0, %mul3A_251, %dma_start3A_253] : memref<2x10000x128xf32, #tpu.memory_space<hbm>> -> memref<1x64x128xf32, #tpu.memory_space<hbm>>
        %dma_start3A_255 = tpu.memref_squeeze %dma_start3A_254 : memref<1x64x128xf32, #tpu.memory_space<hbm>> -> memref<64x128xf32, #tpu.memory_space<hbm>>
        %dma_start3A_256 = arith.constant 0 : i32
        %dma_start3A_257 = tpu.memref_slice %arg19[%mul3A_249, %dma_start3A_256] : memref<10000x128xf32, #tpu.memory_space<vmem_shared>> -> memref<64x128xf32, #tpu.memory_space<vmem_shared>>
        tpu.enqueue_dma source(%dma_start3A_257 : memref<64x128xf32, #tpu.memory_space<vmem_shared>>) target(%dma_start3A_255 : memref<64x128xf32, #tpu.memory_space<hbm>>) target_semaphore(%run_scoped3A_252 : memref<!tpu.dma_semaphore, #tpu.memory_space<semaphore_mem>>)
        %dma_wait3A_258 = arith.constant 0 : i32
        %dma_wait3A_259 = tpu.memref_slice %arg9[%arg0, %mul3A_251, %dma_wait3A_258] : memref<2x10000x128xf32, #tpu.memory_space<hbm>> -> memref<1x64x128xf32, #tpu.memory_space<hbm>>
        %dma_wait3A_260 = tpu.memref_squeeze %dma_wait3A_259 : memref<1x64x128xf32, #tpu.memory_space<hbm>> -> memref<64x128xf32, #tpu.memory_space<hbm>>
        %dma_wait3A_261 = arith.constant 0 : i32
        %dma_wait3A_262 = tpu.memref_slice %arg19[%mul3A_249, %dma_wait3A_261] : memref<10000x128xf32, #tpu.memory_space<vmem_shared>> -> memref<64x128xf32, #tpu.memory_space<vmem_shared>>
        tpu.wait_dma2 semaphore(%run_scoped3A_252 : memref<!tpu.dma_semaphore, #tpu.memory_space<semaphore_mem>>) src(%dma_wait3A_262 : memref<64x128xf32, #tpu.memory_space<vmem_shared>>) dst(%dma_wait3A_260 : memref<64x128xf32, #tpu.memory_space<hbm>>)
        tpu.yield
      }) : () -> ()
    } else {
    }
    %add3A_175 = arith.constant 16 : i32
    %add3A_176 = arith.addi %arg1, %add3A_175 : i32
    %lt3A_177 = arith.constant 156 : i32
    %lt3A_178 = arith.cmpi slt, %add3A_176, %lt3A_177 : i32
    %convert_element_type3A_179 = arith.extui %lt3A_178 : i1 to i32
    %cond3A_180 = arith.constant 0 : i32
    %cond3A_181 = arith.cmpi ne, %convert_element_type3A_179, %cond3A_180 : i32
    scf.if %cond3A_181 {
      %mul3A_248 = arith.constant 64 : i32
      %mul3A_249 = arith.muli %add3A_176, %mul3A_248 : i32
      %mul3A_250 = arith.constant 64 : i32
      %mul3A_251 = arith.muli %add3A_176, %mul3A_250 : i32
      "tpu.region"() ({
        %run_scoped3A_252 = tpu.sem_alloc : memref<!tpu.dma_semaphore, #tpu.memory_space<semaphore_mem>>
        %dma_start3A_253 = arith.constant 0 : i32
        %dma_start3A_254 = tpu.memref_slice %arg9[%arg0, %mul3A_251, %dma_start3A_253] : memref<2x10000x128xf32, #tpu.memory_space<hbm>> -> memref<1x64x128xf32, #tpu.memory_space<hbm>>
        %dma_start3A_255 = tpu.memref_squeeze %dma_start3A_254 : memref<1x64x128xf32, #tpu.memory_space<hbm>> -> memref<64x128xf32, #tpu.memory_space<hbm>>
        %dma_start3A_256 = arith.constant 0 : i32
        %dma_start3A_257 = tpu.memref_slice %arg19[%mul3A_249, %dma_start3A_256] : memref<10000x128xf32, #tpu.memory_space<vmem_shared>> -> memref<64x128xf32, #tpu.memory_space<vmem_shared>>
        tpu.enqueue_dma source(%dma_start3A_257 : memref<64x128xf32, #tpu.memory_space<vmem_shared>>) target(%dma_start3A_255 : memref<64x128xf32, #tpu.memory_space<hbm>>) target_semaphore(%run_scoped3A_252 : memref<!tpu.dma_semaphore, #tpu.memory_space<semaphore_mem>>)
        %dma_wait3A_258 = arith.constant 0 : i32
        %dma_wait3A_259 = tpu.memref_slice %arg9[%arg0, %mul3A_251, %dma_wait3A_258] : memref<2x10000x128xf32, #tpu.memory_space<hbm>> -> memref<1x64x128xf32, #tpu.memory_space<hbm>>
        %dma_wait3A_260 = tpu.memref_squeeze %dma_wait3A_259 : memref<1x64x128xf32, #tpu.memory_space<hbm>> -> memref<64x128xf32, #tpu.memory_space<hbm>>
        %dma_wait3A_261 = arith.constant 0 : i32
        %dma_wait3A_262 = tpu.memref_slice %arg19[%mul3A_249, %dma_wait3A_261] : memref<10000x128xf32, #tpu.memory_space<vmem_shared>> -> memref<64x128xf32, #tpu.memory_space<vmem_shared>>
        tpu.wait_dma2 semaphore(%run_scoped3A_252 : memref<!tpu.dma_semaphore, #tpu.memory_space<semaphore_mem>>) src(%dma_wait3A_262 : memref<64x128xf32, #tpu.memory_space<vmem_shared>>) dst(%dma_wait3A_260 : memref<64x128xf32, #tpu.memory_space<hbm>>)
        tpu.yield
      }) : () -> ()
    } else {
    }
    %add3A_182 = arith.constant 32 : i32
    %add3A_183 = arith.addi %arg1, %add3A_182 : i32
    %lt3A_184 = arith.constant 156 : i32
    %lt3A_185 = arith.cmpi slt, %add3A_183, %lt3A_184 : i32
    %convert_element_type3A_186 = arith.extui %lt3A_185 : i1 to i32
    %cond3A_187 = arith.constant 0 : i32
    %cond3A_188 = arith.cmpi ne, %convert_element_type3A_186, %cond3A_187 : i32
    scf.if %cond3A_188 {
      %mul3A_248 = arith.constant 64 : i32
      %mul3A_249 = arith.muli %add3A_183, %mul3A_248 : i32
      %mul3A_250 = arith.constant 64 : i32
      %mul3A_251 = arith.muli %add3A_183, %mul3A_250 : i32
      "tpu.region"() ({
        %run_scoped3A_252 = tpu.sem_alloc : memref<!tpu.dma_semaphore, #tpu.memory_space<semaphore_mem>>
        %dma_start3A_253 = arith.constant 0 : i32
        %dma_start3A_254 = tpu.memref_slice %arg9[%arg0, %mul3A_251, %dma_start3A_253] : memref<2x10000x128xf32, #tpu.memory_space<hbm>> -> memref<1x64x128xf32, #tpu.memory_space<hbm>>
        %dma_start3A_255 = tpu.memref_squeeze %dma_start3A_254 : memref<1x64x128xf32, #tpu.memory_space<hbm>> -> memref<64x128xf32, #tpu.memory_space<hbm>>
        %dma_start3A_256 = arith.constant 0 : i32
        %dma_start3A_257 = tpu.memref_slice %arg19[%mul3A_249, %dma_start3A_256] : memref<10000x128xf32, #tpu.memory_space<vmem_shared>> -> memref<64x128xf32, #tpu.memory_space<vmem_shared>>
        tpu.enqueue_dma source(%dma_start3A_257 : memref<64x128xf32, #tpu.memory_space<vmem_shared>>) target(%dma_start3A_255 : memref<64x128xf32, #tpu.memory_space<hbm>>) target_semaphore(%run_scoped3A_252 : memref<!tpu.dma_semaphore, #tpu.memory_space<semaphore_mem>>)
        %dma_wait3A_258 = arith.constant 0 : i32
        %dma_wait3A_259 = tpu.memref_slice %arg9[%arg0, %mul3A_251, %dma_wait3A_258] : memref<2x10000x128xf32, #tpu.memory_space<hbm>> -> memref<1x64x128xf32, #tpu.memory_space<hbm>>
        %dma_wait3A_260 = tpu.memref_squeeze %dma_wait3A_259 : memref<1x64x128xf32, #tpu.memory_space<hbm>> -> memref<64x128xf32, #tpu.memory_space<hbm>>
        %dma_wait3A_261 = arith.constant 0 : i32
        %dma_wait3A_262 = tpu.memref_slice %arg19[%mul3A_249, %dma_wait3A_261] : memref<10000x128xf32, #tpu.memory_space<vmem_shared>> -> memref<64x128xf32, #tpu.memory_space<vmem_shared>>
        tpu.wait_dma2 semaphore(%run_scoped3A_252 : memref<!tpu.dma_semaphore, #tpu.memory_space<semaphore_mem>>) src(%dma_wait3A_262 : memref<64x128xf32, #tpu.memory_space<vmem_shared>>) dst(%dma_wait3A_260 : memref<64x128xf32, #tpu.memory_space<hbm>>)
        tpu.yield
      }) : () -> ()
    } else {
    }
    %add3A_189 = arith.constant 48 : i32
    %add3A_190 = arith.addi %arg1, %add3A_189 : i32
    %lt3A_191 = arith.constant 156 : i32
    %lt3A_192 = arith.cmpi slt, %add3A_190, %lt3A_191 : i32
    %convert_element_type3A_193 = arith.extui %lt3A_192 : i1 to i32
    %cond3A_194 = arith.constant 0 : i32
    %cond3A_195 = arith.cmpi ne, %convert_element_type3A_193, %cond3A_194 : i32
    scf.if %cond3A_195 {
      %mul3A_248 = arith.constant 64 : i32
      %mul3A_249 = arith.muli %add3A_190, %mul3A_248 : i32
      %mul3A_250 = arith.constant 64 : i32
      %mul3A_251 = arith.muli %add3A_190, %mul3A_250 : i32
      "tpu.region"() ({
        %run_scoped3A_252 = tpu.sem_alloc : memref<!tpu.dma_semaphore, #tpu.memory_space<semaphore_mem>>
        %dma_start3A_253 = arith.constant 0 : i32
        %dma_start3A_254 = tpu.memref_slice %arg9[%arg0, %mul3A_251, %dma_start3A_253] : memref<2x10000x128xf32, #tpu.memory_space<hbm>> -> memref<1x64x128xf32, #tpu.memory_space<hbm>>
        %dma_start3A_255 = tpu.memref_squeeze %dma_start3A_254 : memref<1x64x128xf32, #tpu.memory_space<hbm>> -> memref<64x128xf32, #tpu.memory_space<hbm>>
        %dma_start3A_256 = arith.constant 0 : i32
        %dma_start3A_257 = tpu.memref_slice %arg19[%mul3A_249, %dma_start3A_256] : memref<10000x128xf32, #tpu.memory_space<vmem_shared>> -> memref<64x128xf32, #tpu.memory_space<vmem_shared>>
        tpu.enqueue_dma source(%dma_start3A_257 : memref<64x128xf32, #tpu.memory_space<vmem_shared>>) target(%dma_start3A_255 : memref<64x128xf32, #tpu.memory_space<hbm>>) target_semaphore(%run_scoped3A_252 : memref<!tpu.dma_semaphore, #tpu.memory_space<semaphore_mem>>)
        %dma_wait3A_258 = arith.constant 0 : i32
        %dma_wait3A_259 = tpu.memref_slice %arg9[%arg0, %mul3A_251, %dma_wait3A_258] : memref<2x10000x128xf32, #tpu.memory_space<hbm>> -> memref<1x64x128xf32, #tpu.memory_space<hbm>>
        %dma_wait3A_260 = tpu.memref_squeeze %dma_wait3A_259 : memref<1x64x128xf32, #tpu.memory_space<hbm>> -> memref<64x128xf32, #tpu.memory_space<hbm>>
        %dma_wait3A_261 = arith.constant 0 : i32
        %dma_wait3A_262 = tpu.memref_slice %arg19[%mul3A_249, %dma_wait3A_261] : memref<10000x128xf32, #tpu.memory_space<vmem_shared>> -> memref<64x128xf32, #tpu.memory_space<vmem_shared>>
        tpu.wait_dma2 semaphore(%run_scoped3A_252 : memref<!tpu.dma_semaphore, #tpu.memory_space<semaphore_mem>>) src(%dma_wait3A_262 : memref<64x128xf32, #tpu.memory_space<vmem_shared>>) dst(%dma_wait3A_260 : memref<64x128xf32, #tpu.memory_space<hbm>>)
        tpu.yield
      }) : () -> ()
    } else {
    }
    %add3A_196 = arith.constant 64 : i32
    %add3A_197 = arith.addi %arg1, %add3A_196 : i32
    %lt3A_198 = arith.constant 156 : i32
    %lt3A_199 = arith.cmpi slt, %add3A_197, %lt3A_198 : i32
    %convert_element_type3A_200 = arith.extui %lt3A_199 : i1 to i32
    %cond3A_201 = arith.constant 0 : i32
    %cond3A_202 = arith.cmpi ne, %convert_element_type3A_200, %cond3A_201 : i32
    scf.if %cond3A_202 {
      %mul3A_248 = arith.constant 64 : i32
      %mul3A_249 = arith.muli %add3A_197, %mul3A_248 : i32
      %mul3A_250 = arith.constant 64 : i32
      %mul3A_251 = arith.muli %add3A_197, %mul3A_250 : i32
      "tpu.region"() ({
        %run_scoped3A_252 = tpu.sem_alloc : memref<!tpu.dma_semaphore, #tpu.memory_space<semaphore_mem>>
        %dma_start3A_253 = arith.constant 0 : i32
        %dma_start3A_254 = tpu.memref_slice %arg9[%arg0, %mul3A_251, %dma_start3A_253] : memref<2x10000x128xf32, #tpu.memory_space<hbm>> -> memref<1x64x128xf32, #tpu.memory_space<hbm>>
        %dma_start3A_255 = tpu.memref_squeeze %dma_start3A_254 : memref<1x64x128xf32, #tpu.memory_space<hbm>> -> memref<64x128xf32, #tpu.memory_space<hbm>>
        %dma_start3A_256 = arith.constant 0 : i32
        %dma_start3A_257 = tpu.memref_slice %arg19[%mul3A_249, %dma_start3A_256] : memref<10000x128xf32, #tpu.memory_space<vmem_shared>> -> memref<64x128xf32, #tpu.memory_space<vmem_shared>>
        tpu.enqueue_dma source(%dma_start3A_257 : memref<64x128xf32, #tpu.memory_space<vmem_shared>>) target(%dma_start3A_255 : memref<64x128xf32, #tpu.memory_space<hbm>>) target_semaphore(%run_scoped3A_252 : memref<!tpu.dma_semaphore, #tpu.memory_space<semaphore_mem>>)
        %dma_wait3A_258 = arith.constant 0 : i32
        %dma_wait3A_259 = tpu.memref_slice %arg9[%arg0, %mul3A_251, %dma_wait3A_258] : memref<2x10000x128xf32, #tpu.memory_space<hbm>> -> memref<1x64x128xf32, #tpu.memory_space<hbm>>
        %dma_wait3A_260 = tpu.memref_squeeze %dma_wait3A_259 : memref<1x64x128xf32, #tpu.memory_space<hbm>> -> memref<64x128xf32, #tpu.memory_space<hbm>>
        %dma_wait3A_261 = arith.constant 0 : i32
        %dma_wait3A_262 = tpu.memref_slice %arg19[%mul3A_249, %dma_wait3A_261] : memref<10000x128xf32, #tpu.memory_space<vmem_shared>> -> memref<64x128xf32, #tpu.memory_space<vmem_shared>>
        tpu.wait_dma2 semaphore(%run_scoped3A_252 : memref<!tpu.dma_semaphore, #tpu.memory_space<semaphore_mem>>) src(%dma_wait3A_262 : memref<64x128xf32, #tpu.memory_space<vmem_shared>>) dst(%dma_wait3A_260 : memref<64x128xf32, #tpu.memory_space<hbm>>)
        tpu.yield
      }) : () -> ()
    } else {
    }
    %add3A_203 = arith.constant 80 : i32
    %add3A_204 = arith.addi %arg1, %add3A_203 : i32
    %lt3A_205 = arith.constant 156 : i32
    %lt3A_206 = arith.cmpi slt, %add3A_204, %lt3A_205 : i32
    %convert_element_type3A_207 = arith.extui %lt3A_206 : i1 to i32
    %cond3A_208 = arith.constant 0 : i32
    %cond3A_209 = arith.cmpi ne, %convert_element_type3A_207, %cond3A_208 : i32
    scf.if %cond3A_209 {
      %mul3A_248 = arith.constant 64 : i32
      %mul3A_249 = arith.muli %add3A_204, %mul3A_248 : i32
      %mul3A_250 = arith.constant 64 : i32
      %mul3A_251 = arith.muli %add3A_204, %mul3A_250 : i32
      "tpu.region"() ({
        %run_scoped3A_252 = tpu.sem_alloc : memref<!tpu.dma_semaphore, #tpu.memory_space<semaphore_mem>>
        %dma_start3A_253 = arith.constant 0 : i32
        %dma_start3A_254 = tpu.memref_slice %arg9[%arg0, %mul3A_251, %dma_start3A_253] : memref<2x10000x128xf32, #tpu.memory_space<hbm>> -> memref<1x64x128xf32, #tpu.memory_space<hbm>>
        %dma_start3A_255 = tpu.memref_squeeze %dma_start3A_254 : memref<1x64x128xf32, #tpu.memory_space<hbm>> -> memref<64x128xf32, #tpu.memory_space<hbm>>
        %dma_start3A_256 = arith.constant 0 : i32
        %dma_start3A_257 = tpu.memref_slice %arg19[%mul3A_249, %dma_start3A_256] : memref<10000x128xf32, #tpu.memory_space<vmem_shared>> -> memref<64x128xf32, #tpu.memory_space<vmem_shared>>
        tpu.enqueue_dma source(%dma_start3A_257 : memref<64x128xf32, #tpu.memory_space<vmem_shared>>) target(%dma_start3A_255 : memref<64x128xf32, #tpu.memory_space<hbm>>) target_semaphore(%run_scoped3A_252 : memref<!tpu.dma_semaphore, #tpu.memory_space<semaphore_mem>>)
        %dma_wait3A_258 = arith.constant 0 : i32
        %dma_wait3A_259 = tpu.memref_slice %arg9[%arg0, %mul3A_251, %dma_wait3A_258] : memref<2x10000x128xf32, #tpu.memory_space<hbm>> -> memref<1x64x128xf32, #tpu.memory_space<hbm>>
        %dma_wait3A_260 = tpu.memref_squeeze %dma_wait3A_259 : memref<1x64x128xf32, #tpu.memory_space<hbm>> -> memref<64x128xf32, #tpu.memory_space<hbm>>
        %dma_wait3A_261 = arith.constant 0 : i32
        %dma_wait3A_262 = tpu.memref_slice %arg19[%mul3A_249, %dma_wait3A_261] : memref<10000x128xf32, #tpu.memory_space<vmem_shared>> -> memref<64x128xf32, #tpu.memory_space<vmem_shared>>
        tpu.wait_dma2 semaphore(%run_scoped3A_252 : memref<!tpu.dma_semaphore, #tpu.memory_space<semaphore_mem>>) src(%dma_wait3A_262 : memref<64x128xf32, #tpu.memory_space<vmem_shared>>) dst(%dma_wait3A_260 : memref<64x128xf32, #tpu.memory_space<hbm>>)
        tpu.yield
      }) : () -> ()
    } else {
    }
    %add3A_210 = arith.constant 96 : i32
    %add3A_211 = arith.addi %arg1, %add3A_210 : i32
    %lt3A_212 = arith.constant 156 : i32
    %lt3A_213 = arith.cmpi slt, %add3A_211, %lt3A_212 : i32
    %convert_element_type3A_214 = arith.extui %lt3A_213 : i1 to i32
    %cond3A_215 = arith.constant 0 : i32
    %cond3A_216 = arith.cmpi ne, %convert_element_type3A_214, %cond3A_215 : i32
    scf.if %cond3A_216 {
      %mul3A_248 = arith.constant 64 : i32
      %mul3A_249 = arith.muli %add3A_211, %mul3A_248 : i32
      %mul3A_250 = arith.constant 64 : i32
      %mul3A_251 = arith.muli %add3A_211, %mul3A_250 : i32
      "tpu.region"() ({
        %run_scoped3A_252 = tpu.sem_alloc : memref<!tpu.dma_semaphore, #tpu.memory_space<semaphore_mem>>
        %dma_start3A_253 = arith.constant 0 : i32
        %dma_start3A_254 = tpu.memref_slice %arg9[%arg0, %mul3A_251, %dma_start3A_253] : memref<2x10000x128xf32, #tpu.memory_space<hbm>> -> memref<1x64x128xf32, #tpu.memory_space<hbm>>
        %dma_start3A_255 = tpu.memref_squeeze %dma_start3A_254 : memref<1x64x128xf32, #tpu.memory_space<hbm>> -> memref<64x128xf32, #tpu.memory_space<hbm>>
        %dma_start3A_256 = arith.constant 0 : i32
        %dma_start3A_257 = tpu.memref_slice %arg19[%mul3A_249, %dma_start3A_256] : memref<10000x128xf32, #tpu.memory_space<vmem_shared>> -> memref<64x128xf32, #tpu.memory_space<vmem_shared>>
        tpu.enqueue_dma source(%dma_start3A_257 : memref<64x128xf32, #tpu.memory_space<vmem_shared>>) target(%dma_start3A_255 : memref<64x128xf32, #tpu.memory_space<hbm>>) target_semaphore(%run_scoped3A_252 : memref<!tpu.dma_semaphore, #tpu.memory_space<semaphore_mem>>)
        %dma_wait3A_258 = arith.constant 0 : i32
        %dma_wait3A_259 = tpu.memref_slice %arg9[%arg0, %mul3A_251, %dma_wait3A_258] : memref<2x10000x128xf32, #tpu.memory_space<hbm>> -> memref<1x64x128xf32, #tpu.memory_space<hbm>>
        %dma_wait3A_260 = tpu.memref_squeeze %dma_wait3A_259 : memref<1x64x128xf32, #tpu.memory_space<hbm>> -> memref<64x128xf32, #tpu.memory_space<hbm>>
        %dma_wait3A_261 = arith.constant 0 : i32
        %dma_wait3A_262 = tpu.memref_slice %arg19[%mul3A_249, %dma_wait3A_261] : memref<10000x128xf32, #tpu.memory_space<vmem_shared>> -> memref<64x128xf32, #tpu.memory_space<vmem_shared>>
        tpu.wait_dma2 semaphore(%run_scoped3A_252 : memref<!tpu.dma_semaphore, #tpu.memory_space<semaphore_mem>>) src(%dma_wait3A_262 : memref<64x128xf32, #tpu.memory_space<vmem_shared>>) dst(%dma_wait3A_260 : memref<64x128xf32, #tpu.memory_space<hbm>>)
        tpu.yield
      }) : () -> ()
    } else {
    }
    %add3A_217 = arith.constant 112 : i32
    %add3A_218 = arith.addi %arg1, %add3A_217 : i32
    %lt3A_219 = arith.constant 156 : i32
    %lt3A_220 = arith.cmpi slt, %add3A_218, %lt3A_219 : i32
    %convert_element_type3A_221 = arith.extui %lt3A_220 : i1 to i32
    %cond3A_222 = arith.constant 0 : i32
    %cond3A_223 = arith.cmpi ne, %convert_element_type3A_221, %cond3A_222 : i32
    scf.if %cond3A_223 {
      %mul3A_248 = arith.constant 64 : i32
      %mul3A_249 = arith.muli %add3A_218, %mul3A_248 : i32
      %mul3A_250 = arith.constant 64 : i32
      %mul3A_251 = arith.muli %add3A_218, %mul3A_250 : i32
      "tpu.region"() ({
        %run_scoped3A_252 = tpu.sem_alloc : memref<!tpu.dma_semaphore, #tpu.memory_space<semaphore_mem>>
        %dma_start3A_253 = arith.constant 0 : i32
        %dma_start3A_254 = tpu.memref_slice %arg9[%arg0, %mul3A_251, %dma_start3A_253] : memref<2x10000x128xf32, #tpu.memory_space<hbm>> -> memref<1x64x128xf32, #tpu.memory_space<hbm>>
        %dma_start3A_255 = tpu.memref_squeeze %dma_start3A_254 : memref<1x64x128xf32, #tpu.memory_space<hbm>> -> memref<64x128xf32, #tpu.memory_space<hbm>>
        %dma_start3A_256 = arith.constant 0 : i32
        %dma_start3A_257 = tpu.memref_slice %arg19[%mul3A_249, %dma_start3A_256] : memref<10000x128xf32, #tpu.memory_space<vmem_shared>> -> memref<64x128xf32, #tpu.memory_space<vmem_shared>>
        tpu.enqueue_dma source(%dma_start3A_257 : memref<64x128xf32, #tpu.memory_space<vmem_shared>>) target(%dma_start3A_255 : memref<64x128xf32, #tpu.memory_space<hbm>>) target_semaphore(%run_scoped3A_252 : memref<!tpu.dma_semaphore, #tpu.memory_space<semaphore_mem>>)
        %dma_wait3A_258 = arith.constant 0 : i32
        %dma_wait3A_259 = tpu.memref_slice %arg9[%arg0, %mul3A_251, %dma_wait3A_258] : memref<2x10000x128xf32, #tpu.memory_space<hbm>> -> memref<1x64x128xf32, #tpu.memory_space<hbm>>
        %dma_wait3A_260 = tpu.memref_squeeze %dma_wait3A_259 : memref<1x64x128xf32, #tpu.memory_space<hbm>> -> memref<64x128xf32, #tpu.memory_space<hbm>>
        %dma_wait3A_261 = arith.constant 0 : i32
        %dma_wait3A_262 = tpu.memref_slice %arg19[%mul3A_249, %dma_wait3A_261] : memref<10000x128xf32, #tpu.memory_space<vmem_shared>> -> memref<64x128xf32, #tpu.memory_space<vmem_shared>>
        tpu.wait_dma2 semaphore(%run_scoped3A_252 : memref<!tpu.dma_semaphore, #tpu.memory_space<semaphore_mem>>) src(%dma_wait3A_262 : memref<64x128xf32, #tpu.memory_space<vmem_shared>>) dst(%dma_wait3A_260 : memref<64x128xf32, #tpu.memory_space<hbm>>)
        tpu.yield
      }) : () -> ()
    } else {
    }
    %add3A_224 = arith.constant 128 : i32
    %add3A_225 = arith.addi %arg1, %add3A_224 : i32
    %lt3A_226 = arith.constant 156 : i32
    %lt3A_227 = arith.cmpi slt, %add3A_225, %lt3A_226 : i32
    %convert_element_type3A_228 = arith.extui %lt3A_227 : i1 to i32
    %cond3A_229 = arith.constant 0 : i32
    %cond3A_230 = arith.cmpi ne, %convert_element_type3A_228, %cond3A_229 : i32
    scf.if %cond3A_230 {
      %mul3A_248 = arith.constant 64 : i32
      %mul3A_249 = arith.muli %add3A_225, %mul3A_248 : i32
      %mul3A_250 = arith.constant 64 : i32
      %mul3A_251 = arith.muli %add3A_225, %mul3A_250 : i32
      "tpu.region"() ({
        %run_scoped3A_252 = tpu.sem_alloc : memref<!tpu.dma_semaphore, #tpu.memory_space<semaphore_mem>>
        %dma_start3A_253 = arith.constant 0 : i32
        %dma_start3A_254 = tpu.memref_slice %arg9[%arg0, %mul3A_251, %dma_start3A_253] : memref<2x10000x128xf32, #tpu.memory_space<hbm>> -> memref<1x64x128xf32, #tpu.memory_space<hbm>>
        %dma_start3A_255 = tpu.memref_squeeze %dma_start3A_254 : memref<1x64x128xf32, #tpu.memory_space<hbm>> -> memref<64x128xf32, #tpu.memory_space<hbm>>
        %dma_start3A_256 = arith.constant 0 : i32
        %dma_start3A_257 = tpu.memref_slice %arg19[%mul3A_249, %dma_start3A_256] : memref<10000x128xf32, #tpu.memory_space<vmem_shared>> -> memref<64x128xf32, #tpu.memory_space<vmem_shared>>
        tpu.enqueue_dma source(%dma_start3A_257 : memref<64x128xf32, #tpu.memory_space<vmem_shared>>) target(%dma_start3A_255 : memref<64x128xf32, #tpu.memory_space<hbm>>) target_semaphore(%run_scoped3A_252 : memref<!tpu.dma_semaphore, #tpu.memory_space<semaphore_mem>>)
        %dma_wait3A_258 = arith.constant 0 : i32
        %dma_wait3A_259 = tpu.memref_slice %arg9[%arg0, %mul3A_251, %dma_wait3A_258] : memref<2x10000x128xf32, #tpu.memory_space<hbm>> -> memref<1x64x128xf32, #tpu.memory_space<hbm>>
        %dma_wait3A_260 = tpu.memref_squeeze %dma_wait3A_259 : memref<1x64x128xf32, #tpu.memory_space<hbm>> -> memref<64x128xf32, #tpu.memory_space<hbm>>
        %dma_wait3A_261 = arith.constant 0 : i32
        %dma_wait3A_262 = tpu.memref_slice %arg19[%mul3A_249, %dma_wait3A_261] : memref<10000x128xf32, #tpu.memory_space<vmem_shared>> -> memref<64x128xf32, #tpu.memory_space<vmem_shared>>
        tpu.wait_dma2 semaphore(%run_scoped3A_252 : memref<!tpu.dma_semaphore, #tpu.memory_space<semaphore_mem>>) src(%dma_wait3A_262 : memref<64x128xf32, #tpu.memory_space<vmem_shared>>) dst(%dma_wait3A_260 : memref<64x128xf32, #tpu.memory_space<hbm>>)
        tpu.yield
      }) : () -> ()
    } else {
    }
    %add3A_231 = arith.constant 144 : i32
    %add3A_232 = arith.addi %arg1, %add3A_231 : i32
    %lt3A_233 = arith.constant 156 : i32
    %lt3A_234 = arith.cmpi slt, %add3A_232, %lt3A_233 : i32
    %convert_element_type3A_235 = arith.extui %lt3A_234 : i1 to i32
    %cond3A_236 = arith.constant 0 : i32
    %cond3A_237 = arith.cmpi ne, %convert_element_type3A_235, %cond3A_236 : i32
    scf.if %cond3A_237 {
      %mul3A_248 = arith.constant 64 : i32
      %mul3A_249 = arith.muli %add3A_232, %mul3A_248 : i32
      %mul3A_250 = arith.constant 64 : i32
      %mul3A_251 = arith.muli %add3A_232, %mul3A_250 : i32
      "tpu.region"() ({
        %run_scoped3A_252 = tpu.sem_alloc : memref<!tpu.dma_semaphore, #tpu.memory_space<semaphore_mem>>
        %dma_start3A_253 = arith.constant 0 : i32
        %dma_start3A_254 = tpu.memref_slice %arg9[%arg0, %mul3A_251, %dma_start3A_253] : memref<2x10000x128xf32, #tpu.memory_space<hbm>> -> memref<1x64x128xf32, #tpu.memory_space<hbm>>
        %dma_start3A_255 = tpu.memref_squeeze %dma_start3A_254 : memref<1x64x128xf32, #tpu.memory_space<hbm>> -> memref<64x128xf32, #tpu.memory_space<hbm>>
        %dma_start3A_256 = arith.constant 0 : i32
        %dma_start3A_257 = tpu.memref_slice %arg19[%mul3A_249, %dma_start3A_256] : memref<10000x128xf32, #tpu.memory_space<vmem_shared>> -> memref<64x128xf32, #tpu.memory_space<vmem_shared>>
        tpu.enqueue_dma source(%dma_start3A_257 : memref<64x128xf32, #tpu.memory_space<vmem_shared>>) target(%dma_start3A_255 : memref<64x128xf32, #tpu.memory_space<hbm>>) target_semaphore(%run_scoped3A_252 : memref<!tpu.dma_semaphore, #tpu.memory_space<semaphore_mem>>)
        %dma_wait3A_258 = arith.constant 0 : i32
        %dma_wait3A_259 = tpu.memref_slice %arg9[%arg0, %mul3A_251, %dma_wait3A_258] : memref<2x10000x128xf32, #tpu.memory_space<hbm>> -> memref<1x64x128xf32, #tpu.memory_space<hbm>>
        %dma_wait3A_260 = tpu.memref_squeeze %dma_wait3A_259 : memref<1x64x128xf32, #tpu.memory_space<hbm>> -> memref<64x128xf32, #tpu.memory_space<hbm>>
        %dma_wait3A_261 = arith.constant 0 : i32
        %dma_wait3A_262 = tpu.memref_slice %arg19[%mul3A_249, %dma_wait3A_261] : memref<10000x128xf32, #tpu.memory_space<vmem_shared>> -> memref<64x128xf32, #tpu.memory_space<vmem_shared>>
        tpu.wait_dma2 semaphore(%run_scoped3A_252 : memref<!tpu.dma_semaphore, #tpu.memory_space<semaphore_mem>>) src(%dma_wait3A_262 : memref<64x128xf32, #tpu.memory_space<vmem_shared>>) dst(%dma_wait3A_260 : memref<64x128xf32, #tpu.memory_space<hbm>>)
        tpu.yield
      }) : () -> ()
    } else {
    }
    %eq3A_238 = arith.constant 1 : i32
    %eq3A_239 = arith.cmpi eq, %arg1, %eq3A_238 : i32
    %convert_element_type3A_240 = arith.extui %eq3A_239 : i1 to i32
    %cond3A_241 = arith.constant 0 : i32
    %cond3A_242 = arith.cmpi ne, %convert_element_type3A_240, %cond3A_241 : i32
    scf.if %cond3A_242 {
      "tpu.region"() ({
        %run_scoped3A_248 = tpu.sem_alloc : memref<!tpu.dma_semaphore, #tpu.memory_space<semaphore_mem>>
        %dma_start3A_249 = arith.constant 9984 : i32
        %dma_start3A_250 = arith.constant 0 : i32
        %dma_start3A_251 = tpu.memref_slice %arg9[%arg0, %dma_start3A_249, %dma_start3A_250] : memref<2x10000x128xf32, #tpu.memory_space<hbm>> -> memref<1x16x128xf32, #tpu.memory_space<hbm>>
        %dma_start3A_252 = tpu.memref_squeeze %dma_start3A_251 : memref<1x16x128xf32, #tpu.memory_space<hbm>> -> memref<16x128xf32, #tpu.memory_space<hbm>>
        %dma_start3A_253 = arith.constant 9984 : i32
        %dma_start3A_254 = arith.constant 0 : i32
        %dma_start3A_255 = tpu.memref_slice %arg19[%dma_start3A_253, %dma_start3A_254] : memref<10000x128xf32, #tpu.memory_space<vmem_shared>> -> memref<16x128xf32, #tpu.memory_space<vmem_shared>>
        tpu.enqueue_dma source(%dma_start3A_255 : memref<16x128xf32, #tpu.memory_space<vmem_shared>>) target(%dma_start3A_252 : memref<16x128xf32, #tpu.memory_space<hbm>>) target_semaphore(%run_scoped3A_248 : memref<!tpu.dma_semaphore, #tpu.memory_space<semaphore_mem>>)
        %dma_wait3A_256 = arith.constant 9984 : i32
        %dma_wait3A_257 = arith.constant 0 : i32
        %dma_wait3A_258 = tpu.memref_slice %arg9[%arg0, %dma_wait3A_256, %dma_wait3A_257] : memref<2x10000x128xf32, #tpu.memory_space<hbm>> -> memref<1x16x128xf32, #tpu.memory_space<hbm>>
        %dma_wait3A_259 = tpu.memref_squeeze %dma_wait3A_258 : memref<1x16x128xf32, #tpu.memory_space<hbm>> -> memref<16x128xf32, #tpu.memory_space<hbm>>
        %dma_wait3A_260 = arith.constant 9984 : i32
        %dma_wait3A_261 = arith.constant 0 : i32
        %dma_wait3A_262 = tpu.memref_slice %arg19[%dma_wait3A_260, %dma_wait3A_261] : memref<10000x128xf32, #tpu.memory_space<vmem_shared>> -> memref<16x128xf32, #tpu.memory_space<vmem_shared>>
        tpu.wait_dma2 semaphore(%run_scoped3A_248 : memref<!tpu.dma_semaphore, #tpu.memory_space<semaphore_mem>>) src(%dma_wait3A_262 : memref<16x128xf32, #tpu.memory_space<vmem_shared>>) dst(%dma_wait3A_259 : memref<16x128xf32, #tpu.memory_space<hbm>>)
        tpu.yield
      }) : () -> ()
    } else {
    }
    %eq3A_243 = arith.constant 0 : i32
    %eq3A_244 = arith.cmpi eq, %arg1, %eq3A_243 : i32
    %convert_element_type3A_245 = arith.extui %eq3A_244 : i1 to i32
    %cond3A_246 = arith.constant 0 : i32
    %cond3A_247 = arith.cmpi ne, %convert_element_type3A_245, %cond3A_246 : i32
    scf.if %cond3A_247 {
      %eq3A_248 = arith.constant 0 : i32
      %eq3A_249 = arith.cmpi eq, %arg0, %eq3A_248 : i32
      %convert_element_type3A_250 = arith.extui %eq3A_249 : i1 to i32
      %cond3A_251 = arith.constant 0 : i32
      %cond3A_252 = arith.cmpi ne, %convert_element_type3A_250, %cond3A_251 : i32
      scf.if %cond3A_252 {
        "tpu.region"() ({
          %run_scoped3A_258 = tpu.sem_alloc : memref<!tpu.dma_semaphore, #tpu.memory_space<semaphore_mem>>
          tpu.enqueue_dma source(%arg20 : memref<10000xf32, #tpu.memory_space<vmem_shared>>) target(%arg10 : memref<10000xf32, #tpu.memory_space<hbm>>) target_semaphore(%run_scoped3A_258 : memref<!tpu.dma_semaphore, #tpu.memory_space<semaphore_mem>>)
          tpu.wait_dma2 semaphore(%run_scoped3A_258 : memref<!tpu.dma_semaphore, #tpu.memory_space<semaphore_mem>>) src(%arg20 : memref<10000xf32, #tpu.memory_space<vmem_shared>>) dst(%arg10 : memref<10000xf32, #tpu.memory_space<hbm>>)
          tpu.yield
        }) : () -> ()
      } else {
      }
      %eq3A_253 = arith.constant 1 : i32
      %eq3A_254 = arith.cmpi eq, %arg0, %eq3A_253 : i32
      %convert_element_type3A_255 = arith.extui %eq3A_254 : i1 to i32
      %cond3A_256 = arith.constant 0 : i32
      %cond3A_257 = arith.cmpi ne, %convert_element_type3A_255, %cond3A_256 : i32
      scf.if %cond3A_257 {
        "tpu.region"() ({
          %run_scoped3A_258 = tpu.sem_alloc : memref<!tpu.dma_semaphore, #tpu.memory_space<semaphore_mem>>
          tpu.enqueue_dma source(%arg20 : memref<10000xf32, #tpu.memory_space<vmem_shared>>) target(%arg11 : memref<10000xf32, #tpu.memory_space<hbm>>) target_semaphore(%run_scoped3A_258 : memref<!tpu.dma_semaphore, #tpu.memory_space<semaphore_mem>>)
          tpu.wait_dma2 semaphore(%run_scoped3A_258 : memref<!tpu.dma_semaphore, #tpu.memory_space<semaphore_mem>>) src(%arg20 : memref<10000xf32, #tpu.memory_space<vmem_shared>>) dst(%arg11 : memref<10000xf32, #tpu.memory_space<hbm>>)
          tpu.yield
        }) : () -> ()
      } else {
      }
    } else {
    }
    return
  }
}

module attributes {stable_mosaic.version = 14 : i64} {
  func.func @_mm_body(%arg0: i32, %arg1: memref<1000x128xf32, #tpu.memory_space<vmem>>, %arg2: memref<128x128xf32, #tpu.memory_space<vmem>>, %arg3: memref<1x128xf32, #tpu.memory_space<vmem>>, %arg4: memref<1x128xf32, #tpu.memory_space<vmem>>, %arg5: memref<1000x128xbf16, #tpu.memory_space<vmem>>, %arg6: memref<1000x1xf32, #tpu.memory_space<vmem>>, %arg7: memref<1000x1xf32, #tpu.memory_space<vmem>>, %arg8: memref<1x128xf32, #tpu.memory_space<vmem>>, %arg9: memref<1x128xf32, #tpu.memory_space<vmem>>) attributes {dimension_semantics = [#tpu.dimension_semantics<arbitrary>], iteration_bounds = array<i64: 10>, scalar_prefetch = 0 : i64, scratch_operands = 0 : i64, tpu.core_type = #tpu.core_type<tc>, window_params = [{transform_indices = @transform_0, window_bounds = array<i64: 1000, 128>}, {pipeline_mode = #tpu.pipeline_mode<synchronous>, transform_indices = @transform_1, window_bounds = array<i64: 128, 128>}, {pipeline_mode = #tpu.pipeline_mode<synchronous>, transform_indices = @transform_2, window_bounds = array<i64: 1, 128>}, {pipeline_mode = #tpu.pipeline_mode<synchronous>, transform_indices = @transform_3, window_bounds = array<i64: 1, 128>}, {transform_indices = @transform_4, window_bounds = array<i64: 1000, 128>}, {transform_indices = @transform_5, window_bounds = array<i64: 1000, 1>}, {transform_indices = @transform_6, window_bounds = array<i64: 1000, 1>}, {pipeline_mode = #tpu.pipeline_mode<synchronous>, transform_indices = @transform_7, window_bounds = array<i64: 1, 128>}, {pipeline_mode = #tpu.pipeline_mode<synchronous>, transform_indices = @transform_8, window_bounds = array<i64: 1, 128>}]} {
    %get3A = arith.constant 0 : index
    %get3A_0 = arith.constant 0 : index
    %get3A_1 = vector.load %arg1[%get3A, %get3A_0] : memref<1000x128xf32, #tpu.memory_space<vmem>>, vector<1000x128xf32>
    %get3A_2 = arith.constant 0 : index
    %get3A_3 = arith.constant 0 : index
    %get3A_4 = vector.load %arg2[%get3A_2, %get3A_3] : memref<128x128xf32, #tpu.memory_space<vmem>>, vector<128x128xf32>
    %dot_general3A = arith.constant dense<0.000000e+00> : vector<1000x128xf32>
    %dot_general3A_5 = tpu.matmul %get3A_1, %get3A_4, %dot_general3A {dimension_numbers = #tpu.dot_dimension_numbers<[1], [0], [0], [1], [0, 0, 1, 1], [], []>, transpose_lhs_hint = false} : vector<1000x128xf32>, vector<128x128xf32>, vector<1000x128xf32> -> vector<1000x128xf32>
    %convert_element_type3A = arith.truncf %dot_general3A_5 : vector<1000x128xf32> to vector<1000x128xbf16>
    %swap3A = arith.constant 0 : index
    %swap3A_6 = arith.constant 0 : index
    %swap3A_7 = vector.load %arg5[%swap3A, %swap3A_6] : memref<1000x128xbf16, #tpu.memory_space<vmem>>, vector<1000x128xbf16>
    tpu.vector_store %arg5[%swap3A, %swap3A_6], %convert_element_type3A {strides = array<i32>} : memref<1000x128xbf16, #tpu.memory_space<vmem>>, vector<1000x128xbf16>,
    %get3A_8 = arith.constant 0 : index
    %get3A_9 = arith.constant 0 : index
    %get3A_10 = vector.load %arg3[%get3A_8, %get3A_9] : memref<1x128xf32, #tpu.memory_space<vmem>>, vector<1x128xf32>
    %mul3A = vector.broadcast %get3A_10 : vector<1x128xf32> to vector<1000x128xf32>
    %mul3A_11 = arith.mulf %dot_general3A_5, %mul3A : vector<1000x128xf32>
    %reduce_sum3A = arith.constant dense<0.000000e+00> : vector<1000xf32>
    %reduce_sum3A_12 = vector.multi_reduction <add>, %mul3A_11, %reduce_sum3A [1] : vector<1000x128xf32> to vector<1000xf32>
    %broadcast_in_dim3A = vector.shape_cast %reduce_sum3A_12 : vector<1000xf32> to vector<1000x1xf32>
    %get3A_13 = arith.constant 0 : index
    %get3A_14 = arith.constant 0 : index
    %get3A_15 = vector.load %arg4[%get3A_13, %get3A_14] : memref<1x128xf32, #tpu.memory_space<vmem>>, vector<1x128xf32>
    %mul3A_16 = vector.broadcast %get3A_15 : vector<1x128xf32> to vector<1000x128xf32>
    %mul3A_17 = arith.mulf %dot_general3A_5, %mul3A_16 : vector<1000x128xf32>
    %reduce_sum3A_18 = arith.constant dense<0.000000e+00> : vector<1000xf32>
    %reduce_sum3A_19 = vector.multi_reduction <add>, %mul3A_17, %reduce_sum3A_18 [1] : vector<1000x128xf32> to vector<1000xf32>
    %broadcast_in_dim3A_20 = vector.shape_cast %reduce_sum3A_19 : vector<1000xf32> to vector<1000x1xf32>
    %swap3A_21 = arith.constant 0 : index
    %swap3A_22 = arith.constant 0 : index
    %swap3A_23 = vector.load %arg6[%swap3A_21, %swap3A_22] : memref<1000x1xf32, #tpu.memory_space<vmem>>, vector<1000x1xf32>
    tpu.vector_store %arg6[%swap3A_21, %swap3A_22], %broadcast_in_dim3A {strides = array<i32>} : memref<1000x1xf32, #tpu.memory_space<vmem>>, vector<1000x1xf32>,
    %swap3A_24 = arith.constant 0 : index
    %swap3A_25 = arith.constant 0 : index
    %swap3A_26 = vector.load %arg7[%swap3A_24, %swap3A_25] : memref<1000x1xf32, #tpu.memory_space<vmem>>, vector<1000x1xf32>
    tpu.vector_store %arg7[%swap3A_24, %swap3A_25], %broadcast_in_dim3A_20 {strides = array<i32>} : memref<1000x1xf32, #tpu.memory_space<vmem>>, vector<1000x1xf32>,
    %eq3A = arith.constant 0 : i32
    %eq3A_27 = arith.cmpi eq, %arg0, %eq3A : i32
    %convert_element_type3A_28 = arith.extui %eq3A_27 : i1 to i32
    %cond3A = arith.constant 0 : i32
    %cond3A_29 = arith.cmpi ne, %convert_element_type3A_28, %cond3A : i32
    scf.if %cond3A_29 {
      %broadcast_in_dim3A_54 = arith.constant -1.000000e+30 : f32
      %broadcast_in_dim3A_55 = vector.broadcast %broadcast_in_dim3A_54 : f32 to vector<1x128xf32>
      %swap3A_56 = arith.constant 0 : index
      %swap3A_57 = arith.constant 0 : index
      %swap3A_58 = vector.load %arg8[%swap3A_56, %swap3A_57] : memref<1x128xf32, #tpu.memory_space<vmem>>, vector<1x128xf32>
      tpu.vector_store %arg8[%swap3A_56, %swap3A_57], %broadcast_in_dim3A_55 {strides = array<i32>} : memref<1x128xf32, #tpu.memory_space<vmem>>, vector<1x128xf32>,
      %broadcast_in_dim3A_59 = arith.constant -1.000000e+30 : f32
      %broadcast_in_dim3A_60 = vector.broadcast %broadcast_in_dim3A_59 : f32 to vector<1x128xf32>
      %swap3A_61 = arith.constant 0 : index
      %swap3A_62 = arith.constant 0 : index
      %swap3A_63 = vector.load %arg9[%swap3A_61, %swap3A_62] : memref<1x128xf32, #tpu.memory_space<vmem>>, vector<1x128xf32>
      tpu.vector_store %arg9[%swap3A_61, %swap3A_62], %broadcast_in_dim3A_60 {strides = array<i32>} : memref<1x128xf32, #tpu.memory_space<vmem>>, vector<1x128xf32>,
    } else {
    }
    %get3A_30 = arith.constant 0 : index
    %get3A_31 = arith.constant 0 : index
    %get3A_32 = vector.load %arg8[%get3A_30, %get3A_31] : memref<1x128xf32, #tpu.memory_space<vmem>>, vector<1x128xf32>
    %reduce_max3A = vector.shape_cast %broadcast_in_dim3A : vector<1000x1xf32> to vector<1x1000x1xf32>
    %reduce_max3A_33 = arith.constant dense<0xFF800000> : vector<1xf32>
    %reduce_max3A_34 = vector.multi_reduction <maximumf>, %reduce_max3A, %reduce_max3A_33 [1, 2] : vector<1x1000x1xf32> to vector<1xf32>
    %reduce_max3A_35 = vector.shape_cast %reduce_max3A_34 : vector<1xf32> to vector<1x1x1xf32>
    %reduce_max3A_36 = vector.extract %reduce_max3A_35[0, 0, 0] : f32 from vector<1x1x1xf32>
    %max3A = vector.broadcast %reduce_max3A_36 : f32 to vector<1x128xf32>
    %max3A_37 = arith.maximumf %get3A_32, %max3A : vector<1x128xf32>
    %swap3A_38 = arith.constant 0 : index
    %swap3A_39 = arith.constant 0 : index
    %swap3A_40 = vector.load %arg8[%swap3A_38, %swap3A_39] : memref<1x128xf32, #tpu.memory_space<vmem>>, vector<1x128xf32>
    tpu.vector_store %arg8[%swap3A_38, %swap3A_39], %max3A_37 {strides = array<i32>} : memref<1x128xf32, #tpu.memory_space<vmem>>, vector<1x128xf32>,
    %get3A_41 = arith.constant 0 : index
    %get3A_42 = arith.constant 0 : index
    %get3A_43 = vector.load %arg9[%get3A_41, %get3A_42] : memref<1x128xf32, #tpu.memory_space<vmem>>, vector<1x128xf32>
    %reduce_max3A_44 = vector.shape_cast %broadcast_in_dim3A_20 : vector<1000x1xf32> to vector<1x1000x1xf32>
    %reduce_max3A_45 = arith.constant dense<0xFF800000> : vector<1xf32>
    %reduce_max3A_46 = vector.multi_reduction <maximumf>, %reduce_max3A_44, %reduce_max3A_45 [1, 2] : vector<1x1000x1xf32> to vector<1xf32>
    %reduce_max3A_47 = vector.shape_cast %reduce_max3A_46 : vector<1xf32> to vector<1x1x1xf32>
    %reduce_max3A_48 = vector.extract %reduce_max3A_47[0, 0, 0] : f32 from vector<1x1x1xf32>
    %max3A_49 = vector.broadcast %reduce_max3A_48 : f32 to vector<1x128xf32>
    %max3A_50 = arith.maximumf %get3A_43, %max3A_49 : vector<1x128xf32>
    %swap3A_51 = arith.constant 0 : index
    %swap3A_52 = arith.constant 0 : index
    %swap3A_53 = vector.load %arg9[%swap3A_51, %swap3A_52] : memref<1x128xf32, #tpu.memory_space<vmem>>, vector<1x128xf32>
    tpu.vector_store %arg9[%swap3A_51, %swap3A_52], %max3A_50 {strides = array<i32>} : memref<1x128xf32, #tpu.memory_space<vmem>>, vector<1x128xf32>,
    return
  }
  func.func @transform_0(%arg0: i32) -> (i32, i32) {
    %c0_i32 = arith.constant 0 : i32
    %c0_i32_0 = arith.constant 0 : i32
    return %arg0, %c0_i32 : i32, i32
  }
  func.func @transform_1(%arg0: i32) -> (i32, i32) {
    %c0_i32 = arith.constant 0 : i32
    %c0_i32_0 = arith.constant 0 : i32
    %c0_i32_1 = arith.constant 0 : i32
    return %c0_i32, %c0_i32_0 : i32, i32
  }
  func.func @transform_2(%arg0: i32) -> (i32, i32) {
    %c0_i32 = arith.constant 0 : i32
    %c0_i32_0 = arith.constant 0 : i32
    %c0_i32_1 = arith.constant 0 : i32
    return %c0_i32, %c0_i32_0 : i32, i32
  }
  func.func @transform_3(%arg0: i32) -> (i32, i32) {
    %c0_i32 = arith.constant 0 : i32
    %c0_i32_0 = arith.constant 0 : i32
    %c0_i32_1 = arith.constant 0 : i32
    return %c0_i32, %c0_i32_0 : i32, i32
  }
  func.func @transform_4(%arg0: i32) -> (i32, i32) {
    %c0_i32 = arith.constant 0 : i32
    %c0_i32_0 = arith.constant 0 : i32
    return %arg0, %c0_i32 : i32, i32
  }
  func.func @transform_5(%arg0: i32) -> (i32, i32) {
    %c0_i32 = arith.constant 0 : i32
    %c0_i32_0 = arith.constant 0 : i32
    return %arg0, %c0_i32 : i32, i32
  }
  func.func @transform_6(%arg0: i32) -> (i32, i32) {
    %c0_i32 = arith.constant 0 : i32
    %c0_i32_0 = arith.constant 0 : i32
    return %arg0, %c0_i32 : i32, i32
  }
  func.func @transform_7(%arg0: i32) -> (i32, i32) {
    %c0_i32 = arith.constant 0 : i32
    %c0_i32_0 = arith.constant 0 : i32
    %c0_i32_1 = arith.constant 0 : i32
    return %c0_i32, %c0_i32_0 : i32, i32
  }
  func.func @transform_8(%arg0: i32) -> (i32, i32) {
    %c0_i32 = arith.constant 0 : i32
    %c0_i32_0 = arith.constant 0 : i32
    %c0_i32_1 = arith.constant 0 : i32
    return %c0_i32, %c0_i32_0 : i32, i32
  }
}

module attributes {stable_mosaic.version = 14 : i64} {
  func.func @_fin_body(%arg0: i32, %arg1: memref<2x1000x128xf32, #tpu.memory_space<vmem>>, %arg2: memref<1000x1xf32, #tpu.memory_space<vmem>>, %arg3: memref<1000x1xf32, #tpu.memory_space<vmem>>, %arg4: memref<1x128xf32, #tpu.memory_space<vmem>>, %arg5: memref<1000x128xf32, #tpu.memory_space<vmem>>) attributes {dimension_semantics = [#tpu.dimension_semantics<arbitrary>], iteration_bounds = array<i64: 10>, scalar_prefetch = 0 : i64, scratch_operands = 0 : i64, tpu.core_type = #tpu.core_type<tc>, window_params = [{transform_indices = @transform_0, window_bounds = array<i64: 2, 1000, 128>}, {transform_indices = @transform_1, window_bounds = array<i64: 1000, 1>}, {transform_indices = @transform_2, window_bounds = array<i64: 1000, 1>}, {pipeline_mode = #tpu.pipeline_mode<synchronous>, transform_indices = @transform_3, window_bounds = array<i64: 1, 128>}, {transform_indices = @transform_4, window_bounds = array<i64: 1000, 128>}]} {
    %get3A = arith.constant 0 : index
    %get3A_0 = arith.constant 0 : index
    %get3A_1 = vector.load %arg2[%get3A, %get3A_0] : memref<1000x1xf32, #tpu.memory_space<vmem>>, vector<1000x1xf32>
    %get3A_2 = arith.constant 0 : index
    %get3A_3 = arith.constant 0 : index
    %get3A_4 = vector.load %arg3[%get3A_2, %get3A_3] : memref<1000x1xf32, #tpu.memory_space<vmem>>, vector<1000x1xf32>
    %add3A = arith.addf %get3A_1, %get3A_4 : vector<1000x1xf32>
    %add3A_5 = arith.constant 1.000000e-16 : f32
    %add3A_6 = vector.broadcast %add3A_5 : f32 to vector<1000x1xf32>
    %add3A_7 = arith.addf %add3A, %add3A_6 : vector<1000x1xf32>
    %get3A_8 = arith.constant 0 : index
    %get3A_9 = arith.constant 0 : index
    %get3A_10 = arith.constant 0 : index
    %get3A_11 = vector.load %arg1[%get3A_8, %get3A_9, %get3A_10] : memref<2x1000x128xf32, #tpu.memory_space<vmem>>, vector<1x1000x128xf32>
    %get3A_12 = vector.shape_cast %get3A_11 : vector<1x1000x128xf32> to vector<1000x128xf32>
    %get3A_13 = arith.constant 1 : index
    %get3A_14 = arith.constant 0 : index
    %get3A_15 = arith.constant 0 : index
    %get3A_16 = vector.load %arg1[%get3A_13, %get3A_14, %get3A_15] : memref<2x1000x128xf32, #tpu.memory_space<vmem>>, vector<1x1000x128xf32>
    %get3A_17 = vector.shape_cast %get3A_16 : vector<1x1000x128xf32> to vector<1000x128xf32>
    %add3A_18 = arith.addf %get3A_12, %get3A_17 : vector<1000x128xf32>
    %div3A = vector.broadcast %add3A_7 : vector<1000x1xf32> to vector<1000x128xf32>
    %div3A_19 = arith.divf %add3A_18, %div3A : vector<1000x128xf32>
    %get3A_20 = arith.constant 0 : index
    %get3A_21 = arith.constant 0 : index
    %get3A_22 = vector.load %arg4[%get3A_20, %get3A_21] : memref<1x128xf32, #tpu.memory_space<vmem>>, vector<1x128xf32>
    %add3A_23 = vector.broadcast %get3A_22 : vector<1x128xf32> to vector<1000x128xf32>
    %add3A_24 = arith.addf %div3A_19, %add3A_23 : vector<1000x128xf32>
    %swap3A = arith.constant 0 : index
    %swap3A_25 = arith.constant 0 : index
    %swap3A_26 = vector.load %arg5[%swap3A, %swap3A_25] : memref<1000x128xf32, #tpu.memory_space<vmem>>, vector<1000x128xf32>
    tpu.vector_store %arg5[%swap3A, %swap3A_25], %add3A_24 {strides = array<i32>} : memref<1000x128xf32, #tpu.memory_space<vmem>>, vector<1000x128xf32>,
    return
  }
  func.func @transform_0(%arg0: i32) -> (i32, i32, i32) {
    %c0_i32 = arith.constant 0 : i32
    %c0_i32_0 = arith.constant 0 : i32
    %c0_i32_1 = arith.constant 0 : i32
    return %c0_i32, %arg0, %c0_i32_0 : i32, i32, i32
  }
  func.func @transform_1(%arg0: i32) -> (i32, i32) {
    %c0_i32 = arith.constant 0 : i32
    %c0_i32_0 = arith.constant 0 : i32
    return %arg0, %c0_i32 : i32, i32
  }
  func.func @transform_2(%arg0: i32) -> (i32, i32) {
    %c0_i32 = arith.constant 0 : i32
    %c0_i32_0 = arith.constant 0 : i32
    return %arg0, %c0_i32 : i32, i32
  }
  func.func @transform_3(%arg0: i32) -> (i32, i32) {
    %c0_i32 = arith.constant 0 : i32
    %c0_i32_0 = arith.constant 0 : i32
    %c0_i32_1 = arith.constant 0 : i32
    return %c0_i32, %c0_i32_0 : i32, i32
  }
  func.func @transform_4(%arg0: i32) -> (i32, i32) {
    %c0_i32 = arith.constant 0 : i32
    %c0_i32_0 = arith.constant 0 : i32
    return %arg0, %c0_i32 : i32, i32
  }
}

</mosaic_0001>

<sc_bundles>
// kernel: kernel.5.cloned.1.call-start
scs
__scs_entry_jumppad:
0x0: {  	(pc) =	sbr.rel $0x88, $3  }
0x1: {  	(tag) =	ssettag $0x0;
	lr =	simm.s32 $0x1  }
0x2: {  	[smem:$0x3F9B] =	sst lr;
	_ =	strace $0xD0000000  }
0x3: {  	_ = 	snop  }
0x4: {  	_ = 	snop  }
0x5: {  	_ = 	snop  }
0x6: {  	_ = 	snop  }
0x7: {  	_ = 	snop  }
__scs_overlays_trampoline_lowered:
0x8: {  	[smem:$0x3FAA] =	sst s0  }
0x9: {  	[smem:$0x3FAB] =	sst s1  }
0xa: {  	[smem:$0x3FAC] =	sst s2  }
0xb: {  	[smem:$0x3FAD] =	sst s3  }
0xc: {  	[smem:$0x3FAE] =	sst s4  }
0xd: {  	[smem:$0x3FAF] =	sst s5  }
0xe: {  	[smem:$0x3FB0] =	sst s6  }
0xf: {  	[smem:$0x3FB1] =	sst s7  }
0x10: {  	[smem:$0x3FB2] =	sst s8  }
0x11: {  	[smem:$0x3FB3] =	sst s9;
	s0 =	simm.s32 @!p0 $0x0  }
0x12: {  	s1 =	sld [smem:$0x3F99];
	s0 =	simm.s32 @p0 $0x1  }
0x13: {  	[smem:$0x3FB4] =	sst s0;
	s0 =	simm.s32 @!p1 $0x0  }
0x14: {  	s2 =	sld [smem:$0x3F98];
	s0 =	simm.s32 @p1 $0x1  }
0x15: {  	[smem:$0x3FB5] =	sst s0;
	s0 =	simm.s32 @!p2 $0x0  }
0x16: {  	s3 =	sld [smem:$0x3FDB];
	s0 =	simm.s32 @p2 $0x1  }
0x17: {  	s4 =	simm.s32 $0x1BF5;
	[smem:$0x3FB7] =	sst s0  }
0x18: {  	s0 =	sld [smem:$0x3F9A];
	_ =	swait.ge [sflag:s4], $0x0  }
0x19: {  	s7 =	sld [smem:$0x3F9B]  }
0x1a: {  	s8 =	sadd.s32 $0xFFFFE003, lr  }
0x1b: {  	s9 =	sadd.s32 $0xFFFFFEF7, lr;
	s5 =	simm.s32 $0xFFFFFFFF;
	p2 =	slt.u32 s8, $0xFFFFF086  }
0x1c: {  	p1 =	slt.u32 s9, $0xF7A;
	s5 =	simm.s32 @!p2 $0x0  }
0x1d: {  	s5 =	simm.s32 @p1 $0x1;
	p0 =	seq.s32 s7, s2  }
0x1e: {  	s7 =	smul.u32 @!p0 $0xF7A, s2;
	p2 =	seq.s32 @!p0 s5, $0x0  }
0x1f: {  	s9 =	smul.u32 $0xF7A, s1;
	s8 =	simm.s32 @!p0 $0x1BF5;
	p2 =	por !p2, p0  }
0x20: {  	[sflag:s8] =	ssyncset.s32 @!p0 $0xFFFFF086;
	s6 =	sadd.s32 @!p0 s3, s7;
	s7 =	simm.s32 @!p0 $0x108  }
0x21: {  	s3 =	sadd.s32 s3, s9;
	s6 =	sadd.s32 @!p0 $0x88, s6;
	s7 =	simm.s32 @p2 $0x1082  }
0x22: {  	[simem:s7], [sflag:s8] =	dma.local @!p0 [hbm:s6], $0xF7A  }
0x23: {  	s9 =	sor.u32 $0xD0000000, s2;
	s6 =	simm.s32 $0x108;
	_ =	swait.ge @!p0 [sflag:s8], $0x0  }
0x24: {  	s3 =	sadd.s32 $0x88, s3;
	s6 =	simm.s32 @!p1 $0x1082;
	[sflag:s4] =	ssyncset.s32 $0xFFFFF086  }
0x25: {  	[simem:s6], [sflag:s4] =	dma.local [hbm:s3], $0xF7A  }
0x26: {  	[smem:$0x3F9B] =	sst s1;
	(tag) =	ssettag s2;
	_ =	strace s9  }
0x27: {  	s1 =	sld [smem:$0x3FAB]  }
0x28: {  	s2 =	sld [smem:$0x3FAC]  }
0x29: {  	s4 =	sld [smem:$0x3FAE]  }
0x2a: {  	p0 =	seq.s32 s5, $0x0;
	s5 =	sld [smem:$0x3FAF]  }
0x2b: {  	s6 =	sld [smem:$0x3FB0]  }
0x2c: {  	s7 =	sld [smem:$0x3FB1]  }
0x2d: {  	s3 =	simm.s32 $0x108;
	s8 =	sld [smem:$0x3FB2]  }
0x2e: {  	s3 =	simm.s32 @!p0 $0x1082;
	s9 =	sld [smem:$0x3FB3]  }
0x2f: {  	lr =	sadd.s32 s0, s3;
	s0 =	sld [smem:$0x3FAA]  }
0x30: {  	s3 =	sld [smem:$0x3FAD]  }
0x31: {  	[smem:$0x3FB6] =	sst s10  }
0x32: {  	s10 =	sld [smem:$0x3FB4];
	_ =	sdelay $0x3  }
0x33: {  	p0 =	seq.s32 s10, $0x1;
	s10 =	sld [smem:$0x3FB6];
	_ =	sdelay $0x3  }
0x34: {  	[smem:$0x3FB6] =	sst s10  }
0x35: {  	s10 =	sld [smem:$0x3FB5];
	_ =	sdelay $0x3  }
0x36: {  	p1 =	seq.s32 s10, $0x1;
	s10 =	sld [smem:$0x3FB6];
	_ =	sdelay $0x3  }
0x37: {  	[smem:$0x3FB6] =	sst s10  }
0x38: {  	s10 =	sld [smem:$0x3FB7]  }
0x39: {  	_ = 	snop;
	(pc) =	sbr.ind lr, $3  }
0x3a: {  	_ = 	snop  }
0x3b: {  	_ = 	snop  }
0x3c: {  	p2 =	seq.s32 s10, $0x1;
	s10 =	sld [smem:$0x3FB6]  }
0x3d: {  	_ =	shalt  }
0x3e: {  	_ =	shalt  }
0x3f: {  	_ =	shalt  }
0x40: {  	_ =	shalt  }
0x41: {  	_ =	shalt  }
0x42: {  	_ =	shalt  }
0x43: {  	_ =	shalt  }
0x44: {  	_ =	shalt  }
0x45: {  	_ =	shalt  }
0x46: {  	_ =	shalt  }
0x47: {  	_ =	shalt  }
0x48: {  	_ =	shalt  }
0x49: {  	_ =	shalt  }
0x4a: {  	_ =	shalt  }
0x4b: {  	_ =	shalt  }
0x4c: {  	_ =	shalt  }
0x4d: {  	_ =	shalt  }
0x4e: {  	_ =	shalt  }
0x4f: {  	_ =	shalt  }
0x50: {  	_ =	shalt  }
0x51: {  	_ =	shalt  }
0x52: {  	_ =	shalt  }
0x53: {  	_ =	shalt  }
0x54: {  	_ =	shalt  }
0x55: {  	_ =	shalt  }
0x56: {  	_ =	shalt  }
0x57: {  	_ =	shalt  }
0x58: {  	_ =	shalt  }
0x59: {  	_ =	shalt  }
0x5a: {  	_ =	shalt  }
0x5b: {  	_ =	shalt  }
0x5c: {  	_ =	shalt  }
0x5d: {  	_ =	shalt  }
0x5e: {  	_ =	shalt  }
0x5f: {  	_ =	shalt  }
0x60: {  	_ =	shalt  }
0x61: {  	_ =	shalt  }
0x62: {  	_ =	shalt  }
0x63: {  	_ =	shalt  }
0x64: {  	_ =	shalt  }
0x65: {  	_ =	shalt  }
0x66: {  	_ =	shalt  }
0x67: {  	_ =	shalt  }
0x68: {  	_ =	shalt  }
0x69: {  	_ =	shalt  }
0x6a: {  	_ =	shalt  }
0x6b: {  	_ =	shalt  }
0x6c: {  	_ =	shalt  }
0x6d: {  	_ =	shalt  }
0x6e: {  	_ =	shalt  }
0x6f: {  	_ =	shalt  }
0x70: {  	_ =	shalt  }
0x71: {  	_ =	shalt  }
0x72: {  	_ =	shalt  }
0x73: {  	_ =	shalt  }
0x74: {  	_ =	shalt  }
0x75: {  	_ =	shalt  }
0x76: {  	_ =	shalt  }
0x77: {  	_ =	shalt  }
0x78: {  	_ =	shalt  }
0x79: {  	_ =	shalt  }
0x7a: {  	_ =	shalt  }
0x7b: {  	_ =	shalt  }
0x7c: {  	_ =	shalt  }
0x7d: {  	_ =	shalt  }
0x7e: {  	_ =	shalt  }
0x7f: {  	_ =	shalt  }
0x80: {  	_ =	shalt  }
0x81: {  	_ =	shalt  }
0x82: {  	_ =	shalt  }
0x83: {  	_ =	shalt  }
0x84: {  	_ =	shalt  }
0x85: {  	_ =	shalt  }
0x86: {  	_ =	shalt  }
0x87: {  	_ =	shalt  }
.Lfunc_end0:
.L_simem_size_0:
called_computation_lowered:
.L_overlay_start_0:
0x88: {  	s2 =	sld [smem:$0x3FD9]  }
0x89: {  	s3 =	sld [smem:$0x3FFE];
	_ =	sdelay $0x1  }
0x8a: {  	s1 =	srdreg.scid  }
0x8b: {  	s0 =	sand.u32 $0x1, s1  }
0x8c: {  	s17 =	sshll.u32 s0, $0xA;
	s2 =	sadd.s32 s3, s2  }
0x8d: {  	s2 =	sadd.s32 s2, s17  }
0x8e: {  	[smem:$0x3FC2] =	sst s2  }
0x8f: {  	_ = 	snop  }
0x90: {  	s2 =	sld [smem:$0x3FD0];
	(tm) =	ssettm $0x1  }
0x91: {  	s18 =	sld [smem:$0x3FFB];
	_ =	sdelay $0x3  }
0x92: {  	_ =	strace s18  }
0x93: {  	s3 =	sld [smem:$0x3FFC];
	_ =	sdelay $0x3  }
0x94: {  	_ =	strace s3  }
0x95: {  	s3 =	sld [smem:$0x3FFD];
	_ =	sdelay $0x3  }
0x96: {  	_ =	strace s3  }
0x97: {  	_ =	strace $0x8FFFFFFF  }
0x98: {  	s19 =	sld [smem:$0x3FDB];
	_ =	sdelay $0x1  }
0x99: {  	s4 =	simm.s32 $_scs_section_size  }
0x9a: {  	s5 =	simm.s32 $_size__tile_overlayer_lowered;
	s6 =	simm.s32 $_tile_overlayer_lowered  }
0x9b: {  	s22 =	simm.s32 $0x1BFF;
	s21 =	sshll.u32 s6, $0x1;
	s3 =	sadd.s32 s4, s19  }
0x9c: {  	s7 =	simm.s32 $0x0;
	s20 =	sshll.u32 s5, $0x1;
	s5 =	sadd.s32 s21, s3  }
0x9d: {  	[timem:s7], [sflag:s22] =	dma.local [hbm:s5], s20  }
0x9e: {  	_ =	swait.ge [sflag:s22], s20  }
0x9f: {  	s4 =	ssub.s32 $0x0, s20;
	[sflag:s22] =	ssyncset.done $0x0  }
0xa0: {  	[sflag:s22] =	ssyncadd.s32 s4;
	_ =	sdelay $0x1  }
0xa1: {  	s23 =	simm.s32 $0x1B8B  }
0xa2: {  	_ =	swait.ge [sflag:s23], $0x1  }
0xa3: {  	[sflag:s23] =	ssyncset.done $0x0  }
0xa4: {  	s25 =	simm.s32 $0x1B8E;
	s24 =	sld [smem:$0x3FFE];
	[sflag:s23] =	ssyncadd.s32 $0xFFFFFFFF  }
0xa5: {  	s26 =	simm.s32 $execute0_lowered;
	[smem:$0x3FD2] =	sst s25  }
0xa6: {  	s5 =	sshll.u32 s26, $0x1;
	_ =	strace $0x80000046;
	[dreg:$0x1] =	wrdreg $0xFFFFFFFF  }
0xa7: {  	s28 =	simm.s32 $_size_execute0_lowered;
	s3 =	sadd.s32 s3, s5;
	[dreg:$0x0] =	wrdreg $0x0  }
0xa8: {  	s5 =	sshll.u32 s28, $0x1;
	[dreg:$0x2] =	wrdreg s3  }
0xa9: {  	[dreg:$0x3] =	wrdreg s5  }
0xaa: {  	[dreg:$0x4] =	wrdreg $0xC0  }
0xab: {  	_ =	task [dreg:s7], $0x5FFFF  }
0xac: {  	[dreg:$0x1] =	wrdreg $0xFFFFFFFF  }
0xad: {  	[dreg:$0x0] =	wrdreg $0x60  }
0xae: {  	[dreg:$0x2] =	wrdreg s2  }
0xaf: {  	[dreg:$0x3] =	wrdreg s24  }
0xb0: {  	[dreg:$0x4] =	wrdreg $0xC5000  }
0xb1: {  	[dreg:$0x5] =	wrdreg $0x1FD800  }
0xb2: {  	[dreg:$0x6] =	wrdreg $0x9  }
0xb3: {  	_ =	task.clear_ibuf [dreg:s7], $0x7FFFF;
	_ =	strace $0x90000046  }
0xb4: {  	s29 =	simm.s32 $0x9;
	_ =	strace $0x80000048  }
0xb5: {  	_ =	swait.ge [sflag:s29], $0x1  }
0xb6: {  	[sflag:s29] =	ssyncadd.s32 $0xFFFFFFFF  }
0xb7: {  	_ =	strace $0x90000048  }
0xb8: {  	_ =	sfence  }
0xb9: {  	s30 =	sld [smem:$0x0];
	_ =	sdelay $0x2  }
0xba: {  	s31 =	sshll.u32 s1, $0xD;
	s1 =	sshrl.u32 s1, $0x2  }
0xbb: {  	s3 =	sand.u32 $0x4000, s31;
	s1 =	sadd.s32 s1, s30  }
0xbc: {  	s0 =	sor.u32 s3, s0;
	s1 =	sshll.u32 s1, $0x11  }
0xbd: {  	s0 =	sor.u32 s1, s0  }
0xbe: {  	s0 =	sadd.s32 $0x8F2B, s0  }
0xbf: {  	[sflag:s0] =	ssyncadd.remote.s32 $0x1  }
0xc0: {  	_ =	sfence.sel $0xFFFF  }
0xc1: {  	[dreg:$0x0] =	wrdreg $0xFFFFFFFF;
	(pc) =	sbr.abs _section_cstart, $3  }
0xc2: {  	[dreg:$0x1] =	wrdreg $0xFFFFFFFF  }
0xc3: {  	_ =	task.clear_ibuf [dreg:s7], $0x2FFFF;
	_ =	strace $0x9FFFFFFF  }
0xc4: {  	(tm) =	ssettm $0x7FFFFFFF  }
0xc5: {  	_ =	shalt  }
tec
execute0_lowered:
.L_overlay_start_1:
0x0: {  	(tag) =	ssettag $0x1  }
0x1: {  	s0 =	srdreg.scid;
	s2 =	rddreg [dreg:$0x1];
	s3 =	simm.s32 $0x0  }
0x2: {  	s22 =	stileid.u32;
	s29 =	simm.s32 $0x80;
	s28 =	simm.s32 $0x3  }
0x3: {  	s1 =	sand.u32 $0x1, s0;
	[smem:$0x7FF] =	sst s3;
	s4 =	sadd.s32 $0x16200, s2  }
0x4: {  	s3 =	sshll.u32 s22, $0xD;
	p5 =	sgt.u32 s22, $0xB;
	s0 =	ssub.s32 $0x2, s1  }
0x5: {  	s5 =	sor.u32 $0x20000, s3;
	s6 =	sor.u32 $0x40000, s3;
	s7 =	smul.u32 $0x138800, s1  }
0x6: {  	s8 =	sor.u32 $0x60000, s3;
	s9 =	sor.u32 $0x80000, s3;
	s11 =	sor.u32 $0xA0000, s3  }
0x7: {  	s12 =	sor.u32 $0xC0000, s3;
	s13 =	sor.u32 $0xE0000, s3;
	s21 =	sor.u32 $0x120000, s3  }
0x8: {  	p0 =	seq.s32 s1, $0x1;
	s1 =	sshll.u32 s1, $0x4;
	p1 =	seq.s32 @!p5 s22, $0x0  }
0x9: {  	s16 =	sshrl.u32 s0, $0x1;
	s1 =	sor.u32 s22, s1;
	p2 =	por p1, p5  }
0xa: {  	s0 =	ssub.s32 s0, s16;
	s10 =	sadd.s32 s3, s7;
	s16 =	sor.u32 $0x100000, s3  }
0xb: {  	s14 =	sadd.s32 s7, s5;
	s18 =	sadd.s32 s7, s6;
	s19 =	sadd.s32 s7, s8  }
0xc: {  	s15 =	sadd.s32 s7, s9;
	s24 =	sadd.s32 s7, s11;
	s25 =	sadd.s32 s7, s12  }
0xd: {  	s26 =	sadd.s32 s7, s13;
	s30 =	smul.u32 $0x2800, s1;
	s10 =	sshrl.u32 s10, $0x3  }
0xe: {  	s17 =	sshrl.u32 s14, $0x3;
	s14 =	sshrl.u32 s19, $0x3;
	s10 =	sadd.s32 s4, s10  }
0xf: {  	s23 =	sshrl.u32 s15, $0x3;
	s20 =	sadd.s32 s4, s14;
	[dreg:$0x5] =	wrdreg s10  }
0x10: {  	s14 =	sshrl.u32 s25, $0x3;
	s10 =	sadd.s32 s4, s17;
	[dreg:$0x8] =	wrdreg s20  }
0x11: {  	s14 =	sadd.s32 s4, s14;
	[dreg:$0x6] =	wrdreg s10;
	s10 =	sshrl.u32 s18, $0x3  }
0x12: {  	[dreg:$0xb] =	wrdreg s14;
	s18 =	sadd.s32 s7, s21;
	s10 =	sadd.s32 s4, s10  }
0x13: {  	s14 =	sshrl.u32 s18, $0x3;
	[dreg:$0x7] =	wrdreg s10;
	s10 =	sadd.s32 s4, s23  }
0x14: {  	s15 =	sshrl.u32 s26, $0x3;
	s14 =	sadd.s32 s4, s14;
	[dreg:$0x9] =	wrdreg s10  }
0x15: {  	s17 =	sadd.s32 s7, s16;
	s10 =	sshrl.u32 s24, $0x3;
	[dreg:$0xe] =	wrdreg s14  }
0x16: {  	s19 =	sshrl.u32 s17, $0x3;
	s14 =	rddreg [dreg:$0x2];
	s10 =	sadd.s32 s4, s10  }
0x17: {  	s17 =	simm.s32 $0x15C00;
	[dreg:$0xa] =	wrdreg s10;
	s10 =	sadd.s32 s4, s15  }
0x18: {  	s17 =	simm.s32 @!p0 $0x15600;
	s15 =	sadd.s32 s4, s19;
	[dreg:$0xc] =	wrdreg s10  }
0x19: {  	s7 =	sshrl.u32 s7, $0x3;
	s20 =	sadd.s32 s17, s2;
	[dreg:$0xd] =	wrdreg s15  }
0x1a: {  	s23 =	sadd.s32 $0x14200, s2;
	s25 =	sadd.s32 s3, s14;
	s15 =	rddreg [dreg:$0x3]  }
0x1b: {  	s31 =	sadd.s32 s6, s14;
	_ =	strace $0x80000047;
	[dreg:$0xf] =	wrdreg s20  }
0x1c: {  	s24 =	sadd.s32 s8, s14;
	s26 =	sadd.s32 s9, s14;
	[dreg:$0x10] =	wrdreg s23  }
0x1d: {  	s3 =	sadd.s32 s21, s14;
	s6 =	sshrl.u32 s30, $0x3;
	[dreg:$0x15] =	wrdreg s24  }
0x1e: {  	s4 =	sadd.s32 s4, s7;
	s19 =	sadd.s32 $0xA200, s2;
	[dreg:$0x16] =	wrdreg s26  }
0x1f: {  	s8 =	sor.u32 $0x8, s6;
	s7 =	sadd.s32 s19, s6;
	[dreg:$0x1b] =	wrdreg s3  }
0x20: {  	p2 =	sne.s32 @!p2 s22, $0x1;
	s9 =	sadd.s32 s19, s8;
	[dreg:$0x1c] =	wrdreg s7  }
0x21: {  	s22 =	simm.s32 $0x400;
	s21 =	sadd.s32 $0x27000, s4;
	[dreg:$0x1e] =	wrdreg s9  }
0x22: {  	s0 =	smax.u32 s0, $0x1;
	p3 =	por @!p5 p2, p1;
	[smem:$0x7F5] =	sst s21  }
0x23: {  	p4 =	por @!p5 !p2, p1;
	s18 =	sadd.s32 $0x14A00, s2;
	[smem:$0x7F6] =	sst s0  }
0x24: {  	p0 =	por !p1, p5;
	s5 =	sadd.s32 s5, s14;
	[dreg:$0x12] =	wrdreg s25  }
0x25: {  	p1 =	por p3, p5;
	p3 =	por !p4, p5;
	[dreg:$0x13] =	wrdreg s5  }
0x26: {  	s17 =	sadd.s32 $0x14400, s2;
	s11 =	sadd.s32 s11, s14;
	[dreg:$0x14] =	wrdreg s31  }
0x27: {  	s12 =	sadd.s32 s12, s14;
	s13 =	sadd.s32 s13, s14;
	[dreg:$0x17] =	wrdreg s11  }
0x28: {  	s16 =	sadd.s32 s16, s14;
	s4 =	simm.s32 $0x40;
	[dreg:$0x18] =	wrdreg s12  }
0x29: {  	s20 =	sadd.s32 $0x200, s2;
	s2 =	sadd.s32 $0x15000, s2;
	[dreg:$0x19] =	wrdreg s13  }
0x2a: {  	s0 =	simm.s32 @!p0 $0x0;
	s23 =	sadd.s32 $0x138000, s14;
	[dreg:$0x1a] =	wrdreg s16  }
0x2b: {  	s24 =	sor.u32 $0x100, s30;
	s26 =	sor.u32 $0x140, s30;
	[dreg:$0x11] =	wrdreg s2  }
0x2c: {  	s21 =	simm.s32 $0xD;
	s9 =	simm.s32 $0x1C0;
	[smem:$0x7FB] =	sst s23  }
0x2d: {  	s7 =	simm.s32 $0x8;
	s3 =	simm.s32 $0x0;
	[smem:$0x7FC] =	sst s24  }
0x2e: {  	s1 =	sadd.s32 s20, s6;
	s0 =	simm.s32 @p0 $0x1;
	[smem:$0x7FD] =	sst s26  }
0x2f: {  	s10 =	sadd.s32 s20, s8;
	[smem:$0x7F7] =	sst s0;
	s0 =	simm.s32 @!p1 $0x0  }
0x30: {  	s6 =	simm.s32 $0x2;
	s24 =	simm.s32 $0x5;
	s0 =	simm.s32 @p1 $0x1  }
0x31: {  	s26 =	simm.s32 $0x180;
	[smem:$0x7F8] =	sst s0;
	s0 =	simm.s32 @!p5 $0x0  }
0x32: {  	s23 =	simm.s32 $0x4;
	[dreg:$0x1d] =	wrdreg s1;
	s0 =	simm.s32 @p5 $0x1  }
0x33: {  	s8 =	simm.s32 $0x7;
	[smem:$0x7F9] =	sst s0;
	s0 =	simm.s32 @!p3 $0x0  }
0x34: {  	[dreg:$0x1f] =	wrdreg s10;
	s10 =	smov.u32 s14;
	s0 =	simm.s32 @p3 $0x1  }
0x35: {  	v0 =	vimm.f32 $0.0e+00;
	s14 =	simm.s32 $0xC0;
	[smem:$0x7FA] =	sst s0;
	s0 =	simm.s32 $0x6  }
.LBB2_1:
0x36: {  	[smem:$0x7F4] =	sst s3;
	s1 =	simm.s32 $0x0;
	s3 =	simm.s32 $0x200  }
.LBB2_2:
0x37: {  	p3 =	sne.s32 s3, $0x7E00;
	[tilespmem:s1+$0x4570] =	vst v0  }
0x38: {  	[tilespmem:s1+$0x4500] =	vst v0  }
0x39: {  	[tilespmem:s1+$0x4510] =	vst v0  }
.Ltmp0:
0x3a: {  	[tilespmem:s1+$0x4520] =	vst v0;
	(pc) =	sbr.rel @p3 .LBB2_2-.Ltmp0, $4  }
0x3b: {  	[tilespmem:s1+$0x4530] =	vst v0  }
0x3c: {  	[tilespmem:s1+$0x4540] =	vst v0  }
0x3d: {  	[tilespmem:s1+$0x4550] =	vst v0  }
0x3e: {  	[tilespmem:s1+$0x4560] =	vst v0;
	s1 =	sshra.s32 s3, $0x2;
	s3 =	sadd.s32 $0x200, s3  }
0x3f: {  	[tilespmem:s1+$0x4570] =	vst v0  }
0x40: {  	[tilespmem:s1+$0x4500] =	vst v0  }
0x41: {  	[tilespmem:s1+$0x4510] =	vst v0  }
0x42: {  	[tilespmem:s1+$0x4520] =	vst v0  }
0x43: {  	[tilespmem:s1+$0x4530] =	vst v0  }
0x44: {  	[tilespmem:s1+$0x4540] =	vst v0  }
0x45: {  	[tilespmem:s1+$0x4550] =	vst v0  }
0x46: {  	[tilespmem:s1+$0x4560] =	vst v0;
	s2 =	simm.s32 $0x4500  }
0x47: {  	[spmem:s25] =	stream.linear.scatter [tilespmem:s2], [sflag:$0xD], $0x2000, $0x38;
	v63 =	vld [tilespmem:$0x0]  }
0x48: {  	_ =	swait.ge [sflag:s21], $0x2000  }
0x49: {  	[sflag:s21] =	ssyncset.done $0x0  }
0x4a: {  	[sflag:s21] =	ssyncadd.s32 $0xFFFFE000  }
0x4b: {  	[spmem:s5] =	stream.linear.scatter [tilespmem:s2], [sflag:$0xD], $0x2000, $0x38;
	v63 =	vld [tilespmem:$0x0]  }
0x4c: {  	_ =	swait.ge [sflag:s21], $0x2000  }
0x4d: {  	[sflag:s21] =	ssyncset.done $0x0  }
0x4e: {  	[sflag:s21] =	ssyncadd.s32 $0xFFFFE000  }
0x4f: {  	[spmem:s31] =	stream.linear.scatter [tilespmem:s2], [sflag:$0xD], $0x2000, $0x38;
	v63 =	vld [tilespmem:$0x0]  }
0x50: {  	_ =	swait.ge [sflag:s21], $0x2000  }
0x51: {  	[sflag:s21] =	ssyncset.done $0x0  }
0x52: {  	s3 =	rddreg [dreg:$0x15];
	[sflag:s21] =	ssyncadd.s32 $0xFFFFE000  }
0x53: {  	[spmem:s3] =	stream.linear.scatter [tilespmem:s2], [sflag:$0xD], $0x2000, $0x38;
	v63 =	vld [tilespmem:$0x0]  }
0x54: {  	_ =	swait.ge [sflag:s21], $0x2000  }
0x55: {  	[sflag:s21] =	ssyncset.done $0x0  }
0x56: {  	s5 =	rddreg [dreg:$0x16];
	[sflag:s21] =	ssyncadd.s32 $0xFFFFE000  }
0x57: {  	[spmem:s5] =	stream.linear.scatter [tilespmem:s2], [sflag:$0xD], $0x2000, $0x38;
	v63 =	vld [tilespmem:$0x0]  }
0x58: {  	_ =	swait.ge [sflag:s21], $0x2000  }
0x59: {  	[sflag:s21] =	ssyncset.done $0x0  }
0x5a: {  	[sflag:s21] =	ssyncadd.s32 $0xFFFFE000  }
0x5b: {  	[spmem:s11] =	stream.linear.scatter [tilespmem:s2], [sflag:$0xD], $0x2000, $0x38;
	v63 =	vld [tilespmem:$0x0]  }
0x5c: {  	_ =	swait.ge [sflag:s21], $0x2000  }
0x5d: {  	[sflag:s21] =	ssyncset.done $0x0  }
0x5e: {  	[sflag:s21] =	ssyncadd.s32 $0xFFFFE000  }
0x5f: {  	[spmem:s12] =	stream.linear.scatter [tilespmem:s2], [sflag:$0xD], $0x2000, $0x38;
	v63 =	vld [tilespmem:$0x0]  }
0x60: {  	_ =	swait.ge [sflag:s21], $0x2000  }
0x61: {  	[sflag:s21] =	ssyncset.done $0x0  }
0x62: {  	[sflag:s21] =	ssyncadd.s32 $0xFFFFE000  }
0x63: {  	[spmem:s13] =	stream.linear.scatter [tilespmem:s2], [sflag:$0xD], $0x2000, $0x38;
	v63 =	vld [tilespmem:$0x0]  }
0x64: {  	_ =	swait.ge [sflag:s21], $0x2000  }
0x65: {  	[sflag:s21] =	ssyncset.done $0x0  }
0x66: {  	[sflag:s21] =	ssyncadd.s32 $0xFFFFE000  }
0x67: {  	[spmem:s16] =	stream.linear.scatter [tilespmem:s2], [sflag:$0xD], $0x2000, $0x38;
	v63 =	vld [tilespmem:$0x0]  }
0x68: {  	_ =	swait.ge [sflag:s21], $0x2000  }
0x69: {  	s25 =	sld [smem:$0x7F9];
	_ =	sdelay $0x2  }
0x6a: {  	[sflag:s21] =	ssyncset.done $0x0;
	p2 =	seq.s32 s25, $0x1  }
0x6b: {  	s2 =	rddreg [dreg:$0x1b];
	[sflag:s21] =	ssyncadd.s32 $0xFFFFE000;
	s1 =	simm.s32 @!p2 $0x4500  }
0x6c: {  	[spmem:s2] =	stream.linear.scatter @!p2 [tilespmem:s1], [sflag:$0xD], $0x2000, $0x38;
	v63 =	vld [tilespmem:$0x0]  }
0x6d: {  	s1 =	simm.s32 @!p2 $0xD  }
0x6e: {  	_ =	swait.ge @!p2 [sflag:s1], $0x2000  }
0x6f: {  	s2 =	sld [smem:$0x7F7];
	_ =	sdelay $0x1  }
0x70: {  	[sflag:s1] =	ssyncset.done @!p2 $0x0  }
0x71: {  	[sflag:s1] =	ssyncadd.s32 @!p2 $0xFFFFE000;
	p0 =	seq.s32 s2, $0x1  }
0x72: {  	s2 =	rddreg [dreg:$0x11];
	s1 =	sshrl.u32 @!p0 s15, $0x3;
	s3 =	simm.s32 @!p0 $0x1C0D  }
0x73: {  	[spmem:s1], [sflag:s3] =	dma.local @!p0 [hbm:s2], $0x4E2  }
0x74: {  	s1 =	simm.s32 @!p0 $0xD  }
0x75: {  	_ =	swait.ge @!p0 [sflag:s1], $0x4E2  }
0x76: {  	s3 =	sld [smem:$0x7F8];
	_ =	sdelay $0x1  }
0x77: {  	s2 =	sld [smem:$0x7FB]  }
0x78: {  	[sflag:s1] =	ssyncset.done @!p0 $0x0;
	p1 =	seq.s32 s3, $0x1  }
0x79: {  	[sflag:s1] =	ssyncadd.s32 @!p0 $0xFFFFFB1E;
	s1 =	simm.s32 @!p1 $0x4500  }
0x7a: {  	[spmem:s2] =	stream.linear.scatter @!p1 [tilespmem:s1], [sflag:$0xD], $0x800, $0x38;
	v63 =	vld [tilespmem:$0x0]  }
0x7b: {  	s1 =	simm.s32 @!p1 $0xD  }
0x7c: {  	_ =	swait.ge @!p1 [sflag:s1], $0x800  }
0x7d: {  	[sflag:s1] =	ssyncset.done @!p1 $0x0  }
0x7e: {  	s31 =	simm.s32 $0x0;
	s5 =	rddreg [dreg:$0x10];
	[sflag:s1] =	ssyncadd.s32 @!p1 $0xFFFFF800  }
0x7f: {  	[tilespmem:s22], [sflag:$0xD] =	stream.linear.gather [hbm4b:s5+s31], $0x10, $0x38;
	v63 =	vld [tilespmem:$0x0]  }
0x80: {  	_ =	swait.ge [sflag:s21], $0x10  }
0x81: {  	[sflag:s21] =	ssyncset.done $0x0  }
0x82: {  	[sflag:s21] =	ssyncadd.s32 $0xFFFFFFF0  }
0x83: {  	v1 =	vld [tilespmem:$0x400];
	[bflag:$0x0] =	sbarrier.arrive $0xFFFF  }
0x84: {  	s11 =	rddreg [dreg:$0x1c]  }
0x85: {  	[tilespmem:s31], [sflag:$0xD] =	stream.linear.gather [hbm4b:s11+s31], $0x40, $0x38;
	v63 =	vld [tilespmem:$0x0]  }
0x86: {  	_ =	swait.ge [sflag:s21], $0x40  }
0x87: {  	[sflag:s21] =	ssyncset.done $0x0  }
0x88: {  	s13 =	simm.s32 $0x100;
	s12 =	rddreg [dreg:$0x1d];
	[sflag:s21] =	ssyncadd.s32 $0xFFFFFFC0  }
0x89: {  	[tilespmem:s13], [sflag:$0xD] =	stream.linear.gather [hbm4b:s12+s31], $0x40, $0x38;
	v63 =	vld [tilespmem:$0x0]  }
0x8a: {  	s16 =	simm.s32 $0x500;
	p3 =	por @!p2 $0x0, $0x0;
	_ =	swait.ge [sflag:s21], $0x40  }
0x8b: {  	p6 =	por @!p2 $0x0, $0x0;
	p5 =	por @!p1 $0x0, $0x0;
	[sflag:s21] =	ssyncset.done $0x0  }
0x8c: {  	p1 =	por @!p1 $0x1, $0x1;
	s12 =	sld [smem:$0x7FA];
	[sflag:s21] =	ssyncadd.s32 $0xFFFFFFC0  }
0x8d: {  	s5 =	simm.s32 $0x200;
	s11 =	simm.s32 $0x300;
	s25 =	rddreg [dreg:$0x0]  }
0x8e: {  	[tilespmem:s16], [sflag:$0x5] =	stream.indirect.gather [hbm4b:s25+s4], $0x40, s31, s4, $0xb8;
	v63 =	vld [tilespmem:$0x0]  }
0x8f: {  	p4 =	seq.s32 s12, $0x1;
	s16 =	rddreg [dreg:$0x1f];
	s25 =	simm.s32 $0x140  }
0x90: {  	p6 =	por @!p4 p5, p5;
	p3 =	por @!p4 p1, p1;
	p1 =	por @!p0 $0x1, $0x1  }
0x91: {  	[tilespmem:s5], [sflag:$0x5] =	stream.indirect.gather [hbm4b:s17+s4], $0x1, s31, s4, $0xb8;
	v63 =	vld [tilespmem:$0x0]  }
0x92: {  	p4 =	por @!p0 $0x0, $0x0;
	p5 =	por $0x0, $0x0;
	p6 =	por @!p0 p1, p1  }
0x93: {  	[tilespmem:s11], [sflag:$0x5] =	stream.indirect.gather [hbm4b:s18+s4], $0x1, s13, s4, $0xb8;
	v63 =	vld [tilespmem:$0x0]  }
0x94: {  	p3 =	por @!p0 p4, p4;
	p4 =	por $0x0, $0x0;
	s13 =	rddreg [dreg:$0x1e]  }
0x95: {  	[tilespmem:s4], [sflag:$0x2] =	stream.linear.gather [hbm4b:s13+s31], $0x40, $0x38;
	v63 =	vld [tilespmem:$0x0]  }
0x96: {  	p4 =	por @!p2 p6, p6;
	p5 =	por @!p2 p3, p3;
	s13 =	simm.s32 $0x0  }
0x97: {  	[tilespmem:s25], [sflag:$0x2] =	stream.linear.gather [hbm4b:s16+s31], $0x40, $0x38;
	v63 =	vld [tilespmem:$0x0]  }
.LBB2_4:
0x98: {  	_ =	swait.ge [sflag:s6], $0x40  }
0x99: {  	[sflag:s6] =	ssyncset.done $0x0  }
0x9a: {  	[sflag:s6] =	ssyncadd.s32 $0xFFFFFFC0  }
0x9b: {  	_ =	swait.ge [sflag:s6], $0x40  }
0x9c: {  	p6 =	seq.s32 s13, $0x0;
	[sflag:s6] =	ssyncset.done $0x0  }
0x9d: {  	s1 =	simm.s32 @!p6 $0xB;
	[sflag:s6] =	ssyncadd.s32 $0xFFFFFFC0  }
0x9e: {  	_ =	swait.ge @!p6 [sflag:s1], $0x2000  }
0x9f: {  	[sflag:s1] =	ssyncset.done @!p6 $0x0  }
0xa0: {  	[sflag:s1] =	ssyncadd.s32 @!p6 $0xFFFFE000  }
0xa1: {  	s11 =	simm.s32 $0x1500;
	s2 =	rddreg [dreg:$0x0]  }
0xa2: {  	[tilespmem:s11], [sflag:$0x6] =	stream.indirect.gather [hbm4b:s2+s4], $0x40, s4, s4, $0xb8;
	v63 =	vld [tilespmem:$0x0]  }
0xa3: {  	s12 =	simm.s32 $0x240  }
0xa4: {  	[tilespmem:s12], [sflag:$0x6] =	stream.indirect.gather [hbm4b:s17+s4], $0x1, s4, s4, $0xb8;
	v63 =	vld [tilespmem:$0x0]  }
0xa5: {  	s16 =	simm.s32 $0x140;
	s25 =	simm.s32 $0x340  }
0xa6: {  	[tilespmem:s25], [sflag:$0x6] =	stream.indirect.gather [hbm4b:s18+s4], $0x1, s16, s4, $0xb8;
	v63 =	vld [tilespmem:$0x0]  }
0xa7: {  	_ =	swait.ge [sflag:s24], $0x1000  }
0xa8: {  	[sflag:s24] =	ssyncset.done $0x0  }
0xa9: {  	[sflag:s24] =	ssyncadd.s32 $0xFFFFF000  }
0xaa: {  	_ =	swait.ge [sflag:s24], $0x40  }
0xab: {  	s16 =	sshll.u32 s13, $0x8;
	[sflag:s24] =	ssyncset.done $0x0  }
0xac: {  	s11 =	sor.u32 $0x80, s16;
	[sflag:s24] =	ssyncadd.s32 $0xFFFFFFC0  }
0xad: {  	s3 =	sadd.s32 s30, s11;
	_ =	swait.ge [sflag:s24], $0x40  }
0xae: {  	s1 =	sshrl.u32 s3, $0x3;
	[sflag:s24] =	ssyncset.done $0x0  }
0xaf: {  	s3 =	sadd.s32 s19, s1;
	[sflag:s24] =	ssyncadd.s32 $0xFFFFFFC0  }
0xb0: {  	[tilespmem:s29], [sflag:$0x3] =	stream.linear.gather [hbm4b:s3+s31], $0x40, $0x38;
	v63 =	vld [tilespmem:$0x0]  }
0xb1: {  	s1 =	sadd.s32 s20, s1  }
0xb2: {  	[tilespmem:s26], [sflag:$0x3] =	stream.linear.gather [hbm4b:s1+s31], $0x40, $0x38;
	v63 =	vld [tilespmem:$0x0]  }
0xb3: {  	v2 =	vld [tilespmem:$0x200]  }
0xb4: {  	v3 =	vld [tilespmem:$0x300]  }
0xb5: {  	v4 =	vld [tilespmem:$0x210]  }
0xb6: {  	v5 =	vld [tilespmem:$0x310]  }
0xb7: {  	v6 =	vld [tilespmem:$0x220]  }
0xb8: {  	v7 =	vld [tilespmem:$0x320]  }
0xb9: {  	v8 =	vld [tilespmem:$0x230]  }
0xba: {  	v9 =	vld [tilespmem:$0x330]  }
0xbb: {  	v2 =	vadd.f32 v3, v2;
	_ =	sdelay $0x1  }
0xbc: {  	v3 =	vadd.f32 v5, v4;
	v4 =	vmul.f32 $2.000000030e-01, v2  }
0xbd: {  	v5 =	vadd.f32 v7, v6;
	vm0 =	vgt.f32 v2, $0.0e+00  }
0xbe: {  	v62 =	vadd.f32 v9, v8;
	v2 =	vsel vm0, v2, v4;
	v4 =	vmul.f32 $2.000000030e-01, v3  }
0xbf: {  	vm13 =	vgt.f32 v3, $0.0e+00;
	v7 =	vmul.f32 $2.000000030e-01, v5;
	vm14 =	vgt.f32 v5, $0.0e+00  }
0xc0: {  	v2 =	vsub.f32 v2, v1;
	v3 =	vsel vm13, v3, v4;
	v4 =	vmul.f32 $2.000000030e-01, v62  }
0xc1: {  	vm15 =	vgt.f32 v62, $0.0e+00;
	v5 =	vsel vm14, v5, v7;
	v3 =	vsub.f32 v3, v1  }
0xc2: {  	v5 =	vsub.f32 v5, v1;
	v2 =	vmul.f32 $1.442695020e+00, v2;
	v4 =	vsel vm15, v62, v4  }
0xc3: {  	v3 =	vmul.f32 $1.442695020e+00, v3;
	v4 =	vsub.f32 v4, v1  }
0xc4: {  	(erf) = vpow2.f32 v2;
	v2 =	vmul.f32 $1.442695020e+00, v5  }
0xc5: {  	(erf) = vpow2.f32 v3;
	v3 =	vmul.f32 $1.442695020e+00, v4  }
0xc6: {  	(erf) = vpow2.f32 v2  }
0xc7: {  	(erf) = vpow2.f32 v3;
	_ =	sdelay $0x5  }
0xc8: {  	s5 =	sor.u32 $0x10, s16;
	v2 =	vpop (erf)  }
0xc9: {  	s12 =	sor.u32 $0x20, s16;
	p3 =	slt.u32 s5, $0x2710;
	v3 =	vpop (erf)  }
0xca: {  	s25 =	sor.u32 $0x30, s16;
	p1 =	slt.u32 s12, $0x2710;
	[tilespmem:$0x400] =	vst v2;
	v4 =	vpop (erf);
	v2 =	vpsel !p3, $0x0, v3  }
0xcb: {  	p2 =	slt.u32 s25, $0x2710;
	[tilespmem:$0x410] =	vst v2;
	v2 =	vpsel !p1, $0x0, v4;
	v3 =	vpop (erf)  }
0xcc: {  	[tilespmem:$0x420] =	vst v2;
	v2 =	vpsel !p2, $0x0, v3  }
0xcd: {  	s29 =	simm.s32 $0x100;
	[tilespmem:$0x430] =	vst v2  }
0xce: {  	v2 =	vmov s31;
	[spmem:s15] =	stream.indirect.scatter.add.f32 [tilespmem:s22], [sflag:$0xD], $0x1, s29, s4, $0xb8;
	v63 =	vld [tilespmem:$0x0]  }
0xcf: {  	_ =	swait.ge [sflag:s21], $0x40  }
0xd0: {  	[sflag:s21] =	ssyncset.done $0x0  }
0xd1: {  	s1 =	simm.s32 $0x520;
	[sflag:s21] =	ssyncadd.s32 $0xFFFFFFC0  }
0xd2: {  	v3 =	vld [tilespmem:s1+$0xFFFFFFE0]  }
0xd3: {  	v2 =	vld.idx.msk [tilespmem:v2+s22+$0x0], $0xffff;
	_ =	sdelay $0x3  }
0xd4: {  	v4 =	vunpack.i.l.bf16.f32 v3  }
0xd5: {  	v3 =	vunpack.i.u.bf16.f32 v3;
	v4 =	vmul.f32 v4, v2  }
0xd6: {  	s3 =	simm.s32 $0x4540;
	v3 =	vmul.f32 v3, v2  }
0xd7: {  	[tilespmem:s3+$0xFFFFFFC0] =	vst v4  }
0xd8: {  	[tilespmem:s3+$0xFFFFFFD0] =	vst v3  }
0xd9: {  	v3 =	vld [tilespmem:s1+$0xFFFFFFF0];
	_ =	sdelay $0x4  }
0xda: {  	v4 =	vunpack.i.l.bf16.f32 v3  }
0xdb: {  	v3 =	vunpack.i.u.bf16.f32 v3;
	v4 =	vmul.f32 v4, v2  }
0xdc: {  	v3 =	vmul.f32 v3, v2  }
0xdd: {  	[tilespmem:s3+$0xFFFFFFE0] =	vst v4  }
0xde: {  	[tilespmem:s3+$0xFFFFFFF0] =	vst v3  }
0xdf: {  	v3 =	vld [tilespmem:s1+$0x0];
	_ =	sdelay $0x4  }
0xe0: {  	v4 =	vunpack.i.l.bf16.f32 v3  }
0xe1: {  	v3 =	vunpack.i.u.bf16.f32 v3;
	v4 =	vmul.f32 v4, v2  }
0xe2: {  	v3 =	vmul.f32 v3, v2  }
0xe3: {  	[tilespmem:s3+$0x0] =	vst v4  }
0xe4: {  	[tilespmem:s3+$0x10] =	vst v3  }
0xe5: {  	s12 =	sor.u32 $0x40, s16;
	s5 =	simm.s32 $0x1;
	s25 =	simm.s32 $0x4540;
	v3 =	vld [tilespmem:s1+$0x10]  }
.LBB2_5:
0xe6: {  	_ =	sdelay $0x3  }
0xe7: {  	p3 =	sne.s32 s5, $0x3F;
	s3 =	sadd.s32 $0x80, s3;
	s1 =	sadd.s32 $0x40, s1;
	v4 =	vunpack.i.u.bf16.f32 v3;
	v3 =	vunpack.i.l.bf16.f32 v3  }
0xe8: {  	v5 =	vmov s5;
	s5 =	sadd.s32 $0x1, s5;
	v3 =	vmul.f32 v3, v2;
	v2 =	vmul.f32 v4, v2;
	_ =	sdelay $0x1  }
0xe9: {  	[tilespmem:s25+$0x20] =	vst v3  }
0xea: {  	[tilespmem:s25+$0x30] =	vst v2;
	s25 =	smov.u32 s3  }
0xeb: {  	v3 =	vld [tilespmem:s1+$0xFFFFFFE0]  }
0xec: {  	v2 =	vld.idx.msk [tilespmem:v5+s22+$0x0], $0xffff;
	_ =	sdelay $0x4  }
0xed: {  	v4 =	vunpack.i.u.bf16.f32 v3;
	v3 =	vunpack.i.l.bf16.f32 v3  }
0xee: {  	v3 =	vmul.f32 v3, v2;
	v4 =	vmul.f32 v4, v2;
	_ =	sdelay $0x1  }
0xef: {  	[tilespmem:s3+$0xFFFFFFC0] =	vst v3  }
0xf0: {  	[tilespmem:s3+$0xFFFFFFD0] =	vst v4  }
0xf1: {  	v3 =	vld [tilespmem:s1+$0xFFFFFFF0];
	_ =	sdelay $0x4  }
0xf2: {  	v4 =	vunpack.i.u.bf16.f32 v3;
	v3 =	vunpack.i.l.bf16.f32 v3  }
0xf3: {  	v3 =	vmul.f32 v3, v2;
	v4 =	vmul.f32 v4, v2;
	_ =	sdelay $0x1  }
0xf4: {  	[tilespmem:s3+$0xFFFFFFE0] =	vst v3  }
0xf5: {  	[tilespmem:s3+$0xFFFFFFF0] =	vst v4  }
0xf6: {  	v3 =	vld [tilespmem:s1+$0x0];
	_ =	sdelay $0x4  }
0xf7: {  	v4 =	vunpack.i.u.bf16.f32 v3;
	v3 =	vunpack.i.l.bf16.f32 v3  }
.Ltmp1:
0xf8: {  	v3 =	vmul.f32 v3, v2;
	v4 =	vmul.f32 v4, v2;
	(pc) =	sbr.rel @p3 .LBB2_5-.Ltmp1, $4  }
0xf9: {  	_ = 	snop  }
0xfa: {  	[tilespmem:s3+$0x0] =	vst v3  }
0xfb: {  	[tilespmem:s3+$0x10] =	vst v4  }
0xfc: {  	v3 =	vld [tilespmem:s1+$0x10]  }
0xfd: {  	_ =	sdelay $0x3  }
0xfe: {  	v4 =	vunpack.i.l.bf16.f32 v3  }
0xff: {  	v3 =	vunpack.i.u.bf16.f32 v3;
	v4 =	vmul.f32 v4, v2  }
0x100: {  	v2 =	vmul.f32 v3, v2  }
0x101: {  	[tilespmem:s25+$0x20] =	vst v4  }
0x102: {  	s1 =	simm.s32 $0x4500;
	s2 =	simm.s32 $0x100;
	[tilespmem:s25+$0x30] =	vst v2  }
0x103: {  	[spmem:s10] =	stream.indirect.scatter.add.f32 [tilespmem:s1], [sflag:$0x9], $0x80, s2, s4, $0xb8;
	v63 =	vld [tilespmem:$0x0]  }
0x104: {  	_ =	swait.ge [sflag:s28], $0x40  }
0x105: {  	[sflag:s28] =	ssyncset.done $0x0  }
0x106: {  	[sflag:s28] =	ssyncadd.s32 $0xFFFFFFC0  }
0x107: {  	_ =	swait.ge [sflag:s28], $0x40  }
0x108: {  	[sflag:s28] =	ssyncset.done $0x0  }
0x109: {  	s1 =	simm.s32 @!p6 $0xC;
	[sflag:s28] =	ssyncadd.s32 $0xFFFFFFC0  }
0x10a: {  	_ =	swait.ge @!p6 [sflag:s1], $0x2000  }
0x10b: {  	[sflag:s1] =	ssyncset.done @!p6 $0x0  }
0x10c: {  	s3 =	simm.s32 $0x40;
	[sflag:s1] =	ssyncadd.s32 @!p6 $0xFFFFE000  }
0x10d: {  	s25 =	simm.s32 $0x2500;
	s1 =	simm.s32 $0x80;
	s5 =	rddreg [dreg:$0x0]  }
0x10e: {  	[tilespmem:s25], [sflag:$0x7] =	stream.indirect.gather [hbm4b:s5+s3], $0x40, s1, s3, $0xb8;
	v63 =	vld [tilespmem:$0x0]  }
0x10f: {  	s5 =	simm.s32 $0x280  }
0x110: {  	[tilespmem:s5], [sflag:$0x7] =	stream.indirect.gather [hbm4b:s17+s3], $0x1, s1, s3, $0xb8;
	v63 =	vld [tilespmem:$0x0]  }
0x111: {  	s25 =	simm.s32 $0x380  }
0x112: {  	[tilespmem:s25], [sflag:$0x7] =	stream.indirect.gather [hbm4b:s18+s3], $0x1, s26, s3, $0xb8;
	v63 =	vld [tilespmem:$0x0]  }
0x113: {  	_ =	swait.ge [sflag:s0], $0x1000  }
0x114: {  	[sflag:s0] =	ssyncset.done $0x0  }
0x115: {  	[sflag:s0] =	ssyncadd.s32 $0xFFFFF000  }
0x116: {  	_ =	swait.ge [sflag:s0], $0x40  }
0x117: {  	[sflag:s0] =	ssyncset.done $0x0  }
0x118: {  	s1 =	sor.u32 $0xC0, s16;
	[sflag:s0] =	ssyncadd.s32 $0xFFFFFFC0  }
0x119: {  	s2 =	sadd.s32 s30, s1;
	_ =	swait.ge [sflag:s0], $0x40  }
0x11a: {  	s5 =	sshrl.u32 s2, $0x3;
	[sflag:s0] =	ssyncset.done $0x0  }
0x11b: {  	s2 =	simm.s32 $0x0;
	s25 =	sadd.s32 s19, s5;
	[sflag:s0] =	ssyncadd.s32 $0xFFFFFFC0  }
0x11c: {  	[tilespmem:s14], [sflag:$0x4] =	stream.linear.gather [hbm4b:s25+s2], $0x40, $0x38;
	v63 =	vld [tilespmem:$0x0]  }
0x11d: {  	s5 =	sadd.s32 s20, s5  }
0x11e: {  	[tilespmem:s9], [sflag:$0x4] =	stream.linear.gather [hbm4b:s5+s2], $0x40, $0x38;
	v63 =	vld [tilespmem:$0x0]  }
0x11f: {  	v2 =	vld [tilespmem:$0x240]  }
0x120: {  	v3 =	vld [tilespmem:$0x340]  }
0x121: {  	v4 =	vld [tilespmem:$0x250]  }
0x122: {  	v5 =	vld [tilespmem:$0x350]  }
0x123: {  	v6 =	vld [tilespmem:$0x260]  }
0x124: {  	v7 =	vld [tilespmem:$0x360]  }
0x125: {  	v8 =	vld [tilespmem:$0x270]  }
0x126: {  	v9 =	vld [tilespmem:$0x370]  }
0x127: {  	v2 =	vadd.f32 v3, v2;
	_ =	sdelay $0x1  }
0x128: {  	v3 =	vadd.f32 v5, v4;
	v4 =	vmul.f32 $2.000000030e-01, v2  }
0x129: {  	v5 =	vadd.f32 v7, v6;
	vm0 =	vgt.f32 v2, $0.0e+00  }
0x12a: {  	v62 =	vadd.f32 v9, v8;
	v2 =	vsel vm0, v2, v4;
	v4 =	vmul.f32 $2.000000030e-01, v3  }
0x12b: {  	vm13 =	vgt.f32 v3, $0.0e+00;
	v7 =	vmul.f32 $2.000000030e-01, v5;
	vm14 =	vgt.f32 v5, $0.0e+00  }
0x12c: {  	v2 =	vsub.f32 v2, v1;
	v3 =	vsel vm13, v3, v4;
	v4 =	vmul.f32 $2.000000030e-01, v62  }
0x12d: {  	vm15 =	vgt.f32 v62, $0.0e+00;
	v5 =	vsel vm14, v5, v7;
	v3 =	vsub.f32 v3, v1  }
0x12e: {  	v5 =	vsub.f32 v5, v1;
	v2 =	vmul.f32 $1.442695020e+00, v2;
	v4 =	vsel vm15, v62, v4  }
0x12f: {  	v3 =	vmul.f32 $1.442695020e+00, v3;
	v4 =	vsub.f32 v4, v1  }
0x130: {  	(erf) = vpow2.f32 v2;
	v2 =	vmul.f32 $1.442695020e+00, v5  }
0x131: {  	(erf) = vpow2.f32 v3;
	v3 =	vmul.f32 $1.442695020e+00, v4  }
0x132: {  	(erf) = vpow2.f32 v2  }
0x133: {  	(erf) = vpow2.f32 v3;
	_ =	sdelay $0x5  }
0x134: {  	p3 =	slt.u32 s12, $0x2710;
	s25 =	sor.u32 $0x50, s16;
	v2 =	vpop (erf)  }
0x135: {  	p1 =	slt.u32 s25, $0x2710;
	s2 =	sor.u32 $0x60, s16;
	v2 =	vpsel !p3, $0x0, v2;
	v3 =	vpop (erf)  }
0x136: {  	s12 =	sor.u32 $0x70, s16;
	p2 =	slt.u32 s2, $0x2710;
	[tilespmem:$0x440] =	vst v2;
	v4 =	vpop (erf);
	v2 =	vpsel !p1, $0x0, v3  }
0x137: {  	p6 =	slt.u32 s12, $0x2710;
	[tilespmem:$0x450] =	vst v2;
	v2 =	vpsel !p2, $0x0, v4;
	v3 =	vpop (erf)  }
0x138: {  	[tilespmem:$0x460] =	vst v2;
	v2 =	vpsel !p6, $0x0, v3  }
0x139: {  	s14 =	simm.s32 $0x140;
	s25 =	simm.s32 $0x440;
	[tilespmem:$0x470] =	vst v2  }
0x13a: {  	v2 =	vmov s3;
	[spmem:s15] =	stream.indirect.scatter.add.f32 [tilespmem:s25], [sflag:$0xD], $0x1, s14, s3, $0xb8;
	v63 =	vld [tilespmem:$0x0]  }
0x13b: {  	_ =	swait.ge [sflag:s21], $0x40  }
0x13c: {  	[sflag:s21] =	ssyncset.done $0x0  }
0x13d: {  	s12 =	simm.s32 $0x1530;
	[sflag:s21] =	ssyncadd.s32 $0xFFFFFFC0  }
0x13e: {  	v3 =	vld [tilespmem:s12+$0xFFFFFFD0]  }
0x13f: {  	v2 =	vld.idx.msk [tilespmem:v2+s22+$0x0], $0xffff;
	_ =	sdelay $0x3  }
0x140: {  	v4 =	vunpack.i.l.bf16.f32 v3  }
0x141: {  	v3 =	vunpack.i.u.bf16.f32 v3;
	v4 =	vmul.f32 v4, v2  }
0x142: {  	s3 =	simm.s32 $0x6570;
	v3 =	vmul.f32 v3, v2  }
0x143: {  	[tilespmem:s3+$0xFFFFFF90] =	vst v4  }
0x144: {  	[tilespmem:s3+$0xFFFFFFA0] =	vst v3  }
0x145: {  	v3 =	vld [tilespmem:s12+$0xFFFFFFE0];
	_ =	sdelay $0x4  }
0x146: {  	v4 =	vunpack.i.l.bf16.f32 v3  }
0x147: {  	v3 =	vunpack.i.u.bf16.f32 v3;
	v4 =	vmul.f32 v4, v2  }
0x148: {  	v3 =	vmul.f32 v3, v2  }
0x149: {  	[tilespmem:s3+$0xFFFFFFB0] =	vst v4  }
0x14a: {  	[tilespmem:s3+$0xFFFFFFC0] =	vst v3  }
0x14b: {  	v3 =	vld [tilespmem:s12+$0xFFFFFFF0];
	_ =	sdelay $0x4  }
0x14c: {  	v4 =	vunpack.i.l.bf16.f32 v3  }
0x14d: {  	v3 =	vunpack.i.u.bf16.f32 v3;
	v4 =	vmul.f32 v4, v2  }
0x14e: {  	v3 =	vmul.f32 v3, v2  }
0x14f: {  	[tilespmem:s3+$0xFFFFFFD0] =	vst v4  }
0x150: {  	[tilespmem:s3+$0xFFFFFFE0] =	vst v3  }
0x151: {  	s29 =	simm.s32 $0x80;
	s5 =	simm.s32 $0x41;
	s25 =	simm.s32 $0x6570;
	v3 =	vld [tilespmem:s12+$0x0]  }
.LBB2_7:
0x152: {  	_ =	sdelay $0x3  }
0x153: {  	p3 =	sne.s32 s5, $0x7F;
	s3 =	sadd.s32 $0x80, s3;
	s12 =	sadd.s32 $0x40, s12;
	v4 =	vunpack.i.u.bf16.f32 v3;
	v3 =	vunpack.i.l.bf16.f32 v3  }
0x154: {  	v5 =	vmov s5;
	s5 =	sadd.s32 $0x1, s5;
	v3 =	vmul.f32 v3, v2;
	v2 =	vmul.f32 v4, v2;
	_ =	sdelay $0x1  }
0x155: {  	[tilespmem:s25+$0xFFFFFFF0] =	vst v3  }
0x156: {  	[tilespmem:s25+$0x0] =	vst v2;
	s25 =	smov.u32 s3  }
0x157: {  	v3 =	vld [tilespmem:s12+$0xFFFFFFD0]  }
0x158: {  	v2 =	vld.idx.msk [tilespmem:v5+s22+$0x0], $0xffff;
	_ =	sdelay $0x4  }
0x159: {  	v4 =	vunpack.i.u.bf16.f32 v3;
	v3 =	vunpack.i.l.bf16.f32 v3  }
0x15a: {  	v3 =	vmul.f32 v3, v2;
	v4 =	vmul.f32 v4, v2;
	_ =	sdelay $0x1  }
0x15b: {  	[tilespmem:s3+$0xFFFFFF90] =	vst v3  }
0x15c: {  	[tilespmem:s3+$0xFFFFFFA0] =	vst v4  }
0x15d: {  	v3 =	vld [tilespmem:s12+$0xFFFFFFE0];
	_ =	sdelay $0x4  }
0x15e: {  	v4 =	vunpack.i.u.bf16.f32 v3;
	v3 =	vunpack.i.l.bf16.f32 v3  }
0x15f: {  	v3 =	vmul.f32 v3, v2;
	v4 =	vmul.f32 v4, v2;
	_ =	sdelay $0x1  }
0x160: {  	[tilespmem:s3+$0xFFFFFFB0] =	vst v3  }
0x161: {  	[tilespmem:s3+$0xFFFFFFC0] =	vst v4  }
0x162: {  	v3 =	vld [tilespmem:s12+$0xFFFFFFF0];
	_ =	sdelay $0x4  }
0x163: {  	v4 =	vunpack.i.u.bf16.f32 v3;
	v3 =	vunpack.i.l.bf16.f32 v3  }
.Ltmp2:
0x164: {  	v3 =	vmul.f32 v3, v2;
	v4 =	vmul.f32 v4, v2;
	(pc) =	sbr.rel @p3 .LBB2_7-.Ltmp2, $4  }
0x165: {  	_ = 	snop  }
0x166: {  	[tilespmem:s3+$0xFFFFFFD0] =	vst v3  }
0x167: {  	[tilespmem:s3+$0xFFFFFFE0] =	vst v4  }
0x168: {  	v3 =	vld [tilespmem:s12+$0x0]  }
0x169: {  	_ =	sdelay $0x3  }
0x16a: {  	v4 =	vunpack.i.l.bf16.f32 v3  }
0x16b: {  	v3 =	vunpack.i.u.bf16.f32 v3;
	v4 =	vmul.f32 v4, v2  }
0x16c: {  	v2 =	vmul.f32 v3, v2  }
0x16d: {  	[tilespmem:s25+$0xFFFFFFF0] =	vst v4  }
0x16e: {  	s2 =	simm.s32 $0x140;
	s3 =	simm.s32 $0x6500;
	[tilespmem:s25+$0x0] =	vst v2  }
0x16f: {  	[spmem:s10] =	stream.indirect.scatter.add.f32 [tilespmem:s3], [sflag:$0xA], $0x80, s2, s4, $0xb8;
	v63 =	vld [tilespmem:$0x0]  }
0x170: {  	_ =	swait.ge [sflag:s23], $0x40  }
0x171: {  	[sflag:s23] =	ssyncset.done $0x0  }
0x172: {  	[sflag:s23] =	ssyncadd.s32 $0xFFFFFFC0  }
0x173: {  	_ =	swait.ge [sflag:s23], $0x40  }
0x174: {  	[sflag:s23] =	ssyncset.done $0x0  }
0x175: {  	s5 =	simm.s32 $0x9;
	[sflag:s23] =	ssyncadd.s32 $0xFFFFFFC0  }
0x176: {  	_ =	swait.ge [sflag:s5], $0x2000  }
0x177: {  	[sflag:s5] =	ssyncset.done $0x0  }
0x178: {  	[sflag:s5] =	ssyncadd.s32 $0xFFFFE000  }
0x179: {  	s12 =	simm.s32 $0xC0;
	s5 =	simm.s32 $0x3500;
	s14 =	rddreg [dreg:$0x0]  }
0x17a: {  	[tilespmem:s5], [sflag:$0x8] =	stream.indirect.gather [hbm4b:s14+s4], $0x40, s12, s4, $0xb8;
	v63 =	vld [tilespmem:$0x0]  }
0x17b: {  	s25 =	simm.s32 $0x2C0  }
0x17c: {  	[tilespmem:s25], [sflag:$0x8] =	stream.indirect.gather [hbm4b:s17+s4], $0x1, s12, s4, $0xb8;
	v63 =	vld [tilespmem:$0x0]  }
0x17d: {  	s3 =	simm.s32 $0x3C0  }
0x17e: {  	[tilespmem:s3], [sflag:$0x8] =	stream.indirect.gather [hbm4b:s18+s4], $0x1, s9, s4, $0xb8;
	v63 =	vld [tilespmem:$0x0]  }
0x17f: {  	_ =	swait.ge [sflag:s8], $0x1000  }
0x180: {  	[sflag:s8] =	ssyncset.done $0x0  }
0x181: {  	[sflag:s8] =	ssyncadd.s32 $0xFFFFF000  }
0x182: {  	_ =	swait.ge [sflag:s8], $0x40  }
0x183: {  	[sflag:s8] =	ssyncset.done $0x0  }
0x184: {  	[sflag:s8] =	ssyncadd.s32 $0xFFFFFFC0  }
0x185: {  	_ =	swait.ge [sflag:s8], $0x40  }
0x186: {  	s2 =	sld [smem:$0x7FC];
	_ =	sdelay $0x1  }
0x187: {  	p6 =	seq.s32 s13, $0x27  }
0x188: {  	s3 =	sadd.s32 @!p6 s16, s2  }
0x189: {  	[sflag:s8] =	ssyncset.done $0x0;
	s3 =	sshrl.u32 @!p6 s3, $0x3  }
0x18a: {  	s12 =	simm.s32 @!p6 $0x0;
	[sflag:s8] =	ssyncadd.s32 $0xFFFFFFC0;
	s5 =	sadd.s32 @!p6 s19, s3  }
0x18b: {  	[tilespmem:s12], [sflag:$0x1] =	stream.linear.gather @!p6 [hbm4b:s5+s12], $0x40, $0x38;
	v63 =	vld [tilespmem:$0x0]  }
0x18c: {  	s3 =	sadd.s32 @!p6 s20, s3;
	s5 =	simm.s32 @!p6 $0x100  }
0x18d: {  	[tilespmem:s5], [sflag:$0x1] =	stream.linear.gather @!p6 [hbm4b:s3+s12], $0x40, $0x38;
	v63 =	vld [tilespmem:$0x0]  }
0x18e: {  	v2 =	vld [tilespmem:$0x280]  }
0x18f: {  	v3 =	vld [tilespmem:$0x380]  }
0x190: {  	v4 =	vld [tilespmem:$0x290]  }
0x191: {  	v5 =	vld [tilespmem:$0x390]  }
0x192: {  	v6 =	vld [tilespmem:$0x2A0]  }
0x193: {  	v7 =	vld [tilespmem:$0x3A0]  }
0x194: {  	v8 =	vld [tilespmem:$0x2B0]  }
0x195: {  	v9 =	vld [tilespmem:$0x3B0]  }
0x196: {  	v2 =	vadd.f32 v3, v2;
	_ =	sdelay $0x1  }
0x197: {  	v3 =	vadd.f32 v5, v4;
	v4 =	vmul.f32 $2.000000030e-01, v2  }
0x198: {  	v5 =	vadd.f32 v7, v6;
	vm0 =	vgt.f32 v2, $0.0e+00  }
0x199: {  	v62 =	vadd.f32 v9, v8;
	v2 =	vsel vm0, v2, v4;
	v4 =	vmul.f32 $2.000000030e-01, v3  }
0x19a: {  	vm13 =	vgt.f32 v3, $0.0e+00;
	v7 =	vmul.f32 $2.000000030e-01, v5;
	vm14 =	vgt.f32 v5, $0.0e+00  }
0x19b: {  	v2 =	vsub.f32 v2, v1;
	v3 =	vsel vm13, v3, v4;
	v4 =	vmul.f32 $2.000000030e-01, v62  }
0x19c: {  	vm15 =	vgt.f32 v62, $0.0e+00;
	v5 =	vsel vm14, v5, v7;
	v3 =	vsub.f32 v3, v1  }
0x19d: {  	v5 =	vsub.f32 v5, v1;
	v2 =	vmul.f32 $1.442695020e+00, v2;
	v4 =	vsel vm15, v62, v4  }
0x19e: {  	v3 =	vmul.f32 $1.442695020e+00, v3;
	v4 =	vsub.f32 v4, v1  }
0x19f: {  	(erf) = vpow2.f32 v2;
	v2 =	vmul.f32 $1.442695020e+00, v5  }
0x1a0: {  	(erf) = vpow2.f32 v3;
	v3 =	vmul.f32 $1.442695020e+00, v4  }
0x1a1: {  	(erf) = vpow2.f32 v2  }
0x1a2: {  	(erf) = vpow2.f32 v3;
	_ =	sdelay $0x5  }
0x1a3: {  	p3 =	slt.u32 s11, $0x2710;
	s5 =	sor.u32 $0x90, s16;
	v2 =	vpop (erf)  }
0x1a4: {  	s11 =	sor.u32 $0xA0, s16;
	p0 =	slt.u32 s5, $0x2710;
	v2 =	vpsel !p3, $0x0, v2;
	v3 =	vpop (erf)  }
0x1a5: {  	p1 =	slt.u32 s11, $0x2710;
	s12 =	sor.u32 $0xB0, s16;
	[tilespmem:$0x480] =	vst v2;
	v4 =	vpop (erf);
	v2 =	vpsel !p0, $0x0, v3  }
0x1a6: {  	p2 =	slt.u32 s12, $0x2710;
	[tilespmem:$0x490] =	vst v2;
	v2 =	vpsel !p1, $0x0, v4;
	v3 =	vpop (erf)  }
0x1a7: {  	[tilespmem:$0x4A0] =	vst v2;
	v2 =	vpsel !p2, $0x0, v3  }
0x1a8: {  	s11 =	simm.s32 $0x80;
	s25 =	simm.s32 $0x480;
	[tilespmem:$0x4B0] =	vst v2  }
0x1a9: {  	v2 =	vmov s11;
	[spmem:s15] =	stream.indirect.scatter.add.f32 [tilespmem:s25], [sflag:$0xD], $0x1, s26, s4, $0xb8;
	v63 =	vld [tilespmem:$0x0]  }
0x1aa: {  	_ =	swait.ge [sflag:s21], $0x40  }
0x1ab: {  	[sflag:s21] =	ssyncset.done $0x0  }
0x1ac: {  	s12 =	simm.s32 $0x2530;
	[sflag:s21] =	ssyncadd.s32 $0xFFFFFFC0  }
0x1ad: {  	v3 =	vld [tilespmem:s12+$0xFFFFFFD0]  }
0x1ae: {  	v2 =	vld.idx.msk [tilespmem:v2+s22+$0x0], $0xffff;
	_ =	sdelay $0x3  }
0x1af: {  	v4 =	vunpack.i.l.bf16.f32 v3  }
0x1b0: {  	v3 =	vunpack.i.u.bf16.f32 v3;
	v4 =	vmul.f32 v4, v2  }
0x1b1: {  	s3 =	simm.s32 $0x0;
	v3 =	vmul.f32 v3, v2  }
0x1b2: {  	[tilespmem:s3+$0x8500] =	vst v4  }
0x1b3: {  	[tilespmem:s3+$0x8510] =	vst v3  }
0x1b4: {  	v3 =	vld [tilespmem:s12+$0xFFFFFFE0];
	_ =	sdelay $0x4  }
0x1b5: {  	v4 =	vunpack.i.l.bf16.f32 v3  }
0x1b6: {  	v3 =	vunpack.i.u.bf16.f32 v3;
	v4 =	vmul.f32 v4, v2  }
0x1b7: {  	v3 =	vmul.f32 v3, v2  }
0x1b8: {  	[tilespmem:s3+$0x8520] =	vst v4  }
0x1b9: {  	[tilespmem:s3+$0x8530] =	vst v3  }
0x1ba: {  	v3 =	vld [tilespmem:s12+$0xFFFFFFF0];
	_ =	sdelay $0x4  }
0x1bb: {  	v4 =	vunpack.i.l.bf16.f32 v3  }
0x1bc: {  	v3 =	vunpack.i.u.bf16.f32 v3;
	v4 =	vmul.f32 v4, v2  }
0x1bd: {  	v3 =	vmul.f32 v3, v2  }
0x1be: {  	[tilespmem:s3+$0x8540] =	vst v4  }
0x1bf: {  	[tilespmem:s3+$0x8550] =	vst v3  }
0x1c0: {  	s14 =	simm.s32 $0xC0;
	s5 =	simm.s32 $0x200;
	v3 =	vld [tilespmem:s12+$0x0]  }
.LBB2_9:
0x1c1: {  	_ =	sdelay $0x3  }
0x1c2: {  	p3 =	sne.s32 s5, $0x7E00;
	s11 =	sadd.s32 $0x1, s11;
	s12 =	sadd.s32 $0x40, s12;
	v4 =	vunpack.i.u.bf16.f32 v3;
	v3 =	vunpack.i.l.bf16.f32 v3  }
0x1c3: {  	s25 =	smov.u32 s5;
	s5 =	sadd.s32 $0x200, s5;
	v5 =	vmov s11;
	v3 =	vmul.f32 v3, v2;
	v2 =	vmul.f32 v4, v2;
	_ =	sdelay $0x1  }
0x1c4: {  	[tilespmem:s3+$0x8560] =	vst v3  }
0x1c5: {  	[tilespmem:s3+$0x8570] =	vst v2  }
0x1c6: {  	v3 =	vld [tilespmem:s12+$0xFFFFFFD0]  }
0x1c7: {  	v2 =	vld.idx.msk [tilespmem:v5+s22+$0x0], $0xffff;
	_ =	sdelay $0x4  }
0x1c8: {  	v4 =	vunpack.i.u.bf16.f32 v3;
	v3 =	vunpack.i.l.bf16.f32 v3  }
0x1c9: {  	v3 =	vmul.f32 v3, v2;
	v4 =	vmul.f32 v4, v2  }
0x1ca: {  	s3 =	sshra.s32 s25, $0x2  }
0x1cb: {  	[tilespmem:s3+$0x8500] =	vst v3  }
0x1cc: {  	[tilespmem:s3+$0x8510] =	vst v4  }
0x1cd: {  	v3 =	vld [tilespmem:s12+$0xFFFFFFE0];
	_ =	sdelay $0x4  }
0x1ce: {  	v4 =	vunpack.i.u.bf16.f32 v3;
	v3 =	vunpack.i.l.bf16.f32 v3  }
0x1cf: {  	v3 =	vmul.f32 v3, v2;
	v4 =	vmul.f32 v4, v2;
	_ =	sdelay $0x1  }
0x1d0: {  	[tilespmem:s3+$0x8520] =	vst v3  }
0x1d1: {  	[tilespmem:s3+$0x8530] =	vst v4  }
0x1d2: {  	v3 =	vld [tilespmem:s12+$0xFFFFFFF0];
	_ =	sdelay $0x4  }
0x1d3: {  	v4 =	vunpack.i.u.bf16.f32 v3;
	v3 =	vunpack.i.l.bf16.f32 v3  }
.Ltmp3:
0x1d4: {  	v3 =	vmul.f32 v3, v2;
	v4 =	vmul.f32 v4, v2;
	(pc) =	sbr.rel @p3 .LBB2_9-.Ltmp3, $4  }
0x1d5: {  	_ = 	snop  }
0x1d6: {  	[tilespmem:s3+$0x8540] =	vst v3  }
0x1d7: {  	[tilespmem:s3+$0x8550] =	vst v4  }
0x1d8: {  	v3 =	vld [tilespmem:s12+$0x0]  }
0x1d9: {  	_ =	sdelay $0x3  }
0x1da: {  	v4 =	vunpack.i.l.bf16.f32 v3  }
0x1db: {  	v3 =	vunpack.i.u.bf16.f32 v3;
	v4 =	vmul.f32 v4, v2  }
0x1dc: {  	v2 =	vmul.f32 v3, v2  }
0x1dd: {  	[tilespmem:s3+$0x8560] =	vst v4  }
0x1de: {  	s2 =	simm.s32 $0x8500;
	[tilespmem:s3+$0x8570] =	vst v2;
	s3 =	simm.s32 @p6 $0xA  }
0x1df: {  	[spmem:s10] =	stream.indirect.scatter.add.f32 [tilespmem:s2], [sflag:$0xB], $0x80, s26, s4, $0xb8;
	v63 =	vld [tilespmem:$0x0]  }
0x1e0: {  	_ =	swait.ge @p6 [sflag:s3], $0x2000  }
0x1e1: {  	[sflag:s3] =	ssyncset.done @p6 $0x0  }
0x1e2: {  	[sflag:s3] =	ssyncadd.s32 @p6 $0xFFFFE000;
	s3 =	simm.s32 @!p6 $0x1  }
0x1e3: {  	_ =	swait.ge @!p6 [sflag:s3], $0x40  }
0x1e4: {  	[sflag:s3] =	ssyncset.done @!p6 $0x0  }
0x1e5: {  	[sflag:s3] =	ssyncadd.s32 @!p6 $0xFFFFFFC0  }
0x1e6: {  	_ =	swait.ge @!p6 [sflag:s3], $0x40  }
0x1e7: {  	[sflag:s3] =	ssyncset.done @!p6 $0x0  }
0x1e8: {  	[sflag:s3] =	ssyncadd.s32 @!p6 $0xFFFFFFC0;
	s3 =	simm.s32 @!p6 $0xA  }
0x1e9: {  	_ =	swait.ge @!p6 [sflag:s3], $0x2000  }
0x1ea: {  	[sflag:s3] =	ssyncset.done @!p6 $0x0  }
0x1eb: {  	s5 =	simm.s32 @!p6 $0x0;
	[sflag:s3] =	ssyncadd.s32 @!p6 $0xFFFFE000  }
0x1ec: {  	s11 =	simm.s32 @!p6 $0x500;
	s3 =	simm.s32 @!p6 $0x40;
	s2 =	rddreg [dreg:$0x0]  }
0x1ed: {  	[tilespmem:s11], [sflag:$0x5] =	stream.indirect.gather @!p6 [hbm4b:s2+s3], $0x40, s5, s3, $0xb8;
	v63 =	vld [tilespmem:$0x0]  }
0x1ee: {  	s11 =	simm.s32 @!p6 $0x200  }
0x1ef: {  	[tilespmem:s11], [sflag:$0x5] =	stream.indirect.gather @!p6 [hbm4b:s17+s3], $0x1, s5, s3, $0xb8;
	v63 =	vld [tilespmem:$0x0]  }
0x1f0: {  	s12 =	simm.s32 @!p6 $0x300;
	s11 =	simm.s32 @!p6 $0x100  }
0x1f1: {  	[tilespmem:s12], [sflag:$0x5] =	stream.indirect.gather @!p6 [hbm4b:s18+s3], $0x1, s11, s3, $0xb8;
	v63 =	vld [tilespmem:$0x0]  }
0x1f2: {  	_ =	swait.ge [sflag:s7], $0x1000  }
0x1f3: {  	[sflag:s7] =	ssyncset.done $0x0  }
0x1f4: {  	[sflag:s7] =	ssyncadd.s32 $0xFFFFF000  }
0x1f5: {  	_ =	swait.ge [sflag:s7], $0x40  }
0x1f6: {  	[sflag:s7] =	ssyncset.done $0x0  }
0x1f7: {  	[sflag:s7] =	ssyncadd.s32 $0xFFFFFFC0  }
0x1f8: {  	_ =	swait.ge [sflag:s7], $0x40  }
0x1f9: {  	s2 =	sld [smem:$0x7FD];
	_ =	sdelay $0x2  }
0x1fa: {  	s11 =	sadd.s32 @!p6 s16, s2  }
0x1fb: {  	[sflag:s7] =	ssyncset.done $0x0;
	s11 =	sshrl.u32 @!p6 s11, $0x3  }
0x1fc: {  	[sflag:s7] =	ssyncadd.s32 $0xFFFFFFC0;
	s12 =	sadd.s32 @!p6 s19, s11  }
0x1fd: {  	[tilespmem:s3], [sflag:$0x2] =	stream.linear.gather @!p6 [hbm4b:s12+s5], $0x40, $0x38;
	v63 =	vld [tilespmem:$0x0]  }
0x1fe: {  	s3 =	sadd.s32 @!p6 s20, s11;
	s11 =	simm.s32 @!p6 $0x140  }
0x1ff: {  	[tilespmem:s11], [sflag:$0x2] =	stream.linear.gather @!p6 [hbm4b:s3+s5], $0x40, $0x38;
	v63 =	vld [tilespmem:$0x0]  }
0x200: {  	v2 =	vld [tilespmem:$0x2C0]  }
0x201: {  	v3 =	vld [tilespmem:$0x3C0]  }
0x202: {  	v4 =	vld [tilespmem:$0x2D0]  }
0x203: {  	v5 =	vld [tilespmem:$0x3D0]  }
0x204: {  	v6 =	vld [tilespmem:$0x2E0]  }
0x205: {  	v7 =	vld [tilespmem:$0x3E0]  }
0x206: {  	v8 =	vld [tilespmem:$0x2F0]  }
0x207: {  	v9 =	vld [tilespmem:$0x3F0]  }
0x208: {  	v2 =	vadd.f32 v3, v2;
	_ =	sdelay $0x1  }
0x209: {  	v3 =	vadd.f32 v5, v4;
	v4 =	vmul.f32 $2.000000030e-01, v2  }
0x20a: {  	v5 =	vadd.f32 v7, v6;
	vm0 =	vgt.f32 v2, $0.0e+00  }
0x20b: {  	v62 =	vadd.f32 v9, v8;
	v2 =	vsel vm0, v2, v4;
	v4 =	vmul.f32 $2.000000030e-01, v3  }
0x20c: {  	vm13 =	vgt.f32 v3, $0.0e+00;
	v7 =	vmul.f32 $2.000000030e-01, v5;
	vm14 =	vgt.f32 v5, $0.0e+00  }
0x20d: {  	v2 =	vsub.f32 v2, v1;
	v3 =	vsel vm13, v3, v4;
	v4 =	vmul.f32 $2.000000030e-01, v62  }
0x20e: {  	vm15 =	vgt.f32 v62, $0.0e+00;
	v5 =	vsel vm14, v5, v7;
	v3 =	vsub.f32 v3, v1  }
0x20f: {  	v5 =	vsub.f32 v5, v1;
	v2 =	vmul.f32 $1.442695020e+00, v2;
	v4 =	vsel vm15, v62, v4  }
0x210: {  	v3 =	vmul.f32 $1.442695020e+00, v3;
	v4 =	vsub.f32 v4, v1  }
0x211: {  	(erf) = vpow2.f32 v2;
	v2 =	vmul.f32 $1.442695020e+00, v5  }
0x212: {  	(erf) = vpow2.f32 v3;
	v3 =	vmul.f32 $1.442695020e+00, v4  }
0x213: {  	(erf) = vpow2.f32 v2  }
0x214: {  	(erf) = vpow2.f32 v3;
	_ =	sdelay $0x5  }
0x215: {  	p3 =	slt.u32 s1, $0x2710;
	s11 =	sor.u32 $0xD0, s16;
	v2 =	vpop (erf)  }
0x216: {  	s12 =	sor.u32 $0xE0, s16;
	p1 =	slt.u32 s11, $0x2710;
	v2 =	vpsel !p3, $0x0, v2;
	v3 =	vpop (erf)  }
0x217: {  	p2 =	slt.u32 s12, $0x2710;
	s16 =	sor.u32 $0xF0, s16;
	[tilespmem:$0x4C0] =	vst v2;
	v4 =	vpop (erf);
	v2 =	vpsel !p1, $0x0, v3  }
0x218: {  	p6 =	slt.u32 s16, $0x2710;
	[tilespmem:$0x4D0] =	vst v2;
	v2 =	vpsel !p2, $0x0, v4;
	v3 =	vpop (erf)  }
0x219: {  	[tilespmem:$0x4E0] =	vst v2;
	v2 =	vpsel !p6, $0x0, v3  }
0x21a: {  	s1 =	simm.s32 $0xC0;
	s25 =	simm.s32 $0x4C0;
	[tilespmem:$0x4F0] =	vst v2  }
0x21b: {  	v2 =	vmov s1;
	[spmem:s15] =	stream.indirect.scatter.add.f32 [tilespmem:s25], [sflag:$0xD], $0x1, s9, s4, $0xb8;
	v63 =	vld [tilespmem:$0x0]  }
0x21c: {  	_ =	swait.ge [sflag:s21], $0x40  }
0x21d: {  	[sflag:s21] =	ssyncset.done $0x0  }
0x21e: {  	s11 =	simm.s32 $0x3530;
	[sflag:s21] =	ssyncadd.s32 $0xFFFFFFC0  }
0x21f: {  	v3 =	vld [tilespmem:s11+$0xFFFFFFD0]  }
0x220: {  	v2 =	vld.idx.msk [tilespmem:v2+s22+$0x0], $0xffff;
	_ =	sdelay $0x3  }
0x221: {  	v4 =	vunpack.i.l.bf16.f32 v3  }
0x222: {  	v3 =	vunpack.i.u.bf16.f32 v3;
	v4 =	vmul.f32 v4, v2  }
0x223: {  	s3 =	simm.s32 $0x0;
	v3 =	vmul.f32 v3, v2  }
0x224: {  	[tilespmem:s3+$0xA500] =	vst v4  }
0x225: {  	[tilespmem:s3+$0xA510] =	vst v3  }
0x226: {  	v3 =	vld [tilespmem:s11+$0xFFFFFFE0];
	_ =	sdelay $0x4  }
0x227: {  	v4 =	vunpack.i.l.bf16.f32 v3  }
0x228: {  	v3 =	vunpack.i.u.bf16.f32 v3;
	v4 =	vmul.f32 v4, v2  }
0x229: {  	v3 =	vmul.f32 v3, v2  }
0x22a: {  	[tilespmem:s3+$0xA520] =	vst v4  }
0x22b: {  	[tilespmem:s3+$0xA530] =	vst v3  }
0x22c: {  	v3 =	vld [tilespmem:s11+$0xFFFFFFF0];
	_ =	sdelay $0x4  }
0x22d: {  	v4 =	vunpack.i.l.bf16.f32 v3  }
0x22e: {  	v3 =	vunpack.i.u.bf16.f32 v3;
	v4 =	vmul.f32 v4, v2  }
0x22f: {  	v3 =	vmul.f32 v3, v2  }
0x230: {  	[tilespmem:s3+$0xA540] =	vst v4  }
0x231: {  	[tilespmem:s3+$0xA550] =	vst v3  }
0x232: {  	s5 =	simm.s32 $0x200;
	v3 =	vld [tilespmem:s11+$0x0]  }
.LBB2_11:
0x233: {  	_ =	sdelay $0x3  }
0x234: {  	p3 =	sne.s32 s5, $0x7E00;
	s1 =	sadd.s32 $0x1, s1;
	s11 =	sadd.s32 $0x40, s11;
	v4 =	vunpack.i.u.bf16.f32 v3;
	v3 =	vunpack.i.l.bf16.f32 v3  }
0x235: {  	s12 =	smov.u32 s5;
	s5 =	sadd.s32 $0x200, s5;
	v5 =	vmov s1;
	v3 =	vmul.f32 v3, v2;
	v2 =	vmul.f32 v4, v2;
	_ =	sdelay $0x1  }
0x236: {  	[tilespmem:s3+$0xA560] =	vst v3  }
0x237: {  	[tilespmem:s3+$0xA570] =	vst v2  }
0x238: {  	v3 =	vld [tilespmem:s11+$0xFFFFFFD0]  }
0x239: {  	v2 =	vld.idx.msk [tilespmem:v5+s22+$0x0], $0xffff;
	_ =	sdelay $0x4  }
0x23a: {  	v4 =	vunpack.i.u.bf16.f32 v3;
	v3 =	vunpack.i.l.bf16.f32 v3  }
0x23b: {  	v3 =	vmul.f32 v3, v2;
	v4 =	vmul.f32 v4, v2  }
0x23c: {  	s3 =	sshra.s32 s12, $0x2  }
0x23d: {  	[tilespmem:s3+$0xA500] =	vst v3  }
0x23e: {  	[tilespmem:s3+$0xA510] =	vst v4  }
0x23f: {  	v3 =	vld [tilespmem:s11+$0xFFFFFFE0];
	_ =	sdelay $0x4  }
0x240: {  	v4 =	vunpack.i.u.bf16.f32 v3;
	v3 =	vunpack.i.l.bf16.f32 v3  }
0x241: {  	v3 =	vmul.f32 v3, v2;
	v4 =	vmul.f32 v4, v2;
	_ =	sdelay $0x1  }
0x242: {  	[tilespmem:s3+$0xA520] =	vst v3  }
0x243: {  	[tilespmem:s3+$0xA530] =	vst v4  }
0x244: {  	v3 =	vld [tilespmem:s11+$0xFFFFFFF0];
	_ =	sdelay $0x4  }
0x245: {  	v4 =	vunpack.i.u.bf16.f32 v3;
	v3 =	vunpack.i.l.bf16.f32 v3  }
.Ltmp4:
0x246: {  	v3 =	vmul.f32 v3, v2;
	v4 =	vmul.f32 v4, v2;
	(pc) =	sbr.rel @p3 .LBB2_11-.Ltmp4, $4  }
0x247: {  	_ = 	snop  }
0x248: {  	[tilespmem:s3+$0xA540] =	vst v3  }
0x249: {  	[tilespmem:s3+$0xA550] =	vst v4  }
0x24a: {  	v3 =	vld [tilespmem:s11+$0x0]  }
0x24b: {  	_ =	sdelay $0x2  }
0x24c: {  	s13 =	sadd.s32 $0x1, s13  }
0x24d: {  	p3 =	sne.s32 s13, $0x28;
	v4 =	vunpack.i.l.bf16.f32 v3  }
.Ltmp5:
0x24e: {  	v3 =	vunpack.i.u.bf16.f32 v3;
	v4 =	vmul.f32 v4, v2;
	(pc) =	sbr.rel @p3 .LBB2_4-.Ltmp5, $4  }
0x24f: {  	v2 =	vmul.f32 v3, v2  }
0x250: {  	[tilespmem:s3+$0xA560] =	vst v4  }
0x251: {  	s1 =	simm.s32 $0xA500;
	[tilespmem:s3+$0xA570] =	vst v2  }
0x252: {  	[spmem:s10] =	stream.indirect.scatter.add.f32 [tilespmem:s1], [sflag:$0xC], $0x80, s9, s4, $0xb8;
	v63 =	vld [tilespmem:$0x0]  }
0x253: {  	s1 =	simm.s32 $0xB  }
0x254: {  	_ =	swait.ge [sflag:s1], $0x2000  }
0x255: {  	[sflag:s1] =	ssyncset.done $0x0  }
0x256: {  	s16 =	simm.s32 $0xC;
	[sflag:s1] =	ssyncadd.s32 $0xFFFFE000  }
0x257: {  	_ =	swait.ge [sflag:s16], $0x2000  }
0x258: {  	[sflag:s16] =	ssyncset.done $0x0  }
0x259: {  	[sflag:s16] =	ssyncadd.s32 $0xFFFFE000  }
0x25a: {  	s25 =	stileid.u32;
	[bflag:$0x0] =	sbarrier.arrive $0xFFFF  }
0x25b: {  	s1 =	sshll.u32 s25, $0x6;
	s25 =	rddreg [dreg:$0x12]  }
0x25c: {  	s1 =	sor.u32 $0x1C0D, s1;
	s2 =	rddreg [dreg:$0x5];
	s3 =	sshrl.u32 s25, $0x3  }
0x25d: {  	[hbm:s2], [sflag:s1] =	dma.local [spmem:s3], $0x400  }
0x25e: {  	_ =	swait.ge [sflag:s21], $0x400  }
0x25f: {  	[sflag:s21] =	ssyncset.done $0x0;
	s5 =	rddreg [dreg:$0x13]  }
0x260: {  	s11 =	rddreg [dreg:$0x6];
	[sflag:s21] =	ssyncadd.s32 $0xFFFFFC00;
	s2 =	sshrl.u32 s5, $0x3  }
0x261: {  	[hbm:s11], [sflag:s1] =	dma.local [spmem:s2], $0x400  }
0x262: {  	_ =	swait.ge [sflag:s21], $0x400  }
0x263: {  	[sflag:s21] =	ssyncset.done $0x0;
	s31 =	rddreg [dreg:$0x14]  }
0x264: {  	s13 =	rddreg [dreg:$0x7];
	[sflag:s21] =	ssyncadd.s32 $0xFFFFFC00;
	s12 =	sshrl.u32 s31, $0x3  }
0x265: {  	[hbm:s13], [sflag:s1] =	dma.local [spmem:s12], $0x400  }
0x266: {  	_ =	swait.ge [sflag:s21], $0x400  }
0x267: {  	[sflag:s21] =	ssyncset.done $0x0;
	s16 =	rddreg [dreg:$0x15]  }
0x268: {  	s11 =	rddreg [dreg:$0x8];
	[sflag:s21] =	ssyncadd.s32 $0xFFFFFC00;
	s2 =	sshrl.u32 s16, $0x3  }
0x269: {  	[hbm:s11], [sflag:s1] =	dma.local [spmem:s2], $0x400  }
0x26a: {  	_ =	swait.ge [sflag:s21], $0x400  }
0x26b: {  	[sflag:s21] =	ssyncset.done $0x0;
	s12 =	rddreg [dreg:$0x16]  }
0x26c: {  	s16 =	rddreg [dreg:$0x9];
	[sflag:s21] =	ssyncadd.s32 $0xFFFFFC00;
	s13 =	sshrl.u32 s12, $0x3  }
0x26d: {  	[hbm:s16], [sflag:s1] =	dma.local [spmem:s13], $0x400  }
0x26e: {  	_ =	swait.ge [sflag:s21], $0x400  }
0x26f: {  	[sflag:s21] =	ssyncset.done $0x0;
	s11 =	rddreg [dreg:$0x17]  }
0x270: {  	s12 =	rddreg [dreg:$0xa];
	[sflag:s21] =	ssyncadd.s32 $0xFFFFFC00;
	s2 =	sshrl.u32 s11, $0x3  }
0x271: {  	[hbm:s12], [sflag:s1] =	dma.local [spmem:s2], $0x400  }
0x272: {  	_ =	swait.ge [sflag:s21], $0x400  }
0x273: {  	[sflag:s21] =	ssyncset.done $0x0;
	s12 =	rddreg [dreg:$0x18]  }
0x274: {  	s16 =	rddreg [dreg:$0xb];
	[sflag:s21] =	ssyncadd.s32 $0xFFFFFC00;
	s13 =	sshrl.u32 s12, $0x3  }
0x275: {  	[hbm:s16], [sflag:s1] =	dma.local [spmem:s13], $0x400  }
0x276: {  	_ =	swait.ge [sflag:s21], $0x400  }
0x277: {  	[sflag:s21] =	ssyncset.done $0x0;
	s13 =	rddreg [dreg:$0x19]  }
0x278: {  	s16 =	rddreg [dreg:$0xc];
	[sflag:s21] =	ssyncadd.s32 $0xFFFFFC00;
	s2 =	sshrl.u32 s13, $0x3  }
0x279: {  	[hbm:s16], [sflag:s1] =	dma.local [spmem:s2], $0x400  }
0x27a: {  	_ =	swait.ge [sflag:s21], $0x400  }
0x27b: {  	[sflag:s21] =	ssyncset.done $0x0;
	s16 =	rddreg [dreg:$0x1a]  }
0x27c: {  	s2 =	rddreg [dreg:$0xd];
	[sflag:s21] =	ssyncadd.s32 $0xFFFFFC00;
	s3 =	sshrl.u32 s16, $0x3  }
0x27d: {  	[hbm:s2], [sflag:s1] =	dma.local [spmem:s3], $0x400  }
0x27e: {  	_ =	swait.ge [sflag:s21], $0x400  }
0x27f: {  	s3 =	sld [smem:$0x7F9];
	_ =	sdelay $0x2  }
0x280: {  	[sflag:s21] =	ssyncset.done $0x0;
	s2 =	rddreg [dreg:$0x1b];
	p0 =	seq.s32 s3, $0x1  }
0x281: {  	[sflag:s21] =	ssyncadd.s32 $0xFFFFFC00;
	s3 =	sshrl.u32 @!p0 s2, $0x3;
	s2 =	rddreg [dreg:$0xe]  }
0x282: {  	[hbm:s2], [sflag:s1] =	dma.local @!p0 [spmem:s3], $0x400  }
0x283: {  	s3 =	simm.s32 @!p0 $0xD  }
0x284: {  	_ =	swait.ge @!p0 [sflag:s3], $0x400  }
0x285: {  	s2 =	sld [smem:$0x7FB];
	_ =	sdelay $0x1  }
0x286: {  	[sflag:s3] =	ssyncset.done @!p0 $0x0  }
0x287: {  	[sflag:s3] =	ssyncadd.s32 @!p0 $0xFFFFFC00;
	s3 =	sshrl.u32 @p5 s2, $0x3;
	s2 =	sld [smem:$0x7F5]  }
0x288: {  	_ =	sdelay $0x1  }
0x289: {  	[hbm:s2], [sflag:s1] =	dma.local @p5 [spmem:s3], $0x100  }
0x28a: {  	s3 =	simm.s32 @p5 $0xD  }
0x28b: {  	_ =	swait.ge @p5 [sflag:s3], $0x100  }
0x28c: {  	[sflag:s3] =	ssyncset.done @p5 $0x0  }
0x28d: {  	s2 =	rddreg [dreg:$0xf];
	[sflag:s3] =	ssyncadd.s32 @p5 $0xFFFFFF00;
	s3 =	sshrl.u32 @p4 s15, $0x3  }
0x28e: {  	[hbm:s2], [sflag:s1] =	dma.local @p4 [spmem:s3], $0x4E2  }
0x28f: {  	s1 =	simm.s32 @p4 $0xD  }
0x290: {  	_ =	swait.ge @p4 [sflag:s1], $0x4E2  }
0x291: {  	s2 =	sld [smem:$0x7F4];
	_ =	sdelay $0x2  }
0x292: {  	s3 =	sadd.s32 $0x1, s2;
	s2 =	sld [smem:$0x7F6];
	_ =	sdelay $0x2  }
0x293: {  	p3 =	sne.s32 s3, s2  }
.Ltmp6:
0x294: {  	_ = 	snop;
	(pc) =	sbr.rel @p3 .LBB2_1-.Ltmp6, $3  }
0x295: {  	_ =	sdelay $0x1  }
0x296: {  	[sflag:s1] =	ssyncset.done @p4 $0x0  }
0x297: {  	[sflag:s1] =	ssyncadd.s32 @p4 $0xFFFFFB1E  }
0x298: {  	_ =	sfence.sel $0x180000  }
0x299: {  	[bflag:$0x0] =	sbarrier.arrive $0xFFFF  }
0x29a: {  	_ =	strace $0x90000047  }
0x29b: {  	s0 =	stileid.u32;
	[bflag:$0x2] =	sbarrier.arrive $0xFFFF  }
0x29c: {  	p0 =	sne.s32 s0, $0x0;
	s0 =	rddreg [dreg:$0x4]  }
0x29d: {  	s0 =	sadd.s32 @!p0 $0x100000, s0  }
0x29e: {  	[sflag:s0] =	ssyncadd.tile.s32 @!p0 $0x1;
	_ =	shalt  }
.Lfunc_end2:
_tile_overlayer_lowered:
.L_overlay_start_2:
0x29f: {  	(tag) =	ssettag $0x2  }
0x2a0: {  	s0 =	rddreg [dreg:$0x0];
	s2 =	stileid.u32  }
0x2a1: {  	s1 =	rddreg [dreg:$0x1];
	p0 =	sne.s32 s2, $0x0  }
0x2a2: {  	s3 =	rddreg [dreg:$0x2];
	[bflag:$0x3] =	sbarrier.arrive $0xFFFF;
	s2 =	simm.s32 @!p0 $0x1C0D  }
0x2a3: {  	[timem:s3], [sflag:s2] =	dma.local @!p0 [hbm:s0], s1  }
0x2a4: {  	s0 =	simm.s32 @!p0 $0xD  }
0x2a5: {  	_ =	swait.ge @!p0 [sflag:s0], s1  }
0x2a6: {  	s1 =	ssub.s32 @!p0 $0x0, s1;
	[sflag:s0] =	ssyncset.done @!p0 $0x0  }
0x2a7: {  	[sflag:s0] =	ssyncadd.s32 @!p0 s1  }
0x2a8: {  	[bflag:$0x3] =	sbarrier.arrive $0xFFFF  }
0x2a9: {  	_ =	shalt  }

</sc_bundles>
